<compile_context>
chip_gen: v7x
topology: tpu7x:2x2x1
jax: 0.10.2.dev20260603
libtpu: 0.0.44.dev20260713+nightly
codegen_flags: <defaults>
</compile_context>

<pallas_src>
import functools

import jax
import jax.numpy as jnp
from jax import lax
from jax.experimental import pallas as pl
from jax.experimental.pallas import tpu as pltpu
from jax.experimental.pallas import tpu_sc as plsc

NC = 2
NS = 16
L = 16
NW = NC * NS
BATCH = 16384
FACTOR = 64
NROW = 1000000
NCHUNK = FACTOR // L
G = 4
GW = G * 128
NG = (NROW // 128 + G) // G
EXTENT = ((NROW + 127) // 128) * 128
MAXSTART = EXTENT - GW
NPAD = NW * L
NBUF = BATCH + NPAD
BPW = BATCH // NW
RHALF = BPW // 2
LISTCAP = BATCH + L

_mesh = plsc.VectorSubcoreMesh(core_axis_name="c", subcore_axis_name="s")


@functools.partial(
    pl.kernel,
    mesh=_mesh,
    compiler_params=pltpu.CompilerParams(needs_layout_passes=False),
    out_type=(
        jax.ShapeDtypeStruct((NBUF, 128), jnp.float32),
        jax.ShapeDtypeStruct((NBUF, 128), jnp.float32),
    ),
    scratch_types=[
        pltpu.VMEM((BATCH,), jnp.int32),
        pltpu.VMEM((LISTCAP,), jnp.int32),
        pltpu.VMEM((LISTCAP,), jnp.int32),
        pltpu.VMEM((FACTOR, GW), jnp.float32),
        pltpu.VMEM((FACTOR, GW), jnp.float32),
        pltpu.VMEM((L,), jnp.int32),
        pltpu.VMEM((L,), jnp.int32),
        pltpu.VMEM((L, 128), jnp.float32),
        pltpu.SemaphoreType.DMA,
        pltpu.SemaphoreType.DMA,
        pltpu.SemaphoreType.DMA,
    ],
)
def _gmf_scan(user_hbm, item_hbm, ut_t, it_t, u_buf, i_buf,
              idxbuf, list_u, list_id, col0, col1, mlane, mid, stage,
              sem0, sem1, semf):
    wid = lax.axis_index("s") * NC + lax.axis_index("c")
    g0 = (wid * NG) >> 5
    g1 = ((wid + 1) * NG) >> 5
    ng = g1 - g0
    npairs = (ng + 1) >> 1
    iota = lax.iota(jnp.int32, L)
    fidx = [iota + c * L for c in range(NCHUNK)]
    pad_ids = BATCH + wid * L + iota
    cols = [col0, col1]
    sems = [sem0, sem1]

    def run_table(tab_t, idx_hbm, out_buf):
        def gidx(gp, h):
            return g0 + jnp.minimum(2 * gp + h, ng - 1)

        def fetch(g, s):
            start = jnp.minimum(g * GW, MAXSTART)
            pltpu.async_copy(tab_t.at[:, pl.ds(start, GW)], cols[s], sems[s])

        fetch(gidx(0, 0), 0)
        fetch(gidx(0, 1), 1)
        pltpu.sync_copy(idx_hbm, idxbuf)

        def compact(ch, n):
            v = idxbuf[pl.ds(ch * L, L)]
            grp = v >> 9
            m = (grp >= g0) & (grp < g1)
            ids = ch * L + iota
            plsc.store_compressed(list_u.at[pl.ds(n, L)], v, mask=m)
            plsc.store_compressed(list_id.at[pl.ds(n, L)], ids, mask=m)
            return n + plsc.all_reduce_population_count(m)[0]

        n = lax.fori_loop(0, BATCH // L, compact, 0)
        nch = (n + L - 1) >> 4

        def process(g, s, carry):
            pltpu.make_async_copy(
                tab_t.at[:, pl.ds(0, GW)], cols[s], sems[s]).wait()
            gstart = jnp.minimum(g * GW, MAXSTART)

            def rescan(ch, c2):
                lv = list_u[pl.ds(ch * L, L)]
                lid = list_id[pl.ds(ch * L, L)]
                valid = (ch * L + iota) < n
                m2 = ((lv >> 9) == g) & valid
                lwin = lv - gstart
                plsc.store_compressed(mlane.at[pl.ds(0, L)], lwin, mask=m2)
                plsc.store_compressed(mid.at[pl.ds(0, L)], lid, mask=m2)
                k = plsc.all_reduce_population_count(m2)[0]

                def match(j, c3):
                    cnt, ids_v = c3
                    jb = jnp.broadcast_to(j, (L,))
                    laneb = plsc.load_gather(mlane, [jb])
                    idb = plsc.load_gather(mid, [jb])
                    r = cnt & (L - 1)
                    for c in range(NCHUNK):
                        v = plsc.load_gather(cols[s], [fidx[c], laneb])
                        stage[r, pl.ds(c * L, L)] = v
                    ids_v = jnp.where(iota == r, idb, ids_v)
                    cnt = cnt + 1
                    flush = (cnt & (L - 1)) == 0

                    @pl.when(flush)
                    def _():
                        pltpu.async_copy(stage, out_buf.at[ids_v], semf).wait()

                    ids_v = jnp.where(jnp.broadcast_to(flush, (L,)),
                                      pad_ids, ids_v)
                    return cnt, ids_v

                return lax.fori_loop(0, k, match, c2)

            return lax.fori_loop(0, nch, rescan, carry)

        def pair(gp, carry):
            for h in (0, 1):
                g = gidx(gp, h)
                carry = process(g, h, carry)
                fetch(gidx(gp + 1, h), h)
            return carry

        carry = lax.fori_loop(0, npairs, pair, (0, pad_ids))
        _, ids_v = carry
        pltpu.async_copy(stage, out_buf.at[ids_v], semf).wait()
        for s in (0, 1):
            pltpu.make_async_copy(
                tab_t.at[:, pl.ds(0, GW)], cols[s], sems[s]).wait()

    run_table(ut_t, user_hbm, u_buf)
    run_table(it_t, item_hbm, i_buf)


@functools.partial(
    pl.kernel,
    mesh=_mesh,
    compiler_params=pltpu.CompilerParams(
        needs_layout_passes=False, use_tc_tiling_on_sc=False),
    out_type=jax.ShapeDtypeStruct((BATCH,), jnp.float32),
    scratch_types=[
        pltpu.VMEM((BPW, FACTOR), jnp.float32),
        pltpu.VMEM((BPW, FACTOR), jnp.float32),
        pltpu.VMEM((FACTOR,), jnp.float32),
        pltpu.VMEM((L,), jnp.float32),
        pltpu.VMEM((BPW,), jnp.float32),
        pltpu.SemaphoreType.DMA,
        pltpu.SemaphoreType.DMA,
    ],
)
def _gmf_compute(u_hbm, i_hbm, w_hbm, b_hbm, out_hbm,
                 u_rows, i_rows, w_v, b_v, out_v, sem_u, sem_i):
    wid = lax.axis_index("s") * NC + lax.axis_index("c")
    base = wid * BPW
    pltpu.sync_copy(w_hbm, w_v)
    pltpu.sync_copy(b_hbm, b_v)
    w = [w_v[pl.ds(c * L, L)] for c in range(NCHUNK)]
    bv = b_v[...]
    iota = lax.iota(jnp.int32, L)

    cu = pltpu.async_copy(
        u_hbm.at[pl.ds(base, BPW), pl.ds(0, FACTOR)], u_rows, sem_u)
    ci = pltpu.async_copy(
        i_hbm.at[pl.ds(base, BPW), pl.ds(0, FACTOR)], i_rows, sem_i)
    cu.wait()
    ci.wait()

    def group(gi, carry):
        rowbase = gi * L
        logit = jnp.zeros((L,), jnp.float32)
        for e in range(L):
            row = rowbase + e
            acc = None
            for c in range(NCHUNK):
                u = u_rows[row, pl.ds(c * L, L)]
                iv = i_rows[row, pl.ds(c * L, L)]
                p = u * iv * w[c]
                acc = p if acc is None else acc + p
            logit = jnp.where(iota == e, jnp.sum(acc), logit)
        logit = logit + bv
        out_v[pl.ds(rowbase, L)] = 1.0 / (1.0 + jnp.exp(-logit))
        return carry

    lax.fori_loop(0, BPW // L, group, 0)

    pltpu.sync_copy(out_v, out_hbm.at[pl.ds(base, BPW)])


def kernel(user, item, user_table, item_table, W, b):
    u_buf, i_buf = _gmf_scan(user, item, user_table.T, item_table.T)
    w64 = W.reshape((FACTOR,))
    b16 = jnp.broadcast_to(b, (L,))
    out = _gmf_compute(u_buf, i_buf, w64, b16)
    return out.reshape((BATCH, 1))

# --- scband reference (transcript-rebuilt; emitter-appended) ---
"""Pipeline reference for scband-gmf-10093173146131 (READ-ONLY COPY).

The authoritative reference and input builder live on the scoring server;
editing this copy changes nothing except your own understanding.
"""

import jax, jax.numpy as jnp
import numpy as np

NUM_USERS = 1000000
NUM_ITEMS = 1000000
FACTOR = 64
BATCH = 16384

def setup_inputs(seed: int = 0) -> dict:
    key = jax.random.key(seed)
    k1, k2, k3, k4, k5, k6 = jax.random.split(key, 6)
    user = jax.random.randint(k1, (BATCH,), 0, NUM_USERS, dtype=jnp.int64 if jax.config.jax_enable_x64 else jnp.int32)
    item = jax.random.randint(k2, (BATCH,), 0, NUM_ITEMS, dtype=jnp.int64 if jax.config.jax_enable_x64 else jnp.int32)
    user_table = jax.random.normal(k3, (NUM_USERS, FACTOR), dtype=jnp.float32)
    item_table = jax.random.normal(k4, (NUM_ITEMS, FACTOR), dtype=jnp.float32)
    W = jax.random.normal(k5, (1, FACTOR), dtype=jnp.float32) * (1.0 / np.sqrt(FACTOR))
    b = jax.random.normal(k6, (1,), dtype=jnp.float32) * 0.01
    return {"user": user, "item": item, "user_table": user_table, "item_table": item_table, "W": W, "b": b}

def reference(user, item, user_table, item_table, W, b):
    u_emb = jnp.take(user_table, user, axis=0)
    i_emb = jnp.take(item_table, item, axis=0)
    embedding_vec = u_emb * i_emb
    logits = embedding_vec @ W.T + b
    return jax.nn.sigmoid(logits)

if __name__ == "__main__":
    import jax
    _d = setup_inputs()
    print(jax.jit(kernel)(*tuple(_d.values())))

</pallas_src>

<mosaic_0001>
#map = affine_map<(d0, d1) -> (0)>
#map1 = affine_map<(d0, d1) -> (0, 0)>
module attributes {stable_mosaic.version = 14 : i64} {
  func.func @_gmf_scan(%arg0: i32, %arg1: i32, %arg2: memref<16384xi32, #tpu.memory_space<hbm>>, %arg3: memref<16384xi32, #tpu.memory_space<hbm>>, %arg4: memref<64x1000000xf32, #tpu.memory_space<hbm>>, %arg5: memref<64x1000000xf32, #tpu.memory_space<hbm>>, %arg6: memref<16896x128xf32, #tpu.memory_space<hbm>>, %arg7: memref<16896x128xf32, #tpu.memory_space<hbm>>, %arg8: memref<16384xi32, #tpu.memory_space<vmem>>, %arg9: memref<16400xi32, #tpu.memory_space<vmem>>, %arg10: memref<16400xi32, #tpu.memory_space<vmem>>, %arg11: memref<64x512xf32, #tpu.memory_space<vmem>>, %arg12: memref<64x512xf32, #tpu.memory_space<vmem>>, %arg13: memref<16xi32, #tpu.memory_space<vmem>>, %arg14: memref<16xi32, #tpu.memory_space<vmem>>, %arg15: memref<16x128xf32, #tpu.memory_space<vmem>>, %arg16: memref<!tpu.dma_semaphore, #tpu.memory_space<semaphore_mem>>, %arg17: memref<!tpu.dma_semaphore, #tpu.memory_space<semaphore_mem>>, %arg18: memref<!tpu.dma_semaphore, #tpu.memory_space<semaphore_mem>>) attributes {dimension_semantics = [#tpu.dimension_semantics<core_parallel>, #tpu.dimension_semantics<subcore_parallel>], iteration_bounds = array<i64: 2, 16>, scalar_prefetch = 0 : i64, scratch_operands = 11 : i64, tpu.core_type = #tpu.core_type<sc_vector_subcore>, window_params = [{transform_indices = #map}, {transform_indices = #map}, {transform_indices = #map1}, {transform_indices = #map1}, {transform_indices = #map1}, {transform_indices = #map1}]} {
    %mul3A = arith.constant 2 : i32
    %mul3A_0 = arith.muli %arg1, %mul3A : i32
    %add3A = arith.addi %mul3A_0, %arg0 : i32
    %mul3A_1 = arith.constant 1954 : i32
    %mul3A_2 = arith.muli %add3A, %mul3A_1 : i32
    %shift_right_arithmetic3A = arith.constant 5 : i32
    %shift_right_arithmetic3A_3 = arith.shrsi %mul3A_2, %shift_right_arithmetic3A : i32
    %add3A_4 = arith.constant 1 : i32
    %add3A_5 = arith.addi %add3A, %add3A_4 : i32
    %mul3A_6 = arith.constant 1954 : i32
    %mul3A_7 = arith.muli %add3A_5, %mul3A_6 : i32
    %shift_right_arithmetic3A_8 = arith.constant 5 : i32
    %shift_right_arithmetic3A_9 = arith.shrsi %mul3A_7, %shift_right_arithmetic3A_8 : i32
    %sub3A = arith.subi %shift_right_arithmetic3A_9, %shift_right_arithmetic3A_3 : i32
    %add3A_10 = arith.constant 1 : i32
    %add3A_11 = arith.addi %sub3A, %add3A_10 : i32
    %shift_right_arithmetic3A_12 = arith.constant 1 : i32
    %shift_right_arithmetic3A_13 = arith.shrsi %add3A_11, %shift_right_arithmetic3A_12 : i32
    %iota3A = tpu.iota {dimensions = array<i32: 0>} : vector<16xi32>
    %add3A_14 = arith.constant 0 : i32
    %add3A_15 = vector.broadcast %add3A_14 : i32 to vector<16xi32>
    %add3A_16 = arith.addi %iota3A, %add3A_15 : vector<16xi32>
    %add3A_17 = arith.constant 16 : i32
    %add3A_18 = vector.broadcast %add3A_17 : i32 to vector<16xi32>
    %add3A_19 = arith.addi %iota3A, %add3A_18 : vector<16xi32>
    %add3A_20 = arith.constant 32 : i32
    %add3A_21 = vector.broadcast %add3A_20 : i32 to vector<16xi32>
    %add3A_22 = arith.addi %iota3A, %add3A_21 : vector<16xi32>
    %add3A_23 = arith.constant 48 : i32
    %add3A_24 = vector.broadcast %add3A_23 : i32 to vector<16xi32>
    %add3A_25 = arith.addi %iota3A, %add3A_24 : vector<16xi32>
    %mul3A_26 = arith.constant 16 : i32
    %mul3A_27 = arith.muli %add3A, %mul3A_26 : i32
    %add3A_28 = arith.constant 16384 : i32
    %add3A_29 = arith.addi %add3A_28, %mul3A_27 : i32
    %add3A_30 = vector.broadcast %add3A_29 : i32 to vector<16xi32>
    %add3A_31 = arith.addi %add3A_30, %iota3A : vector<16xi32>
    %sub3A_32 = arith.constant 1 : i32
    %sub3A_33 = arith.subi %sub3A, %sub3A_32 : i32
    %min3A = arith.constant 0 : i32
    %min3A_34 = arith.minsi %min3A, %sub3A_33 : i32
    %add3A_35 = arith.addi %shift_right_arithmetic3A_3, %min3A_34 : i32
    %mul3A_36 = arith.constant 512 : i32
    %mul3A_37 = arith.muli %add3A_35, %mul3A_36 : i32
    %min3A_38 = arith.constant 999552 : i32
    %min3A_39 = arith.minsi %mul3A_37, %min3A_38 : i32
    %dma_start3A = arith.constant 0 : i32
    %dma_start3A_40 = tpu.memref_slice %arg4[%dma_start3A, %min3A_39] : memref<64x1000000xf32, #tpu.memory_space<hbm>> -> memref<64x512xf32, #tpu.memory_space<hbm>>
    %dma_start3A_41 = arith.constant 0 : i32
    %dma_start3A_42 = tpu.memref_slice %arg4[%dma_start3A_41, %min3A_39] : memref<64x1000000xf32, #tpu.memory_space<hbm>> -> memref<64x512xf32, #tpu.memory_space<hbm>>
    tpu.enqueue_dma source(%dma_start3A_42 : memref<64x512xf32, #tpu.memory_space<hbm>>) target(%arg11 : memref<64x512xf32, #tpu.memory_space<vmem>>) target_semaphore(%arg16 : memref<!tpu.dma_semaphore, #tpu.memory_space<semaphore_mem>>)
    %sub3A_43 = arith.constant 1 : i32
    %sub3A_44 = arith.subi %sub3A, %sub3A_43 : i32
    %min3A_45 = arith.constant 1 : i32
    %min3A_46 = arith.minsi %min3A_45, %sub3A_44 : i32
    %add3A_47 = arith.addi %shift_right_arithmetic3A_3, %min3A_46 : i32
    %mul3A_48 = arith.constant 512 : i32
    %mul3A_49 = arith.muli %add3A_47, %mul3A_48 : i32
    %min3A_50 = arith.constant 999552 : i32
    %min3A_51 = arith.minsi %mul3A_49, %min3A_50 : i32
    %dma_start3A_52 = arith.constant 0 : i32
    %dma_start3A_53 = tpu.memref_slice %arg4[%dma_start3A_52, %min3A_51] : memref<64x1000000xf32, #tpu.memory_space<hbm>> -> memref<64x512xf32, #tpu.memory_space<hbm>>
    %dma_start3A_54 = arith.constant 0 : i32
    %dma_start3A_55 = tpu.memref_slice %arg4[%dma_start3A_54, %min3A_51] : memref<64x1000000xf32, #tpu.memory_space<hbm>> -> memref<64x512xf32, #tpu.memory_space<hbm>>
    tpu.enqueue_dma source(%dma_start3A_55 : memref<64x512xf32, #tpu.memory_space<hbm>>) target(%arg12 : memref<64x512xf32, #tpu.memory_space<vmem>>) target_semaphore(%arg17 : memref<!tpu.dma_semaphore, #tpu.memory_space<semaphore_mem>>)
    "tpu.region"() ({
      %run_scoped3A = tpu.sem_alloc : memref<!tpu.dma_semaphore, #tpu.memory_space<semaphore_mem>>
      tpu.enqueue_dma source(%arg2 : memref<16384xi32, #tpu.memory_space<hbm>>) target(%arg8 : memref<16384xi32, #tpu.memory_space<vmem>>) target_semaphore(%run_scoped3A : memref<!tpu.dma_semaphore, #tpu.memory_space<semaphore_mem>>)
      tpu.wait_dma2 semaphore(%run_scoped3A : memref<!tpu.dma_semaphore, #tpu.memory_space<semaphore_mem>>) src(%arg2 : memref<16384xi32, #tpu.memory_space<hbm>>) dst(%arg8 : memref<16384xi32, #tpu.memory_space<vmem>>)
      tpu.yield
    }) : () -> ()
    %scan3A = arith.constant 0 : i32
    %scan3A_56 = arith.constant 0 : i32
    %scan3A_57 = arith.constant 1024 : i32
    %scan3A_58 = arith.addi %scan3A_56, %scan3A_57 : i32
    %scan3A_59 = arith.constant 1 : i32
    %scan3A_60 = scf.for %scan3A_165 = %scan3A_56 to %scan3A_58 step %scan3A_59 iter_args(%scan3A_166 = %scan3A) -> (i32)  : i32 {
      %mul3A_167 = arith.constant 16 : i32
      %mul3A_168 = arith.muli %scan3A_165, %mul3A_167 : i32
      %get3A = arith.index_cast %mul3A_168 : i32 to index
      %get3A_169 = tpu.vector_load %arg8[%get3A] {strides = array<i32>} : memref<16384xi32, #tpu.memory_space<vmem>>, vector<16xi32>,
      %shift_right_arithmetic3A_170 = arith.constant 9 : i32
      %shift_right_arithmetic3A_171 = vector.broadcast %shift_right_arithmetic3A_170 : i32 to vector<16xi32>
      %shift_right_arithmetic3A_172 = arith.shrsi %get3A_169, %shift_right_arithmetic3A_171 : vector<16xi32>
      %ge3A = vector.broadcast %shift_right_arithmetic3A_3 : i32 to vector<16xi32>
      %ge3A_173 = arith.cmpi sge, %shift_right_arithmetic3A_172, %ge3A : vector<16xi32>
      %lt3A = vector.broadcast %shift_right_arithmetic3A_9 : i32 to vector<16xi32>
      %lt3A_174 = arith.cmpi slt, %shift_right_arithmetic3A_172, %lt3A : vector<16xi32>
      %and3A = arith.andi %ge3A_173, %lt3A_174 : vector<16xi1>
      %mul3A_175 = arith.constant 16 : i32
      %mul3A_176 = arith.muli %scan3A_165, %mul3A_175 : i32
      %add3A_177 = vector.broadcast %mul3A_176 : i32 to vector<16xi32>
      %add3A_178 = arith.addi %add3A_177, %iota3A : vector<16xi32>
      %swap3A = arith.index_cast %scan3A_166 : i32 to index
      %swap3A_179 = tpu.vector_load %arg9[%swap3A] masked %and3A {strides = array<i32>} : memref<16400xi32, #tpu.memory_space<vmem>>, vector<16xi32>, vector<16xi1>
      tpu.vector_store %arg9[%swap3A], %get3A_169 masked %and3A {strides = array<i32>} : memref<16400xi32, #tpu.memory_space<vmem>>, vector<16xi32>, vector<16xi1>
      %swap3A_180 = arith.index_cast %scan3A_166 : i32 to index
      %swap3A_181 = tpu.vector_load %arg10[%swap3A_180] masked %and3A {strides = array<i32>} : memref<16400xi32, #tpu.memory_space<vmem>>, vector<16xi32>, vector<16xi1>
      tpu.vector_store %arg10[%swap3A_180], %add3A_178 masked %and3A {strides = array<i32>} : memref<16400xi32, #tpu.memory_space<vmem>>, vector<16xi32>, vector<16xi1>
      %all_reduce_population_count3A = tpu.all_reduce %and3A {dim = 0 : i64, kind = #tpu.reduction_kind<sum>} : vector<16xi1> -> vector<16xi32>
      %slice3A = vector.extract_strided_slice %all_reduce_population_count3A {offsets = [0], sizes = [1], strides = [1]} : vector<16xi32> to vector<1xi32>
      %squeeze3A = vector.extract %slice3A[0] : i32 from vector<1xi32>
      %add3A_182 = arith.addi %scan3A_166, %squeeze3A : i32
      scf.yield %add3A_182 : i32
    }
    %scan3A_61 = arith.constant 1024 : i32
    %add3A_62 = arith.constant 16 : i32
    %add3A_63 = arith.addi %scan3A_60, %add3A_62 : i32
    %sub3A_64 = arith.constant 1 : i32
    %sub3A_65 = arith.subi %add3A_63, %sub3A_64 : i32
    %shift_right_arithmetic3A_66 = arith.constant 4 : i32
    %shift_right_arithmetic3A_67 = arith.shrsi %sub3A_65, %shift_right_arithmetic3A_66 : i32
    %while3A = arith.constant 0 : i32
    %while3A_68 = arith.constant 0 : i32
    %while3A_69 = arith.subi %shift_right_arithmetic3A_13, %while3A : i32
    %while3A_70 = arith.addi %while3A, %while3A_69 : i32
    %while3A_71 = arith.constant 1 : i32
    %while3A_72 = arith.divsi %while3A_69, %while3A_71 : i32
    %while3A_73 = arith.muli %while3A_72, %while3A_71 : i32
    %while3A_74 = arith.addi %while3A, %while3A_73 : i32
    %while3A_75 = arith.constant 1 : i32
    %while3A_76:2 = scf.for %while3A_165 = %while3A to %while3A_74 step %while3A_75 iter_args(%while3A_166 = %while3A_68, %while3A_167 = %add3A_31) -> (i32, vector<16xi32>)  : i32 {
      %mul3A_168 = arith.constant 2 : i32
      %mul3A_169 = arith.muli %mul3A_168, %while3A_165 : i32
      %add3A_170 = arith.constant 0 : i32
      %add3A_171 = arith.addi %mul3A_169, %add3A_170 : i32
      %sub3A_172 = arith.constant 1 : i32
      %sub3A_173 = arith.subi %sub3A, %sub3A_172 : i32
      %min3A_174 = arith.minsi %add3A_171, %sub3A_173 : i32
      %add3A_175 = arith.addi %shift_right_arithmetic3A_3, %min3A_174 : i32
      %dma_wait3A_176 = arith.constant 0 : i32
      %dma_wait3A_177 = arith.constant 0 : i32
      %dma_wait3A_178 = tpu.memref_slice %arg4[%dma_wait3A_176, %dma_wait3A_177] : memref<64x1000000xf32, #tpu.memory_space<hbm>> -> memref<64x512xf32, #tpu.memory_space<hbm>>
      %dma_wait3A_179 = arith.constant 0 : i32
      %dma_wait3A_180 = arith.constant 0 : i32
      %dma_wait3A_181 = tpu.memref_slice %arg4[%dma_wait3A_179, %dma_wait3A_180] : memref<64x1000000xf32, #tpu.memory_space<hbm>> -> memref<64x512xf32, #tpu.memory_space<hbm>>
      tpu.wait_dma2 semaphore(%arg16 : memref<!tpu.dma_semaphore, #tpu.memory_space<semaphore_mem>>) src(%dma_wait3A_181 : memref<64x512xf32, #tpu.memory_space<hbm>>) dst(%arg11 : memref<64x512xf32, #tpu.memory_space<vmem>>)
      %mul3A_182 = arith.constant 512 : i32
      %mul3A_183 = arith.muli %add3A_175, %mul3A_182 : i32
      %min3A_184 = arith.constant 999552 : i32
      %min3A_185 = arith.minsi %mul3A_183, %min3A_184 : i32
      %while3A_186 = arith.constant 0 : i32
      %while3A_187 = arith.subi %shift_right_arithmetic3A_67, %while3A_186 : i32
      %while3A_188 = arith.addi %while3A_186, %while3A_187 : i32
      %while3A_189 = arith.constant 1 : i32
      %while3A_190 = arith.divsi %while3A_187, %while3A_189 : i32
      %while3A_191 = arith.muli %while3A_190, %while3A_189 : i32
      %while3A_192 = arith.addi %while3A_186, %while3A_191 : i32
      %while3A_193 = arith.constant 1 : i32
      %while3A_194:2 = scf.for %while3A_262 = %while3A_186 to %while3A_192 step %while3A_193 iter_args(%while3A_263 = %while3A_166, %while3A_264 = %while3A_167) -> (i32, vector<16xi32>)  : i32 {
        %mul3A_265 = arith.constant 16 : i32
        %mul3A_266 = arith.muli %while3A_262, %mul3A_265 : i32
        %get3A = arith.index_cast %mul3A_266 : i32 to index
        %get3A_267 = tpu.vector_load %arg9[%get3A] {strides = array<i32>} : memref<16400xi32, #tpu.memory_space<vmem>>, vector<16xi32>,
        %mul3A_268 = arith.constant 16 : i32
        %mul3A_269 = arith.muli %while3A_262, %mul3A_268 : i32
        %get3A_270 = arith.index_cast %mul3A_269 : i32 to index
        %get3A_271 = tpu.vector_load %arg10[%get3A_270] {strides = array<i32>} : memref<16400xi32, #tpu.memory_space<vmem>>, vector<16xi32>,
        %mul3A_272 = arith.constant 16 : i32
        %mul3A_273 = arith.muli %while3A_262, %mul3A_272 : i32
        %add3A_274 = vector.broadcast %mul3A_273 : i32 to vector<16xi32>
        %add3A_275 = arith.addi %add3A_274, %iota3A : vector<16xi32>
        %lt3A = vector.broadcast %scan3A_60 : i32 to vector<16xi32>
        %lt3A_276 = arith.cmpi slt, %add3A_275, %lt3A : vector<16xi32>
        %shift_right_arithmetic3A_277 = arith.constant 9 : i32
        %shift_right_arithmetic3A_278 = vector.broadcast %shift_right_arithmetic3A_277 : i32 to vector<16xi32>
        %shift_right_arithmetic3A_279 = arith.shrsi %get3A_267, %shift_right_arithmetic3A_278 : vector<16xi32>
        %eq3A = vector.broadcast %add3A_175 : i32 to vector<16xi32>
        %eq3A_280 = arith.cmpi eq, %shift_right_arithmetic3A_279, %eq3A : vector<16xi32>
        %and3A = arith.andi %eq3A_280, %lt3A_276 : vector<16xi1>
        %sub3A_281 = vector.broadcast %min3A_185 : i32 to vector<16xi32>
        %sub3A_282 = arith.subi %get3A_267, %sub3A_281 : vector<16xi32>
        %swap3A = arith.constant 0 : index
        %swap3A_283 = tpu.vector_load %arg13[%swap3A] masked %and3A {strides = array<i32>} : memref<16xi32, #tpu.memory_space<vmem>>, vector<16xi32>, vector<16xi1>
        tpu.vector_store %arg13[%swap3A], %sub3A_282 masked %and3A {strides = array<i32>} : memref<16xi32, #tpu.memory_space<vmem>>, vector<16xi32>, vector<16xi1>
        %swap3A_284 = arith.constant 0 : index
        %swap3A_285 = tpu.vector_load %arg14[%swap3A_284] masked %and3A {strides = array<i32>} : memref<16xi32, #tpu.memory_space<vmem>>, vector<16xi32>, vector<16xi1>
        tpu.vector_store %arg14[%swap3A_284], %get3A_271 masked %and3A {strides = array<i32>} : memref<16xi32, #tpu.memory_space<vmem>>, vector<16xi32>, vector<16xi1>
        %all_reduce_population_count3A = tpu.all_reduce %and3A {dim = 0 : i64, kind = #tpu.reduction_kind<sum>} : vector<16xi1> -> vector<16xi32>
        %slice3A = vector.extract_strided_slice %all_reduce_population_count3A {offsets = [0], sizes = [1], strides = [1]} : vector<16xi32> to vector<1xi32>
        %squeeze3A = vector.extract %slice3A[0] : i32 from vector<1xi32>
        %while3A_286 = arith.constant 0 : i32
        %while3A_287 = arith.subi %squeeze3A, %while3A_286 : i32
        %while3A_288 = arith.addi %while3A_286, %while3A_287 : i32
        %while3A_289 = arith.constant 1 : i32
        %while3A_290 = arith.divsi %while3A_287, %while3A_289 : i32
        %while3A_291 = arith.muli %while3A_290, %while3A_289 : i32
        %while3A_292 = arith.addi %while3A_286, %while3A_291 : i32
        %while3A_293 = arith.constant 1 : i32
        %while3A_294:2 = scf.for %while3A_297 = %while3A_286 to %while3A_292 step %while3A_293 iter_args(%while3A_298 = %while3A_263, %while3A_299 = %while3A_264) -> (i32, vector<16xi32>)  : i32 {
          %broadcast_in_dim3A = vector.broadcast %while3A_297 : i32 to vector<16xi32>
          %gather3A = tpu.vector_load_idx %arg13[%broadcast_in_dim3A] : memref<16xi32, #tpu.memory_space<vmem>>[vector<16xi32>], vector<16xi32>,
          %gather3A_300 = tpu.vector_load_idx %arg14[%broadcast_in_dim3A] : memref<16xi32, #tpu.memory_space<vmem>>[vector<16xi32>], vector<16xi32>,
          %and3A_301 = arith.constant 15 : i32
          %and3A_302 = arith.andi %while3A_298, %and3A_301 : i32
          %gather3A_303 = tpu.vector_load_idx %arg11[%add3A_16, %gather3A] : memref<64x512xf32, #tpu.memory_space<vmem>>[vector<16xi32>, vector<16xi32>], vector<16xf32>,
          %swap3A_304 = arith.index_cast %and3A_302 : i32 to index
          %swap3A_305 = arith.constant 0 : index
          %swap3A_306 = tpu.vector_load %arg15[%swap3A_304, %swap3A_305] {strides = array<i32>} : memref<16x128xf32, #tpu.memory_space<vmem>>, vector<16xf32>,
          tpu.vector_store %arg15[%swap3A_304, %swap3A_305], %gather3A_303 {strides = array<i32>} : memref<16x128xf32, #tpu.memory_space<vmem>>, vector<16xf32>,
          %gather3A_307 = tpu.vector_load_idx %arg11[%add3A_19, %gather3A] : memref<64x512xf32, #tpu.memory_space<vmem>>[vector<16xi32>, vector<16xi32>], vector<16xf32>,
          %swap3A_308 = arith.index_cast %and3A_302 : i32 to index
          %swap3A_309 = arith.constant 16 : index
          %swap3A_310 = tpu.vector_load %arg15[%swap3A_308, %swap3A_309] {strides = array<i32>} : memref<16x128xf32, #tpu.memory_space<vmem>>, vector<16xf32>,
          tpu.vector_store %arg15[%swap3A_308, %swap3A_309], %gather3A_307 {strides = array<i32>} : memref<16x128xf32, #tpu.memory_space<vmem>>, vector<16xf32>,
          %gather3A_311 = tpu.vector_load_idx %arg11[%add3A_22, %gather3A] : memref<64x512xf32, #tpu.memory_space<vmem>>[vector<16xi32>, vector<16xi32>], vector<16xf32>,
          %swap3A_312 = arith.index_cast %and3A_302 : i32 to index
          %swap3A_313 = arith.constant 32 : index
          %swap3A_314 = tpu.vector_load %arg15[%swap3A_312, %swap3A_313] {strides = array<i32>} : memref<16x128xf32, #tpu.memory_space<vmem>>, vector<16xf32>,
          tpu.vector_store %arg15[%swap3A_312, %swap3A_313], %gather3A_311 {strides = array<i32>} : memref<16x128xf32, #tpu.memory_space<vmem>>, vector<16xf32>,
          %gather3A_315 = tpu.vector_load_idx %arg11[%add3A_25, %gather3A] : memref<64x512xf32, #tpu.memory_space<vmem>>[vector<16xi32>, vector<16xi32>], vector<16xf32>,
          %swap3A_316 = arith.index_cast %and3A_302 : i32 to index
          %swap3A_317 = arith.constant 48 : index
          %swap3A_318 = tpu.vector_load %arg15[%swap3A_316, %swap3A_317] {strides = array<i32>} : memref<16x128xf32, #tpu.memory_space<vmem>>, vector<16xf32>,
          tpu.vector_store %arg15[%swap3A_316, %swap3A_317], %gather3A_315 {strides = array<i32>} : memref<16x128xf32, #tpu.memory_space<vmem>>, vector<16xf32>,
          %eq3A_319 = vector.broadcast %and3A_302 : i32 to vector<16xi32>
          %eq3A_320 = arith.cmpi eq, %iota3A, %eq3A_319 : vector<16xi32>
          %select_n3A = arith.select %eq3A_320, %gather3A_300, %while3A_299 : vector<16xi1>, vector<16xi32>
          %add3A_321 = arith.constant 1 : i32
          %add3A_322 = arith.addi %while3A_298, %add3A_321 : i32
          %and3A_323 = arith.constant 15 : i32
          %and3A_324 = arith.andi %add3A_322, %and3A_323 : i32
          %eq3A_325 = arith.constant 0 : i32
          %eq3A_326 = arith.cmpi eq, %and3A_324, %eq3A_325 : i32
          %convert_element_type3A = arith.extui %eq3A_326 : i1 to i32
          %cond3A = arith.constant 0 : i32
          %cond3A_327 = arith.cmpi ne, %convert_element_type3A, %cond3A : i32
          scf.if %cond3A_327 {
            %dma_start3A_330 = arith.constant 0 : i32
            %dma_start3A_331 = arith.constant 0 : i32
            %dma_start3A_332 = tpu.memref_slice %arg6[%dma_start3A_330, %dma_start3A_331] : memref<16896x128xf32, #tpu.memory_space<hbm>> -> memref<16896x128xf32, #tpu.memory_space<hbm>>
            tpu.enqueue_indirect_dma source(%arg15 : memref<16x128xf32, #tpu.memory_space<vmem>>) target(%dma_start3A_332 : memref<16896x128xf32, #tpu.memory_space<hbm>>) offsets(%select_n3A : vector<16xi32>) semaphore(%arg18 : memref<!tpu.dma_semaphore, #tpu.memory_space<semaphore_mem>>)
            %dma_wait3A_333 = arith.constant 0 : i32
            %dma_wait3A_334 = arith.constant 0 : i32
            %dma_wait3A_335 = tpu.memref_slice %arg6[%dma_wait3A_333, %dma_wait3A_334] : memref<16896x128xf32, #tpu.memory_space<hbm>> -> memref<16896x128xf32, #tpu.memory_space<hbm>>
            tpu.wait_indirect_dma semaphore(%arg18 : memref<!tpu.dma_semaphore, #tpu.memory_space<semaphore_mem>>) src(%arg15 : memref<16x128xf32, #tpu.memory_space<vmem>>) dst(%dma_wait3A_335 : memref<16896x128xf32, #tpu.memory_space<hbm>>)
          } else {
          }
          %broadcast_in_dim3A_328 = vector.broadcast %eq3A_326 : i1 to vector<16xi1>
          %select_n3A_329 = arith.select %broadcast_in_dim3A_328, %add3A_31, %select_n3A : vector<16xi1>, vector<16xi32>
          scf.yield %add3A_322, %select_n3A_329 : i32, vector<16xi32>
        }
        %while3A_295 = arith.constant 1 : i32
        %while3A_296:2 = scf.for %while3A_297 = %while3A_292 to %while3A_288 step %while3A_295 iter_args(%while3A_298 = %while3A_294#0, %while3A_299 = %while3A_294#1) -> (i32, vector<16xi32>)  : i32 {
          %broadcast_in_dim3A = vector.broadcast %while3A_297 : i32 to vector<16xi32>
          %gather3A = tpu.vector_load_idx %arg13[%broadcast_in_dim3A] : memref<16xi32, #tpu.memory_space<vmem>>[vector<16xi32>], vector<16xi32>,
          %gather3A_300 = tpu.vector_load_idx %arg14[%broadcast_in_dim3A] : memref<16xi32, #tpu.memory_space<vmem>>[vector<16xi32>], vector<16xi32>,
          %and3A_301 = arith.constant 15 : i32
          %and3A_302 = arith.andi %while3A_298, %and3A_301 : i32
          %gather3A_303 = tpu.vector_load_idx %arg11[%add3A_16, %gather3A] : memref<64x512xf32, #tpu.memory_space<vmem>>[vector<16xi32>, vector<16xi32>], vector<16xf32>,
          %swap3A_304 = arith.index_cast %and3A_302 : i32 to index
          %swap3A_305 = arith.constant 0 : index
          %swap3A_306 = tpu.vector_load %arg15[%swap3A_304, %swap3A_305] {strides = array<i32>} : memref<16x128xf32, #tpu.memory_space<vmem>>, vector<16xf32>,
          tpu.vector_store %arg15[%swap3A_304, %swap3A_305], %gather3A_303 {strides = array<i32>} : memref<16x128xf32, #tpu.memory_space<vmem>>, vector<16xf32>,
          %gather3A_307 = tpu.vector_load_idx %arg11[%add3A_19, %gather3A] : memref<64x512xf32, #tpu.memory_space<vmem>>[vector<16xi32>, vector<16xi32>], vector<16xf32>,
          %swap3A_308 = arith.index_cast %and3A_302 : i32 to index
          %swap3A_309 = arith.constant 16 : index
          %swap3A_310 = tpu.vector_load %arg15[%swap3A_308, %swap3A_309] {strides = array<i32>} : memref<16x128xf32, #tpu.memory_space<vmem>>, vector<16xf32>,
          tpu.vector_store %arg15[%swap3A_308, %swap3A_309], %gather3A_307 {strides = array<i32>} : memref<16x128xf32, #tpu.memory_space<vmem>>, vector<16xf32>,
          %gather3A_311 = tpu.vector_load_idx %arg11[%add3A_22, %gather3A] : memref<64x512xf32, #tpu.memory_space<vmem>>[vector<16xi32>, vector<16xi32>], vector<16xf32>,
          %swap3A_312 = arith.index_cast %and3A_302 : i32 to index
          %swap3A_313 = arith.constant 32 : index
          %swap3A_314 = tpu.vector_load %arg15[%swap3A_312, %swap3A_313] {strides = array<i32>} : memref<16x128xf32, #tpu.memory_space<vmem>>, vector<16xf32>,
          tpu.vector_store %arg15[%swap3A_312, %swap3A_313], %gather3A_311 {strides = array<i32>} : memref<16x128xf32, #tpu.memory_space<vmem>>, vector<16xf32>,
          %gather3A_315 = tpu.vector_load_idx %arg11[%add3A_25, %gather3A] : memref<64x512xf32, #tpu.memory_space<vmem>>[vector<16xi32>, vector<16xi32>], vector<16xf32>,
          %swap3A_316 = arith.index_cast %and3A_302 : i32 to index
          %swap3A_317 = arith.constant 48 : index
          %swap3A_318 = tpu.vector_load %arg15[%swap3A_316, %swap3A_317] {strides = array<i32>} : memref<16x128xf32, #tpu.memory_space<vmem>>, vector<16xf32>,
          tpu.vector_store %arg15[%swap3A_316, %swap3A_317], %gather3A_315 {strides = array<i32>} : memref<16x128xf32, #tpu.memory_space<vmem>>, vector<16xf32>,
          %eq3A_319 = vector.broadcast %and3A_302 : i32 to vector<16xi32>
          %eq3A_320 = arith.cmpi eq, %iota3A, %eq3A_319 : vector<16xi32>
          %select_n3A = arith.select %eq3A_320, %gather3A_300, %while3A_299 : vector<16xi1>, vector<16xi32>
          %add3A_321 = arith.constant 1 : i32
          %add3A_322 = arith.addi %while3A_298, %add3A_321 : i32
          %and3A_323 = arith.constant 15 : i32
          %and3A_324 = arith.andi %add3A_322, %and3A_323 : i32
          %eq3A_325 = arith.constant 0 : i32
          %eq3A_326 = arith.cmpi eq, %and3A_324, %eq3A_325 : i32
          %convert_element_type3A = arith.extui %eq3A_326 : i1 to i32
          %cond3A = arith.constant 0 : i32
          %cond3A_327 = arith.cmpi ne, %convert_element_type3A, %cond3A : i32
          scf.if %cond3A_327 {
            %dma_start3A_330 = arith.constant 0 : i32
            %dma_start3A_331 = arith.constant 0 : i32
            %dma_start3A_332 = tpu.memref_slice %arg6[%dma_start3A_330, %dma_start3A_331] : memref<16896x128xf32, #tpu.memory_space<hbm>> -> memref<16896x128xf32, #tpu.memory_space<hbm>>
            tpu.enqueue_indirect_dma source(%arg15 : memref<16x128xf32, #tpu.memory_space<vmem>>) target(%dma_start3A_332 : memref<16896x128xf32, #tpu.memory_space<hbm>>) offsets(%select_n3A : vector<16xi32>) semaphore(%arg18 : memref<!tpu.dma_semaphore, #tpu.memory_space<semaphore_mem>>)
            %dma_wait3A_333 = arith.constant 0 : i32
            %dma_wait3A_334 = arith.constant 0 : i32
            %dma_wait3A_335 = tpu.memref_slice %arg6[%dma_wait3A_333, %dma_wait3A_334] : memref<16896x128xf32, #tpu.memory_space<hbm>> -> memref<16896x128xf32, #tpu.memory_space<hbm>>
            tpu.wait_indirect_dma semaphore(%arg18 : memref<!tpu.dma_semaphore, #tpu.memory_space<semaphore_mem>>) src(%arg15 : memref<16x128xf32, #tpu.memory_space<vmem>>) dst(%dma_wait3A_335 : memref<16896x128xf32, #tpu.memory_space<hbm>>)
          } else {
          }
          %broadcast_in_dim3A_328 = vector.broadcast %eq3A_326 : i1 to vector<16xi1>
          %select_n3A_329 = arith.select %broadcast_in_dim3A_328, %add3A_31, %select_n3A : vector<16xi1>, vector<16xi32>
          scf.yield %add3A_322, %select_n3A_329 : i32, vector<16xi32>
        }
        scf.yield %while3A_296#0, %while3A_296#1 : i32, vector<16xi32>
      }
      %while3A_195 = arith.constant 1 : i32
      %while3A_196:2 = scf.for %while3A_262 = %while3A_192 to %while3A_188 step %while3A_195 iter_args(%while3A_263 = %while3A_194#0, %while3A_264 = %while3A_194#1) -> (i32, vector<16xi32>)  : i32 {
        %mul3A_265 = arith.constant 16 : i32
        %mul3A_266 = arith.muli %while3A_262, %mul3A_265 : i32
        %get3A = arith.index_cast %mul3A_266 : i32 to index
        %get3A_267 = tpu.vector_load %arg9[%get3A] {strides = array<i32>} : memref<16400xi32, #tpu.memory_space<vmem>>, vector<16xi32>,
        %mul3A_268 = arith.constant 16 : i32
        %mul3A_269 = arith.muli %while3A_262, %mul3A_268 : i32
        %get3A_270 = arith.index_cast %mul3A_269 : i32 to index
        %get3A_271 = tpu.vector_load %arg10[%get3A_270] {strides = array<i32>} : memref<16400xi32, #tpu.memory_space<vmem>>, vector<16xi32>,
        %mul3A_272 = arith.constant 16 : i32
        %mul3A_273 = arith.muli %while3A_262, %mul3A_272 : i32
        %add3A_274 = vector.broadcast %mul3A_273 : i32 to vector<16xi32>
        %add3A_275 = arith.addi %add3A_274, %iota3A : vector<16xi32>
        %lt3A = vector.broadcast %scan3A_60 : i32 to vector<16xi32>
        %lt3A_276 = arith.cmpi slt, %add3A_275, %lt3A : vector<16xi32>
        %shift_right_arithmetic3A_277 = arith.constant 9 : i32
        %shift_right_arithmetic3A_278 = vector.broadcast %shift_right_arithmetic3A_277 : i32 to vector<16xi32>
        %shift_right_arithmetic3A_279 = arith.shrsi %get3A_267, %shift_right_arithmetic3A_278 : vector<16xi32>
        %eq3A = vector.broadcast %add3A_175 : i32 to vector<16xi32>
        %eq3A_280 = arith.cmpi eq, %shift_right_arithmetic3A_279, %eq3A : vector<16xi32>
        %and3A = arith.andi %eq3A_280, %lt3A_276 : vector<16xi1>
        %sub3A_281 = vector.broadcast %min3A_185 : i32 to vector<16xi32>
        %sub3A_282 = arith.subi %get3A_267, %sub3A_281 : vector<16xi32>
        %swap3A = arith.constant 0 : index
        %swap3A_283 = tpu.vector_load %arg13[%swap3A] masked %and3A {strides = array<i32>} : memref<16xi32, #tpu.memory_space<vmem>>, vector<16xi32>, vector<16xi1>
        tpu.vector_store %arg13[%swap3A], %sub3A_282 masked %and3A {strides = array<i32>} : memref<16xi32, #tpu.memory_space<vmem>>, vector<16xi32>, vector<16xi1>
        %swap3A_284 = arith.constant 0 : index
        %swap3A_285 = tpu.vector_load %arg14[%swap3A_284] masked %and3A {strides = array<i32>} : memref<16xi32, #tpu.memory_space<vmem>>, vector<16xi32>, vector<16xi1>
        tpu.vector_store %arg14[%swap3A_284], %get3A_271 masked %and3A {strides = array<i32>} : memref<16xi32, #tpu.memory_space<vmem>>, vector<16xi32>, vector<16xi1>
        %all_reduce_population_count3A = tpu.all_reduce %and3A {dim = 0 : i64, kind = #tpu.reduction_kind<sum>} : vector<16xi1> -> vector<16xi32>
        %slice3A = vector.extract_strided_slice %all_reduce_population_count3A {offsets = [0], sizes = [1], strides = [1]} : vector<16xi32> to vector<1xi32>
        %squeeze3A = vector.extract %slice3A[0] : i32 from vector<1xi32>
        %while3A_286 = arith.constant 0 : i32
        %while3A_287 = arith.subi %squeeze3A, %while3A_286 : i32
        %while3A_288 = arith.addi %while3A_286, %while3A_287 : i32
        %while3A_289 = arith.constant 1 : i32
        %while3A_290 = arith.divsi %while3A_287, %while3A_289 : i32
        %while3A_291 = arith.muli %while3A_290, %while3A_289 : i32
        %while3A_292 = arith.addi %while3A_286, %while3A_291 : i32
        %while3A_293 = arith.constant 1 : i32
        %while3A_294:2 = scf.for %while3A_297 = %while3A_286 to %while3A_292 step %while3A_293 iter_args(%while3A_298 = %while3A_263, %while3A_299 = %while3A_264) -> (i32, vector<16xi32>)  : i32 {
          %broadcast_in_dim3A = vector.broadcast %while3A_297 : i32 to vector<16xi32>
          %gather3A = tpu.vector_load_idx %arg13[%broadcast_in_dim3A] : memref<16xi32, #tpu.memory_space<vmem>>[vector<16xi32>], vector<16xi32>,
          %gather3A_300 = tpu.vector_load_idx %arg14[%broadcast_in_dim3A] : memref<16xi32, #tpu.memory_space<vmem>>[vector<16xi32>], vector<16xi32>,
          %and3A_301 = arith.constant 15 : i32
          %and3A_302 = arith.andi %while3A_298, %and3A_301 : i32
          %gather3A_303 = tpu.vector_load_idx %arg11[%add3A_16, %gather3A] : memref<64x512xf32, #tpu.memory_space<vmem>>[vector<16xi32>, vector<16xi32>], vector<16xf32>,
          %swap3A_304 = arith.index_cast %and3A_302 : i32 to index
          %swap3A_305 = arith.constant 0 : index
          %swap3A_306 = tpu.vector_load %arg15[%swap3A_304, %swap3A_305] {strides = array<i32>} : memref<16x128xf32, #tpu.memory_space<vmem>>, vector<16xf32>,
          tpu.vector_store %arg15[%swap3A_304, %swap3A_305], %gather3A_303 {strides = array<i32>} : memref<16x128xf32, #tpu.memory_space<vmem>>, vector<16xf32>,
          %gather3A_307 = tpu.vector_load_idx %arg11[%add3A_19, %gather3A] : memref<64x512xf32, #tpu.memory_space<vmem>>[vector<16xi32>, vector<16xi32>], vector<16xf32>,
          %swap3A_308 = arith.index_cast %and3A_302 : i32 to index
          %swap3A_309 = arith.constant 16 : index
          %swap3A_310 = tpu.vector_load %arg15[%swap3A_308, %swap3A_309] {strides = array<i32>} : memref<16x128xf32, #tpu.memory_space<vmem>>, vector<16xf32>,
          tpu.vector_store %arg15[%swap3A_308, %swap3A_309], %gather3A_307 {strides = array<i32>} : memref<16x128xf32, #tpu.memory_space<vmem>>, vector<16xf32>,
          %gather3A_311 = tpu.vector_load_idx %arg11[%add3A_22, %gather3A] : memref<64x512xf32, #tpu.memory_space<vmem>>[vector<16xi32>, vector<16xi32>], vector<16xf32>,
          %swap3A_312 = arith.index_cast %and3A_302 : i32 to index
          %swap3A_313 = arith.constant 32 : index
          %swap3A_314 = tpu.vector_load %arg15[%swap3A_312, %swap3A_313] {strides = array<i32>} : memref<16x128xf32, #tpu.memory_space<vmem>>, vector<16xf32>,
          tpu.vector_store %arg15[%swap3A_312, %swap3A_313], %gather3A_311 {strides = array<i32>} : memref<16x128xf32, #tpu.memory_space<vmem>>, vector<16xf32>,
          %gather3A_315 = tpu.vector_load_idx %arg11[%add3A_25, %gather3A] : memref<64x512xf32, #tpu.memory_space<vmem>>[vector<16xi32>, vector<16xi32>], vector<16xf32>,
          %swap3A_316 = arith.index_cast %and3A_302 : i32 to index
          %swap3A_317 = arith.constant 48 : index
          %swap3A_318 = tpu.vector_load %arg15[%swap3A_316, %swap3A_317] {strides = array<i32>} : memref<16x128xf32, #tpu.memory_space<vmem>>, vector<16xf32>,
          tpu.vector_store %arg15[%swap3A_316, %swap3A_317], %gather3A_315 {strides = array<i32>} : memref<16x128xf32, #tpu.memory_space<vmem>>, vector<16xf32>,
          %eq3A_319 = vector.broadcast %and3A_302 : i32 to vector<16xi32>
          %eq3A_320 = arith.cmpi eq, %iota3A, %eq3A_319 : vector<16xi32>
          %select_n3A = arith.select %eq3A_320, %gather3A_300, %while3A_299 : vector<16xi1>, vector<16xi32>
          %add3A_321 = arith.constant 1 : i32
          %add3A_322 = arith.addi %while3A_298, %add3A_321 : i32
          %and3A_323 = arith.constant 15 : i32
          %and3A_324 = arith.andi %add3A_322, %and3A_323 : i32
          %eq3A_325 = arith.constant 0 : i32
          %eq3A_326 = arith.cmpi eq, %and3A_324, %eq3A_325 : i32
          %convert_element_type3A = arith.extui %eq3A_326 : i1 to i32
          %cond3A = arith.constant 0 : i32
          %cond3A_327 = arith.cmpi ne, %convert_element_type3A, %cond3A : i32
          scf.if %cond3A_327 {
            %dma_start3A_330 = arith.constant 0 : i32
            %dma_start3A_331 = arith.constant 0 : i32
            %dma_start3A_332 = tpu.memref_slice %arg6[%dma_start3A_330, %dma_start3A_331] : memref<16896x128xf32, #tpu.memory_space<hbm>> -> memref<16896x128xf32, #tpu.memory_space<hbm>>
            tpu.enqueue_indirect_dma source(%arg15 : memref<16x128xf32, #tpu.memory_space<vmem>>) target(%dma_start3A_332 : memref<16896x128xf32, #tpu.memory_space<hbm>>) offsets(%select_n3A : vector<16xi32>) semaphore(%arg18 : memref<!tpu.dma_semaphore, #tpu.memory_space<semaphore_mem>>)
            %dma_wait3A_333 = arith.constant 0 : i32
            %dma_wait3A_334 = arith.constant 0 : i32
            %dma_wait3A_335 = tpu.memref_slice %arg6[%dma_wait3A_333, %dma_wait3A_334] : memref<16896x128xf32, #tpu.memory_space<hbm>> -> memref<16896x128xf32, #tpu.memory_space<hbm>>
            tpu.wait_indirect_dma semaphore(%arg18 : memref<!tpu.dma_semaphore, #tpu.memory_space<semaphore_mem>>) src(%arg15 : memref<16x128xf32, #tpu.memory_space<vmem>>) dst(%dma_wait3A_335 : memref<16896x128xf32, #tpu.memory_space<hbm>>)
          } else {
          }
          %broadcast_in_dim3A_328 = vector.broadcast %eq3A_326 : i1 to vector<16xi1>
          %select_n3A_329 = arith.select %broadcast_in_dim3A_328, %add3A_31, %select_n3A : vector<16xi1>, vector<16xi32>
          scf.yield %add3A_322, %select_n3A_329 : i32, vector<16xi32>
        }
        %while3A_295 = arith.constant 1 : i32
        %while3A_296:2 = scf.for %while3A_297 = %while3A_292 to %while3A_288 step %while3A_295 iter_args(%while3A_298 = %while3A_294#0, %while3A_299 = %while3A_294#1) -> (i32, vector<16xi32>)  : i32 {
          %broadcast_in_dim3A = vector.broadcast %while3A_297 : i32 to vector<16xi32>
          %gather3A = tpu.vector_load_idx %arg13[%broadcast_in_dim3A] : memref<16xi32, #tpu.memory_space<vmem>>[vector<16xi32>], vector<16xi32>,
          %gather3A_300 = tpu.vector_load_idx %arg14[%broadcast_in_dim3A] : memref<16xi32, #tpu.memory_space<vmem>>[vector<16xi32>], vector<16xi32>,
          %and3A_301 = arith.constant 15 : i32
          %and3A_302 = arith.andi %while3A_298, %and3A_301 : i32
          %gather3A_303 = tpu.vector_load_idx %arg11[%add3A_16, %gather3A] : memref<64x512xf32, #tpu.memory_space<vmem>>[vector<16xi32>, vector<16xi32>], vector<16xf32>,
          %swap3A_304 = arith.index_cast %and3A_302 : i32 to index
          %swap3A_305 = arith.constant 0 : index
          %swap3A_306 = tpu.vector_load %arg15[%swap3A_304, %swap3A_305] {strides = array<i32>} : memref<16x128xf32, #tpu.memory_space<vmem>>, vector<16xf32>,
          tpu.vector_store %arg15[%swap3A_304, %swap3A_305], %gather3A_303 {strides = array<i32>} : memref<16x128xf32, #tpu.memory_space<vmem>>, vector<16xf32>,
          %gather3A_307 = tpu.vector_load_idx %arg11[%add3A_19, %gather3A] : memref<64x512xf32, #tpu.memory_space<vmem>>[vector<16xi32>, vector<16xi32>], vector<16xf32>,
          %swap3A_308 = arith.index_cast %and3A_302 : i32 to index
          %swap3A_309 = arith.constant 16 : index
          %swap3A_310 = tpu.vector_load %arg15[%swap3A_308, %swap3A_309] {strides = array<i32>} : memref<16x128xf32, #tpu.memory_space<vmem>>, vector<16xf32>,
          tpu.vector_store %arg15[%swap3A_308, %swap3A_309], %gather3A_307 {strides = array<i32>} : memref<16x128xf32, #tpu.memory_space<vmem>>, vector<16xf32>,
          %gather3A_311 = tpu.vector_load_idx %arg11[%add3A_22, %gather3A] : memref<64x512xf32, #tpu.memory_space<vmem>>[vector<16xi32>, vector<16xi32>], vector<16xf32>,
          %swap3A_312 = arith.index_cast %and3A_302 : i32 to index
          %swap3A_313 = arith.constant 32 : index
          %swap3A_314 = tpu.vector_load %arg15[%swap3A_312, %swap3A_313] {strides = array<i32>} : memref<16x128xf32, #tpu.memory_space<vmem>>, vector<16xf32>,
          tpu.vector_store %arg15[%swap3A_312, %swap3A_313], %gather3A_311 {strides = array<i32>} : memref<16x128xf32, #tpu.memory_space<vmem>>, vector<16xf32>,
          %gather3A_315 = tpu.vector_load_idx %arg11[%add3A_25, %gather3A] : memref<64x512xf32, #tpu.memory_space<vmem>>[vector<16xi32>, vector<16xi32>], vector<16xf32>,
          %swap3A_316 = arith.index_cast %and3A_302 : i32 to index
          %swap3A_317 = arith.constant 48 : index
          %swap3A_318 = tpu.vector_load %arg15[%swap3A_316, %swap3A_317] {strides = array<i32>} : memref<16x128xf32, #tpu.memory_space<vmem>>, vector<16xf32>,
          tpu.vector_store %arg15[%swap3A_316, %swap3A_317], %gather3A_315 {strides = array<i32>} : memref<16x128xf32, #tpu.memory_space<vmem>>, vector<16xf32>,
          %eq3A_319 = vector.broadcast %and3A_302 : i32 to vector<16xi32>
          %eq3A_320 = arith.cmpi eq, %iota3A, %eq3A_319 : vector<16xi32>
          %select_n3A = arith.select %eq3A_320, %gather3A_300, %while3A_299 : vector<16xi1>, vector<16xi32>
          %add3A_321 = arith.constant 1 : i32
          %add3A_322 = arith.addi %while3A_298, %add3A_321 : i32
          %and3A_323 = arith.constant 15 : i32
          %and3A_324 = arith.andi %add3A_322, %and3A_323 : i32
          %eq3A_325 = arith.constant 0 : i32
          %eq3A_326 = arith.cmpi eq, %and3A_324, %eq3A_325 : i32
          %convert_element_type3A = arith.extui %eq3A_326 : i1 to i32
          %cond3A = arith.constant 0 : i32
          %cond3A_327 = arith.cmpi ne, %convert_element_type3A, %cond3A : i32
          scf.if %cond3A_327 {
            %dma_start3A_330 = arith.constant 0 : i32
            %dma_start3A_331 = arith.constant 0 : i32
            %dma_start3A_332 = tpu.memref_slice %arg6[%dma_start3A_330, %dma_start3A_331] : memref<16896x128xf32, #tpu.memory_space<hbm>> -> memref<16896x128xf32, #tpu.memory_space<hbm>>
            tpu.enqueue_indirect_dma source(%arg15 : memref<16x128xf32, #tpu.memory_space<vmem>>) target(%dma_start3A_332 : memref<16896x128xf32, #tpu.memory_space<hbm>>) offsets(%select_n3A : vector<16xi32>) semaphore(%arg18 : memref<!tpu.dma_semaphore, #tpu.memory_space<semaphore_mem>>)
            %dma_wait3A_333 = arith.constant 0 : i32
            %dma_wait3A_334 = arith.constant 0 : i32
            %dma_wait3A_335 = tpu.memref_slice %arg6[%dma_wait3A_333, %dma_wait3A_334] : memref<16896x128xf32, #tpu.memory_space<hbm>> -> memref<16896x128xf32, #tpu.memory_space<hbm>>
            tpu.wait_indirect_dma semaphore(%arg18 : memref<!tpu.dma_semaphore, #tpu.memory_space<semaphore_mem>>) src(%arg15 : memref<16x128xf32, #tpu.memory_space<vmem>>) dst(%dma_wait3A_335 : memref<16896x128xf32, #tpu.memory_space<hbm>>)
          } else {
          }
          %broadcast_in_dim3A_328 = vector.broadcast %eq3A_326 : i1 to vector<16xi1>
          %select_n3A_329 = arith.select %broadcast_in_dim3A_328, %add3A_31, %select_n3A : vector<16xi1>, vector<16xi32>
          scf.yield %add3A_322, %select_n3A_329 : i32, vector<16xi32>
        }
        scf.yield %while3A_296#0, %while3A_296#1 : i32, vector<16xi32>
      }
      %add3A_197 = arith.constant 1 : i32
      %add3A_198 = arith.addi %while3A_165, %add3A_197 : i32
      %mul3A_199 = arith.constant 2 : i32
      %mul3A_200 = arith.muli %mul3A_199, %add3A_198 : i32
      %add3A_201 = arith.constant 0 : i32
      %add3A_202 = arith.addi %mul3A_200, %add3A_201 : i32
      %sub3A_203 = arith.constant 1 : i32
      %sub3A_204 = arith.subi %sub3A, %sub3A_203 : i32
      %min3A_205 = arith.minsi %add3A_202, %sub3A_204 : i32
      %add3A_206 = arith.addi %shift_right_arithmetic3A_3, %min3A_205 : i32
      %mul3A_207 = arith.constant 512 : i32
      %mul3A_208 = arith.muli %add3A_206, %mul3A_207 : i32
      %min3A_209 = arith.constant 999552 : i32
      %min3A_210 = arith.minsi %mul3A_208, %min3A_209 : i32
      %dma_start3A_211 = arith.constant 0 : i32
      %dma_start3A_212 = tpu.memref_slice %arg4[%dma_start3A_211, %min3A_210] : memref<64x1000000xf32, #tpu.memory_space<hbm>> -> memref<64x512xf32, #tpu.memory_space<hbm>>
      %dma_start3A_213 = arith.constant 0 : i32
      %dma_start3A_214 = tpu.memref_slice %arg4[%dma_start3A_213, %min3A_210] : memref<64x1000000xf32, #tpu.memory_space<hbm>> -> memref<64x512xf32, #tpu.memory_space<hbm>>
      tpu.enqueue_dma source(%dma_start3A_214 : memref<64x512xf32, #tpu.memory_space<hbm>>) target(%arg11 : memref<64x512xf32, #tpu.memory_space<vmem>>) target_semaphore(%arg16 : memref<!tpu.dma_semaphore, #tpu.memory_space<semaphore_mem>>)
      %mul3A_215 = arith.constant 2 : i32
      %mul3A_216 = arith.muli %mul3A_215, %while3A_165 : i32
      %add3A_217 = arith.constant 1 : i32
      %add3A_218 = arith.addi %mul3A_216, %add3A_217 : i32
      %sub3A_219 = arith.constant 1 : i32
      %sub3A_220 = arith.subi %sub3A, %sub3A_219 : i32
      %min3A_221 = arith.minsi %add3A_218, %sub3A_220 : i32
      %add3A_222 = arith.addi %shift_right_arithmetic3A_3, %min3A_221 : i32
      %dma_wait3A_223 = arith.constant 0 : i32
      %dma_wait3A_224 = arith.constant 0 : i32
      %dma_wait3A_225 = tpu.memref_slice %arg4[%dma_wait3A_223, %dma_wait3A_224] : memref<64x1000000xf32, #tpu.memory_space<hbm>> -> memref<64x512xf32, #tpu.memory_space<hbm>>
      %dma_wait3A_226 = arith.constant 0 : i32
      %dma_wait3A_227 = arith.constant 0 : i32
      %dma_wait3A_228 = tpu.memref_slice %arg4[%dma_wait3A_226, %dma_wait3A_227] : memref<64x1000000xf32, #tpu.memory_space<hbm>> -> memref<64x512xf32, #tpu.memory_space<hbm>>
      tpu.wait_dma2 semaphore(%arg17 : memref<!tpu.dma_semaphore, #tpu.memory_space<semaphore_mem>>) src(%dma_wait3A_228 : memref<64x512xf32, #tpu.memory_space<hbm>>) dst(%arg12 : memref<64x512xf32, #tpu.memory_space<vmem>>)
      %mul3A_229 = arith.constant 512 : i32
      %mul3A_230 = arith.muli %add3A_222, %mul3A_229 : i32
      %min3A_231 = arith.constant 999552 : i32
      %min3A_232 = arith.minsi %mul3A_230, %min3A_231 : i32
      %while3A_233 = arith.constant 0 : i32
      %while3A_234 = arith.subi %shift_right_arithmetic3A_67, %while3A_233 : i32
      %while3A_235 = arith.addi %while3A_233, %while3A_234 : i32
      %while3A_236 = arith.constant 1 : i32
      %while3A_237 = arith.divsi %while3A_234, %while3A_236 : i32
      %while3A_238 = arith.muli %while3A_237, %while3A_236 : i32
      %while3A_239 = arith.addi %while3A_233, %while3A_238 : i32
      %while3A_240 = arith.constant 1 : i32
      %while3A_241:2 = scf.for %while3A_262 = %while3A_233 to %while3A_239 step %while3A_240 iter_args(%while3A_263 = %while3A_196#0, %while3A_264 = %while3A_196#1) -> (i32, vector<16xi32>)  : i32 {
        %mul3A_265 = arith.constant 16 : i32
        %mul3A_266 = arith.muli %while3A_262, %mul3A_265 : i32
        %get3A = arith.index_cast %mul3A_266 : i32 to index
        %get3A_267 = tpu.vector_load %arg9[%get3A] {strides = array<i32>} : memref<16400xi32, #tpu.memory_space<vmem>>, vector<16xi32>,
        %mul3A_268 = arith.constant 16 : i32
        %mul3A_269 = arith.muli %while3A_262, %mul3A_268 : i32
        %get3A_270 = arith.index_cast %mul3A_269 : i32 to index
        %get3A_271 = tpu.vector_load %arg10[%get3A_270] {strides = array<i32>} : memref<16400xi32, #tpu.memory_space<vmem>>, vector<16xi32>,
        %mul3A_272 = arith.constant 16 : i32
        %mul3A_273 = arith.muli %while3A_262, %mul3A_272 : i32
        %add3A_274 = vector.broadcast %mul3A_273 : i32 to vector<16xi32>
        %add3A_275 = arith.addi %add3A_274, %iota3A : vector<16xi32>
        %lt3A = vector.broadcast %scan3A_60 : i32 to vector<16xi32>
        %lt3A_276 = arith.cmpi slt, %add3A_275, %lt3A : vector<16xi32>
        %shift_right_arithmetic3A_277 = arith.constant 9 : i32
        %shift_right_arithmetic3A_278 = vector.broadcast %shift_right_arithmetic3A_277 : i32 to vector<16xi32>
        %shift_right_arithmetic3A_279 = arith.shrsi %get3A_267, %shift_right_arithmetic3A_278 : vector<16xi32>
        %eq3A = vector.broadcast %add3A_222 : i32 to vector<16xi32>
        %eq3A_280 = arith.cmpi eq, %shift_right_arithmetic3A_279, %eq3A : vector<16xi32>
        %and3A = arith.andi %eq3A_280, %lt3A_276 : vector<16xi1>
        %sub3A_281 = vector.broadcast %min3A_232 : i32 to vector<16xi32>
        %sub3A_282 = arith.subi %get3A_267, %sub3A_281 : vector<16xi32>
        %swap3A = arith.constant 0 : index
        %swap3A_283 = tpu.vector_load %arg13[%swap3A] masked %and3A {strides = array<i32>} : memref<16xi32, #tpu.memory_space<vmem>>, vector<16xi32>, vector<16xi1>
        tpu.vector_store %arg13[%swap3A], %sub3A_282 masked %and3A {strides = array<i32>} : memref<16xi32, #tpu.memory_space<vmem>>, vector<16xi32>, vector<16xi1>
        %swap3A_284 = arith.constant 0 : index
        %swap3A_285 = tpu.vector_load %arg14[%swap3A_284] masked %and3A {strides = array<i32>} : memref<16xi32, #tpu.memory_space<vmem>>, vector<16xi32>, vector<16xi1>
        tpu.vector_store %arg14[%swap3A_284], %get3A_271 masked %and3A {strides = array<i32>} : memref<16xi32, #tpu.memory_space<vmem>>, vector<16xi32>, vector<16xi1>
        %all_reduce_population_count3A = tpu.all_reduce %and3A {dim = 0 : i64, kind = #tpu.reduction_kind<sum>} : vector<16xi1> -> vector<16xi32>
        %slice3A = vector.extract_strided_slice %all_reduce_population_count3A {offsets = [0], sizes = [1], strides = [1]} : vector<16xi32> to vector<1xi32>
        %squeeze3A = vector.extract %slice3A[0] : i32 from vector<1xi32>
        %while3A_286 = arith.constant 0 : i32
        %while3A_287 = arith.subi %squeeze3A, %while3A_286 : i32
        %while3A_288 = arith.addi %while3A_286, %while3A_287 : i32
        %while3A_289 = arith.constant 1 : i32
        %while3A_290 = arith.divsi %while3A_287, %while3A_289 : i32
        %while3A_291 = arith.muli %while3A_290, %while3A_289 : i32
        %while3A_292 = arith.addi %while3A_286, %while3A_291 : i32
        %while3A_293 = arith.constant 1 : i32
        %while3A_294:2 = scf.for %while3A_297 = %while3A_286 to %while3A_292 step %while3A_293 iter_args(%while3A_298 = %while3A_263, %while3A_299 = %while3A_264) -> (i32, vector<16xi32>)  : i32 {
          %broadcast_in_dim3A = vector.broadcast %while3A_297 : i32 to vector<16xi32>
          %gather3A = tpu.vector_load_idx %arg13[%broadcast_in_dim3A] : memref<16xi32, #tpu.memory_space<vmem>>[vector<16xi32>], vector<16xi32>,
          %gather3A_300 = tpu.vector_load_idx %arg14[%broadcast_in_dim3A] : memref<16xi32, #tpu.memory_space<vmem>>[vector<16xi32>], vector<16xi32>,
          %and3A_301 = arith.constant 15 : i32
          %and3A_302 = arith.andi %while3A_298, %and3A_301 : i32
          %gather3A_303 = tpu.vector_load_idx %arg12[%add3A_16, %gather3A] : memref<64x512xf32, #tpu.memory_space<vmem>>[vector<16xi32>, vector<16xi32>], vector<16xf32>,
          %swap3A_304 = arith.index_cast %and3A_302 : i32 to index
          %swap3A_305 = arith.constant 0 : index
          %swap3A_306 = tpu.vector_load %arg15[%swap3A_304, %swap3A_305] {strides = array<i32>} : memref<16x128xf32, #tpu.memory_space<vmem>>, vector<16xf32>,
          tpu.vector_store %arg15[%swap3A_304, %swap3A_305], %gather3A_303 {strides = array<i32>} : memref<16x128xf32, #tpu.memory_space<vmem>>, vector<16xf32>,
          %gather3A_307 = tpu.vector_load_idx %arg12[%add3A_19, %gather3A] : memref<64x512xf32, #tpu.memory_space<vmem>>[vector<16xi32>, vector<16xi32>], vector<16xf32>,
          %swap3A_308 = arith.index_cast %and3A_302 : i32 to index
          %swap3A_309 = arith.constant 16 : index
          %swap3A_310 = tpu.vector_load %arg15[%swap3A_308, %swap3A_309] {strides = array<i32>} : memref<16x128xf32, #tpu.memory_space<vmem>>, vector<16xf32>,
          tpu.vector_store %arg15[%swap3A_308, %swap3A_309], %gather3A_307 {strides = array<i32>} : memref<16x128xf32, #tpu.memory_space<vmem>>, vector<16xf32>,
          %gather3A_311 = tpu.vector_load_idx %arg12[%add3A_22, %gather3A] : memref<64x512xf32, #tpu.memory_space<vmem>>[vector<16xi32>, vector<16xi32>], vector<16xf32>,
          %swap3A_312 = arith.index_cast %and3A_302 : i32 to index
          %swap3A_313 = arith.constant 32 : index
          %swap3A_314 = tpu.vector_load %arg15[%swap3A_312, %swap3A_313] {strides = array<i32>} : memref<16x128xf32, #tpu.memory_space<vmem>>, vector<16xf32>,
          tpu.vector_store %arg15[%swap3A_312, %swap3A_313], %gather3A_311 {strides = array<i32>} : memref<16x128xf32, #tpu.memory_space<vmem>>, vector<16xf32>,
          %gather3A_315 = tpu.vector_load_idx %arg12[%add3A_25, %gather3A] : memref<64x512xf32, #tpu.memory_space<vmem>>[vector<16xi32>, vector<16xi32>], vector<16xf32>,
          %swap3A_316 = arith.index_cast %and3A_302 : i32 to index
          %swap3A_317 = arith.constant 48 : index
          %swap3A_318 = tpu.vector_load %arg15[%swap3A_316, %swap3A_317] {strides = array<i32>} : memref<16x128xf32, #tpu.memory_space<vmem>>, vector<16xf32>,
          tpu.vector_store %arg15[%swap3A_316, %swap3A_317], %gather3A_315 {strides = array<i32>} : memref<16x128xf32, #tpu.memory_space<vmem>>, vector<16xf32>,
          %eq3A_319 = vector.broadcast %and3A_302 : i32 to vector<16xi32>
          %eq3A_320 = arith.cmpi eq, %iota3A, %eq3A_319 : vector<16xi32>
          %select_n3A = arith.select %eq3A_320, %gather3A_300, %while3A_299 : vector<16xi1>, vector<16xi32>
          %add3A_321 = arith.constant 1 : i32
          %add3A_322 = arith.addi %while3A_298, %add3A_321 : i32
          %and3A_323 = arith.constant 15 : i32
          %and3A_324 = arith.andi %add3A_322, %and3A_323 : i32
          %eq3A_325 = arith.constant 0 : i32
          %eq3A_326 = arith.cmpi eq, %and3A_324, %eq3A_325 : i32
          %convert_element_type3A = arith.extui %eq3A_326 : i1 to i32
          %cond3A = arith.constant 0 : i32
          %cond3A_327 = arith.cmpi ne, %convert_element_type3A, %cond3A : i32
          scf.if %cond3A_327 {
            %dma_start3A_330 = arith.constant 0 : i32
            %dma_start3A_331 = arith.constant 0 : i32
            %dma_start3A_332 = tpu.memref_slice %arg6[%dma_start3A_330, %dma_start3A_331] : memref<16896x128xf32, #tpu.memory_space<hbm>> -> memref<16896x128xf32, #tpu.memory_space<hbm>>
            tpu.enqueue_indirect_dma source(%arg15 : memref<16x128xf32, #tpu.memory_space<vmem>>) target(%dma_start3A_332 : memref<16896x128xf32, #tpu.memory_space<hbm>>) offsets(%select_n3A : vector<16xi32>) semaphore(%arg18 : memref<!tpu.dma_semaphore, #tpu.memory_space<semaphore_mem>>)
            %dma_wait3A_333 = arith.constant 0 : i32
            %dma_wait3A_334 = arith.constant 0 : i32
            %dma_wait3A_335 = tpu.memref_slice %arg6[%dma_wait3A_333, %dma_wait3A_334] : memref<16896x128xf32, #tpu.memory_space<hbm>> -> memref<16896x128xf32, #tpu.memory_space<hbm>>
            tpu.wait_indirect_dma semaphore(%arg18 : memref<!tpu.dma_semaphore, #tpu.memory_space<semaphore_mem>>) src(%arg15 : memref<16x128xf32, #tpu.memory_space<vmem>>) dst(%dma_wait3A_335 : memref<16896x128xf32, #tpu.memory_space<hbm>>)
          } else {
          }
          %broadcast_in_dim3A_328 = vector.broadcast %eq3A_326 : i1 to vector<16xi1>
          %select_n3A_329 = arith.select %broadcast_in_dim3A_328, %add3A_31, %select_n3A : vector<16xi1>, vector<16xi32>
          scf.yield %add3A_322, %select_n3A_329 : i32, vector<16xi32>
        }
        %while3A_295 = arith.constant 1 : i32
        %while3A_296:2 = scf.for %while3A_297 = %while3A_292 to %while3A_288 step %while3A_295 iter_args(%while3A_298 = %while3A_294#0, %while3A_299 = %while3A_294#1) -> (i32, vector<16xi32>)  : i32 {
          %broadcast_in_dim3A = vector.broadcast %while3A_297 : i32 to vector<16xi32>
          %gather3A = tpu.vector_load_idx %arg13[%broadcast_in_dim3A] : memref<16xi32, #tpu.memory_space<vmem>>[vector<16xi32>], vector<16xi32>,
          %gather3A_300 = tpu.vector_load_idx %arg14[%broadcast_in_dim3A] : memref<16xi32, #tpu.memory_space<vmem>>[vector<16xi32>], vector<16xi32>,
          %and3A_301 = arith.constant 15 : i32
          %and3A_302 = arith.andi %while3A_298, %and3A_301 : i32
          %gather3A_303 = tpu.vector_load_idx %arg12[%add3A_16, %gather3A] : memref<64x512xf32, #tpu.memory_space<vmem>>[vector<16xi32>, vector<16xi32>], vector<16xf32>,
          %swap3A_304 = arith.index_cast %and3A_302 : i32 to index
          %swap3A_305 = arith.constant 0 : index
          %swap3A_306 = tpu.vector_load %arg15[%swap3A_304, %swap3A_305] {strides = array<i32>} : memref<16x128xf32, #tpu.memory_space<vmem>>, vector<16xf32>,
          tpu.vector_store %arg15[%swap3A_304, %swap3A_305], %gather3A_303 {strides = array<i32>} : memref<16x128xf32, #tpu.memory_space<vmem>>, vector<16xf32>,
          %gather3A_307 = tpu.vector_load_idx %arg12[%add3A_19, %gather3A] : memref<64x512xf32, #tpu.memory_space<vmem>>[vector<16xi32>, vector<16xi32>], vector<16xf32>,
          %swap3A_308 = arith.index_cast %and3A_302 : i32 to index
          %swap3A_309 = arith.constant 16 : index
          %swap3A_310 = tpu.vector_load %arg15[%swap3A_308, %swap3A_309] {strides = array<i32>} : memref<16x128xf32, #tpu.memory_space<vmem>>, vector<16xf32>,
          tpu.vector_store %arg15[%swap3A_308, %swap3A_309], %gather3A_307 {strides = array<i32>} : memref<16x128xf32, #tpu.memory_space<vmem>>, vector<16xf32>,
          %gather3A_311 = tpu.vector_load_idx %arg12[%add3A_22, %gather3A] : memref<64x512xf32, #tpu.memory_space<vmem>>[vector<16xi32>, vector<16xi32>], vector<16xf32>,
          %swap3A_312 = arith.index_cast %and3A_302 : i32 to index
          %swap3A_313 = arith.constant 32 : index
          %swap3A_314 = tpu.vector_load %arg15[%swap3A_312, %swap3A_313] {strides = array<i32>} : memref<16x128xf32, #tpu.memory_space<vmem>>, vector<16xf32>,
          tpu.vector_store %arg15[%swap3A_312, %swap3A_313], %gather3A_311 {strides = array<i32>} : memref<16x128xf32, #tpu.memory_space<vmem>>, vector<16xf32>,
          %gather3A_315 = tpu.vector_load_idx %arg12[%add3A_25, %gather3A] : memref<64x512xf32, #tpu.memory_space<vmem>>[vector<16xi32>, vector<16xi32>], vector<16xf32>,
          %swap3A_316 = arith.index_cast %and3A_302 : i32 to index
          %swap3A_317 = arith.constant 48 : index
          %swap3A_318 = tpu.vector_load %arg15[%swap3A_316, %swap3A_317] {strides = array<i32>} : memref<16x128xf32, #tpu.memory_space<vmem>>, vector<16xf32>,
          tpu.vector_store %arg15[%swap3A_316, %swap3A_317], %gather3A_315 {strides = array<i32>} : memref<16x128xf32, #tpu.memory_space<vmem>>, vector<16xf32>,
          %eq3A_319 = vector.broadcast %and3A_302 : i32 to vector<16xi32>
          %eq3A_320 = arith.cmpi eq, %iota3A, %eq3A_319 : vector<16xi32>
          %select_n3A = arith.select %eq3A_320, %gather3A_300, %while3A_299 : vector<16xi1>, vector<16xi32>
          %add3A_321 = arith.constant 1 : i32
          %add3A_322 = arith.addi %while3A_298, %add3A_321 : i32
          %and3A_323 = arith.constant 15 : i32
          %and3A_324 = arith.andi %add3A_322, %and3A_323 : i32
          %eq3A_325 = arith.constant 0 : i32
          %eq3A_326 = arith.cmpi eq, %and3A_324, %eq3A_325 : i32
          %convert_element_type3A = arith.extui %eq3A_326 : i1 to i32
          %cond3A = arith.constant 0 : i32
          %cond3A_327 = arith.cmpi ne, %convert_element_type3A, %cond3A : i32
          scf.if %cond3A_327 {
            %dma_start3A_330 = arith.constant 0 : i32
            %dma_start3A_331 = arith.constant 0 : i32
            %dma_start3A_332 = tpu.memref_slice %arg6[%dma_start3A_330, %dma_start3A_331] : memref<16896x128xf32, #tpu.memory_space<hbm>> -> memref<16896x128xf32, #tpu.memory_space<hbm>>
            tpu.enqueue_indirect_dma source(%arg15 : memref<16x128xf32, #tpu.memory_space<vmem>>) target(%dma_start3A_332 : memref<16896x128xf32, #tpu.memory_space<hbm>>) offsets(%select_n3A : vector<16xi32>) semaphore(%arg18 : memref<!tpu.dma_semaphore, #tpu.memory_space<semaphore_mem>>)
            %dma_wait3A_333 = arith.constant 0 : i32
            %dma_wait3A_334 = arith.constant 0 : i32
            %dma_wait3A_335 = tpu.memref_slice %arg6[%dma_wait3A_333, %dma_wait3A_334] : memref<16896x128xf32, #tpu.memory_space<hbm>> -> memref<16896x128xf32, #tpu.memory_space<hbm>>
            tpu.wait_indirect_dma semaphore(%arg18 : memref<!tpu.dma_semaphore, #tpu.memory_space<semaphore_mem>>) src(%arg15 : memref<16x128xf32, #tpu.memory_space<vmem>>) dst(%dma_wait3A_335 : memref<16896x128xf32, #tpu.memory_space<hbm>>)
          } else {
          }
          %broadcast_in_dim3A_328 = vector.broadcast %eq3A_326 : i1 to vector<16xi1>
          %select_n3A_329 = arith.select %broadcast_in_dim3A_328, %add3A_31, %select_n3A : vector<16xi1>, vector<16xi32>
          scf.yield %add3A_322, %select_n3A_329 : i32, vector<16xi32>
        }
        scf.yield %while3A_296#0, %while3A_296#1 : i32, vector<16xi32>
      }
      %while3A_242 = arith.constant 1 : i32
      %while3A_243:2 = scf.for %while3A_262 = %while3A_239 to %while3A_235 step %while3A_242 iter_args(%while3A_263 = %while3A_241#0, %while3A_264 = %while3A_241#1) -> (i32, vector<16xi32>)  : i32 {
        %mul3A_265 = arith.constant 16 : i32
        %mul3A_266 = arith.muli %while3A_262, %mul3A_265 : i32
        %get3A = arith.index_cast %mul3A_266 : i32 to index
        %get3A_267 = tpu.vector_load %arg9[%get3A] {strides = array<i32>} : memref<16400xi32, #tpu.memory_space<vmem>>, vector<16xi32>,
        %mul3A_268 = arith.constant 16 : i32
        %mul3A_269 = arith.muli %while3A_262, %mul3A_268 : i32
        %get3A_270 = arith.index_cast %mul3A_269 : i32 to index
        %get3A_271 = tpu.vector_load %arg10[%get3A_270] {strides = array<i32>} : memref<16400xi32, #tpu.memory_space<vmem>>, vector<16xi32>,
        %mul3A_272 = arith.constant 16 : i32
        %mul3A_273 = arith.muli %while3A_262, %mul3A_272 : i32
        %add3A_274 = vector.broadcast %mul3A_273 : i32 to vector<16xi32>
        %add3A_275 = arith.addi %add3A_274, %iota3A : vector<16xi32>
        %lt3A = vector.broadcast %scan3A_60 : i32 to vector<16xi32>
        %lt3A_276 = arith.cmpi slt, %add3A_275, %lt3A : vector<16xi32>
        %shift_right_arithmetic3A_277 = arith.constant 9 : i32
        %shift_right_arithmetic3A_278 = vector.broadcast %shift_right_arithmetic3A_277 : i32 to vector<16xi32>
        %shift_right_arithmetic3A_279 = arith.shrsi %get3A_267, %shift_right_arithmetic3A_278 : vector<16xi32>
        %eq3A = vector.broadcast %add3A_222 : i32 to vector<16xi32>
        %eq3A_280 = arith.cmpi eq, %shift_right_arithmetic3A_279, %eq3A : vector<16xi32>
        %and3A = arith.andi %eq3A_280, %lt3A_276 : vector<16xi1>
        %sub3A_281 = vector.broadcast %min3A_232 : i32 to vector<16xi32>
        %sub3A_282 = arith.subi %get3A_267, %sub3A_281 : vector<16xi32>
        %swap3A = arith.constant 0 : index
        %swap3A_283 = tpu.vector_load %arg13[%swap3A] masked %and3A {strides = array<i32>} : memref<16xi32, #tpu.memory_space<vmem>>, vector<16xi32>, vector<16xi1>
        tpu.vector_store %arg13[%swap3A], %sub3A_282 masked %and3A {strides = array<i32>} : memref<16xi32, #tpu.memory_space<vmem>>, vector<16xi32>, vector<16xi1>
        %swap3A_284 = arith.constant 0 : index
        %swap3A_285 = tpu.vector_load %arg14[%swap3A_284] masked %and3A {strides = array<i32>} : memref<16xi32, #tpu.memory_space<vmem>>, vector<16xi32>, vector<16xi1>
        tpu.vector_store %arg14[%swap3A_284], %get3A_271 masked %and3A {strides = array<i32>} : memref<16xi32, #tpu.memory_space<vmem>>, vector<16xi32>, vector<16xi1>
        %all_reduce_population_count3A = tpu.all_reduce %and3A {dim = 0 : i64, kind = #tpu.reduction_kind<sum>} : vector<16xi1> -> vector<16xi32>
        %slice3A = vector.extract_strided_slice %all_reduce_population_count3A {offsets = [0], sizes = [1], strides = [1]} : vector<16xi32> to vector<1xi32>
        %squeeze3A = vector.extract %slice3A[0] : i32 from vector<1xi32>
        %while3A_286 = arith.constant 0 : i32
        %while3A_287 = arith.subi %squeeze3A, %while3A_286 : i32
        %while3A_288 = arith.addi %while3A_286, %while3A_287 : i32
        %while3A_289 = arith.constant 1 : i32
        %while3A_290 = arith.divsi %while3A_287, %while3A_289 : i32
        %while3A_291 = arith.muli %while3A_290, %while3A_289 : i32
        %while3A_292 = arith.addi %while3A_286, %while3A_291 : i32
        %while3A_293 = arith.constant 1 : i32
        %while3A_294:2 = scf.for %while3A_297 = %while3A_286 to %while3A_292 step %while3A_293 iter_args(%while3A_298 = %while3A_263, %while3A_299 = %while3A_264) -> (i32, vector<16xi32>)  : i32 {
          %broadcast_in_dim3A = vector.broadcast %while3A_297 : i32 to vector<16xi32>
          %gather3A = tpu.vector_load_idx %arg13[%broadcast_in_dim3A] : memref<16xi32, #tpu.memory_space<vmem>>[vector<16xi32>], vector<16xi32>,
          %gather3A_300 = tpu.vector_load_idx %arg14[%broadcast_in_dim3A] : memref<16xi32, #tpu.memory_space<vmem>>[vector<16xi32>], vector<16xi32>,
          %and3A_301 = arith.constant 15 : i32
          %and3A_302 = arith.andi %while3A_298, %and3A_301 : i32
          %gather3A_303 = tpu.vector_load_idx %arg12[%add3A_16, %gather3A] : memref<64x512xf32, #tpu.memory_space<vmem>>[vector<16xi32>, vector<16xi32>], vector<16xf32>,
          %swap3A_304 = arith.index_cast %and3A_302 : i32 to index
          %swap3A_305 = arith.constant 0 : index
          %swap3A_306 = tpu.vector_load %arg15[%swap3A_304, %swap3A_305] {strides = array<i32>} : memref<16x128xf32, #tpu.memory_space<vmem>>, vector<16xf32>,
          tpu.vector_store %arg15[%swap3A_304, %swap3A_305], %gather3A_303 {strides = array<i32>} : memref<16x128xf32, #tpu.memory_space<vmem>>, vector<16xf32>,
          %gather3A_307 = tpu.vector_load_idx %arg12[%add3A_19, %gather3A] : memref<64x512xf32, #tpu.memory_space<vmem>>[vector<16xi32>, vector<16xi32>], vector<16xf32>,
          %swap3A_308 = arith.index_cast %and3A_302 : i32 to index
          %swap3A_309 = arith.constant 16 : index
          %swap3A_310 = tpu.vector_load %arg15[%swap3A_308, %swap3A_309] {strides = array<i32>} : memref<16x128xf32, #tpu.memory_space<vmem>>, vector<16xf32>,
          tpu.vector_store %arg15[%swap3A_308, %swap3A_309], %gather3A_307 {strides = array<i32>} : memref<16x128xf32, #tpu.memory_space<vmem>>, vector<16xf32>,
          %gather3A_311 = tpu.vector_load_idx %arg12[%add3A_22, %gather3A] : memref<64x512xf32, #tpu.memory_space<vmem>>[vector<16xi32>, vector<16xi32>], vector<16xf32>,
          %swap3A_312 = arith.index_cast %and3A_302 : i32 to index
          %swap3A_313 = arith.constant 32 : index
          %swap3A_314 = tpu.vector_load %arg15[%swap3A_312, %swap3A_313] {strides = array<i32>} : memref<16x128xf32, #tpu.memory_space<vmem>>, vector<16xf32>,
          tpu.vector_store %arg15[%swap3A_312, %swap3A_313], %gather3A_311 {strides = array<i32>} : memref<16x128xf32, #tpu.memory_space<vmem>>, vector<16xf32>,
          %gather3A_315 = tpu.vector_load_idx %arg12[%add3A_25, %gather3A] : memref<64x512xf32, #tpu.memory_space<vmem>>[vector<16xi32>, vector<16xi32>], vector<16xf32>,
          %swap3A_316 = arith.index_cast %and3A_302 : i32 to index
          %swap3A_317 = arith.constant 48 : index
          %swap3A_318 = tpu.vector_load %arg15[%swap3A_316, %swap3A_317] {strides = array<i32>} : memref<16x128xf32, #tpu.memory_space<vmem>>, vector<16xf32>,
          tpu.vector_store %arg15[%swap3A_316, %swap3A_317], %gather3A_315 {strides = array<i32>} : memref<16x128xf32, #tpu.memory_space<vmem>>, vector<16xf32>,
          %eq3A_319 = vector.broadcast %and3A_302 : i32 to vector<16xi32>
          %eq3A_320 = arith.cmpi eq, %iota3A, %eq3A_319 : vector<16xi32>
          %select_n3A = arith.select %eq3A_320, %gather3A_300, %while3A_299 : vector<16xi1>, vector<16xi32>
          %add3A_321 = arith.constant 1 : i32
          %add3A_322 = arith.addi %while3A_298, %add3A_321 : i32
          %and3A_323 = arith.constant 15 : i32
          %and3A_324 = arith.andi %add3A_322, %and3A_323 : i32
          %eq3A_325 = arith.constant 0 : i32
          %eq3A_326 = arith.cmpi eq, %and3A_324, %eq3A_325 : i32
          %convert_element_type3A = arith.extui %eq3A_326 : i1 to i32
          %cond3A = arith.constant 0 : i32
          %cond3A_327 = arith.cmpi ne, %convert_element_type3A, %cond3A : i32
          scf.if %cond3A_327 {
            %dma_start3A_330 = arith.constant 0 : i32
            %dma_start3A_331 = arith.constant 0 : i32
            %dma_start3A_332 = tpu.memref_slice %arg6[%dma_start3A_330, %dma_start3A_331] : memref<16896x128xf32, #tpu.memory_space<hbm>> -> memref<16896x128xf32, #tpu.memory_space<hbm>>
            tpu.enqueue_indirect_dma source(%arg15 : memref<16x128xf32, #tpu.memory_space<vmem>>) target(%dma_start3A_332 : memref<16896x128xf32, #tpu.memory_space<hbm>>) offsets(%select_n3A : vector<16xi32>) semaphore(%arg18 : memref<!tpu.dma_semaphore, #tpu.memory_space<semaphore_mem>>)
            %dma_wait3A_333 = arith.constant 0 : i32
            %dma_wait3A_334 = arith.constant 0 : i32
            %dma_wait3A_335 = tpu.memref_slice %arg6[%dma_wait3A_333, %dma_wait3A_334] : memref<16896x128xf32, #tpu.memory_space<hbm>> -> memref<16896x128xf32, #tpu.memory_space<hbm>>
            tpu.wait_indirect_dma semaphore(%arg18 : memref<!tpu.dma_semaphore, #tpu.memory_space<semaphore_mem>>) src(%arg15 : memref<16x128xf32, #tpu.memory_space<vmem>>) dst(%dma_wait3A_335 : memref<16896x128xf32, #tpu.memory_space<hbm>>)
          } else {
          }
          %broadcast_in_dim3A_328 = vector.broadcast %eq3A_326 : i1 to vector<16xi1>
          %select_n3A_329 = arith.select %broadcast_in_dim3A_328, %add3A_31, %select_n3A : vector<16xi1>, vector<16xi32>
          scf.yield %add3A_322, %select_n3A_329 : i32, vector<16xi32>
        }
        %while3A_295 = arith.constant 1 : i32
        %while3A_296:2 = scf.for %while3A_297 = %while3A_292 to %while3A_288 step %while3A_295 iter_args(%while3A_298 = %while3A_294#0, %while3A_299 = %while3A_294#1) -> (i32, vector<16xi32>)  : i32 {
          %broadcast_in_dim3A = vector.broadcast %while3A_297 : i32 to vector<16xi32>
          %gather3A = tpu.vector_load_idx %arg13[%broadcast_in_dim3A] : memref<16xi32, #tpu.memory_space<vmem>>[vector<16xi32>], vector<16xi32>,
          %gather3A_300 = tpu.vector_load_idx %arg14[%broadcast_in_dim3A] : memref<16xi32, #tpu.memory_space<vmem>>[vector<16xi32>], vector<16xi32>,
          %and3A_301 = arith.constant 15 : i32
          %and3A_302 = arith.andi %while3A_298, %and3A_301 : i32
          %gather3A_303 = tpu.vector_load_idx %arg12[%add3A_16, %gather3A] : memref<64x512xf32, #tpu.memory_space<vmem>>[vector<16xi32>, vector<16xi32>], vector<16xf32>,
          %swap3A_304 = arith.index_cast %and3A_302 : i32 to index
          %swap3A_305 = arith.constant 0 : index
          %swap3A_306 = tpu.vector_load %arg15[%swap3A_304, %swap3A_305] {strides = array<i32>} : memref<16x128xf32, #tpu.memory_space<vmem>>, vector<16xf32>,
          tpu.vector_store %arg15[%swap3A_304, %swap3A_305], %gather3A_303 {strides = array<i32>} : memref<16x128xf32, #tpu.memory_space<vmem>>, vector<16xf32>,
          %gather3A_307 = tpu.vector_load_idx %arg12[%add3A_19, %gather3A] : memref<64x512xf32, #tpu.memory_space<vmem>>[vector<16xi32>, vector<16xi32>], vector<16xf32>,
          %swap3A_308 = arith.index_cast %and3A_302 : i32 to index
          %swap3A_309 = arith.constant 16 : index
          %swap3A_310 = tpu.vector_load %arg15[%swap3A_308, %swap3A_309] {strides = array<i32>} : memref<16x128xf32, #tpu.memory_space<vmem>>, vector<16xf32>,
          tpu.vector_store %arg15[%swap3A_308, %swap3A_309], %gather3A_307 {strides = array<i32>} : memref<16x128xf32, #tpu.memory_space<vmem>>, vector<16xf32>,
          %gather3A_311 = tpu.vector_load_idx %arg12[%add3A_22, %gather3A] : memref<64x512xf32, #tpu.memory_space<vmem>>[vector<16xi32>, vector<16xi32>], vector<16xf32>,
          %swap3A_312 = arith.index_cast %and3A_302 : i32 to index
          %swap3A_313 = arith.constant 32 : index
          %swap3A_314 = tpu.vector_load %arg15[%swap3A_312, %swap3A_313] {strides = array<i32>} : memref<16x128xf32, #tpu.memory_space<vmem>>, vector<16xf32>,
          tpu.vector_store %arg15[%swap3A_312, %swap3A_313], %gather3A_311 {strides = array<i32>} : memref<16x128xf32, #tpu.memory_space<vmem>>, vector<16xf32>,
          %gather3A_315 = tpu.vector_load_idx %arg12[%add3A_25, %gather3A] : memref<64x512xf32, #tpu.memory_space<vmem>>[vector<16xi32>, vector<16xi32>], vector<16xf32>,
          %swap3A_316 = arith.index_cast %and3A_302 : i32 to index
          %swap3A_317 = arith.constant 48 : index
          %swap3A_318 = tpu.vector_load %arg15[%swap3A_316, %swap3A_317] {strides = array<i32>} : memref<16x128xf32, #tpu.memory_space<vmem>>, vector<16xf32>,
          tpu.vector_store %arg15[%swap3A_316, %swap3A_317], %gather3A_315 {strides = array<i32>} : memref<16x128xf32, #tpu.memory_space<vmem>>, vector<16xf32>,
          %eq3A_319 = vector.broadcast %and3A_302 : i32 to vector<16xi32>
          %eq3A_320 = arith.cmpi eq, %iota3A, %eq3A_319 : vector<16xi32>
          %select_n3A = arith.select %eq3A_320, %gather3A_300, %while3A_299 : vector<16xi1>, vector<16xi32>
          %add3A_321 = arith.constant 1 : i32
          %add3A_322 = arith.addi %while3A_298, %add3A_321 : i32
          %and3A_323 = arith.constant 15 : i32
          %and3A_324 = arith.andi %add3A_322, %and3A_323 : i32
          %eq3A_325 = arith.constant 0 : i32
          %eq3A_326 = arith.cmpi eq, %and3A_324, %eq3A_325 : i32
          %convert_element_type3A = arith.extui %eq3A_326 : i1 to i32
          %cond3A = arith.constant 0 : i32
          %cond3A_327 = arith.cmpi ne, %convert_element_type3A, %cond3A : i32
          scf.if %cond3A_327 {
            %dma_start3A_330 = arith.constant 0 : i32
            %dma_start3A_331 = arith.constant 0 : i32
            %dma_start3A_332 = tpu.memref_slice %arg6[%dma_start3A_330, %dma_start3A_331] : memref<16896x128xf32, #tpu.memory_space<hbm>> -> memref<16896x128xf32, #tpu.memory_space<hbm>>
            tpu.enqueue_indirect_dma source(%arg15 : memref<16x128xf32, #tpu.memory_space<vmem>>) target(%dma_start3A_332 : memref<16896x128xf32, #tpu.memory_space<hbm>>) offsets(%select_n3A : vector<16xi32>) semaphore(%arg18 : memref<!tpu.dma_semaphore, #tpu.memory_space<semaphore_mem>>)
            %dma_wait3A_333 = arith.constant 0 : i32
            %dma_wait3A_334 = arith.constant 0 : i32
            %dma_wait3A_335 = tpu.memref_slice %arg6[%dma_wait3A_333, %dma_wait3A_334] : memref<16896x128xf32, #tpu.memory_space<hbm>> -> memref<16896x128xf32, #tpu.memory_space<hbm>>
            tpu.wait_indirect_dma semaphore(%arg18 : memref<!tpu.dma_semaphore, #tpu.memory_space<semaphore_mem>>) src(%arg15 : memref<16x128xf32, #tpu.memory_space<vmem>>) dst(%dma_wait3A_335 : memref<16896x128xf32, #tpu.memory_space<hbm>>)
          } else {
          }
          %broadcast_in_dim3A_328 = vector.broadcast %eq3A_326 : i1 to vector<16xi1>
          %select_n3A_329 = arith.select %broadcast_in_dim3A_328, %add3A_31, %select_n3A : vector<16xi1>, vector<16xi32>
          scf.yield %add3A_322, %select_n3A_329 : i32, vector<16xi32>
        }
        scf.yield %while3A_296#0, %while3A_296#1 : i32, vector<16xi32>
      }
      %add3A_244 = arith.constant 1 : i32
      %add3A_245 = arith.addi %while3A_165, %add3A_244 : i32
      %mul3A_246 = arith.constant 2 : i32
      %mul3A_247 = arith.muli %mul3A_246, %add3A_245 : i32
      %add3A_248 = arith.constant 1 : i32
      %add3A_249 = arith.addi %mul3A_247, %add3A_248 : i32
      %sub3A_250 = arith.constant 1 : i32
      %sub3A_251 = arith.subi %sub3A, %sub3A_250 : i32
      %min3A_252 = arith.minsi %add3A_249, %sub3A_251 : i32
      %add3A_253 = arith.addi %shift_right_arithmetic3A_3, %min3A_252 : i32
      %mul3A_254 = arith.constant 512 : i32
      %mul3A_255 = arith.muli %add3A_253, %mul3A_254 : i32
      %min3A_256 = arith.constant 999552 : i32
      %min3A_257 = arith.minsi %mul3A_255, %min3A_256 : i32
      %dma_start3A_258 = arith.constant 0 : i32
      %dma_start3A_259 = tpu.memref_slice %arg4[%dma_start3A_258, %min3A_257] : memref<64x1000000xf32, #tpu.memory_space<hbm>> -> memref<64x512xf32, #tpu.memory_space<hbm>>
      %dma_start3A_260 = arith.constant 0 : i32
      %dma_start3A_261 = tpu.memref_slice %arg4[%dma_start3A_260, %min3A_257] : memref<64x1000000xf32, #tpu.memory_space<hbm>> -> memref<64x512xf32, #tpu.memory_space<hbm>>
      tpu.enqueue_dma source(%dma_start3A_261 : memref<64x512xf32, #tpu.memory_space<hbm>>) target(%arg12 : memref<64x512xf32, #tpu.memory_space<vmem>>) target_semaphore(%arg17 : memref<!tpu.dma_semaphore, #tpu.memory_space<semaphore_mem>>)
      scf.yield %while3A_243#0, %while3A_243#1 : i32, vector<16xi32>
    }
    %while3A_77 = arith.constant 1 : i32
    %while3A_78:2 = scf.for %while3A_165 = %while3A_74 to %while3A_70 step %while3A_77 iter_args(%while3A_166 = %while3A_76#0, %while3A_167 = %while3A_76#1) -> (i32, vector<16xi32>)  : i32 {
      %mul3A_168 = arith.constant 2 : i32
      %mul3A_169 = arith.muli %mul3A_168, %while3A_165 : i32
      %add3A_170 = arith.constant 0 : i32
      %add3A_171 = arith.addi %mul3A_169, %add3A_170 : i32
      %sub3A_172 = arith.constant 1 : i32
      %sub3A_173 = arith.subi %sub3A, %sub3A_172 : i32
      %min3A_174 = arith.minsi %add3A_171, %sub3A_173 : i32
      %add3A_175 = arith.addi %shift_right_arithmetic3A_3, %min3A_174 : i32
      %dma_wait3A_176 = arith.constant 0 : i32
      %dma_wait3A_177 = arith.constant 0 : i32
      %dma_wait3A_178 = tpu.memref_slice %arg4[%dma_wait3A_176, %dma_wait3A_177] : memref<64x1000000xf32, #tpu.memory_space<hbm>> -> memref<64x512xf32, #tpu.memory_space<hbm>>
      %dma_wait3A_179 = arith.constant 0 : i32
      %dma_wait3A_180 = arith.constant 0 : i32
      %dma_wait3A_181 = tpu.memref_slice %arg4[%dma_wait3A_179, %dma_wait3A_180] : memref<64x1000000xf32, #tpu.memory_space<hbm>> -> memref<64x512xf32, #tpu.memory_space<hbm>>
      tpu.wait_dma2 semaphore(%arg16 : memref<!tpu.dma_semaphore, #tpu.memory_space<semaphore_mem>>) src(%dma_wait3A_181 : memref<64x512xf32, #tpu.memory_space<hbm>>) dst(%arg11 : memref<64x512xf32, #tpu.memory_space<vmem>>)
      %mul3A_182 = arith.constant 512 : i32
      %mul3A_183 = arith.muli %add3A_175, %mul3A_182 : i32
      %min3A_184 = arith.constant 999552 : i32
      %min3A_185 = arith.minsi %mul3A_183, %min3A_184 : i32
      %while3A_186 = arith.constant 0 : i32
      %while3A_187 = arith.subi %shift_right_arithmetic3A_67, %while3A_186 : i32
      %while3A_188 = arith.addi %while3A_186, %while3A_187 : i32
      %while3A_189 = arith.constant 1 : i32
      %while3A_190 = arith.divsi %while3A_187, %while3A_189 : i32
      %while3A_191 = arith.muli %while3A_190, %while3A_189 : i32
      %while3A_192 = arith.addi %while3A_186, %while3A_191 : i32
      %while3A_193 = arith.constant 1 : i32
      %while3A_194:2 = scf.for %while3A_262 = %while3A_186 to %while3A_192 step %while3A_193 iter_args(%while3A_263 = %while3A_166, %while3A_264 = %while3A_167) -> (i32, vector<16xi32>)  : i32 {
        %mul3A_265 = arith.constant 16 : i32
        %mul3A_266 = arith.muli %while3A_262, %mul3A_265 : i32
        %get3A = arith.index_cast %mul3A_266 : i32 to index
        %get3A_267 = tpu.vector_load %arg9[%get3A] {strides = array<i32>} : memref<16400xi32, #tpu.memory_space<vmem>>, vector<16xi32>,
        %mul3A_268 = arith.constant 16 : i32
        %mul3A_269 = arith.muli %while3A_262, %mul3A_268 : i32
        %get3A_270 = arith.index_cast %mul3A_269 : i32 to index
        %get3A_271 = tpu.vector_load %arg10[%get3A_270] {strides = array<i32>} : memref<16400xi32, #tpu.memory_space<vmem>>, vector<16xi32>,
        %mul3A_272 = arith.constant 16 : i32
        %mul3A_273 = arith.muli %while3A_262, %mul3A_272 : i32
        %add3A_274 = vector.broadcast %mul3A_273 : i32 to vector<16xi32>
        %add3A_275 = arith.addi %add3A_274, %iota3A : vector<16xi32>
        %lt3A = vector.broadcast %scan3A_60 : i32 to vector<16xi32>
        %lt3A_276 = arith.cmpi slt, %add3A_275, %lt3A : vector<16xi32>
        %shift_right_arithmetic3A_277 = arith.constant 9 : i32
        %shift_right_arithmetic3A_278 = vector.broadcast %shift_right_arithmetic3A_277 : i32 to vector<16xi32>
        %shift_right_arithmetic3A_279 = arith.shrsi %get3A_267, %shift_right_arithmetic3A_278 : vector<16xi32>
        %eq3A = vector.broadcast %add3A_175 : i32 to vector<16xi32>
        %eq3A_280 = arith.cmpi eq, %shift_right_arithmetic3A_279, %eq3A : vector<16xi32>
        %and3A = arith.andi %eq3A_280, %lt3A_276 : vector<16xi1>
        %sub3A_281 = vector.broadcast %min3A_185 : i32 to vector<16xi32>
        %sub3A_282 = arith.subi %get3A_267, %sub3A_281 : vector<16xi32>
        %swap3A = arith.constant 0 : index
        %swap3A_283 = tpu.vector_load %arg13[%swap3A] masked %and3A {strides = array<i32>} : memref<16xi32, #tpu.memory_space<vmem>>, vector<16xi32>, vector<16xi1>
        tpu.vector_store %arg13[%swap3A], %sub3A_282 masked %and3A {strides = array<i32>} : memref<16xi32, #tpu.memory_space<vmem>>, vector<16xi32>, vector<16xi1>
        %swap3A_284 = arith.constant 0 : index
        %swap3A_285 = tpu.vector_load %arg14[%swap3A_284] masked %and3A {strides = array<i32>} : memref<16xi32, #tpu.memory_space<vmem>>, vector<16xi32>, vector<16xi1>
        tpu.vector_store %arg14[%swap3A_284], %get3A_271 masked %and3A {strides = array<i32>} : memref<16xi32, #tpu.memory_space<vmem>>, vector<16xi32>, vector<16xi1>
        %all_reduce_population_count3A = tpu.all_reduce %and3A {dim = 0 : i64, kind = #tpu.reduction_kind<sum>} : vector<16xi1> -> vector<16xi32>
        %slice3A = vector.extract_strided_slice %all_reduce_population_count3A {offsets = [0], sizes = [1], strides = [1]} : vector<16xi32> to vector<1xi32>
        %squeeze3A = vector.extract %slice3A[0] : i32 from vector<1xi32>
        %while3A_286 = arith.constant 0 : i32
        %while3A_287 = arith.subi %squeeze3A, %while3A_286 : i32
        %while3A_288 = arith.addi %while3A_286, %while3A_287 : i32
        %while3A_289 = arith.constant 1 : i32
        %while3A_290 = arith.divsi %while3A_287, %while3A_289 : i32
        %while3A_291 = arith.muli %while3A_290, %while3A_289 : i32
        %while3A_292 = arith.addi %while3A_286, %while3A_291 : i32
        %while3A_293 = arith.constant 1 : i32
        %while3A_294:2 = scf.for %while3A_297 = %while3A_286 to %while3A_292 step %while3A_293 iter_args(%while3A_298 = %while3A_263, %while3A_299 = %while3A_264) -> (i32, vector<16xi32>)  : i32 {
          %broadcast_in_dim3A = vector.broadcast %while3A_297 : i32 to vector<16xi32>
          %gather3A = tpu.vector_load_idx %arg13[%broadcast_in_dim3A] : memref<16xi32, #tpu.memory_space<vmem>>[vector<16xi32>], vector<16xi32>,
          %gather3A_300 = tpu.vector_load_idx %arg14[%broadcast_in_dim3A] : memref<16xi32, #tpu.memory_space<vmem>>[vector<16xi32>], vector<16xi32>,
          %and3A_301 = arith.constant 15 : i32
          %and3A_302 = arith.andi %while3A_298, %and3A_301 : i32
          %gather3A_303 = tpu.vector_load_idx %arg11[%add3A_16, %gather3A] : memref<64x512xf32, #tpu.memory_space<vmem>>[vector<16xi32>, vector<16xi32>], vector<16xf32>,
          %swap3A_304 = arith.index_cast %and3A_302 : i32 to index
          %swap3A_305 = arith.constant 0 : index
          %swap3A_306 = tpu.vector_load %arg15[%swap3A_304, %swap3A_305] {strides = array<i32>} : memref<16x128xf32, #tpu.memory_space<vmem>>, vector<16xf32>,
          tpu.vector_store %arg15[%swap3A_304, %swap3A_305], %gather3A_303 {strides = array<i32>} : memref<16x128xf32, #tpu.memory_space<vmem>>, vector<16xf32>,
          %gather3A_307 = tpu.vector_load_idx %arg11[%add3A_19, %gather3A] : memref<64x512xf32, #tpu.memory_space<vmem>>[vector<16xi32>, vector<16xi32>], vector<16xf32>,
          %swap3A_308 = arith.index_cast %and3A_302 : i32 to index
          %swap3A_309 = arith.constant 16 : index
          %swap3A_310 = tpu.vector_load %arg15[%swap3A_308, %swap3A_309] {strides = array<i32>} : memref<16x128xf32, #tpu.memory_space<vmem>>, vector<16xf32>,
          tpu.vector_store %arg15[%swap3A_308, %swap3A_309], %gather3A_307 {strides = array<i32>} : memref<16x128xf32, #tpu.memory_space<vmem>>, vector<16xf32>,
          %gather3A_311 = tpu.vector_load_idx %arg11[%add3A_22, %gather3A] : memref<64x512xf32, #tpu.memory_space<vmem>>[vector<16xi32>, vector<16xi32>], vector<16xf32>,
          %swap3A_312 = arith.index_cast %and3A_302 : i32 to index
          %swap3A_313 = arith.constant 32 : index
          %swap3A_314 = tpu.vector_load %arg15[%swap3A_312, %swap3A_313] {strides = array<i32>} : memref<16x128xf32, #tpu.memory_space<vmem>>, vector<16xf32>,
          tpu.vector_store %arg15[%swap3A_312, %swap3A_313], %gather3A_311 {strides = array<i32>} : memref<16x128xf32, #tpu.memory_space<vmem>>, vector<16xf32>,
          %gather3A_315 = tpu.vector_load_idx %arg11[%add3A_25, %gather3A] : memref<64x512xf32, #tpu.memory_space<vmem>>[vector<16xi32>, vector<16xi32>], vector<16xf32>,
          %swap3A_316 = arith.index_cast %and3A_302 : i32 to index
          %swap3A_317 = arith.constant 48 : index
          %swap3A_318 = tpu.vector_load %arg15[%swap3A_316, %swap3A_317] {strides = array<i32>} : memref<16x128xf32, #tpu.memory_space<vmem>>, vector<16xf32>,
          tpu.vector_store %arg15[%swap3A_316, %swap3A_317], %gather3A_315 {strides = array<i32>} : memref<16x128xf32, #tpu.memory_space<vmem>>, vector<16xf32>,
          %eq3A_319 = vector.broadcast %and3A_302 : i32 to vector<16xi32>
          %eq3A_320 = arith.cmpi eq, %iota3A, %eq3A_319 : vector<16xi32>
          %select_n3A = arith.select %eq3A_320, %gather3A_300, %while3A_299 : vector<16xi1>, vector<16xi32>
          %add3A_321 = arith.constant 1 : i32
          %add3A_322 = arith.addi %while3A_298, %add3A_321 : i32
          %and3A_323 = arith.constant 15 : i32
          %and3A_324 = arith.andi %add3A_322, %and3A_323 : i32
          %eq3A_325 = arith.constant 0 : i32
          %eq3A_326 = arith.cmpi eq, %and3A_324, %eq3A_325 : i32
          %convert_element_type3A = arith.extui %eq3A_326 : i1 to i32
          %cond3A = arith.constant 0 : i32
          %cond3A_327 = arith.cmpi ne, %convert_element_type3A, %cond3A : i32
          scf.if %cond3A_327 {
            %dma_start3A_330 = arith.constant 0 : i32
            %dma_start3A_331 = arith.constant 0 : i32
            %dma_start3A_332 = tpu.memref_slice %arg6[%dma_start3A_330, %dma_start3A_331] : memref<16896x128xf32, #tpu.memory_space<hbm>> -> memref<16896x128xf32, #tpu.memory_space<hbm>>
            tpu.enqueue_indirect_dma source(%arg15 : memref<16x128xf32, #tpu.memory_space<vmem>>) target(%dma_start3A_332 : memref<16896x128xf32, #tpu.memory_space<hbm>>) offsets(%select_n3A : vector<16xi32>) semaphore(%arg18 : memref<!tpu.dma_semaphore, #tpu.memory_space<semaphore_mem>>)
            %dma_wait3A_333 = arith.constant 0 : i32
            %dma_wait3A_334 = arith.constant 0 : i32
            %dma_wait3A_335 = tpu.memref_slice %arg6[%dma_wait3A_333, %dma_wait3A_334] : memref<16896x128xf32, #tpu.memory_space<hbm>> -> memref<16896x128xf32, #tpu.memory_space<hbm>>
            tpu.wait_indirect_dma semaphore(%arg18 : memref<!tpu.dma_semaphore, #tpu.memory_space<semaphore_mem>>) src(%arg15 : memref<16x128xf32, #tpu.memory_space<vmem>>) dst(%dma_wait3A_335 : memref<16896x128xf32, #tpu.memory_space<hbm>>)
          } else {
          }
          %broadcast_in_dim3A_328 = vector.broadcast %eq3A_326 : i1 to vector<16xi1>
          %select_n3A_329 = arith.select %broadcast_in_dim3A_328, %add3A_31, %select_n3A : vector<16xi1>, vector<16xi32>
          scf.yield %add3A_322, %select_n3A_329 : i32, vector<16xi32>
        }
        %while3A_295 = arith.constant 1 : i32
        %while3A_296:2 = scf.for %while3A_297 = %while3A_292 to %while3A_288 step %while3A_295 iter_args(%while3A_298 = %while3A_294#0, %while3A_299 = %while3A_294#1) -> (i32, vector<16xi32>)  : i32 {
          %broadcast_in_dim3A = vector.broadcast %while3A_297 : i32 to vector<16xi32>
          %gather3A = tpu.vector_load_idx %arg13[%broadcast_in_dim3A] : memref<16xi32, #tpu.memory_space<vmem>>[vector<16xi32>], vector<16xi32>,
          %gather3A_300 = tpu.vector_load_idx %arg14[%broadcast_in_dim3A] : memref<16xi32, #tpu.memory_space<vmem>>[vector<16xi32>], vector<16xi32>,
          %and3A_301 = arith.constant 15 : i32
          %and3A_302 = arith.andi %while3A_298, %and3A_301 : i32
          %gather3A_303 = tpu.vector_load_idx %arg11[%add3A_16, %gather3A] : memref<64x512xf32, #tpu.memory_space<vmem>>[vector<16xi32>, vector<16xi32>], vector<16xf32>,
          %swap3A_304 = arith.index_cast %and3A_302 : i32 to index
          %swap3A_305 = arith.constant 0 : index
          %swap3A_306 = tpu.vector_load %arg15[%swap3A_304, %swap3A_305] {strides = array<i32>} : memref<16x128xf32, #tpu.memory_space<vmem>>, vector<16xf32>,
          tpu.vector_store %arg15[%swap3A_304, %swap3A_305], %gather3A_303 {strides = array<i32>} : memref<16x128xf32, #tpu.memory_space<vmem>>, vector<16xf32>,
          %gather3A_307 = tpu.vector_load_idx %arg11[%add3A_19, %gather3A] : memref<64x512xf32, #tpu.memory_space<vmem>>[vector<16xi32>, vector<16xi32>], vector<16xf32>,
          %swap3A_308 = arith.index_cast %and3A_302 : i32 to index
          %swap3A_309 = arith.constant 16 : index
          %swap3A_310 = tpu.vector_load %arg15[%swap3A_308, %swap3A_309] {strides = array<i32>} : memref<16x128xf32, #tpu.memory_space<vmem>>, vector<16xf32>,
          tpu.vector_store %arg15[%swap3A_308, %swap3A_309], %gather3A_307 {strides = array<i32>} : memref<16x128xf32, #tpu.memory_space<vmem>>, vector<16xf32>,
          %gather3A_311 = tpu.vector_load_idx %arg11[%add3A_22, %gather3A] : memref<64x512xf32, #tpu.memory_space<vmem>>[vector<16xi32>, vector<16xi32>], vector<16xf32>,
          %swap3A_312 = arith.index_cast %and3A_302 : i32 to index
          %swap3A_313 = arith.constant 32 : index
          %swap3A_314 = tpu.vector_load %arg15[%swap3A_312, %swap3A_313] {strides = array<i32>} : memref<16x128xf32, #tpu.memory_space<vmem>>, vector<16xf32>,
          tpu.vector_store %arg15[%swap3A_312, %swap3A_313], %gather3A_311 {strides = array<i32>} : memref<16x128xf32, #tpu.memory_space<vmem>>, vector<16xf32>,
          %gather3A_315 = tpu.vector_load_idx %arg11[%add3A_25, %gather3A] : memref<64x512xf32, #tpu.memory_space<vmem>>[vector<16xi32>, vector<16xi32>], vector<16xf32>,
          %swap3A_316 = arith.index_cast %and3A_302 : i32 to index
          %swap3A_317 = arith.constant 48 : index
          %swap3A_318 = tpu.vector_load %arg15[%swap3A_316, %swap3A_317] {strides = array<i32>} : memref<16x128xf32, #tpu.memory_space<vmem>>, vector<16xf32>,
          tpu.vector_store %arg15[%swap3A_316, %swap3A_317], %gather3A_315 {strides = array<i32>} : memref<16x128xf32, #tpu.memory_space<vmem>>, vector<16xf32>,
          %eq3A_319 = vector.broadcast %and3A_302 : i32 to vector<16xi32>
          %eq3A_320 = arith.cmpi eq, %iota3A, %eq3A_319 : vector<16xi32>
          %select_n3A = arith.select %eq3A_320, %gather3A_300, %while3A_299 : vector<16xi1>, vector<16xi32>
          %add3A_321 = arith.constant 1 : i32
          %add3A_322 = arith.addi %while3A_298, %add3A_321 : i32
          %and3A_323 = arith.constant 15 : i32
          %and3A_324 = arith.andi %add3A_322, %and3A_323 : i32
          %eq3A_325 = arith.constant 0 : i32
          %eq3A_326 = arith.cmpi eq, %and3A_324, %eq3A_325 : i32
          %convert_element_type3A = arith.extui %eq3A_326 : i1 to i32
          %cond3A = arith.constant 0 : i32
          %cond3A_327 = arith.cmpi ne, %convert_element_type3A, %cond3A : i32
          scf.if %cond3A_327 {
            %dma_start3A_330 = arith.constant 0 : i32
            %dma_start3A_331 = arith.constant 0 : i32
            %dma_start3A_332 = tpu.memref_slice %arg6[%dma_start3A_330, %dma_start3A_331] : memref<16896x128xf32, #tpu.memory_space<hbm>> -> memref<16896x128xf32, #tpu.memory_space<hbm>>
            tpu.enqueue_indirect_dma source(%arg15 : memref<16x128xf32, #tpu.memory_space<vmem>>) target(%dma_start3A_332 : memref<16896x128xf32, #tpu.memory_space<hbm>>) offsets(%select_n3A : vector<16xi32>) semaphore(%arg18 : memref<!tpu.dma_semaphore, #tpu.memory_space<semaphore_mem>>)
            %dma_wait3A_333 = arith.constant 0 : i32
            %dma_wait3A_334 = arith.constant 0 : i32
            %dma_wait3A_335 = tpu.memref_slice %arg6[%dma_wait3A_333, %dma_wait3A_334] : memref<16896x128xf32, #tpu.memory_space<hbm>> -> memref<16896x128xf32, #tpu.memory_space<hbm>>
            tpu.wait_indirect_dma semaphore(%arg18 : memref<!tpu.dma_semaphore, #tpu.memory_space<semaphore_mem>>) src(%arg15 : memref<16x128xf32, #tpu.memory_space<vmem>>) dst(%dma_wait3A_335 : memref<16896x128xf32, #tpu.memory_space<hbm>>)
          } else {
          }
          %broadcast_in_dim3A_328 = vector.broadcast %eq3A_326 : i1 to vector<16xi1>
          %select_n3A_329 = arith.select %broadcast_in_dim3A_328, %add3A_31, %select_n3A : vector<16xi1>, vector<16xi32>
          scf.yield %add3A_322, %select_n3A_329 : i32, vector<16xi32>
        }
        scf.yield %while3A_296#0, %while3A_296#1 : i32, vector<16xi32>
      }
      %while3A_195 = arith.constant 1 : i32
      %while3A_196:2 = scf.for %while3A_262 = %while3A_192 to %while3A_188 step %while3A_195 iter_args(%while3A_263 = %while3A_194#0, %while3A_264 = %while3A_194#1) -> (i32, vector<16xi32>)  : i32 {
        %mul3A_265 = arith.constant 16 : i32
        %mul3A_266 = arith.muli %while3A_262, %mul3A_265 : i32
        %get3A = arith.index_cast %mul3A_266 : i32 to index
        %get3A_267 = tpu.vector_load %arg9[%get3A] {strides = array<i32>} : memref<16400xi32, #tpu.memory_space<vmem>>, vector<16xi32>,
        %mul3A_268 = arith.constant 16 : i32
        %mul3A_269 = arith.muli %while3A_262, %mul3A_268 : i32
        %get3A_270 = arith.index_cast %mul3A_269 : i32 to index
        %get3A_271 = tpu.vector_load %arg10[%get3A_270] {strides = array<i32>} : memref<16400xi32, #tpu.memory_space<vmem>>, vector<16xi32>,
        %mul3A_272 = arith.constant 16 : i32
        %mul3A_273 = arith.muli %while3A_262, %mul3A_272 : i32
        %add3A_274 = vector.broadcast %mul3A_273 : i32 to vector<16xi32>
        %add3A_275 = arith.addi %add3A_274, %iota3A : vector<16xi32>
        %lt3A = vector.broadcast %scan3A_60 : i32 to vector<16xi32>
        %lt3A_276 = arith.cmpi slt, %add3A_275, %lt3A : vector<16xi32>
        %shift_right_arithmetic3A_277 = arith.constant 9 : i32
        %shift_right_arithmetic3A_278 = vector.broadcast %shift_right_arithmetic3A_277 : i32 to vector<16xi32>
        %shift_right_arithmetic3A_279 = arith.shrsi %get3A_267, %shift_right_arithmetic3A_278 : vector<16xi32>
        %eq3A = vector.broadcast %add3A_175 : i32 to vector<16xi32>
        %eq3A_280 = arith.cmpi eq, %shift_right_arithmetic3A_279, %eq3A : vector<16xi32>
        %and3A = arith.andi %eq3A_280, %lt3A_276 : vector<16xi1>
        %sub3A_281 = vector.broadcast %min3A_185 : i32 to vector<16xi32>
        %sub3A_282 = arith.subi %get3A_267, %sub3A_281 : vector<16xi32>
        %swap3A = arith.constant 0 : index
        %swap3A_283 = tpu.vector_load %arg13[%swap3A] masked %and3A {strides = array<i32>} : memref<16xi32, #tpu.memory_space<vmem>>, vector<16xi32>, vector<16xi1>
        tpu.vector_store %arg13[%swap3A], %sub3A_282 masked %and3A {strides = array<i32>} : memref<16xi32, #tpu.memory_space<vmem>>, vector<16xi32>, vector<16xi1>
        %swap3A_284 = arith.constant 0 : index
        %swap3A_285 = tpu.vector_load %arg14[%swap3A_284] masked %and3A {strides = array<i32>} : memref<16xi32, #tpu.memory_space<vmem>>, vector<16xi32>, vector<16xi1>
        tpu.vector_store %arg14[%swap3A_284], %get3A_271 masked %and3A {strides = array<i32>} : memref<16xi32, #tpu.memory_space<vmem>>, vector<16xi32>, vector<16xi1>
        %all_reduce_population_count3A = tpu.all_reduce %and3A {dim = 0 : i64, kind = #tpu.reduction_kind<sum>} : vector<16xi1> -> vector<16xi32>
        %slice3A = vector.extract_strided_slice %all_reduce_population_count3A {offsets = [0], sizes = [1], strides = [1]} : vector<16xi32> to vector<1xi32>
        %squeeze3A = vector.extract %slice3A[0] : i32 from vector<1xi32>
        %while3A_286 = arith.constant 0 : i32
        %while3A_287 = arith.subi %squeeze3A, %while3A_286 : i32
        %while3A_288 = arith.addi %while3A_286, %while3A_287 : i32
        %while3A_289 = arith.constant 1 : i32
        %while3A_290 = arith.divsi %while3A_287, %while3A_289 : i32
        %while3A_291 = arith.muli %while3A_290, %while3A_289 : i32
        %while3A_292 = arith.addi %while3A_286, %while3A_291 : i32
        %while3A_293 = arith.constant 1 : i32
        %while3A_294:2 = scf.for %while3A_297 = %while3A_286 to %while3A_292 step %while3A_293 iter_args(%while3A_298 = %while3A_263, %while3A_299 = %while3A_264) -> (i32, vector<16xi32>)  : i32 {
          %broadcast_in_dim3A = vector.broadcast %while3A_297 : i32 to vector<16xi32>
          %gather3A = tpu.vector_load_idx %arg13[%broadcast_in_dim3A] : memref<16xi32, #tpu.memory_space<vmem>>[vector<16xi32>], vector<16xi32>,
          %gather3A_300 = tpu.vector_load_idx %arg14[%broadcast_in_dim3A] : memref<16xi32, #tpu.memory_space<vmem>>[vector<16xi32>], vector<16xi32>,
          %and3A_301 = arith.constant 15 : i32
          %and3A_302 = arith.andi %while3A_298, %and3A_301 : i32
          %gather3A_303 = tpu.vector_load_idx %arg11[%add3A_16, %gather3A] : memref<64x512xf32, #tpu.memory_space<vmem>>[vector<16xi32>, vector<16xi32>], vector<16xf32>,
          %swap3A_304 = arith.index_cast %and3A_302 : i32 to index
          %swap3A_305 = arith.constant 0 : index
          %swap3A_306 = tpu.vector_load %arg15[%swap3A_304, %swap3A_305] {strides = array<i32>} : memref<16x128xf32, #tpu.memory_space<vmem>>, vector<16xf32>,
          tpu.vector_store %arg15[%swap3A_304, %swap3A_305], %gather3A_303 {strides = array<i32>} : memref<16x128xf32, #tpu.memory_space<vmem>>, vector<16xf32>,
          %gather3A_307 = tpu.vector_load_idx %arg11[%add3A_19, %gather3A] : memref<64x512xf32, #tpu.memory_space<vmem>>[vector<16xi32>, vector<16xi32>], vector<16xf32>,
          %swap3A_308 = arith.index_cast %and3A_302 : i32 to index
          %swap3A_309 = arith.constant 16 : index
          %swap3A_310 = tpu.vector_load %arg15[%swap3A_308, %swap3A_309] {strides = array<i32>} : memref<16x128xf32, #tpu.memory_space<vmem>>, vector<16xf32>,
          tpu.vector_store %arg15[%swap3A_308, %swap3A_309], %gather3A_307 {strides = array<i32>} : memref<16x128xf32, #tpu.memory_space<vmem>>, vector<16xf32>,
          %gather3A_311 = tpu.vector_load_idx %arg11[%add3A_22, %gather3A] : memref<64x512xf32, #tpu.memory_space<vmem>>[vector<16xi32>, vector<16xi32>], vector<16xf32>,
          %swap3A_312 = arith.index_cast %and3A_302 : i32 to index
          %swap3A_313 = arith.constant 32 : index
          %swap3A_314 = tpu.vector_load %arg15[%swap3A_312, %swap3A_313] {strides = array<i32>} : memref<16x128xf32, #tpu.memory_space<vmem>>, vector<16xf32>,
          tpu.vector_store %arg15[%swap3A_312, %swap3A_313], %gather3A_311 {strides = array<i32>} : memref<16x128xf32, #tpu.memory_space<vmem>>, vector<16xf32>,
          %gather3A_315 = tpu.vector_load_idx %arg11[%add3A_25, %gather3A] : memref<64x512xf32, #tpu.memory_space<vmem>>[vector<16xi32>, vector<16xi32>], vector<16xf32>,
          %swap3A_316 = arith.index_cast %and3A_302 : i32 to index
          %swap3A_317 = arith.constant 48 : index
          %swap3A_318 = tpu.vector_load %arg15[%swap3A_316, %swap3A_317] {strides = array<i32>} : memref<16x128xf32, #tpu.memory_space<vmem>>, vector<16xf32>,
          tpu.vector_store %arg15[%swap3A_316, %swap3A_317], %gather3A_315 {strides = array<i32>} : memref<16x128xf32, #tpu.memory_space<vmem>>, vector<16xf32>,
          %eq3A_319 = vector.broadcast %and3A_302 : i32 to vector<16xi32>
          %eq3A_320 = arith.cmpi eq, %iota3A, %eq3A_319 : vector<16xi32>
          %select_n3A = arith.select %eq3A_320, %gather3A_300, %while3A_299 : vector<16xi1>, vector<16xi32>
          %add3A_321 = arith.constant 1 : i32
          %add3A_322 = arith.addi %while3A_298, %add3A_321 : i32
          %and3A_323 = arith.constant 15 : i32
          %and3A_324 = arith.andi %add3A_322, %and3A_323 : i32
          %eq3A_325 = arith.constant 0 : i32
          %eq3A_326 = arith.cmpi eq, %and3A_324, %eq3A_325 : i32
          %convert_element_type3A = arith.extui %eq3A_326 : i1 to i32
          %cond3A = arith.constant 0 : i32
          %cond3A_327 = arith.cmpi ne, %convert_element_type3A, %cond3A : i32
          scf.if %cond3A_327 {
            %dma_start3A_330 = arith.constant 0 : i32
            %dma_start3A_331 = arith.constant 0 : i32
            %dma_start3A_332 = tpu.memref_slice %arg6[%dma_start3A_330, %dma_start3A_331] : memref<16896x128xf32, #tpu.memory_space<hbm>> -> memref<16896x128xf32, #tpu.memory_space<hbm>>
            tpu.enqueue_indirect_dma source(%arg15 : memref<16x128xf32, #tpu.memory_space<vmem>>) target(%dma_start3A_332 : memref<16896x128xf32, #tpu.memory_space<hbm>>) offsets(%select_n3A : vector<16xi32>) semaphore(%arg18 : memref<!tpu.dma_semaphore, #tpu.memory_space<semaphore_mem>>)
            %dma_wait3A_333 = arith.constant 0 : i32
            %dma_wait3A_334 = arith.constant 0 : i32
            %dma_wait3A_335 = tpu.memref_slice %arg6[%dma_wait3A_333, %dma_wait3A_334] : memref<16896x128xf32, #tpu.memory_space<hbm>> -> memref<16896x128xf32, #tpu.memory_space<hbm>>
            tpu.wait_indirect_dma semaphore(%arg18 : memref<!tpu.dma_semaphore, #tpu.memory_space<semaphore_mem>>) src(%arg15 : memref<16x128xf32, #tpu.memory_space<vmem>>) dst(%dma_wait3A_335 : memref<16896x128xf32, #tpu.memory_space<hbm>>)
          } else {
          }
          %broadcast_in_dim3A_328 = vector.broadcast %eq3A_326 : i1 to vector<16xi1>
          %select_n3A_329 = arith.select %broadcast_in_dim3A_328, %add3A_31, %select_n3A : vector<16xi1>, vector<16xi32>
          scf.yield %add3A_322, %select_n3A_329 : i32, vector<16xi32>
        }
        %while3A_295 = arith.constant 1 : i32
        %while3A_296:2 = scf.for %while3A_297 = %while3A_292 to %while3A_288 step %while3A_295 iter_args(%while3A_298 = %while3A_294#0, %while3A_299 = %while3A_294#1) -> (i32, vector<16xi32>)  : i32 {
          %broadcast_in_dim3A = vector.broadcast %while3A_297 : i32 to vector<16xi32>
          %gather3A = tpu.vector_load_idx %arg13[%broadcast_in_dim3A] : memref<16xi32, #tpu.memory_space<vmem>>[vector<16xi32>], vector<16xi32>,
          %gather3A_300 = tpu.vector_load_idx %arg14[%broadcast_in_dim3A] : memref<16xi32, #tpu.memory_space<vmem>>[vector<16xi32>], vector<16xi32>,
          %and3A_301 = arith.constant 15 : i32
          %and3A_302 = arith.andi %while3A_298, %and3A_301 : i32
          %gather3A_303 = tpu.vector_load_idx %arg11[%add3A_16, %gather3A] : memref<64x512xf32, #tpu.memory_space<vmem>>[vector<16xi32>, vector<16xi32>], vector<16xf32>,
          %swap3A_304 = arith.index_cast %and3A_302 : i32 to index
          %swap3A_305 = arith.constant 0 : index
          %swap3A_306 = tpu.vector_load %arg15[%swap3A_304, %swap3A_305] {strides = array<i32>} : memref<16x128xf32, #tpu.memory_space<vmem>>, vector<16xf32>,
          tpu.vector_store %arg15[%swap3A_304, %swap3A_305], %gather3A_303 {strides = array<i32>} : memref<16x128xf32, #tpu.memory_space<vmem>>, vector<16xf32>,
          %gather3A_307 = tpu.vector_load_idx %arg11[%add3A_19, %gather3A] : memref<64x512xf32, #tpu.memory_space<vmem>>[vector<16xi32>, vector<16xi32>], vector<16xf32>,
          %swap3A_308 = arith.index_cast %and3A_302 : i32 to index
          %swap3A_309 = arith.constant 16 : index
          %swap3A_310 = tpu.vector_load %arg15[%swap3A_308, %swap3A_309] {strides = array<i32>} : memref<16x128xf32, #tpu.memory_space<vmem>>, vector<16xf32>,
          tpu.vector_store %arg15[%swap3A_308, %swap3A_309], %gather3A_307 {strides = array<i32>} : memref<16x128xf32, #tpu.memory_space<vmem>>, vector<16xf32>,
          %gather3A_311 = tpu.vector_load_idx %arg11[%add3A_22, %gather3A] : memref<64x512xf32, #tpu.memory_space<vmem>>[vector<16xi32>, vector<16xi32>], vector<16xf32>,
          %swap3A_312 = arith.index_cast %and3A_302 : i32 to index
          %swap3A_313 = arith.constant 32 : index
          %swap3A_314 = tpu.vector_load %arg15[%swap3A_312, %swap3A_313] {strides = array<i32>} : memref<16x128xf32, #tpu.memory_space<vmem>>, vector<16xf32>,
          tpu.vector_store %arg15[%swap3A_312, %swap3A_313], %gather3A_311 {strides = array<i32>} : memref<16x128xf32, #tpu.memory_space<vmem>>, vector<16xf32>,
          %gather3A_315 = tpu.vector_load_idx %arg11[%add3A_25, %gather3A] : memref<64x512xf32, #tpu.memory_space<vmem>>[vector<16xi32>, vector<16xi32>], vector<16xf32>,
          %swap3A_316 = arith.index_cast %and3A_302 : i32 to index
          %swap3A_317 = arith.constant 48 : index
          %swap3A_318 = tpu.vector_load %arg15[%swap3A_316, %swap3A_317] {strides = array<i32>} : memref<16x128xf32, #tpu.memory_space<vmem>>, vector<16xf32>,
          tpu.vector_store %arg15[%swap3A_316, %swap3A_317], %gather3A_315 {strides = array<i32>} : memref<16x128xf32, #tpu.memory_space<vmem>>, vector<16xf32>,
          %eq3A_319 = vector.broadcast %and3A_302 : i32 to vector<16xi32>
          %eq3A_320 = arith.cmpi eq, %iota3A, %eq3A_319 : vector<16xi32>
          %select_n3A = arith.select %eq3A_320, %gather3A_300, %while3A_299 : vector<16xi1>, vector<16xi32>
          %add3A_321 = arith.constant 1 : i32
          %add3A_322 = arith.addi %while3A_298, %add3A_321 : i32
          %and3A_323 = arith.constant 15 : i32
          %and3A_324 = arith.andi %add3A_322, %and3A_323 : i32
          %eq3A_325 = arith.constant 0 : i32
          %eq3A_326 = arith.cmpi eq, %and3A_324, %eq3A_325 : i32
          %convert_element_type3A = arith.extui %eq3A_326 : i1 to i32
          %cond3A = arith.constant 0 : i32
          %cond3A_327 = arith.cmpi ne, %convert_element_type3A, %cond3A : i32
          scf.if %cond3A_327 {
            %dma_start3A_330 = arith.constant 0 : i32
            %dma_start3A_331 = arith.constant 0 : i32
            %dma_start3A_332 = tpu.memref_slice %arg6[%dma_start3A_330, %dma_start3A_331] : memref<16896x128xf32, #tpu.memory_space<hbm>> -> memref<16896x128xf32, #tpu.memory_space<hbm>>
            tpu.enqueue_indirect_dma source(%arg15 : memref<16x128xf32, #tpu.memory_space<vmem>>) target(%dma_start3A_332 : memref<16896x128xf32, #tpu.memory_space<hbm>>) offsets(%select_n3A : vector<16xi32>) semaphore(%arg18 : memref<!tpu.dma_semaphore, #tpu.memory_space<semaphore_mem>>)
            %dma_wait3A_333 = arith.constant 0 : i32
            %dma_wait3A_334 = arith.constant 0 : i32
            %dma_wait3A_335 = tpu.memref_slice %arg6[%dma_wait3A_333, %dma_wait3A_334] : memref<16896x128xf32, #tpu.memory_space<hbm>> -> memref<16896x128xf32, #tpu.memory_space<hbm>>
            tpu.wait_indirect_dma semaphore(%arg18 : memref<!tpu.dma_semaphore, #tpu.memory_space<semaphore_mem>>) src(%arg15 : memref<16x128xf32, #tpu.memory_space<vmem>>) dst(%dma_wait3A_335 : memref<16896x128xf32, #tpu.memory_space<hbm>>)
          } else {
          }
          %broadcast_in_dim3A_328 = vector.broadcast %eq3A_326 : i1 to vector<16xi1>
          %select_n3A_329 = arith.select %broadcast_in_dim3A_328, %add3A_31, %select_n3A : vector<16xi1>, vector<16xi32>
          scf.yield %add3A_322, %select_n3A_329 : i32, vector<16xi32>
        }
        scf.yield %while3A_296#0, %while3A_296#1 : i32, vector<16xi32>
      }
      %add3A_197 = arith.constant 1 : i32
      %add3A_198 = arith.addi %while3A_165, %add3A_197 : i32
      %mul3A_199 = arith.constant 2 : i32
      %mul3A_200 = arith.muli %mul3A_199, %add3A_198 : i32
      %add3A_201 = arith.constant 0 : i32
      %add3A_202 = arith.addi %mul3A_200, %add3A_201 : i32
      %sub3A_203 = arith.constant 1 : i32
      %sub3A_204 = arith.subi %sub3A, %sub3A_203 : i32
      %min3A_205 = arith.minsi %add3A_202, %sub3A_204 : i32
      %add3A_206 = arith.addi %shift_right_arithmetic3A_3, %min3A_205 : i32
      %mul3A_207 = arith.constant 512 : i32
      %mul3A_208 = arith.muli %add3A_206, %mul3A_207 : i32
      %min3A_209 = arith.constant 999552 : i32
      %min3A_210 = arith.minsi %mul3A_208, %min3A_209 : i32
      %dma_start3A_211 = arith.constant 0 : i32
      %dma_start3A_212 = tpu.memref_slice %arg4[%dma_start3A_211, %min3A_210] : memref<64x1000000xf32, #tpu.memory_space<hbm>> -> memref<64x512xf32, #tpu.memory_space<hbm>>
      %dma_start3A_213 = arith.constant 0 : i32
      %dma_start3A_214 = tpu.memref_slice %arg4[%dma_start3A_213, %min3A_210] : memref<64x1000000xf32, #tpu.memory_space<hbm>> -> memref<64x512xf32, #tpu.memory_space<hbm>>
      tpu.enqueue_dma source(%dma_start3A_214 : memref<64x512xf32, #tpu.memory_space<hbm>>) target(%arg11 : memref<64x512xf32, #tpu.memory_space<vmem>>) target_semaphore(%arg16 : memref<!tpu.dma_semaphore, #tpu.memory_space<semaphore_mem>>)
      %mul3A_215 = arith.constant 2 : i32
      %mul3A_216 = arith.muli %mul3A_215, %while3A_165 : i32
      %add3A_217 = arith.constant 1 : i32
      %add3A_218 = arith.addi %mul3A_216, %add3A_217 : i32
      %sub3A_219 = arith.constant 1 : i32
      %sub3A_220 = arith.subi %sub3A, %sub3A_219 : i32
      %min3A_221 = arith.minsi %add3A_218, %sub3A_220 : i32
      %add3A_222 = arith.addi %shift_right_arithmetic3A_3, %min3A_221 : i32
      %dma_wait3A_223 = arith.constant 0 : i32
      %dma_wait3A_224 = arith.constant 0 : i32
      %dma_wait3A_225 = tpu.memref_slice %arg4[%dma_wait3A_223, %dma_wait3A_224] : memref<64x1000000xf32, #tpu.memory_space<hbm>> -> memref<64x512xf32, #tpu.memory_space<hbm>>
      %dma_wait3A_226 = arith.constant 0 : i32
      %dma_wait3A_227 = arith.constant 0 : i32
      %dma_wait3A_228 = tpu.memref_slice %arg4[%dma_wait3A_226, %dma_wait3A_227] : memref<64x1000000xf32, #tpu.memory_space<hbm>> -> memref<64x512xf32, #tpu.memory_space<hbm>>
      tpu.wait_dma2 semaphore(%arg17 : memref<!tpu.dma_semaphore, #tpu.memory_space<semaphore_mem>>) src(%dma_wait3A_228 : memref<64x512xf32, #tpu.memory_space<hbm>>) dst(%arg12 : memref<64x512xf32, #tpu.memory_space<vmem>>)
      %mul3A_229 = arith.constant 512 : i32
      %mul3A_230 = arith.muli %add3A_222, %mul3A_229 : i32
      %min3A_231 = arith.constant 999552 : i32
      %min3A_232 = arith.minsi %mul3A_230, %min3A_231 : i32
      %while3A_233 = arith.constant 0 : i32
      %while3A_234 = arith.subi %shift_right_arithmetic3A_67, %while3A_233 : i32
      %while3A_235 = arith.addi %while3A_233, %while3A_234 : i32
      %while3A_236 = arith.constant 1 : i32
      %while3A_237 = arith.divsi %while3A_234, %while3A_236 : i32
      %while3A_238 = arith.muli %while3A_237, %while3A_236 : i32
      %while3A_239 = arith.addi %while3A_233, %while3A_238 : i32
      %while3A_240 = arith.constant 1 : i32
      %while3A_241:2 = scf.for %while3A_262 = %while3A_233 to %while3A_239 step %while3A_240 iter_args(%while3A_263 = %while3A_196#0, %while3A_264 = %while3A_196#1) -> (i32, vector<16xi32>)  : i32 {
        %mul3A_265 = arith.constant 16 : i32
        %mul3A_266 = arith.muli %while3A_262, %mul3A_265 : i32
        %get3A = arith.index_cast %mul3A_266 : i32 to index
        %get3A_267 = tpu.vector_load %arg9[%get3A] {strides = array<i32>} : memref<16400xi32, #tpu.memory_space<vmem>>, vector<16xi32>,
        %mul3A_268 = arith.constant 16 : i32
        %mul3A_269 = arith.muli %while3A_262, %mul3A_268 : i32
        %get3A_270 = arith.index_cast %mul3A_269 : i32 to index
        %get3A_271 = tpu.vector_load %arg10[%get3A_270] {strides = array<i32>} : memref<16400xi32, #tpu.memory_space<vmem>>, vector<16xi32>,
        %mul3A_272 = arith.constant 16 : i32
        %mul3A_273 = arith.muli %while3A_262, %mul3A_272 : i32
        %add3A_274 = vector.broadcast %mul3A_273 : i32 to vector<16xi32>
        %add3A_275 = arith.addi %add3A_274, %iota3A : vector<16xi32>
        %lt3A = vector.broadcast %scan3A_60 : i32 to vector<16xi32>
        %lt3A_276 = arith.cmpi slt, %add3A_275, %lt3A : vector<16xi32>
        %shift_right_arithmetic3A_277 = arith.constant 9 : i32
        %shift_right_arithmetic3A_278 = vector.broadcast %shift_right_arithmetic3A_277 : i32 to vector<16xi32>
        %shift_right_arithmetic3A_279 = arith.shrsi %get3A_267, %shift_right_arithmetic3A_278 : vector<16xi32>
        %eq3A = vector.broadcast %add3A_222 : i32 to vector<16xi32>
        %eq3A_280 = arith.cmpi eq, %shift_right_arithmetic3A_279, %eq3A : vector<16xi32>
        %and3A = arith.andi %eq3A_280, %lt3A_276 : vector<16xi1>
        %sub3A_281 = vector.broadcast %min3A_232 : i32 to vector<16xi32>
        %sub3A_282 = arith.subi %get3A_267, %sub3A_281 : vector<16xi32>
        %swap3A = arith.constant 0 : index
        %swap3A_283 = tpu.vector_load %arg13[%swap3A] masked %and3A {strides = array<i32>} : memref<16xi32, #tpu.memory_space<vmem>>, vector<16xi32>, vector<16xi1>
        tpu.vector_store %arg13[%swap3A], %sub3A_282 masked %and3A {strides = array<i32>} : memref<16xi32, #tpu.memory_space<vmem>>, vector<16xi32>, vector<16xi1>
        %swap3A_284 = arith.constant 0 : index
        %swap3A_285 = tpu.vector_load %arg14[%swap3A_284] masked %and3A {strides = array<i32>} : memref<16xi32, #tpu.memory_space<vmem>>, vector<16xi32>, vector<16xi1>
        tpu.vector_store %arg14[%swap3A_284], %get3A_271 masked %and3A {strides = array<i32>} : memref<16xi32, #tpu.memory_space<vmem>>, vector<16xi32>, vector<16xi1>
        %all_reduce_population_count3A = tpu.all_reduce %and3A {dim = 0 : i64, kind = #tpu.reduction_kind<sum>} : vector<16xi1> -> vector<16xi32>
        %slice3A = vector.extract_strided_slice %all_reduce_population_count3A {offsets = [0], sizes = [1], strides = [1]} : vector<16xi32> to vector<1xi32>
        %squeeze3A = vector.extract %slice3A[0] : i32 from vector<1xi32>
        %while3A_286 = arith.constant 0 : i32
        %while3A_287 = arith.subi %squeeze3A, %while3A_286 : i32
        %while3A_288 = arith.addi %while3A_286, %while3A_287 : i32
        %while3A_289 = arith.constant 1 : i32
        %while3A_290 = arith.divsi %while3A_287, %while3A_289 : i32
        %while3A_291 = arith.muli %while3A_290, %while3A_289 : i32
        %while3A_292 = arith.addi %while3A_286, %while3A_291 : i32
        %while3A_293 = arith.constant 1 : i32
        %while3A_294:2 = scf.for %while3A_297 = %while3A_286 to %while3A_292 step %while3A_293 iter_args(%while3A_298 = %while3A_263, %while3A_299 = %while3A_264) -> (i32, vector<16xi32>)  : i32 {
          %broadcast_in_dim3A = vector.broadcast %while3A_297 : i32 to vector<16xi32>
          %gather3A = tpu.vector_load_idx %arg13[%broadcast_in_dim3A] : memref<16xi32, #tpu.memory_space<vmem>>[vector<16xi32>], vector<16xi32>,
          %gather3A_300 = tpu.vector_load_idx %arg14[%broadcast_in_dim3A] : memref<16xi32, #tpu.memory_space<vmem>>[vector<16xi32>], vector<16xi32>,
          %and3A_301 = arith.constant 15 : i32
          %and3A_302 = arith.andi %while3A_298, %and3A_301 : i32
          %gather3A_303 = tpu.vector_load_idx %arg12[%add3A_16, %gather3A] : memref<64x512xf32, #tpu.memory_space<vmem>>[vector<16xi32>, vector<16xi32>], vector<16xf32>,
          %swap3A_304 = arith.index_cast %and3A_302 : i32 to index
          %swap3A_305 = arith.constant 0 : index
          %swap3A_306 = tpu.vector_load %arg15[%swap3A_304, %swap3A_305] {strides = array<i32>} : memref<16x128xf32, #tpu.memory_space<vmem>>, vector<16xf32>,
          tpu.vector_store %arg15[%swap3A_304, %swap3A_305], %gather3A_303 {strides = array<i32>} : memref<16x128xf32, #tpu.memory_space<vmem>>, vector<16xf32>,
          %gather3A_307 = tpu.vector_load_idx %arg12[%add3A_19, %gather3A] : memref<64x512xf32, #tpu.memory_space<vmem>>[vector<16xi32>, vector<16xi32>], vector<16xf32>,
          %swap3A_308 = arith.index_cast %and3A_302 : i32 to index
          %swap3A_309 = arith.constant 16 : index
          %swap3A_310 = tpu.vector_load %arg15[%swap3A_308, %swap3A_309] {strides = array<i32>} : memref<16x128xf32, #tpu.memory_space<vmem>>, vector<16xf32>,
          tpu.vector_store %arg15[%swap3A_308, %swap3A_309], %gather3A_307 {strides = array<i32>} : memref<16x128xf32, #tpu.memory_space<vmem>>, vector<16xf32>,
          %gather3A_311 = tpu.vector_load_idx %arg12[%add3A_22, %gather3A] : memref<64x512xf32, #tpu.memory_space<vmem>>[vector<16xi32>, vector<16xi32>], vector<16xf32>,
          %swap3A_312 = arith.index_cast %and3A_302 : i32 to index
          %swap3A_313 = arith.constant 32 : index
          %swap3A_314 = tpu.vector_load %arg15[%swap3A_312, %swap3A_313] {strides = array<i32>} : memref<16x128xf32, #tpu.memory_space<vmem>>, vector<16xf32>,
          tpu.vector_store %arg15[%swap3A_312, %swap3A_313], %gather3A_311 {strides = array<i32>} : memref<16x128xf32, #tpu.memory_space<vmem>>, vector<16xf32>,
          %gather3A_315 = tpu.vector_load_idx %arg12[%add3A_25, %gather3A] : memref<64x512xf32, #tpu.memory_space<vmem>>[vector<16xi32>, vector<16xi32>], vector<16xf32>,
          %swap3A_316 = arith.index_cast %and3A_302 : i32 to index
          %swap3A_317 = arith.constant 48 : index
          %swap3A_318 = tpu.vector_load %arg15[%swap3A_316, %swap3A_317] {strides = array<i32>} : memref<16x128xf32, #tpu.memory_space<vmem>>, vector<16xf32>,
          tpu.vector_store %arg15[%swap3A_316, %swap3A_317], %gather3A_315 {strides = array<i32>} : memref<16x128xf32, #tpu.memory_space<vmem>>, vector<16xf32>,
          %eq3A_319 = vector.broadcast %and3A_302 : i32 to vector<16xi32>
          %eq3A_320 = arith.cmpi eq, %iota3A, %eq3A_319 : vector<16xi32>
          %select_n3A = arith.select %eq3A_320, %gather3A_300, %while3A_299 : vector<16xi1>, vector<16xi32>
          %add3A_321 = arith.constant 1 : i32
          %add3A_322 = arith.addi %while3A_298, %add3A_321 : i32
          %and3A_323 = arith.constant 15 : i32
          %and3A_324 = arith.andi %add3A_322, %and3A_323 : i32
          %eq3A_325 = arith.constant 0 : i32
          %eq3A_326 = arith.cmpi eq, %and3A_324, %eq3A_325 : i32
          %convert_element_type3A = arith.extui %eq3A_326 : i1 to i32
          %cond3A = arith.constant 0 : i32
          %cond3A_327 = arith.cmpi ne, %convert_element_type3A, %cond3A : i32
          scf.if %cond3A_327 {
            %dma_start3A_330 = arith.constant 0 : i32
            %dma_start3A_331 = arith.constant 0 : i32
            %dma_start3A_332 = tpu.memref_slice %arg6[%dma_start3A_330, %dma_start3A_331] : memref<16896x128xf32, #tpu.memory_space<hbm>> -> memref<16896x128xf32, #tpu.memory_space<hbm>>
            tpu.enqueue_indirect_dma source(%arg15 : memref<16x128xf32, #tpu.memory_space<vmem>>) target(%dma_start3A_332 : memref<16896x128xf32, #tpu.memory_space<hbm>>) offsets(%select_n3A : vector<16xi32>) semaphore(%arg18 : memref<!tpu.dma_semaphore, #tpu.memory_space<semaphore_mem>>)
            %dma_wait3A_333 = arith.constant 0 : i32
            %dma_wait3A_334 = arith.constant 0 : i32
            %dma_wait3A_335 = tpu.memref_slice %arg6[%dma_wait3A_333, %dma_wait3A_334] : memref<16896x128xf32, #tpu.memory_space<hbm>> -> memref<16896x128xf32, #tpu.memory_space<hbm>>
            tpu.wait_indirect_dma semaphore(%arg18 : memref<!tpu.dma_semaphore, #tpu.memory_space<semaphore_mem>>) src(%arg15 : memref<16x128xf32, #tpu.memory_space<vmem>>) dst(%dma_wait3A_335 : memref<16896x128xf32, #tpu.memory_space<hbm>>)
          } else {
          }
          %broadcast_in_dim3A_328 = vector.broadcast %eq3A_326 : i1 to vector<16xi1>
          %select_n3A_329 = arith.select %broadcast_in_dim3A_328, %add3A_31, %select_n3A : vector<16xi1>, vector<16xi32>
          scf.yield %add3A_322, %select_n3A_329 : i32, vector<16xi32>
        }
        %while3A_295 = arith.constant 1 : i32
        %while3A_296:2 = scf.for %while3A_297 = %while3A_292 to %while3A_288 step %while3A_295 iter_args(%while3A_298 = %while3A_294#0, %while3A_299 = %while3A_294#1) -> (i32, vector<16xi32>)  : i32 {
          %broadcast_in_dim3A = vector.broadcast %while3A_297 : i32 to vector<16xi32>
          %gather3A = tpu.vector_load_idx %arg13[%broadcast_in_dim3A] : memref<16xi32, #tpu.memory_space<vmem>>[vector<16xi32>], vector<16xi32>,
          %gather3A_300 = tpu.vector_load_idx %arg14[%broadcast_in_dim3A] : memref<16xi32, #tpu.memory_space<vmem>>[vector<16xi32>], vector<16xi32>,
          %and3A_301 = arith.constant 15 : i32
          %and3A_302 = arith.andi %while3A_298, %and3A_301 : i32
          %gather3A_303 = tpu.vector_load_idx %arg12[%add3A_16, %gather3A] : memref<64x512xf32, #tpu.memory_space<vmem>>[vector<16xi32>, vector<16xi32>], vector<16xf32>,
          %swap3A_304 = arith.index_cast %and3A_302 : i32 to index
          %swap3A_305 = arith.constant 0 : index
          %swap3A_306 = tpu.vector_load %arg15[%swap3A_304, %swap3A_305] {strides = array<i32>} : memref<16x128xf32, #tpu.memory_space<vmem>>, vector<16xf32>,
          tpu.vector_store %arg15[%swap3A_304, %swap3A_305], %gather3A_303 {strides = array<i32>} : memref<16x128xf32, #tpu.memory_space<vmem>>, vector<16xf32>,
          %gather3A_307 = tpu.vector_load_idx %arg12[%add3A_19, %gather3A] : memref<64x512xf32, #tpu.memory_space<vmem>>[vector<16xi32>, vector<16xi32>], vector<16xf32>,
          %swap3A_308 = arith.index_cast %and3A_302 : i32 to index
          %swap3A_309 = arith.constant 16 : index
          %swap3A_310 = tpu.vector_load %arg15[%swap3A_308, %swap3A_309] {strides = array<i32>} : memref<16x128xf32, #tpu.memory_space<vmem>>, vector<16xf32>,
          tpu.vector_store %arg15[%swap3A_308, %swap3A_309], %gather3A_307 {strides = array<i32>} : memref<16x128xf32, #tpu.memory_space<vmem>>, vector<16xf32>,
          %gather3A_311 = tpu.vector_load_idx %arg12[%add3A_22, %gather3A] : memref<64x512xf32, #tpu.memory_space<vmem>>[vector<16xi32>, vector<16xi32>], vector<16xf32>,
          %swap3A_312 = arith.index_cast %and3A_302 : i32 to index
          %swap3A_313 = arith.constant 32 : index
          %swap3A_314 = tpu.vector_load %arg15[%swap3A_312, %swap3A_313] {strides = array<i32>} : memref<16x128xf32, #tpu.memory_space<vmem>>, vector<16xf32>,
          tpu.vector_store %arg15[%swap3A_312, %swap3A_313], %gather3A_311 {strides = array<i32>} : memref<16x128xf32, #tpu.memory_space<vmem>>, vector<16xf32>,
          %gather3A_315 = tpu.vector_load_idx %arg12[%add3A_25, %gather3A] : memref<64x512xf32, #tpu.memory_space<vmem>>[vector<16xi32>, vector<16xi32>], vector<16xf32>,
          %swap3A_316 = arith.index_cast %and3A_302 : i32 to index
          %swap3A_317 = arith.constant 48 : index
          %swap3A_318 = tpu.vector_load %arg15[%swap3A_316, %swap3A_317] {strides = array<i32>} : memref<16x128xf32, #tpu.memory_space<vmem>>, vector<16xf32>,
          tpu.vector_store %arg15[%swap3A_316, %swap3A_317], %gather3A_315 {strides = array<i32>} : memref<16x128xf32, #tpu.memory_space<vmem>>, vector<16xf32>,
          %eq3A_319 = vector.broadcast %and3A_302 : i32 to vector<16xi32>
          %eq3A_320 = arith.cmpi eq, %iota3A, %eq3A_319 : vector<16xi32>
          %select_n3A = arith.select %eq3A_320, %gather3A_300, %while3A_299 : vector<16xi1>, vector<16xi32>
          %add3A_321 = arith.constant 1 : i32
          %add3A_322 = arith.addi %while3A_298, %add3A_321 : i32
          %and3A_323 = arith.constant 15 : i32
          %and3A_324 = arith.andi %add3A_322, %and3A_323 : i32
          %eq3A_325 = arith.constant 0 : i32
          %eq3A_326 = arith.cmpi eq, %and3A_324, %eq3A_325 : i32
          %convert_element_type3A = arith.extui %eq3A_326 : i1 to i32
          %cond3A = arith.constant 0 : i32
          %cond3A_327 = arith.cmpi ne, %convert_element_type3A, %cond3A : i32
          scf.if %cond3A_327 {
            %dma_start3A_330 = arith.constant 0 : i32
            %dma_start3A_331 = arith.constant 0 : i32
            %dma_start3A_332 = tpu.memref_slice %arg6[%dma_start3A_330, %dma_start3A_331] : memref<16896x128xf32, #tpu.memory_space<hbm>> -> memref<16896x128xf32, #tpu.memory_space<hbm>>
            tpu.enqueue_indirect_dma source(%arg15 : memref<16x128xf32, #tpu.memory_space<vmem>>) target(%dma_start3A_332 : memref<16896x128xf32, #tpu.memory_space<hbm>>) offsets(%select_n3A : vector<16xi32>) semaphore(%arg18 : memref<!tpu.dma_semaphore, #tpu.memory_space<semaphore_mem>>)
            %dma_wait3A_333 = arith.constant 0 : i32
            %dma_wait3A_334 = arith.constant 0 : i32
            %dma_wait3A_335 = tpu.memref_slice %arg6[%dma_wait3A_333, %dma_wait3A_334] : memref<16896x128xf32, #tpu.memory_space<hbm>> -> memref<16896x128xf32, #tpu.memory_space<hbm>>
            tpu.wait_indirect_dma semaphore(%arg18 : memref<!tpu.dma_semaphore, #tpu.memory_space<semaphore_mem>>) src(%arg15 : memref<16x128xf32, #tpu.memory_space<vmem>>) dst(%dma_wait3A_335 : memref<16896x128xf32, #tpu.memory_space<hbm>>)
          } else {
          }
          %broadcast_in_dim3A_328 = vector.broadcast %eq3A_326 : i1 to vector<16xi1>
          %select_n3A_329 = arith.select %broadcast_in_dim3A_328, %add3A_31, %select_n3A : vector<16xi1>, vector<16xi32>
          scf.yield %add3A_322, %select_n3A_329 : i32, vector<16xi32>
        }
        scf.yield %while3A_296#0, %while3A_296#1 : i32, vector<16xi32>
      }
      %while3A_242 = arith.constant 1 : i32
      %while3A_243:2 = scf.for %while3A_262 = %while3A_239 to %while3A_235 step %while3A_242 iter_args(%while3A_263 = %while3A_241#0, %while3A_264 = %while3A_241#1) -> (i32, vector<16xi32>)  : i32 {
        %mul3A_265 = arith.constant 16 : i32
        %mul3A_266 = arith.muli %while3A_262, %mul3A_265 : i32
        %get3A = arith.index_cast %mul3A_266 : i32 to index
        %get3A_267 = tpu.vector_load %arg9[%get3A] {strides = array<i32>} : memref<16400xi32, #tpu.memory_space<vmem>>, vector<16xi32>,
        %mul3A_268 = arith.constant 16 : i32
        %mul3A_269 = arith.muli %while3A_262, %mul3A_268 : i32
        %get3A_270 = arith.index_cast %mul3A_269 : i32 to index
        %get3A_271 = tpu.vector_load %arg10[%get3A_270] {strides = array<i32>} : memref<16400xi32, #tpu.memory_space<vmem>>, vector<16xi32>,
        %mul3A_272 = arith.constant 16 : i32
        %mul3A_273 = arith.muli %while3A_262, %mul3A_272 : i32
        %add3A_274 = vector.broadcast %mul3A_273 : i32 to vector<16xi32>
        %add3A_275 = arith.addi %add3A_274, %iota3A : vector<16xi32>
        %lt3A = vector.broadcast %scan3A_60 : i32 to vector<16xi32>
        %lt3A_276 = arith.cmpi slt, %add3A_275, %lt3A : vector<16xi32>
        %shift_right_arithmetic3A_277 = arith.constant 9 : i32
        %shift_right_arithmetic3A_278 = vector.broadcast %shift_right_arithmetic3A_277 : i32 to vector<16xi32>
        %shift_right_arithmetic3A_279 = arith.shrsi %get3A_267, %shift_right_arithmetic3A_278 : vector<16xi32>
        %eq3A = vector.broadcast %add3A_222 : i32 to vector<16xi32>
        %eq3A_280 = arith.cmpi eq, %shift_right_arithmetic3A_279, %eq3A : vector<16xi32>
        %and3A = arith.andi %eq3A_280, %lt3A_276 : vector<16xi1>
        %sub3A_281 = vector.broadcast %min3A_232 : i32 to vector<16xi32>
        %sub3A_282 = arith.subi %get3A_267, %sub3A_281 : vector<16xi32>
        %swap3A = arith.constant 0 : index
        %swap3A_283 = tpu.vector_load %arg13[%swap3A] masked %and3A {strides = array<i32>} : memref<16xi32, #tpu.memory_space<vmem>>, vector<16xi32>, vector<16xi1>
        tpu.vector_store %arg13[%swap3A], %sub3A_282 masked %and3A {strides = array<i32>} : memref<16xi32, #tpu.memory_space<vmem>>, vector<16xi32>, vector<16xi1>
        %swap3A_284 = arith.constant 0 : index
        %swap3A_285 = tpu.vector_load %arg14[%swap3A_284] masked %and3A {strides = array<i32>} : memref<16xi32, #tpu.memory_space<vmem>>, vector<16xi32>, vector<16xi1>
        tpu.vector_store %arg14[%swap3A_284], %get3A_271 masked %and3A {strides = array<i32>} : memref<16xi32, #tpu.memory_space<vmem>>, vector<16xi32>, vector<16xi1>
        %all_reduce_population_count3A = tpu.all_reduce %and3A {dim = 0 : i64, kind = #tpu.reduction_kind<sum>} : vector<16xi1> -> vector<16xi32>
        %slice3A = vector.extract_strided_slice %all_reduce_population_count3A {offsets = [0], sizes = [1], strides = [1]} : vector<16xi32> to vector<1xi32>
        %squeeze3A = vector.extract %slice3A[0] : i32 from vector<1xi32>
        %while3A_286 = arith.constant 0 : i32
        %while3A_287 = arith.subi %squeeze3A, %while3A_286 : i32
        %while3A_288 = arith.addi %while3A_286, %while3A_287 : i32
        %while3A_289 = arith.constant 1 : i32
        %while3A_290 = arith.divsi %while3A_287, %while3A_289 : i32
        %while3A_291 = arith.muli %while3A_290, %while3A_289 : i32
        %while3A_292 = arith.addi %while3A_286, %while3A_291 : i32
        %while3A_293 = arith.constant 1 : i32
        %while3A_294:2 = scf.for %while3A_297 = %while3A_286 to %while3A_292 step %while3A_293 iter_args(%while3A_298 = %while3A_263, %while3A_299 = %while3A_264) -> (i32, vector<16xi32>)  : i32 {
          %broadcast_in_dim3A = vector.broadcast %while3A_297 : i32 to vector<16xi32>
          %gather3A = tpu.vector_load_idx %arg13[%broadcast_in_dim3A] : memref<16xi32, #tpu.memory_space<vmem>>[vector<16xi32>], vector<16xi32>,
          %gather3A_300 = tpu.vector_load_idx %arg14[%broadcast_in_dim3A] : memref<16xi32, #tpu.memory_space<vmem>>[vector<16xi32>], vector<16xi32>,
          %and3A_301 = arith.constant 15 : i32
          %and3A_302 = arith.andi %while3A_298, %and3A_301 : i32
          %gather3A_303 = tpu.vector_load_idx %arg12[%add3A_16, %gather3A] : memref<64x512xf32, #tpu.memory_space<vmem>>[vector<16xi32>, vector<16xi32>], vector<16xf32>,
          %swap3A_304 = arith.index_cast %and3A_302 : i32 to index
          %swap3A_305 = arith.constant 0 : index
          %swap3A_306 = tpu.vector_load %arg15[%swap3A_304, %swap3A_305] {strides = array<i32>} : memref<16x128xf32, #tpu.memory_space<vmem>>, vector<16xf32>,
          tpu.vector_store %arg15[%swap3A_304, %swap3A_305], %gather3A_303 {strides = array<i32>} : memref<16x128xf32, #tpu.memory_space<vmem>>, vector<16xf32>,
          %gather3A_307 = tpu.vector_load_idx %arg12[%add3A_19, %gather3A] : memref<64x512xf32, #tpu.memory_space<vmem>>[vector<16xi32>, vector<16xi32>], vector<16xf32>,
          %swap3A_308 = arith.index_cast %and3A_302 : i32 to index
          %swap3A_309 = arith.constant 16 : index
          %swap3A_310 = tpu.vector_load %arg15[%swap3A_308, %swap3A_309] {strides = array<i32>} : memref<16x128xf32, #tpu.memory_space<vmem>>, vector<16xf32>,
          tpu.vector_store %arg15[%swap3A_308, %swap3A_309], %gather3A_307 {strides = array<i32>} : memref<16x128xf32, #tpu.memory_space<vmem>>, vector<16xf32>,
          %gather3A_311 = tpu.vector_load_idx %arg12[%add3A_22, %gather3A] : memref<64x512xf32, #tpu.memory_space<vmem>>[vector<16xi32>, vector<16xi32>], vector<16xf32>,
          %swap3A_312 = arith.index_cast %and3A_302 : i32 to index
          %swap3A_313 = arith.constant 32 : index
          %swap3A_314 = tpu.vector_load %arg15[%swap3A_312, %swap3A_313] {strides = array<i32>} : memref<16x128xf32, #tpu.memory_space<vmem>>, vector<16xf32>,
          tpu.vector_store %arg15[%swap3A_312, %swap3A_313], %gather3A_311 {strides = array<i32>} : memref<16x128xf32, #tpu.memory_space<vmem>>, vector<16xf32>,
          %gather3A_315 = tpu.vector_load_idx %arg12[%add3A_25, %gather3A] : memref<64x512xf32, #tpu.memory_space<vmem>>[vector<16xi32>, vector<16xi32>], vector<16xf32>,
          %swap3A_316 = arith.index_cast %and3A_302 : i32 to index
          %swap3A_317 = arith.constant 48 : index
          %swap3A_318 = tpu.vector_load %arg15[%swap3A_316, %swap3A_317] {strides = array<i32>} : memref<16x128xf32, #tpu.memory_space<vmem>>, vector<16xf32>,
          tpu.vector_store %arg15[%swap3A_316, %swap3A_317], %gather3A_315 {strides = array<i32>} : memref<16x128xf32, #tpu.memory_space<vmem>>, vector<16xf32>,
          %eq3A_319 = vector.broadcast %and3A_302 : i32 to vector<16xi32>
          %eq3A_320 = arith.cmpi eq, %iota3A, %eq3A_319 : vector<16xi32>
          %select_n3A = arith.select %eq3A_320, %gather3A_300, %while3A_299 : vector<16xi1>, vector<16xi32>
          %add3A_321 = arith.constant 1 : i32
          %add3A_322 = arith.addi %while3A_298, %add3A_321 : i32
          %and3A_323 = arith.constant 15 : i32
          %and3A_324 = arith.andi %add3A_322, %and3A_323 : i32
          %eq3A_325 = arith.constant 0 : i32
          %eq3A_326 = arith.cmpi eq, %and3A_324, %eq3A_325 : i32
          %convert_element_type3A = arith.extui %eq3A_326 : i1 to i32
          %cond3A = arith.constant 0 : i32
          %cond3A_327 = arith.cmpi ne, %convert_element_type3A, %cond3A : i32
          scf.if %cond3A_327 {
            %dma_start3A_330 = arith.constant 0 : i32
            %dma_start3A_331 = arith.constant 0 : i32
            %dma_start3A_332 = tpu.memref_slice %arg6[%dma_start3A_330, %dma_start3A_331] : memref<16896x128xf32, #tpu.memory_space<hbm>> -> memref<16896x128xf32, #tpu.memory_space<hbm>>
            tpu.enqueue_indirect_dma source(%arg15 : memref<16x128xf32, #tpu.memory_space<vmem>>) target(%dma_start3A_332 : memref<16896x128xf32, #tpu.memory_space<hbm>>) offsets(%select_n3A : vector<16xi32>) semaphore(%arg18 : memref<!tpu.dma_semaphore, #tpu.memory_space<semaphore_mem>>)
            %dma_wait3A_333 = arith.constant 0 : i32
            %dma_wait3A_334 = arith.constant 0 : i32
            %dma_wait3A_335 = tpu.memref_slice %arg6[%dma_wait3A_333, %dma_wait3A_334] : memref<16896x128xf32, #tpu.memory_space<hbm>> -> memref<16896x128xf32, #tpu.memory_space<hbm>>
            tpu.wait_indirect_dma semaphore(%arg18 : memref<!tpu.dma_semaphore, #tpu.memory_space<semaphore_mem>>) src(%arg15 : memref<16x128xf32, #tpu.memory_space<vmem>>) dst(%dma_wait3A_335 : memref<16896x128xf32, #tpu.memory_space<hbm>>)
          } else {
          }
          %broadcast_in_dim3A_328 = vector.broadcast %eq3A_326 : i1 to vector<16xi1>
          %select_n3A_329 = arith.select %broadcast_in_dim3A_328, %add3A_31, %select_n3A : vector<16xi1>, vector<16xi32>
          scf.yield %add3A_322, %select_n3A_329 : i32, vector<16xi32>
        }
        %while3A_295 = arith.constant 1 : i32
        %while3A_296:2 = scf.for %while3A_297 = %while3A_292 to %while3A_288 step %while3A_295 iter_args(%while3A_298 = %while3A_294#0, %while3A_299 = %while3A_294#1) -> (i32, vector<16xi32>)  : i32 {
          %broadcast_in_dim3A = vector.broadcast %while3A_297 : i32 to vector<16xi32>
          %gather3A = tpu.vector_load_idx %arg13[%broadcast_in_dim3A] : memref<16xi32, #tpu.memory_space<vmem>>[vector<16xi32>], vector<16xi32>,
          %gather3A_300 = tpu.vector_load_idx %arg14[%broadcast_in_dim3A] : memref<16xi32, #tpu.memory_space<vmem>>[vector<16xi32>], vector<16xi32>,
          %and3A_301 = arith.constant 15 : i32
          %and3A_302 = arith.andi %while3A_298, %and3A_301 : i32
          %gather3A_303 = tpu.vector_load_idx %arg12[%add3A_16, %gather3A] : memref<64x512xf32, #tpu.memory_space<vmem>>[vector<16xi32>, vector<16xi32>], vector<16xf32>,
          %swap3A_304 = arith.index_cast %and3A_302 : i32 to index
          %swap3A_305 = arith.constant 0 : index
          %swap3A_306 = tpu.vector_load %arg15[%swap3A_304, %swap3A_305] {strides = array<i32>} : memref<16x128xf32, #tpu.memory_space<vmem>>, vector<16xf32>,
          tpu.vector_store %arg15[%swap3A_304, %swap3A_305], %gather3A_303 {strides = array<i32>} : memref<16x128xf32, #tpu.memory_space<vmem>>, vector<16xf32>,
          %gather3A_307 = tpu.vector_load_idx %arg12[%add3A_19, %gather3A] : memref<64x512xf32, #tpu.memory_space<vmem>>[vector<16xi32>, vector<16xi32>], vector<16xf32>,
          %swap3A_308 = arith.index_cast %and3A_302 : i32 to index
          %swap3A_309 = arith.constant 16 : index
          %swap3A_310 = tpu.vector_load %arg15[%swap3A_308, %swap3A_309] {strides = array<i32>} : memref<16x128xf32, #tpu.memory_space<vmem>>, vector<16xf32>,
          tpu.vector_store %arg15[%swap3A_308, %swap3A_309], %gather3A_307 {strides = array<i32>} : memref<16x128xf32, #tpu.memory_space<vmem>>, vector<16xf32>,
          %gather3A_311 = tpu.vector_load_idx %arg12[%add3A_22, %gather3A] : memref<64x512xf32, #tpu.memory_space<vmem>>[vector<16xi32>, vector<16xi32>], vector<16xf32>,
          %swap3A_312 = arith.index_cast %and3A_302 : i32 to index
          %swap3A_313 = arith.constant 32 : index
          %swap3A_314 = tpu.vector_load %arg15[%swap3A_312, %swap3A_313] {strides = array<i32>} : memref<16x128xf32, #tpu.memory_space<vmem>>, vector<16xf32>,
          tpu.vector_store %arg15[%swap3A_312, %swap3A_313], %gather3A_311 {strides = array<i32>} : memref<16x128xf32, #tpu.memory_space<vmem>>, vector<16xf32>,
          %gather3A_315 = tpu.vector_load_idx %arg12[%add3A_25, %gather3A] : memref<64x512xf32, #tpu.memory_space<vmem>>[vector<16xi32>, vector<16xi32>], vector<16xf32>,
          %swap3A_316 = arith.index_cast %and3A_302 : i32 to index
          %swap3A_317 = arith.constant 48 : index
          %swap3A_318 = tpu.vector_load %arg15[%swap3A_316, %swap3A_317] {strides = array<i32>} : memref<16x128xf32, #tpu.memory_space<vmem>>, vector<16xf32>,
          tpu.vector_store %arg15[%swap3A_316, %swap3A_317], %gather3A_315 {strides = array<i32>} : memref<16x128xf32, #tpu.memory_space<vmem>>, vector<16xf32>,
          %eq3A_319 = vector.broadcast %and3A_302 : i32 to vector<16xi32>
          %eq3A_320 = arith.cmpi eq, %iota3A, %eq3A_319 : vector<16xi32>
          %select_n3A = arith.select %eq3A_320, %gather3A_300, %while3A_299 : vector<16xi1>, vector<16xi32>
          %add3A_321 = arith.constant 1 : i32
          %add3A_322 = arith.addi %while3A_298, %add3A_321 : i32
          %and3A_323 = arith.constant 15 : i32
          %and3A_324 = arith.andi %add3A_322, %and3A_323 : i32
          %eq3A_325 = arith.constant 0 : i32
          %eq3A_326 = arith.cmpi eq, %and3A_324, %eq3A_325 : i32
          %convert_element_type3A = arith.extui %eq3A_326 : i1 to i32
          %cond3A = arith.constant 0 : i32
          %cond3A_327 = arith.cmpi ne, %convert_element_type3A, %cond3A : i32
          scf.if %cond3A_327 {
            %dma_start3A_330 = arith.constant 0 : i32
            %dma_start3A_331 = arith.constant 0 : i32
            %dma_start3A_332 = tpu.memref_slice %arg6[%dma_start3A_330, %dma_start3A_331] : memref<16896x128xf32, #tpu.memory_space<hbm>> -> memref<16896x128xf32, #tpu.memory_space<hbm>>
            tpu.enqueue_indirect_dma source(%arg15 : memref<16x128xf32, #tpu.memory_space<vmem>>) target(%dma_start3A_332 : memref<16896x128xf32, #tpu.memory_space<hbm>>) offsets(%select_n3A : vector<16xi32>) semaphore(%arg18 : memref<!tpu.dma_semaphore, #tpu.memory_space<semaphore_mem>>)
            %dma_wait3A_333 = arith.constant 0 : i32
            %dma_wait3A_334 = arith.constant 0 : i32
            %dma_wait3A_335 = tpu.memref_slice %arg6[%dma_wait3A_333, %dma_wait3A_334] : memref<16896x128xf32, #tpu.memory_space<hbm>> -> memref<16896x128xf32, #tpu.memory_space<hbm>>
            tpu.wait_indirect_dma semaphore(%arg18 : memref<!tpu.dma_semaphore, #tpu.memory_space<semaphore_mem>>) src(%arg15 : memref<16x128xf32, #tpu.memory_space<vmem>>) dst(%dma_wait3A_335 : memref<16896x128xf32, #tpu.memory_space<hbm>>)
          } else {
          }
          %broadcast_in_dim3A_328 = vector.broadcast %eq3A_326 : i1 to vector<16xi1>
          %select_n3A_329 = arith.select %broadcast_in_dim3A_328, %add3A_31, %select_n3A : vector<16xi1>, vector<16xi32>
          scf.yield %add3A_322, %select_n3A_329 : i32, vector<16xi32>
        }
        scf.yield %while3A_296#0, %while3A_296#1 : i32, vector<16xi32>
      }
      %add3A_244 = arith.constant 1 : i32
      %add3A_245 = arith.addi %while3A_165, %add3A_244 : i32
      %mul3A_246 = arith.constant 2 : i32
      %mul3A_247 = arith.muli %mul3A_246, %add3A_245 : i32
      %add3A_248 = arith.constant 1 : i32
      %add3A_249 = arith.addi %mul3A_247, %add3A_248 : i32
      %sub3A_250 = arith.constant 1 : i32
      %sub3A_251 = arith.subi %sub3A, %sub3A_250 : i32
      %min3A_252 = arith.minsi %add3A_249, %sub3A_251 : i32
      %add3A_253 = arith.addi %shift_right_arithmetic3A_3, %min3A_252 : i32
      %mul3A_254 = arith.constant 512 : i32
      %mul3A_255 = arith.muli %add3A_253, %mul3A_254 : i32
      %min3A_256 = arith.constant 999552 : i32
      %min3A_257 = arith.minsi %mul3A_255, %min3A_256 : i32
      %dma_start3A_258 = arith.constant 0 : i32
      %dma_start3A_259 = tpu.memref_slice %arg4[%dma_start3A_258, %min3A_257] : memref<64x1000000xf32, #tpu.memory_space<hbm>> -> memref<64x512xf32, #tpu.memory_space<hbm>>
      %dma_start3A_260 = arith.constant 0 : i32
      %dma_start3A_261 = tpu.memref_slice %arg4[%dma_start3A_260, %min3A_257] : memref<64x1000000xf32, #tpu.memory_space<hbm>> -> memref<64x512xf32, #tpu.memory_space<hbm>>
      tpu.enqueue_dma source(%dma_start3A_261 : memref<64x512xf32, #tpu.memory_space<hbm>>) target(%arg12 : memref<64x512xf32, #tpu.memory_space<vmem>>) target_semaphore(%arg17 : memref<!tpu.dma_semaphore, #tpu.memory_space<semaphore_mem>>)
      scf.yield %while3A_243#0, %while3A_243#1 : i32, vector<16xi32>
    }
    %dma_start3A_79 = arith.constant 0 : i32
    %dma_start3A_80 = arith.constant 0 : i32
    %dma_start3A_81 = tpu.memref_slice %arg6[%dma_start3A_79, %dma_start3A_80] : memref<16896x128xf32, #tpu.memory_space<hbm>> -> memref<16896x128xf32, #tpu.memory_space<hbm>>
    tpu.enqueue_indirect_dma source(%arg15 : memref<16x128xf32, #tpu.memory_space<vmem>>) target(%dma_start3A_81 : memref<16896x128xf32, #tpu.memory_space<hbm>>) offsets(%while3A_78#1 : vector<16xi32>) semaphore(%arg18 : memref<!tpu.dma_semaphore, #tpu.memory_space<semaphore_mem>>)
    %dma_wait3A = arith.constant 0 : i32
    %dma_wait3A_82 = arith.constant 0 : i32
    %dma_wait3A_83 = tpu.memref_slice %arg6[%dma_wait3A, %dma_wait3A_82] : memref<16896x128xf32, #tpu.memory_space<hbm>> -> memref<16896x128xf32, #tpu.memory_space<hbm>>
    tpu.wait_indirect_dma semaphore(%arg18 : memref<!tpu.dma_semaphore, #tpu.memory_space<semaphore_mem>>) src(%arg15 : memref<16x128xf32, #tpu.memory_space<vmem>>) dst(%dma_wait3A_83 : memref<16896x128xf32, #tpu.memory_space<hbm>>)
    %dma_wait3A_84 = arith.constant 0 : i32
    %dma_wait3A_85 = arith.constant 0 : i32
    %dma_wait3A_86 = tpu.memref_slice %arg4[%dma_wait3A_84, %dma_wait3A_85] : memref<64x1000000xf32, #tpu.memory_space<hbm>> -> memref<64x512xf32, #tpu.memory_space<hbm>>
    %dma_wait3A_87 = arith.constant 0 : i32
    %dma_wait3A_88 = arith.constant 0 : i32
    %dma_wait3A_89 = tpu.memref_slice %arg4[%dma_wait3A_87, %dma_wait3A_88] : memref<64x1000000xf32, #tpu.memory_space<hbm>> -> memref<64x512xf32, #tpu.memory_space<hbm>>
    tpu.wait_dma2 semaphore(%arg16 : memref<!tpu.dma_semaphore, #tpu.memory_space<semaphore_mem>>) src(%dma_wait3A_89 : memref<64x512xf32, #tpu.memory_space<hbm>>) dst(%arg11 : memref<64x512xf32, #tpu.memory_space<vmem>>)
    %dma_wait3A_90 = arith.constant 0 : i32
    %dma_wait3A_91 = arith.constant 0 : i32
    %dma_wait3A_92 = tpu.memref_slice %arg4[%dma_wait3A_90, %dma_wait3A_91] : memref<64x1000000xf32, #tpu.memory_space<hbm>> -> memref<64x512xf32, #tpu.memory_space<hbm>>
    %dma_wait3A_93 = arith.constant 0 : i32
    %dma_wait3A_94 = arith.constant 0 : i32
    %dma_wait3A_95 = tpu.memref_slice %arg4[%dma_wait3A_93, %dma_wait3A_94] : memref<64x1000000xf32, #tpu.memory_space<hbm>> -> memref<64x512xf32, #tpu.memory_space<hbm>>
    tpu.wait_dma2 semaphore(%arg17 : memref<!tpu.dma_semaphore, #tpu.memory_space<semaphore_mem>>) src(%dma_wait3A_95 : memref<64x512xf32, #tpu.memory_space<hbm>>) dst(%arg12 : memref<64x512xf32, #tpu.memory_space<vmem>>)
    %sub3A_96 = arith.constant 1 : i32
    %sub3A_97 = arith.subi %sub3A, %sub3A_96 : i32
    %min3A_98 = arith.constant 0 : i32
    %min3A_99 = arith.minsi %min3A_98, %sub3A_97 : i32
    %add3A_100 = arith.addi %shift_right_arithmetic3A_3, %min3A_99 : i32
    %mul3A_101 = arith.constant 512 : i32
    %mul3A_102 = arith.muli %add3A_100, %mul3A_101 : i32
    %min3A_103 = arith.constant 999552 : i32
    %min3A_104 = arith.minsi %mul3A_102, %min3A_103 : i32
    %dma_start3A_105 = arith.constant 0 : i32
    %dma_start3A_106 = tpu.memref_slice %arg5[%dma_start3A_105, %min3A_104] : memref<64x1000000xf32, #tpu.memory_space<hbm>> -> memref<64x512xf32, #tpu.memory_space<hbm>>
    %dma_start3A_107 = arith.constant 0 : i32
    %dma_start3A_108 = tpu.memref_slice %arg5[%dma_start3A_107, %min3A_104] : memref<64x1000000xf32, #tpu.memory_space<hbm>> -> memref<64x512xf32, #tpu.memory_space<hbm>>
    tpu.enqueue_dma source(%dma_start3A_108 : memref<64x512xf32, #tpu.memory_space<hbm>>) target(%arg11 : memref<64x512xf32, #tpu.memory_space<vmem>>) target_semaphore(%arg16 : memref<!tpu.dma_semaphore, #tpu.memory_space<semaphore_mem>>)
    %sub3A_109 = arith.constant 1 : i32
    %sub3A_110 = arith.subi %sub3A, %sub3A_109 : i32
    %min3A_111 = arith.constant 1 : i32
    %min3A_112 = arith.minsi %min3A_111, %sub3A_110 : i32
    %add3A_113 = arith.addi %shift_right_arithmetic3A_3, %min3A_112 : i32
    %mul3A_114 = arith.constant 512 : i32
    %mul3A_115 = arith.muli %add3A_113, %mul3A_114 : i32
    %min3A_116 = arith.constant 999552 : i32
    %min3A_117 = arith.minsi %mul3A_115, %min3A_116 : i32
    %dma_start3A_118 = arith.constant 0 : i32
    %dma_start3A_119 = tpu.memref_slice %arg5[%dma_start3A_118, %min3A_117] : memref<64x1000000xf32, #tpu.memory_space<hbm>> -> memref<64x512xf32, #tpu.memory_space<hbm>>
    %dma_start3A_120 = arith.constant 0 : i32
    %dma_start3A_121 = tpu.memref_slice %arg5[%dma_start3A_120, %min3A_117] : memref<64x1000000xf32, #tpu.memory_space<hbm>> -> memref<64x512xf32, #tpu.memory_space<hbm>>
    tpu.enqueue_dma source(%dma_start3A_121 : memref<64x512xf32, #tpu.memory_space<hbm>>) target(%arg12 : memref<64x512xf32, #tpu.memory_space<vmem>>) target_semaphore(%arg17 : memref<!tpu.dma_semaphore, #tpu.memory_space<semaphore_mem>>)
    "tpu.region"() ({
      %run_scoped3A = tpu.sem_alloc : memref<!tpu.dma_semaphore, #tpu.memory_space<semaphore_mem>>
      tpu.enqueue_dma source(%arg3 : memref<16384xi32, #tpu.memory_space<hbm>>) target(%arg8 : memref<16384xi32, #tpu.memory_space<vmem>>) target_semaphore(%run_scoped3A : memref<!tpu.dma_semaphore, #tpu.memory_space<semaphore_mem>>)
      tpu.wait_dma2 semaphore(%run_scoped3A : memref<!tpu.dma_semaphore, #tpu.memory_space<semaphore_mem>>) src(%arg3 : memref<16384xi32, #tpu.memory_space<hbm>>) dst(%arg8 : memref<16384xi32, #tpu.memory_space<vmem>>)
      tpu.yield
    }) : () -> ()
    %scan3A_122 = arith.constant 0 : i32
    %scan3A_123 = arith.constant 0 : i32
    %scan3A_124 = arith.constant 1024 : i32
    %scan3A_125 = arith.addi %scan3A_123, %scan3A_124 : i32
    %scan3A_126 = arith.constant 1 : i32
    %scan3A_127 = scf.for %scan3A_165 = %scan3A_123 to %scan3A_125 step %scan3A_126 iter_args(%scan3A_166 = %scan3A_122) -> (i32)  : i32 {
      %mul3A_167 = arith.constant 16 : i32
      %mul3A_168 = arith.muli %scan3A_165, %mul3A_167 : i32
      %get3A = arith.index_cast %mul3A_168 : i32 to index
      %get3A_169 = tpu.vector_load %arg8[%get3A] {strides = array<i32>} : memref<16384xi32, #tpu.memory_space<vmem>>, vector<16xi32>,
      %shift_right_arithmetic3A_170 = arith.constant 9 : i32
      %shift_right_arithmetic3A_171 = vector.broadcast %shift_right_arithmetic3A_170 : i32 to vector<16xi32>
      %shift_right_arithmetic3A_172 = arith.shrsi %get3A_169, %shift_right_arithmetic3A_171 : vector<16xi32>
      %ge3A = vector.broadcast %shift_right_arithmetic3A_3 : i32 to vector<16xi32>
      %ge3A_173 = arith.cmpi sge, %shift_right_arithmetic3A_172, %ge3A : vector<16xi32>
      %lt3A = vector.broadcast %shift_right_arithmetic3A_9 : i32 to vector<16xi32>
      %lt3A_174 = arith.cmpi slt, %shift_right_arithmetic3A_172, %lt3A : vector<16xi32>
      %and3A = arith.andi %ge3A_173, %lt3A_174 : vector<16xi1>
      %mul3A_175 = arith.constant 16 : i32
      %mul3A_176 = arith.muli %scan3A_165, %mul3A_175 : i32
      %add3A_177 = vector.broadcast %mul3A_176 : i32 to vector<16xi32>
      %add3A_178 = arith.addi %add3A_177, %iota3A : vector<16xi32>
      %swap3A = arith.index_cast %scan3A_166 : i32 to index
      %swap3A_179 = tpu.vector_load %arg9[%swap3A] masked %and3A {strides = array<i32>} : memref<16400xi32, #tpu.memory_space<vmem>>, vector<16xi32>, vector<16xi1>
      tpu.vector_store %arg9[%swap3A], %get3A_169 masked %and3A {strides = array<i32>} : memref<16400xi32, #tpu.memory_space<vmem>>, vector<16xi32>, vector<16xi1>
      %swap3A_180 = arith.index_cast %scan3A_166 : i32 to index
      %swap3A_181 = tpu.vector_load %arg10[%swap3A_180] masked %and3A {strides = array<i32>} : memref<16400xi32, #tpu.memory_space<vmem>>, vector<16xi32>, vector<16xi1>
      tpu.vector_store %arg10[%swap3A_180], %add3A_178 masked %and3A {strides = array<i32>} : memref<16400xi32, #tpu.memory_space<vmem>>, vector<16xi32>, vector<16xi1>
      %all_reduce_population_count3A = tpu.all_reduce %and3A {dim = 0 : i64, kind = #tpu.reduction_kind<sum>} : vector<16xi1> -> vector<16xi32>
      %slice3A = vector.extract_strided_slice %all_reduce_population_count3A {offsets = [0], sizes = [1], strides = [1]} : vector<16xi32> to vector<1xi32>
      %squeeze3A = vector.extract %slice3A[0] : i32 from vector<1xi32>
      %add3A_182 = arith.addi %scan3A_166, %squeeze3A : i32
      scf.yield %add3A_182 : i32
    }
    %scan3A_128 = arith.constant 1024 : i32
    %add3A_129 = arith.constant 16 : i32
    %add3A_130 = arith.addi %scan3A_127, %add3A_129 : i32
    %sub3A_131 = arith.constant 1 : i32
    %sub3A_132 = arith.subi %add3A_130, %sub3A_131 : i32
    %shift_right_arithmetic3A_133 = arith.constant 4 : i32
    %shift_right_arithmetic3A_134 = arith.shrsi %sub3A_132, %shift_right_arithmetic3A_133 : i32
    %while3A_135 = arith.constant 0 : i32
    %while3A_136 = arith.constant 0 : i32
    %while3A_137 = arith.subi %shift_right_arithmetic3A_13, %while3A_135 : i32
    %while3A_138 = arith.addi %while3A_135, %while3A_137 : i32
    %while3A_139 = arith.constant 1 : i32
    %while3A_140 = arith.divsi %while3A_137, %while3A_139 : i32
    %while3A_141 = arith.muli %while3A_140, %while3A_139 : i32
    %while3A_142 = arith.addi %while3A_135, %while3A_141 : i32
    %while3A_143 = arith.constant 1 : i32
    %while3A_144:2 = scf.for %while3A_165 = %while3A_135 to %while3A_142 step %while3A_143 iter_args(%while3A_166 = %while3A_136, %while3A_167 = %add3A_31) -> (i32, vector<16xi32>)  : i32 {
      %mul3A_168 = arith.constant 2 : i32
      %mul3A_169 = arith.muli %mul3A_168, %while3A_165 : i32
      %add3A_170 = arith.constant 0 : i32
      %add3A_171 = arith.addi %mul3A_169, %add3A_170 : i32
      %sub3A_172 = arith.constant 1 : i32
      %sub3A_173 = arith.subi %sub3A, %sub3A_172 : i32
      %min3A_174 = arith.minsi %add3A_171, %sub3A_173 : i32
      %add3A_175 = arith.addi %shift_right_arithmetic3A_3, %min3A_174 : i32
      %dma_wait3A_176 = arith.constant 0 : i32
      %dma_wait3A_177 = arith.constant 0 : i32
      %dma_wait3A_178 = tpu.memref_slice %arg5[%dma_wait3A_176, %dma_wait3A_177] : memref<64x1000000xf32, #tpu.memory_space<hbm>> -> memref<64x512xf32, #tpu.memory_space<hbm>>
      %dma_wait3A_179 = arith.constant 0 : i32
      %dma_wait3A_180 = arith.constant 0 : i32
      %dma_wait3A_181 = tpu.memref_slice %arg5[%dma_wait3A_179, %dma_wait3A_180] : memref<64x1000000xf32, #tpu.memory_space<hbm>> -> memref<64x512xf32, #tpu.memory_space<hbm>>
      tpu.wait_dma2 semaphore(%arg16 : memref<!tpu.dma_semaphore, #tpu.memory_space<semaphore_mem>>) src(%dma_wait3A_181 : memref<64x512xf32, #tpu.memory_space<hbm>>) dst(%arg11 : memref<64x512xf32, #tpu.memory_space<vmem>>)
      %mul3A_182 = arith.constant 512 : i32
      %mul3A_183 = arith.muli %add3A_175, %mul3A_182 : i32
      %min3A_184 = arith.constant 999552 : i32
      %min3A_185 = arith.minsi %mul3A_183, %min3A_184 : i32
      %while3A_186 = arith.constant 0 : i32
      %while3A_187 = arith.subi %shift_right_arithmetic3A_134, %while3A_186 : i32
      %while3A_188 = arith.addi %while3A_186, %while3A_187 : i32
      %while3A_189 = arith.constant 1 : i32
      %while3A_190 = arith.divsi %while3A_187, %while3A_189 : i32
      %while3A_191 = arith.muli %while3A_190, %while3A_189 : i32
      %while3A_192 = arith.addi %while3A_186, %while3A_191 : i32
      %while3A_193 = arith.constant 1 : i32
      %while3A_194:2 = scf.for %while3A_262 = %while3A_186 to %while3A_192 step %while3A_193 iter_args(%while3A_263 = %while3A_166, %while3A_264 = %while3A_167) -> (i32, vector<16xi32>)  : i32 {
        %mul3A_265 = arith.constant 16 : i32
        %mul3A_266 = arith.muli %while3A_262, %mul3A_265 : i32
        %get3A = arith.index_cast %mul3A_266 : i32 to index
        %get3A_267 = tpu.vector_load %arg9[%get3A] {strides = array<i32>} : memref<16400xi32, #tpu.memory_space<vmem>>, vector<16xi32>,
        %mul3A_268 = arith.constant 16 : i32
        %mul3A_269 = arith.muli %while3A_262, %mul3A_268 : i32
        %get3A_270 = arith.index_cast %mul3A_269 : i32 to index
        %get3A_271 = tpu.vector_load %arg10[%get3A_270] {strides = array<i32>} : memref<16400xi32, #tpu.memory_space<vmem>>, vector<16xi32>,
        %mul3A_272 = arith.constant 16 : i32
        %mul3A_273 = arith.muli %while3A_262, %mul3A_272 : i32
        %add3A_274 = vector.broadcast %mul3A_273 : i32 to vector<16xi32>
        %add3A_275 = arith.addi %add3A_274, %iota3A : vector<16xi32>
        %lt3A = vector.broadcast %scan3A_127 : i32 to vector<16xi32>
        %lt3A_276 = arith.cmpi slt, %add3A_275, %lt3A : vector<16xi32>
        %shift_right_arithmetic3A_277 = arith.constant 9 : i32
        %shift_right_arithmetic3A_278 = vector.broadcast %shift_right_arithmetic3A_277 : i32 to vector<16xi32>
        %shift_right_arithmetic3A_279 = arith.shrsi %get3A_267, %shift_right_arithmetic3A_278 : vector<16xi32>
        %eq3A = vector.broadcast %add3A_175 : i32 to vector<16xi32>
        %eq3A_280 = arith.cmpi eq, %shift_right_arithmetic3A_279, %eq3A : vector<16xi32>
        %and3A = arith.andi %eq3A_280, %lt3A_276 : vector<16xi1>
        %sub3A_281 = vector.broadcast %min3A_185 : i32 to vector<16xi32>
        %sub3A_282 = arith.subi %get3A_267, %sub3A_281 : vector<16xi32>
        %swap3A = arith.constant 0 : index
        %swap3A_283 = tpu.vector_load %arg13[%swap3A] masked %and3A {strides = array<i32>} : memref<16xi32, #tpu.memory_space<vmem>>, vector<16xi32>, vector<16xi1>
        tpu.vector_store %arg13[%swap3A], %sub3A_282 masked %and3A {strides = array<i32>} : memref<16xi32, #tpu.memory_space<vmem>>, vector<16xi32>, vector<16xi1>
        %swap3A_284 = arith.constant 0 : index
        %swap3A_285 = tpu.vector_load %arg14[%swap3A_284] masked %and3A {strides = array<i32>} : memref<16xi32, #tpu.memory_space<vmem>>, vector<16xi32>, vector<16xi1>
        tpu.vector_store %arg14[%swap3A_284], %get3A_271 masked %and3A {strides = array<i32>} : memref<16xi32, #tpu.memory_space<vmem>>, vector<16xi32>, vector<16xi1>
        %all_reduce_population_count3A = tpu.all_reduce %and3A {dim = 0 : i64, kind = #tpu.reduction_kind<sum>} : vector<16xi1> -> vector<16xi32>
        %slice3A = vector.extract_strided_slice %all_reduce_population_count3A {offsets = [0], sizes = [1], strides = [1]} : vector<16xi32> to vector<1xi32>
        %squeeze3A = vector.extract %slice3A[0] : i32 from vector<1xi32>
        %while3A_286 = arith.constant 0 : i32
        %while3A_287 = arith.subi %squeeze3A, %while3A_286 : i32
        %while3A_288 = arith.addi %while3A_286, %while3A_287 : i32
        %while3A_289 = arith.constant 1 : i32
        %while3A_290 = arith.divsi %while3A_287, %while3A_289 : i32
        %while3A_291 = arith.muli %while3A_290, %while3A_289 : i32
        %while3A_292 = arith.addi %while3A_286, %while3A_291 : i32
        %while3A_293 = arith.constant 1 : i32
        %while3A_294:2 = scf.for %while3A_297 = %while3A_286 to %while3A_292 step %while3A_293 iter_args(%while3A_298 = %while3A_263, %while3A_299 = %while3A_264) -> (i32, vector<16xi32>)  : i32 {
          %broadcast_in_dim3A = vector.broadcast %while3A_297 : i32 to vector<16xi32>
          %gather3A = tpu.vector_load_idx %arg13[%broadcast_in_dim3A] : memref<16xi32, #tpu.memory_space<vmem>>[vector<16xi32>], vector<16xi32>,
          %gather3A_300 = tpu.vector_load_idx %arg14[%broadcast_in_dim3A] : memref<16xi32, #tpu.memory_space<vmem>>[vector<16xi32>], vector<16xi32>,
          %and3A_301 = arith.constant 15 : i32
          %and3A_302 = arith.andi %while3A_298, %and3A_301 : i32
          %gather3A_303 = tpu.vector_load_idx %arg11[%add3A_16, %gather3A] : memref<64x512xf32, #tpu.memory_space<vmem>>[vector<16xi32>, vector<16xi32>], vector<16xf32>,
          %swap3A_304 = arith.index_cast %and3A_302 : i32 to index
          %swap3A_305 = arith.constant 0 : index
          %swap3A_306 = tpu.vector_load %arg15[%swap3A_304, %swap3A_305] {strides = array<i32>} : memref<16x128xf32, #tpu.memory_space<vmem>>, vector<16xf32>,
          tpu.vector_store %arg15[%swap3A_304, %swap3A_305], %gather3A_303 {strides = array<i32>} : memref<16x128xf32, #tpu.memory_space<vmem>>, vector<16xf32>,
          %gather3A_307 = tpu.vector_load_idx %arg11[%add3A_19, %gather3A] : memref<64x512xf32, #tpu.memory_space<vmem>>[vector<16xi32>, vector<16xi32>], vector<16xf32>,
          %swap3A_308 = arith.index_cast %and3A_302 : i32 to index
          %swap3A_309 = arith.constant 16 : index
          %swap3A_310 = tpu.vector_load %arg15[%swap3A_308, %swap3A_309] {strides = array<i32>} : memref<16x128xf32, #tpu.memory_space<vmem>>, vector<16xf32>,
          tpu.vector_store %arg15[%swap3A_308, %swap3A_309], %gather3A_307 {strides = array<i32>} : memref<16x128xf32, #tpu.memory_space<vmem>>, vector<16xf32>,
          %gather3A_311 = tpu.vector_load_idx %arg11[%add3A_22, %gather3A] : memref<64x512xf32, #tpu.memory_space<vmem>>[vector<16xi32>, vector<16xi32>], vector<16xf32>,
          %swap3A_312 = arith.index_cast %and3A_302 : i32 to index
          %swap3A_313 = arith.constant 32 : index
          %swap3A_314 = tpu.vector_load %arg15[%swap3A_312, %swap3A_313] {strides = array<i32>} : memref<16x128xf32, #tpu.memory_space<vmem>>, vector<16xf32>,
          tpu.vector_store %arg15[%swap3A_312, %swap3A_313], %gather3A_311 {strides = array<i32>} : memref<16x128xf32, #tpu.memory_space<vmem>>, vector<16xf32>,
          %gather3A_315 = tpu.vector_load_idx %arg11[%add3A_25, %gather3A] : memref<64x512xf32, #tpu.memory_space<vmem>>[vector<16xi32>, vector<16xi32>], vector<16xf32>,
          %swap3A_316 = arith.index_cast %and3A_302 : i32 to index
          %swap3A_317 = arith.constant 48 : index
          %swap3A_318 = tpu.vector_load %arg15[%swap3A_316, %swap3A_317] {strides = array<i32>} : memref<16x128xf32, #tpu.memory_space<vmem>>, vector<16xf32>,
          tpu.vector_store %arg15[%swap3A_316, %swap3A_317], %gather3A_315 {strides = array<i32>} : memref<16x128xf32, #tpu.memory_space<vmem>>, vector<16xf32>,
          %eq3A_319 = vector.broadcast %and3A_302 : i32 to vector<16xi32>
          %eq3A_320 = arith.cmpi eq, %iota3A, %eq3A_319 : vector<16xi32>
          %select_n3A = arith.select %eq3A_320, %gather3A_300, %while3A_299 : vector<16xi1>, vector<16xi32>
          %add3A_321 = arith.constant 1 : i32
          %add3A_322 = arith.addi %while3A_298, %add3A_321 : i32
          %and3A_323 = arith.constant 15 : i32
          %and3A_324 = arith.andi %add3A_322, %and3A_323 : i32
          %eq3A_325 = arith.constant 0 : i32
          %eq3A_326 = arith.cmpi eq, %and3A_324, %eq3A_325 : i32
          %convert_element_type3A = arith.extui %eq3A_326 : i1 to i32
          %cond3A = arith.constant 0 : i32
          %cond3A_327 = arith.cmpi ne, %convert_element_type3A, %cond3A : i32
          scf.if %cond3A_327 {
            %dma_start3A_330 = arith.constant 0 : i32
            %dma_start3A_331 = arith.constant 0 : i32
            %dma_start3A_332 = tpu.memref_slice %arg7[%dma_start3A_330, %dma_start3A_331] : memref<16896x128xf32, #tpu.memory_space<hbm>> -> memref<16896x128xf32, #tpu.memory_space<hbm>>
            tpu.enqueue_indirect_dma source(%arg15 : memref<16x128xf32, #tpu.memory_space<vmem>>) target(%dma_start3A_332 : memref<16896x128xf32, #tpu.memory_space<hbm>>) offsets(%select_n3A : vector<16xi32>) semaphore(%arg18 : memref<!tpu.dma_semaphore, #tpu.memory_space<semaphore_mem>>)
            %dma_wait3A_333 = arith.constant 0 : i32
            %dma_wait3A_334 = arith.constant 0 : i32
            %dma_wait3A_335 = tpu.memref_slice %arg7[%dma_wait3A_333, %dma_wait3A_334] : memref<16896x128xf32, #tpu.memory_space<hbm>> -> memref<16896x128xf32, #tpu.memory_space<hbm>>
            tpu.wait_indirect_dma semaphore(%arg18 : memref<!tpu.dma_semaphore, #tpu.memory_space<semaphore_mem>>) src(%arg15 : memref<16x128xf32, #tpu.memory_space<vmem>>) dst(%dma_wait3A_335 : memref<16896x128xf32, #tpu.memory_space<hbm>>)
          } else {
          }
          %broadcast_in_dim3A_328 = vector.broadcast %eq3A_326 : i1 to vector<16xi1>
          %select_n3A_329 = arith.select %broadcast_in_dim3A_328, %add3A_31, %select_n3A : vector<16xi1>, vector<16xi32>
          scf.yield %add3A_322, %select_n3A_329 : i32, vector<16xi32>
        }
        %while3A_295 = arith.constant 1 : i32
        %while3A_296:2 = scf.for %while3A_297 = %while3A_292 to %while3A_288 step %while3A_295 iter_args(%while3A_298 = %while3A_294#0, %while3A_299 = %while3A_294#1) -> (i32, vector<16xi32>)  : i32 {
          %broadcast_in_dim3A = vector.broadcast %while3A_297 : i32 to vector<16xi32>
          %gather3A = tpu.vector_load_idx %arg13[%broadcast_in_dim3A] : memref<16xi32, #tpu.memory_space<vmem>>[vector<16xi32>], vector<16xi32>,
          %gather3A_300 = tpu.vector_load_idx %arg14[%broadcast_in_dim3A] : memref<16xi32, #tpu.memory_space<vmem>>[vector<16xi32>], vector<16xi32>,
          %and3A_301 = arith.constant 15 : i32
          %and3A_302 = arith.andi %while3A_298, %and3A_301 : i32
          %gather3A_303 = tpu.vector_load_idx %arg11[%add3A_16, %gather3A] : memref<64x512xf32, #tpu.memory_space<vmem>>[vector<16xi32>, vector<16xi32>], vector<16xf32>,
          %swap3A_304 = arith.index_cast %and3A_302 : i32 to index
          %swap3A_305 = arith.constant 0 : index
          %swap3A_306 = tpu.vector_load %arg15[%swap3A_304, %swap3A_305] {strides = array<i32>} : memref<16x128xf32, #tpu.memory_space<vmem>>, vector<16xf32>,
          tpu.vector_store %arg15[%swap3A_304, %swap3A_305], %gather3A_303 {strides = array<i32>} : memref<16x128xf32, #tpu.memory_space<vmem>>, vector<16xf32>,
          %gather3A_307 = tpu.vector_load_idx %arg11[%add3A_19, %gather3A] : memref<64x512xf32, #tpu.memory_space<vmem>>[vector<16xi32>, vector<16xi32>], vector<16xf32>,
          %swap3A_308 = arith.index_cast %and3A_302 : i32 to index
          %swap3A_309 = arith.constant 16 : index
          %swap3A_310 = tpu.vector_load %arg15[%swap3A_308, %swap3A_309] {strides = array<i32>} : memref<16x128xf32, #tpu.memory_space<vmem>>, vector<16xf32>,
          tpu.vector_store %arg15[%swap3A_308, %swap3A_309], %gather3A_307 {strides = array<i32>} : memref<16x128xf32, #tpu.memory_space<vmem>>, vector<16xf32>,
          %gather3A_311 = tpu.vector_load_idx %arg11[%add3A_22, %gather3A] : memref<64x512xf32, #tpu.memory_space<vmem>>[vector<16xi32>, vector<16xi32>], vector<16xf32>,
          %swap3A_312 = arith.index_cast %and3A_302 : i32 to index
          %swap3A_313 = arith.constant 32 : index
          %swap3A_314 = tpu.vector_load %arg15[%swap3A_312, %swap3A_313] {strides = array<i32>} : memref<16x128xf32, #tpu.memory_space<vmem>>, vector<16xf32>,
          tpu.vector_store %arg15[%swap3A_312, %swap3A_313], %gather3A_311 {strides = array<i32>} : memref<16x128xf32, #tpu.memory_space<vmem>>, vector<16xf32>,
          %gather3A_315 = tpu.vector_load_idx %arg11[%add3A_25, %gather3A] : memref<64x512xf32, #tpu.memory_space<vmem>>[vector<16xi32>, vector<16xi32>], vector<16xf32>,
          %swap3A_316 = arith.index_cast %and3A_302 : i32 to index
          %swap3A_317 = arith.constant 48 : index
          %swap3A_318 = tpu.vector_load %arg15[%swap3A_316, %swap3A_317] {strides = array<i32>} : memref<16x128xf32, #tpu.memory_space<vmem>>, vector<16xf32>,
          tpu.vector_store %arg15[%swap3A_316, %swap3A_317], %gather3A_315 {strides = array<i32>} : memref<16x128xf32, #tpu.memory_space<vmem>>, vector<16xf32>,
          %eq3A_319 = vector.broadcast %and3A_302 : i32 to vector<16xi32>
          %eq3A_320 = arith.cmpi eq, %iota3A, %eq3A_319 : vector<16xi32>
          %select_n3A = arith.select %eq3A_320, %gather3A_300, %while3A_299 : vector<16xi1>, vector<16xi32>
          %add3A_321 = arith.constant 1 : i32
          %add3A_322 = arith.addi %while3A_298, %add3A_321 : i32
          %and3A_323 = arith.constant 15 : i32
          %and3A_324 = arith.andi %add3A_322, %and3A_323 : i32
          %eq3A_325 = arith.constant 0 : i32
          %eq3A_326 = arith.cmpi eq, %and3A_324, %eq3A_325 : i32
          %convert_element_type3A = arith.extui %eq3A_326 : i1 to i32
          %cond3A = arith.constant 0 : i32
          %cond3A_327 = arith.cmpi ne, %convert_element_type3A, %cond3A : i32
          scf.if %cond3A_327 {
            %dma_start3A_330 = arith.constant 0 : i32
            %dma_start3A_331 = arith.constant 0 : i32
            %dma_start3A_332 = tpu.memref_slice %arg7[%dma_start3A_330, %dma_start3A_331] : memref<16896x128xf32, #tpu.memory_space<hbm>> -> memref<16896x128xf32, #tpu.memory_space<hbm>>
            tpu.enqueue_indirect_dma source(%arg15 : memref<16x128xf32, #tpu.memory_space<vmem>>) target(%dma_start3A_332 : memref<16896x128xf32, #tpu.memory_space<hbm>>) offsets(%select_n3A : vector<16xi32>) semaphore(%arg18 : memref<!tpu.dma_semaphore, #tpu.memory_space<semaphore_mem>>)
            %dma_wait3A_333 = arith.constant 0 : i32
            %dma_wait3A_334 = arith.constant 0 : i32
            %dma_wait3A_335 = tpu.memref_slice %arg7[%dma_wait3A_333, %dma_wait3A_334] : memref<16896x128xf32, #tpu.memory_space<hbm>> -> memref<16896x128xf32, #tpu.memory_space<hbm>>
            tpu.wait_indirect_dma semaphore(%arg18 : memref<!tpu.dma_semaphore, #tpu.memory_space<semaphore_mem>>) src(%arg15 : memref<16x128xf32, #tpu.memory_space<vmem>>) dst(%dma_wait3A_335 : memref<16896x128xf32, #tpu.memory_space<hbm>>)
          } else {
          }
          %broadcast_in_dim3A_328 = vector.broadcast %eq3A_326 : i1 to vector<16xi1>
          %select_n3A_329 = arith.select %broadcast_in_dim3A_328, %add3A_31, %select_n3A : vector<16xi1>, vector<16xi32>
          scf.yield %add3A_322, %select_n3A_329 : i32, vector<16xi32>
        }
        scf.yield %while3A_296#0, %while3A_296#1 : i32, vector<16xi32>
      }
      %while3A_195 = arith.constant 1 : i32
      %while3A_196:2 = scf.for %while3A_262 = %while3A_192 to %while3A_188 step %while3A_195 iter_args(%while3A_263 = %while3A_194#0, %while3A_264 = %while3A_194#1) -> (i32, vector<16xi32>)  : i32 {
        %mul3A_265 = arith.constant 16 : i32
        %mul3A_266 = arith.muli %while3A_262, %mul3A_265 : i32
        %get3A = arith.index_cast %mul3A_266 : i32 to index
        %get3A_267 = tpu.vector_load %arg9[%get3A] {strides = array<i32>} : memref<16400xi32, #tpu.memory_space<vmem>>, vector<16xi32>,
        %mul3A_268 = arith.constant 16 : i32
        %mul3A_269 = arith.muli %while3A_262, %mul3A_268 : i32
        %get3A_270 = arith.index_cast %mul3A_269 : i32 to index
        %get3A_271 = tpu.vector_load %arg10[%get3A_270] {strides = array<i32>} : memref<16400xi32, #tpu.memory_space<vmem>>, vector<16xi32>,
        %mul3A_272 = arith.constant 16 : i32
        %mul3A_273 = arith.muli %while3A_262, %mul3A_272 : i32
        %add3A_274 = vector.broadcast %mul3A_273 : i32 to vector<16xi32>
        %add3A_275 = arith.addi %add3A_274, %iota3A : vector<16xi32>
        %lt3A = vector.broadcast %scan3A_127 : i32 to vector<16xi32>
        %lt3A_276 = arith.cmpi slt, %add3A_275, %lt3A : vector<16xi32>
        %shift_right_arithmetic3A_277 = arith.constant 9 : i32
        %shift_right_arithmetic3A_278 = vector.broadcast %shift_right_arithmetic3A_277 : i32 to vector<16xi32>
        %shift_right_arithmetic3A_279 = arith.shrsi %get3A_267, %shift_right_arithmetic3A_278 : vector<16xi32>
        %eq3A = vector.broadcast %add3A_175 : i32 to vector<16xi32>
        %eq3A_280 = arith.cmpi eq, %shift_right_arithmetic3A_279, %eq3A : vector<16xi32>
        %and3A = arith.andi %eq3A_280, %lt3A_276 : vector<16xi1>
        %sub3A_281 = vector.broadcast %min3A_185 : i32 to vector<16xi32>
        %sub3A_282 = arith.subi %get3A_267, %sub3A_281 : vector<16xi32>
        %swap3A = arith.constant 0 : index
        %swap3A_283 = tpu.vector_load %arg13[%swap3A] masked %and3A {strides = array<i32>} : memref<16xi32, #tpu.memory_space<vmem>>, vector<16xi32>, vector<16xi1>
        tpu.vector_store %arg13[%swap3A], %sub3A_282 masked %and3A {strides = array<i32>} : memref<16xi32, #tpu.memory_space<vmem>>, vector<16xi32>, vector<16xi1>
        %swap3A_284 = arith.constant 0 : index
        %swap3A_285 = tpu.vector_load %arg14[%swap3A_284] masked %and3A {strides = array<i32>} : memref<16xi32, #tpu.memory_space<vmem>>, vector<16xi32>, vector<16xi1>
        tpu.vector_store %arg14[%swap3A_284], %get3A_271 masked %and3A {strides = array<i32>} : memref<16xi32, #tpu.memory_space<vmem>>, vector<16xi32>, vector<16xi1>
        %all_reduce_population_count3A = tpu.all_reduce %and3A {dim = 0 : i64, kind = #tpu.reduction_kind<sum>} : vector<16xi1> -> vector<16xi32>
        %slice3A = vector.extract_strided_slice %all_reduce_population_count3A {offsets = [0], sizes = [1], strides = [1]} : vector<16xi32> to vector<1xi32>
        %squeeze3A = vector.extract %slice3A[0] : i32 from vector<1xi32>
        %while3A_286 = arith.constant 0 : i32
        %while3A_287 = arith.subi %squeeze3A, %while3A_286 : i32
        %while3A_288 = arith.addi %while3A_286, %while3A_287 : i32
        %while3A_289 = arith.constant 1 : i32
        %while3A_290 = arith.divsi %while3A_287, %while3A_289 : i32
        %while3A_291 = arith.muli %while3A_290, %while3A_289 : i32
        %while3A_292 = arith.addi %while3A_286, %while3A_291 : i32
        %while3A_293 = arith.constant 1 : i32
        %while3A_294:2 = scf.for %while3A_297 = %while3A_286 to %while3A_292 step %while3A_293 iter_args(%while3A_298 = %while3A_263, %while3A_299 = %while3A_264) -> (i32, vector<16xi32>)  : i32 {
          %broadcast_in_dim3A = vector.broadcast %while3A_297 : i32 to vector<16xi32>
          %gather3A = tpu.vector_load_idx %arg13[%broadcast_in_dim3A] : memref<16xi32, #tpu.memory_space<vmem>>[vector<16xi32>], vector<16xi32>,
          %gather3A_300 = tpu.vector_load_idx %arg14[%broadcast_in_dim3A] : memref<16xi32, #tpu.memory_space<vmem>>[vector<16xi32>], vector<16xi32>,
          %and3A_301 = arith.constant 15 : i32
          %and3A_302 = arith.andi %while3A_298, %and3A_301 : i32
          %gather3A_303 = tpu.vector_load_idx %arg11[%add3A_16, %gather3A] : memref<64x512xf32, #tpu.memory_space<vmem>>[vector<16xi32>, vector<16xi32>], vector<16xf32>,
          %swap3A_304 = arith.index_cast %and3A_302 : i32 to index
          %swap3A_305 = arith.constant 0 : index
          %swap3A_306 = tpu.vector_load %arg15[%swap3A_304, %swap3A_305] {strides = array<i32>} : memref<16x128xf32, #tpu.memory_space<vmem>>, vector<16xf32>,
          tpu.vector_store %arg15[%swap3A_304, %swap3A_305], %gather3A_303 {strides = array<i32>} : memref<16x128xf32, #tpu.memory_space<vmem>>, vector<16xf32>,
          %gather3A_307 = tpu.vector_load_idx %arg11[%add3A_19, %gather3A] : memref<64x512xf32, #tpu.memory_space<vmem>>[vector<16xi32>, vector<16xi32>], vector<16xf32>,
          %swap3A_308 = arith.index_cast %and3A_302 : i32 to index
          %swap3A_309 = arith.constant 16 : index
          %swap3A_310 = tpu.vector_load %arg15[%swap3A_308, %swap3A_309] {strides = array<i32>} : memref<16x128xf32, #tpu.memory_space<vmem>>, vector<16xf32>,
          tpu.vector_store %arg15[%swap3A_308, %swap3A_309], %gather3A_307 {strides = array<i32>} : memref<16x128xf32, #tpu.memory_space<vmem>>, vector<16xf32>,
          %gather3A_311 = tpu.vector_load_idx %arg11[%add3A_22, %gather3A] : memref<64x512xf32, #tpu.memory_space<vmem>>[vector<16xi32>, vector<16xi32>], vector<16xf32>,
          %swap3A_312 = arith.index_cast %and3A_302 : i32 to index
          %swap3A_313 = arith.constant 32 : index
          %swap3A_314 = tpu.vector_load %arg15[%swap3A_312, %swap3A_313] {strides = array<i32>} : memref<16x128xf32, #tpu.memory_space<vmem>>, vector<16xf32>,
          tpu.vector_store %arg15[%swap3A_312, %swap3A_313], %gather3A_311 {strides = array<i32>} : memref<16x128xf32, #tpu.memory_space<vmem>>, vector<16xf32>,
          %gather3A_315 = tpu.vector_load_idx %arg11[%add3A_25, %gather3A] : memref<64x512xf32, #tpu.memory_space<vmem>>[vector<16xi32>, vector<16xi32>], vector<16xf32>,
          %swap3A_316 = arith.index_cast %and3A_302 : i32 to index
          %swap3A_317 = arith.constant 48 : index
          %swap3A_318 = tpu.vector_load %arg15[%swap3A_316, %swap3A_317] {strides = array<i32>} : memref<16x128xf32, #tpu.memory_space<vmem>>, vector<16xf32>,
          tpu.vector_store %arg15[%swap3A_316, %swap3A_317], %gather3A_315 {strides = array<i32>} : memref<16x128xf32, #tpu.memory_space<vmem>>, vector<16xf32>,
          %eq3A_319 = vector.broadcast %and3A_302 : i32 to vector<16xi32>
          %eq3A_320 = arith.cmpi eq, %iota3A, %eq3A_319 : vector<16xi32>
          %select_n3A = arith.select %eq3A_320, %gather3A_300, %while3A_299 : vector<16xi1>, vector<16xi32>
          %add3A_321 = arith.constant 1 : i32
          %add3A_322 = arith.addi %while3A_298, %add3A_321 : i32
          %and3A_323 = arith.constant 15 : i32
          %and3A_324 = arith.andi %add3A_322, %and3A_323 : i32
          %eq3A_325 = arith.constant 0 : i32
          %eq3A_326 = arith.cmpi eq, %and3A_324, %eq3A_325 : i32
          %convert_element_type3A = arith.extui %eq3A_326 : i1 to i32
          %cond3A = arith.constant 0 : i32
          %cond3A_327 = arith.cmpi ne, %convert_element_type3A, %cond3A : i32
          scf.if %cond3A_327 {
            %dma_start3A_330 = arith.constant 0 : i32
            %dma_start3A_331 = arith.constant 0 : i32
            %dma_start3A_332 = tpu.memref_slice %arg7[%dma_start3A_330, %dma_start3A_331] : memref<16896x128xf32, #tpu.memory_space<hbm>> -> memref<16896x128xf32, #tpu.memory_space<hbm>>
            tpu.enqueue_indirect_dma source(%arg15 : memref<16x128xf32, #tpu.memory_space<vmem>>) target(%dma_start3A_332 : memref<16896x128xf32, #tpu.memory_space<hbm>>) offsets(%select_n3A : vector<16xi32>) semaphore(%arg18 : memref<!tpu.dma_semaphore, #tpu.memory_space<semaphore_mem>>)
            %dma_wait3A_333 = arith.constant 0 : i32
            %dma_wait3A_334 = arith.constant 0 : i32
            %dma_wait3A_335 = tpu.memref_slice %arg7[%dma_wait3A_333, %dma_wait3A_334] : memref<16896x128xf32, #tpu.memory_space<hbm>> -> memref<16896x128xf32, #tpu.memory_space<hbm>>
            tpu.wait_indirect_dma semaphore(%arg18 : memref<!tpu.dma_semaphore, #tpu.memory_space<semaphore_mem>>) src(%arg15 : memref<16x128xf32, #tpu.memory_space<vmem>>) dst(%dma_wait3A_335 : memref<16896x128xf32, #tpu.memory_space<hbm>>)
          } else {
          }
          %broadcast_in_dim3A_328 = vector.broadcast %eq3A_326 : i1 to vector<16xi1>
          %select_n3A_329 = arith.select %broadcast_in_dim3A_328, %add3A_31, %select_n3A : vector<16xi1>, vector<16xi32>
          scf.yield %add3A_322, %select_n3A_329 : i32, vector<16xi32>
        }
        %while3A_295 = arith.constant 1 : i32
        %while3A_296:2 = scf.for %while3A_297 = %while3A_292 to %while3A_288 step %while3A_295 iter_args(%while3A_298 = %while3A_294#0, %while3A_299 = %while3A_294#1) -> (i32, vector<16xi32>)  : i32 {
          %broadcast_in_dim3A = vector.broadcast %while3A_297 : i32 to vector<16xi32>
          %gather3A = tpu.vector_load_idx %arg13[%broadcast_in_dim3A] : memref<16xi32, #tpu.memory_space<vmem>>[vector<16xi32>], vector<16xi32>,
          %gather3A_300 = tpu.vector_load_idx %arg14[%broadcast_in_dim3A] : memref<16xi32, #tpu.memory_space<vmem>>[vector<16xi32>], vector<16xi32>,
          %and3A_301 = arith.constant 15 : i32
          %and3A_302 = arith.andi %while3A_298, %and3A_301 : i32
          %gather3A_303 = tpu.vector_load_idx %arg11[%add3A_16, %gather3A] : memref<64x512xf32, #tpu.memory_space<vmem>>[vector<16xi32>, vector<16xi32>], vector<16xf32>,
          %swap3A_304 = arith.index_cast %and3A_302 : i32 to index
          %swap3A_305 = arith.constant 0 : index
          %swap3A_306 = tpu.vector_load %arg15[%swap3A_304, %swap3A_305] {strides = array<i32>} : memref<16x128xf32, #tpu.memory_space<vmem>>, vector<16xf32>,
          tpu.vector_store %arg15[%swap3A_304, %swap3A_305], %gather3A_303 {strides = array<i32>} : memref<16x128xf32, #tpu.memory_space<vmem>>, vector<16xf32>,
          %gather3A_307 = tpu.vector_load_idx %arg11[%add3A_19, %gather3A] : memref<64x512xf32, #tpu.memory_space<vmem>>[vector<16xi32>, vector<16xi32>], vector<16xf32>,
          %swap3A_308 = arith.index_cast %and3A_302 : i32 to index
          %swap3A_309 = arith.constant 16 : index
          %swap3A_310 = tpu.vector_load %arg15[%swap3A_308, %swap3A_309] {strides = array<i32>} : memref<16x128xf32, #tpu.memory_space<vmem>>, vector<16xf32>,
          tpu.vector_store %arg15[%swap3A_308, %swap3A_309], %gather3A_307 {strides = array<i32>} : memref<16x128xf32, #tpu.memory_space<vmem>>, vector<16xf32>,
          %gather3A_311 = tpu.vector_load_idx %arg11[%add3A_22, %gather3A] : memref<64x512xf32, #tpu.memory_space<vmem>>[vector<16xi32>, vector<16xi32>], vector<16xf32>,
          %swap3A_312 = arith.index_cast %and3A_302 : i32 to index
          %swap3A_313 = arith.constant 32 : index
          %swap3A_314 = tpu.vector_load %arg15[%swap3A_312, %swap3A_313] {strides = array<i32>} : memref<16x128xf32, #tpu.memory_space<vmem>>, vector<16xf32>,
          tpu.vector_store %arg15[%swap3A_312, %swap3A_313], %gather3A_311 {strides = array<i32>} : memref<16x128xf32, #tpu.memory_space<vmem>>, vector<16xf32>,
          %gather3A_315 = tpu.vector_load_idx %arg11[%add3A_25, %gather3A] : memref<64x512xf32, #tpu.memory_space<vmem>>[vector<16xi32>, vector<16xi32>], vector<16xf32>,
          %swap3A_316 = arith.index_cast %and3A_302 : i32 to index
          %swap3A_317 = arith.constant 48 : index
          %swap3A_318 = tpu.vector_load %arg15[%swap3A_316, %swap3A_317] {strides = array<i32>} : memref<16x128xf32, #tpu.memory_space<vmem>>, vector<16xf32>,
          tpu.vector_store %arg15[%swap3A_316, %swap3A_317], %gather3A_315 {strides = array<i32>} : memref<16x128xf32, #tpu.memory_space<vmem>>, vector<16xf32>,
          %eq3A_319 = vector.broadcast %and3A_302 : i32 to vector<16xi32>
          %eq3A_320 = arith.cmpi eq, %iota3A, %eq3A_319 : vector<16xi32>
          %select_n3A = arith.select %eq3A_320, %gather3A_300, %while3A_299 : vector<16xi1>, vector<16xi32>
          %add3A_321 = arith.constant 1 : i32
          %add3A_322 = arith.addi %while3A_298, %add3A_321 : i32
          %and3A_323 = arith.constant 15 : i32
          %and3A_324 = arith.andi %add3A_322, %and3A_323 : i32
          %eq3A_325 = arith.constant 0 : i32
          %eq3A_326 = arith.cmpi eq, %and3A_324, %eq3A_325 : i32
          %convert_element_type3A = arith.extui %eq3A_326 : i1 to i32
          %cond3A = arith.constant 0 : i32
          %cond3A_327 = arith.cmpi ne, %convert_element_type3A, %cond3A : i32
          scf.if %cond3A_327 {
            %dma_start3A_330 = arith.constant 0 : i32
            %dma_start3A_331 = arith.constant 0 : i32
            %dma_start3A_332 = tpu.memref_slice %arg7[%dma_start3A_330, %dma_start3A_331] : memref<16896x128xf32, #tpu.memory_space<hbm>> -> memref<16896x128xf32, #tpu.memory_space<hbm>>
            tpu.enqueue_indirect_dma source(%arg15 : memref<16x128xf32, #tpu.memory_space<vmem>>) target(%dma_start3A_332 : memref<16896x128xf32, #tpu.memory_space<hbm>>) offsets(%select_n3A : vector<16xi32>) semaphore(%arg18 : memref<!tpu.dma_semaphore, #tpu.memory_space<semaphore_mem>>)
            %dma_wait3A_333 = arith.constant 0 : i32
            %dma_wait3A_334 = arith.constant 0 : i32
            %dma_wait3A_335 = tpu.memref_slice %arg7[%dma_wait3A_333, %dma_wait3A_334] : memref<16896x128xf32, #tpu.memory_space<hbm>> -> memref<16896x128xf32, #tpu.memory_space<hbm>>
            tpu.wait_indirect_dma semaphore(%arg18 : memref<!tpu.dma_semaphore, #tpu.memory_space<semaphore_mem>>) src(%arg15 : memref<16x128xf32, #tpu.memory_space<vmem>>) dst(%dma_wait3A_335 : memref<16896x128xf32, #tpu.memory_space<hbm>>)
          } else {
          }
          %broadcast_in_dim3A_328 = vector.broadcast %eq3A_326 : i1 to vector<16xi1>
          %select_n3A_329 = arith.select %broadcast_in_dim3A_328, %add3A_31, %select_n3A : vector<16xi1>, vector<16xi32>
          scf.yield %add3A_322, %select_n3A_329 : i32, vector<16xi32>
        }
        scf.yield %while3A_296#0, %while3A_296#1 : i32, vector<16xi32>
      }
      %add3A_197 = arith.constant 1 : i32
      %add3A_198 = arith.addi %while3A_165, %add3A_197 : i32
      %mul3A_199 = arith.constant 2 : i32
      %mul3A_200 = arith.muli %mul3A_199, %add3A_198 : i32
      %add3A_201 = arith.constant 0 : i32
      %add3A_202 = arith.addi %mul3A_200, %add3A_201 : i32
      %sub3A_203 = arith.constant 1 : i32
      %sub3A_204 = arith.subi %sub3A, %sub3A_203 : i32
      %min3A_205 = arith.minsi %add3A_202, %sub3A_204 : i32
      %add3A_206 = arith.addi %shift_right_arithmetic3A_3, %min3A_205 : i32
      %mul3A_207 = arith.constant 512 : i32
      %mul3A_208 = arith.muli %add3A_206, %mul3A_207 : i32
      %min3A_209 = arith.constant 999552 : i32
      %min3A_210 = arith.minsi %mul3A_208, %min3A_209 : i32
      %dma_start3A_211 = arith.constant 0 : i32
      %dma_start3A_212 = tpu.memref_slice %arg5[%dma_start3A_211, %min3A_210] : memref<64x1000000xf32, #tpu.memory_space<hbm>> -> memref<64x512xf32, #tpu.memory_space<hbm>>
      %dma_start3A_213 = arith.constant 0 : i32
      %dma_start3A_214 = tpu.memref_slice %arg5[%dma_start3A_213, %min3A_210] : memref<64x1000000xf32, #tpu.memory_space<hbm>> -> memref<64x512xf32, #tpu.memory_space<hbm>>
      tpu.enqueue_dma source(%dma_start3A_214 : memref<64x512xf32, #tpu.memory_space<hbm>>) target(%arg11 : memref<64x512xf32, #tpu.memory_space<vmem>>) target_semaphore(%arg16 : memref<!tpu.dma_semaphore, #tpu.memory_space<semaphore_mem>>)
      %mul3A_215 = arith.constant 2 : i32
      %mul3A_216 = arith.muli %mul3A_215, %while3A_165 : i32
      %add3A_217 = arith.constant 1 : i32
      %add3A_218 = arith.addi %mul3A_216, %add3A_217 : i32
      %sub3A_219 = arith.constant 1 : i32
      %sub3A_220 = arith.subi %sub3A, %sub3A_219 : i32
      %min3A_221 = arith.minsi %add3A_218, %sub3A_220 : i32
      %add3A_222 = arith.addi %shift_right_arithmetic3A_3, %min3A_221 : i32
      %dma_wait3A_223 = arith.constant 0 : i32
      %dma_wait3A_224 = arith.constant 0 : i32
      %dma_wait3A_225 = tpu.memref_slice %arg5[%dma_wait3A_223, %dma_wait3A_224] : memref<64x1000000xf32, #tpu.memory_space<hbm>> -> memref<64x512xf32, #tpu.memory_space<hbm>>
      %dma_wait3A_226 = arith.constant 0 : i32
      %dma_wait3A_227 = arith.constant 0 : i32
      %dma_wait3A_228 = tpu.memref_slice %arg5[%dma_wait3A_226, %dma_wait3A_227] : memref<64x1000000xf32, #tpu.memory_space<hbm>> -> memref<64x512xf32, #tpu.memory_space<hbm>>
      tpu.wait_dma2 semaphore(%arg17 : memref<!tpu.dma_semaphore, #tpu.memory_space<semaphore_mem>>) src(%dma_wait3A_228 : memref<64x512xf32, #tpu.memory_space<hbm>>) dst(%arg12 : memref<64x512xf32, #tpu.memory_space<vmem>>)
      %mul3A_229 = arith.constant 512 : i32
      %mul3A_230 = arith.muli %add3A_222, %mul3A_229 : i32
      %min3A_231 = arith.constant 999552 : i32
      %min3A_232 = arith.minsi %mul3A_230, %min3A_231 : i32
      %while3A_233 = arith.constant 0 : i32
      %while3A_234 = arith.subi %shift_right_arithmetic3A_134, %while3A_233 : i32
      %while3A_235 = arith.addi %while3A_233, %while3A_234 : i32
      %while3A_236 = arith.constant 1 : i32
      %while3A_237 = arith.divsi %while3A_234, %while3A_236 : i32
      %while3A_238 = arith.muli %while3A_237, %while3A_236 : i32
      %while3A_239 = arith.addi %while3A_233, %while3A_238 : i32
      %while3A_240 = arith.constant 1 : i32
      %while3A_241:2 = scf.for %while3A_262 = %while3A_233 to %while3A_239 step %while3A_240 iter_args(%while3A_263 = %while3A_196#0, %while3A_264 = %while3A_196#1) -> (i32, vector<16xi32>)  : i32 {
        %mul3A_265 = arith.constant 16 : i32
        %mul3A_266 = arith.muli %while3A_262, %mul3A_265 : i32
        %get3A = arith.index_cast %mul3A_266 : i32 to index
        %get3A_267 = tpu.vector_load %arg9[%get3A] {strides = array<i32>} : memref<16400xi32, #tpu.memory_space<vmem>>, vector<16xi32>,
        %mul3A_268 = arith.constant 16 : i32
        %mul3A_269 = arith.muli %while3A_262, %mul3A_268 : i32
        %get3A_270 = arith.index_cast %mul3A_269 : i32 to index
        %get3A_271 = tpu.vector_load %arg10[%get3A_270] {strides = array<i32>} : memref<16400xi32, #tpu.memory_space<vmem>>, vector<16xi32>,
        %mul3A_272 = arith.constant 16 : i32
        %mul3A_273 = arith.muli %while3A_262, %mul3A_272 : i32
        %add3A_274 = vector.broadcast %mul3A_273 : i32 to vector<16xi32>
        %add3A_275 = arith.addi %add3A_274, %iota3A : vector<16xi32>
        %lt3A = vector.broadcast %scan3A_127 : i32 to vector<16xi32>
        %lt3A_276 = arith.cmpi slt, %add3A_275, %lt3A : vector<16xi32>
        %shift_right_arithmetic3A_277 = arith.constant 9 : i32
        %shift_right_arithmetic3A_278 = vector.broadcast %shift_right_arithmetic3A_277 : i32 to vector<16xi32>
        %shift_right_arithmetic3A_279 = arith.shrsi %get3A_267, %shift_right_arithmetic3A_278 : vector<16xi32>
        %eq3A = vector.broadcast %add3A_222 : i32 to vector<16xi32>
        %eq3A_280 = arith.cmpi eq, %shift_right_arithmetic3A_279, %eq3A : vector<16xi32>
        %and3A = arith.andi %eq3A_280, %lt3A_276 : vector<16xi1>
        %sub3A_281 = vector.broadcast %min3A_232 : i32 to vector<16xi32>
        %sub3A_282 = arith.subi %get3A_267, %sub3A_281 : vector<16xi32>
        %swap3A = arith.constant 0 : index
        %swap3A_283 = tpu.vector_load %arg13[%swap3A] masked %and3A {strides = array<i32>} : memref<16xi32, #tpu.memory_space<vmem>>, vector<16xi32>, vector<16xi1>
        tpu.vector_store %arg13[%swap3A], %sub3A_282 masked %and3A {strides = array<i32>} : memref<16xi32, #tpu.memory_space<vmem>>, vector<16xi32>, vector<16xi1>
        %swap3A_284 = arith.constant 0 : index
        %swap3A_285 = tpu.vector_load %arg14[%swap3A_284] masked %and3A {strides = array<i32>} : memref<16xi32, #tpu.memory_space<vmem>>, vector<16xi32>, vector<16xi1>
        tpu.vector_store %arg14[%swap3A_284], %get3A_271 masked %and3A {strides = array<i32>} : memref<16xi32, #tpu.memory_space<vmem>>, vector<16xi32>, vector<16xi1>
        %all_reduce_population_count3A = tpu.all_reduce %and3A {dim = 0 : i64, kind = #tpu.reduction_kind<sum>} : vector<16xi1> -> vector<16xi32>
        %slice3A = vector.extract_strided_slice %all_reduce_population_count3A {offsets = [0], sizes = [1], strides = [1]} : vector<16xi32> to vector<1xi32>
        %squeeze3A = vector.extract %slice3A[0] : i32 from vector<1xi32>
        %while3A_286 = arith.constant 0 : i32
        %while3A_287 = arith.subi %squeeze3A, %while3A_286 : i32
        %while3A_288 = arith.addi %while3A_286, %while3A_287 : i32
        %while3A_289 = arith.constant 1 : i32
        %while3A_290 = arith.divsi %while3A_287, %while3A_289 : i32
        %while3A_291 = arith.muli %while3A_290, %while3A_289 : i32
        %while3A_292 = arith.addi %while3A_286, %while3A_291 : i32
        %while3A_293 = arith.constant 1 : i32
        %while3A_294:2 = scf.for %while3A_297 = %while3A_286 to %while3A_292 step %while3A_293 iter_args(%while3A_298 = %while3A_263, %while3A_299 = %while3A_264) -> (i32, vector<16xi32>)  : i32 {
          %broadcast_in_dim3A = vector.broadcast %while3A_297 : i32 to vector<16xi32>
          %gather3A = tpu.vector_load_idx %arg13[%broadcast_in_dim3A] : memref<16xi32, #tpu.memory_space<vmem>>[vector<16xi32>], vector<16xi32>,
          %gather3A_300 = tpu.vector_load_idx %arg14[%broadcast_in_dim3A] : memref<16xi32, #tpu.memory_space<vmem>>[vector<16xi32>], vector<16xi32>,
          %and3A_301 = arith.constant 15 : i32
          %and3A_302 = arith.andi %while3A_298, %and3A_301 : i32
          %gather3A_303 = tpu.vector_load_idx %arg12[%add3A_16, %gather3A] : memref<64x512xf32, #tpu.memory_space<vmem>>[vector<16xi32>, vector<16xi32>], vector<16xf32>,
          %swap3A_304 = arith.index_cast %and3A_302 : i32 to index
          %swap3A_305 = arith.constant 0 : index
          %swap3A_306 = tpu.vector_load %arg15[%swap3A_304, %swap3A_305] {strides = array<i32>} : memref<16x128xf32, #tpu.memory_space<vmem>>, vector<16xf32>,
          tpu.vector_store %arg15[%swap3A_304, %swap3A_305], %gather3A_303 {strides = array<i32>} : memref<16x128xf32, #tpu.memory_space<vmem>>, vector<16xf32>,
          %gather3A_307 = tpu.vector_load_idx %arg12[%add3A_19, %gather3A] : memref<64x512xf32, #tpu.memory_space<vmem>>[vector<16xi32>, vector<16xi32>], vector<16xf32>,
          %swap3A_308 = arith.index_cast %and3A_302 : i32 to index
          %swap3A_309 = arith.constant 16 : index
          %swap3A_310 = tpu.vector_load %arg15[%swap3A_308, %swap3A_309] {strides = array<i32>} : memref<16x128xf32, #tpu.memory_space<vmem>>, vector<16xf32>,
          tpu.vector_store %arg15[%swap3A_308, %swap3A_309], %gather3A_307 {strides = array<i32>} : memref<16x128xf32, #tpu.memory_space<vmem>>, vector<16xf32>,
          %gather3A_311 = tpu.vector_load_idx %arg12[%add3A_22, %gather3A] : memref<64x512xf32, #tpu.memory_space<vmem>>[vector<16xi32>, vector<16xi32>], vector<16xf32>,
          %swap3A_312 = arith.index_cast %and3A_302 : i32 to index
          %swap3A_313 = arith.constant 32 : index
          %swap3A_314 = tpu.vector_load %arg15[%swap3A_312, %swap3A_313] {strides = array<i32>} : memref<16x128xf32, #tpu.memory_space<vmem>>, vector<16xf32>,
          tpu.vector_store %arg15[%swap3A_312, %swap3A_313], %gather3A_311 {strides = array<i32>} : memref<16x128xf32, #tpu.memory_space<vmem>>, vector<16xf32>,
          %gather3A_315 = tpu.vector_load_idx %arg12[%add3A_25, %gather3A] : memref<64x512xf32, #tpu.memory_space<vmem>>[vector<16xi32>, vector<16xi32>], vector<16xf32>,
          %swap3A_316 = arith.index_cast %and3A_302 : i32 to index
          %swap3A_317 = arith.constant 48 : index
          %swap3A_318 = tpu.vector_load %arg15[%swap3A_316, %swap3A_317] {strides = array<i32>} : memref<16x128xf32, #tpu.memory_space<vmem>>, vector<16xf32>,
          tpu.vector_store %arg15[%swap3A_316, %swap3A_317], %gather3A_315 {strides = array<i32>} : memref<16x128xf32, #tpu.memory_space<vmem>>, vector<16xf32>,
          %eq3A_319 = vector.broadcast %and3A_302 : i32 to vector<16xi32>
          %eq3A_320 = arith.cmpi eq, %iota3A, %eq3A_319 : vector<16xi32>
          %select_n3A = arith.select %eq3A_320, %gather3A_300, %while3A_299 : vector<16xi1>, vector<16xi32>
          %add3A_321 = arith.constant 1 : i32
          %add3A_322 = arith.addi %while3A_298, %add3A_321 : i32
          %and3A_323 = arith.constant 15 : i32
          %and3A_324 = arith.andi %add3A_322, %and3A_323 : i32
          %eq3A_325 = arith.constant 0 : i32
          %eq3A_326 = arith.cmpi eq, %and3A_324, %eq3A_325 : i32
          %convert_element_type3A = arith.extui %eq3A_326 : i1 to i32
          %cond3A = arith.constant 0 : i32
          %cond3A_327 = arith.cmpi ne, %convert_element_type3A, %cond3A : i32
          scf.if %cond3A_327 {
            %dma_start3A_330 = arith.constant 0 : i32
            %dma_start3A_331 = arith.constant 0 : i32
            %dma_start3A_332 = tpu.memref_slice %arg7[%dma_start3A_330, %dma_start3A_331] : memref<16896x128xf32, #tpu.memory_space<hbm>> -> memref<16896x128xf32, #tpu.memory_space<hbm>>
            tpu.enqueue_indirect_dma source(%arg15 : memref<16x128xf32, #tpu.memory_space<vmem>>) target(%dma_start3A_332 : memref<16896x128xf32, #tpu.memory_space<hbm>>) offsets(%select_n3A : vector<16xi32>) semaphore(%arg18 : memref<!tpu.dma_semaphore, #tpu.memory_space<semaphore_mem>>)
            %dma_wait3A_333 = arith.constant 0 : i32
            %dma_wait3A_334 = arith.constant 0 : i32
            %dma_wait3A_335 = tpu.memref_slice %arg7[%dma_wait3A_333, %dma_wait3A_334] : memref<16896x128xf32, #tpu.memory_space<hbm>> -> memref<16896x128xf32, #tpu.memory_space<hbm>>
            tpu.wait_indirect_dma semaphore(%arg18 : memref<!tpu.dma_semaphore, #tpu.memory_space<semaphore_mem>>) src(%arg15 : memref<16x128xf32, #tpu.memory_space<vmem>>) dst(%dma_wait3A_335 : memref<16896x128xf32, #tpu.memory_space<hbm>>)
          } else {
          }
          %broadcast_in_dim3A_328 = vector.broadcast %eq3A_326 : i1 to vector<16xi1>
          %select_n3A_329 = arith.select %broadcast_in_dim3A_328, %add3A_31, %select_n3A : vector<16xi1>, vector<16xi32>
          scf.yield %add3A_322, %select_n3A_329 : i32, vector<16xi32>
        }
        %while3A_295 = arith.constant 1 : i32
        %while3A_296:2 = scf.for %while3A_297 = %while3A_292 to %while3A_288 step %while3A_295 iter_args(%while3A_298 = %while3A_294#0, %while3A_299 = %while3A_294#1) -> (i32, vector<16xi32>)  : i32 {
          %broadcast_in_dim3A = vector.broadcast %while3A_297 : i32 to vector<16xi32>
          %gather3A = tpu.vector_load_idx %arg13[%broadcast_in_dim3A] : memref<16xi32, #tpu.memory_space<vmem>>[vector<16xi32>], vector<16xi32>,
          %gather3A_300 = tpu.vector_load_idx %arg14[%broadcast_in_dim3A] : memref<16xi32, #tpu.memory_space<vmem>>[vector<16xi32>], vector<16xi32>,
          %and3A_301 = arith.constant 15 : i32
          %and3A_302 = arith.andi %while3A_298, %and3A_301 : i32
          %gather3A_303 = tpu.vector_load_idx %arg12[%add3A_16, %gather3A] : memref<64x512xf32, #tpu.memory_space<vmem>>[vector<16xi32>, vector<16xi32>], vector<16xf32>,
          %swap3A_304 = arith.index_cast %and3A_302 : i32 to index
          %swap3A_305 = arith.constant 0 : index
          %swap3A_306 = tpu.vector_load %arg15[%swap3A_304, %swap3A_305] {strides = array<i32>} : memref<16x128xf32, #tpu.memory_space<vmem>>, vector<16xf32>,
          tpu.vector_store %arg15[%swap3A_304, %swap3A_305], %gather3A_303 {strides = array<i32>} : memref<16x128xf32, #tpu.memory_space<vmem>>, vector<16xf32>,
          %gather3A_307 = tpu.vector_load_idx %arg12[%add3A_19, %gather3A] : memref<64x512xf32, #tpu.memory_space<vmem>>[vector<16xi32>, vector<16xi32>], vector<16xf32>,
          %swap3A_308 = arith.index_cast %and3A_302 : i32 to index
          %swap3A_309 = arith.constant 16 : index
          %swap3A_310 = tpu.vector_load %arg15[%swap3A_308, %swap3A_309] {strides = array<i32>} : memref<16x128xf32, #tpu.memory_space<vmem>>, vector<16xf32>,
          tpu.vector_store %arg15[%swap3A_308, %swap3A_309], %gather3A_307 {strides = array<i32>} : memref<16x128xf32, #tpu.memory_space<vmem>>, vector<16xf32>,
          %gather3A_311 = tpu.vector_load_idx %arg12[%add3A_22, %gather3A] : memref<64x512xf32, #tpu.memory_space<vmem>>[vector<16xi32>, vector<16xi32>], vector<16xf32>,
          %swap3A_312 = arith.index_cast %and3A_302 : i32 to index
          %swap3A_313 = arith.constant 32 : index
          %swap3A_314 = tpu.vector_load %arg15[%swap3A_312, %swap3A_313] {strides = array<i32>} : memref<16x128xf32, #tpu.memory_space<vmem>>, vector<16xf32>,
          tpu.vector_store %arg15[%swap3A_312, %swap3A_313], %gather3A_311 {strides = array<i32>} : memref<16x128xf32, #tpu.memory_space<vmem>>, vector<16xf32>,
          %gather3A_315 = tpu.vector_load_idx %arg12[%add3A_25, %gather3A] : memref<64x512xf32, #tpu.memory_space<vmem>>[vector<16xi32>, vector<16xi32>], vector<16xf32>,
          %swap3A_316 = arith.index_cast %and3A_302 : i32 to index
          %swap3A_317 = arith.constant 48 : index
          %swap3A_318 = tpu.vector_load %arg15[%swap3A_316, %swap3A_317] {strides = array<i32>} : memref<16x128xf32, #tpu.memory_space<vmem>>, vector<16xf32>,
          tpu.vector_store %arg15[%swap3A_316, %swap3A_317], %gather3A_315 {strides = array<i32>} : memref<16x128xf32, #tpu.memory_space<vmem>>, vector<16xf32>,
          %eq3A_319 = vector.broadcast %and3A_302 : i32 to vector<16xi32>
          %eq3A_320 = arith.cmpi eq, %iota3A, %eq3A_319 : vector<16xi32>
          %select_n3A = arith.select %eq3A_320, %gather3A_300, %while3A_299 : vector<16xi1>, vector<16xi32>
          %add3A_321 = arith.constant 1 : i32
          %add3A_322 = arith.addi %while3A_298, %add3A_321 : i32
          %and3A_323 = arith.constant 15 : i32
          %and3A_324 = arith.andi %add3A_322, %and3A_323 : i32
          %eq3A_325 = arith.constant 0 : i32
          %eq3A_326 = arith.cmpi eq, %and3A_324, %eq3A_325 : i32
          %convert_element_type3A = arith.extui %eq3A_326 : i1 to i32
          %cond3A = arith.constant 0 : i32
          %cond3A_327 = arith.cmpi ne, %convert_element_type3A, %cond3A : i32
          scf.if %cond3A_327 {
            %dma_start3A_330 = arith.constant 0 : i32
            %dma_start3A_331 = arith.constant 0 : i32
            %dma_start3A_332 = tpu.memref_slice %arg7[%dma_start3A_330, %dma_start3A_331] : memref<16896x128xf32, #tpu.memory_space<hbm>> -> memref<16896x128xf32, #tpu.memory_space<hbm>>
            tpu.enqueue_indirect_dma source(%arg15 : memref<16x128xf32, #tpu.memory_space<vmem>>) target(%dma_start3A_332 : memref<16896x128xf32, #tpu.memory_space<hbm>>) offsets(%select_n3A : vector<16xi32>) semaphore(%arg18 : memref<!tpu.dma_semaphore, #tpu.memory_space<semaphore_mem>>)
            %dma_wait3A_333 = arith.constant 0 : i32
            %dma_wait3A_334 = arith.constant 0 : i32
            %dma_wait3A_335 = tpu.memref_slice %arg7[%dma_wait3A_333, %dma_wait3A_334] : memref<16896x128xf32, #tpu.memory_space<hbm>> -> memref<16896x128xf32, #tpu.memory_space<hbm>>
            tpu.wait_indirect_dma semaphore(%arg18 : memref<!tpu.dma_semaphore, #tpu.memory_space<semaphore_mem>>) src(%arg15 : memref<16x128xf32, #tpu.memory_space<vmem>>) dst(%dma_wait3A_335 : memref<16896x128xf32, #tpu.memory_space<hbm>>)
          } else {
          }
          %broadcast_in_dim3A_328 = vector.broadcast %eq3A_326 : i1 to vector<16xi1>
          %select_n3A_329 = arith.select %broadcast_in_dim3A_328, %add3A_31, %select_n3A : vector<16xi1>, vector<16xi32>
          scf.yield %add3A_322, %select_n3A_329 : i32, vector<16xi32>
        }
        scf.yield %while3A_296#0, %while3A_296#1 : i32, vector<16xi32>
      }
      %while3A_242 = arith.constant 1 : i32
      %while3A_243:2 = scf.for %while3A_262 = %while3A_239 to %while3A_235 step %while3A_242 iter_args(%while3A_263 = %while3A_241#0, %while3A_264 = %while3A_241#1) -> (i32, vector<16xi32>)  : i32 {
        %mul3A_265 = arith.constant 16 : i32
        %mul3A_266 = arith.muli %while3A_262, %mul3A_265 : i32
        %get3A = arith.index_cast %mul3A_266 : i32 to index
        %get3A_267 = tpu.vector_load %arg9[%get3A] {strides = array<i32>} : memref<16400xi32, #tpu.memory_space<vmem>>, vector<16xi32>,
        %mul3A_268 = arith.constant 16 : i32
        %mul3A_269 = arith.muli %while3A_262, %mul3A_268 : i32
        %get3A_270 = arith.index_cast %mul3A_269 : i32 to index
        %get3A_271 = tpu.vector_load %arg10[%get3A_270] {strides = array<i32>} : memref<16400xi32, #tpu.memory_space<vmem>>, vector<16xi32>,
        %mul3A_272 = arith.constant 16 : i32
        %mul3A_273 = arith.muli %while3A_262, %mul3A_272 : i32
        %add3A_274 = vector.broadcast %mul3A_273 : i32 to vector<16xi32>
        %add3A_275 = arith.addi %add3A_274, %iota3A : vector<16xi32>
        %lt3A = vector.broadcast %scan3A_127 : i32 to vector<16xi32>
        %lt3A_276 = arith.cmpi slt, %add3A_275, %lt3A : vector<16xi32>
        %shift_right_arithmetic3A_277 = arith.constant 9 : i32
        %shift_right_arithmetic3A_278 = vector.broadcast %shift_right_arithmetic3A_277 : i32 to vector<16xi32>
        %shift_right_arithmetic3A_279 = arith.shrsi %get3A_267, %shift_right_arithmetic3A_278 : vector<16xi32>
        %eq3A = vector.broadcast %add3A_222 : i32 to vector<16xi32>
        %eq3A_280 = arith.cmpi eq, %shift_right_arithmetic3A_279, %eq3A : vector<16xi32>
        %and3A = arith.andi %eq3A_280, %lt3A_276 : vector<16xi1>
        %sub3A_281 = vector.broadcast %min3A_232 : i32 to vector<16xi32>
        %sub3A_282 = arith.subi %get3A_267, %sub3A_281 : vector<16xi32>
        %swap3A = arith.constant 0 : index
        %swap3A_283 = tpu.vector_load %arg13[%swap3A] masked %and3A {strides = array<i32>} : memref<16xi32, #tpu.memory_space<vmem>>, vector<16xi32>, vector<16xi1>
        tpu.vector_store %arg13[%swap3A], %sub3A_282 masked %and3A {strides = array<i32>} : memref<16xi32, #tpu.memory_space<vmem>>, vector<16xi32>, vector<16xi1>
        %swap3A_284 = arith.constant 0 : index
        %swap3A_285 = tpu.vector_load %arg14[%swap3A_284] masked %and3A {strides = array<i32>} : memref<16xi32, #tpu.memory_space<vmem>>, vector<16xi32>, vector<16xi1>
        tpu.vector_store %arg14[%swap3A_284], %get3A_271 masked %and3A {strides = array<i32>} : memref<16xi32, #tpu.memory_space<vmem>>, vector<16xi32>, vector<16xi1>
        %all_reduce_population_count3A = tpu.all_reduce %and3A {dim = 0 : i64, kind = #tpu.reduction_kind<sum>} : vector<16xi1> -> vector<16xi32>
        %slice3A = vector.extract_strided_slice %all_reduce_population_count3A {offsets = [0], sizes = [1], strides = [1]} : vector<16xi32> to vector<1xi32>
        %squeeze3A = vector.extract %slice3A[0] : i32 from vector<1xi32>
        %while3A_286 = arith.constant 0 : i32
        %while3A_287 = arith.subi %squeeze3A, %while3A_286 : i32
        %while3A_288 = arith.addi %while3A_286, %while3A_287 : i32
        %while3A_289 = arith.constant 1 : i32
        %while3A_290 = arith.divsi %while3A_287, %while3A_289 : i32
        %while3A_291 = arith.muli %while3A_290, %while3A_289 : i32
        %while3A_292 = arith.addi %while3A_286, %while3A_291 : i32
        %while3A_293 = arith.constant 1 : i32
        %while3A_294:2 = scf.for %while3A_297 = %while3A_286 to %while3A_292 step %while3A_293 iter_args(%while3A_298 = %while3A_263, %while3A_299 = %while3A_264) -> (i32, vector<16xi32>)  : i32 {
          %broadcast_in_dim3A = vector.broadcast %while3A_297 : i32 to vector<16xi32>
          %gather3A = tpu.vector_load_idx %arg13[%broadcast_in_dim3A] : memref<16xi32, #tpu.memory_space<vmem>>[vector<16xi32>], vector<16xi32>,
          %gather3A_300 = tpu.vector_load_idx %arg14[%broadcast_in_dim3A] : memref<16xi32, #tpu.memory_space<vmem>>[vector<16xi32>], vector<16xi32>,
          %and3A_301 = arith.constant 15 : i32
          %and3A_302 = arith.andi %while3A_298, %and3A_301 : i32
          %gather3A_303 = tpu.vector_load_idx %arg12[%add3A_16, %gather3A] : memref<64x512xf32, #tpu.memory_space<vmem>>[vector<16xi32>, vector<16xi32>], vector<16xf32>,
          %swap3A_304 = arith.index_cast %and3A_302 : i32 to index
          %swap3A_305 = arith.constant 0 : index
          %swap3A_306 = tpu.vector_load %arg15[%swap3A_304, %swap3A_305] {strides = array<i32>} : memref<16x128xf32, #tpu.memory_space<vmem>>, vector<16xf32>,
          tpu.vector_store %arg15[%swap3A_304, %swap3A_305], %gather3A_303 {strides = array<i32>} : memref<16x128xf32, #tpu.memory_space<vmem>>, vector<16xf32>,
          %gather3A_307 = tpu.vector_load_idx %arg12[%add3A_19, %gather3A] : memref<64x512xf32, #tpu.memory_space<vmem>>[vector<16xi32>, vector<16xi32>], vector<16xf32>,
          %swap3A_308 = arith.index_cast %and3A_302 : i32 to index
          %swap3A_309 = arith.constant 16 : index
          %swap3A_310 = tpu.vector_load %arg15[%swap3A_308, %swap3A_309] {strides = array<i32>} : memref<16x128xf32, #tpu.memory_space<vmem>>, vector<16xf32>,
          tpu.vector_store %arg15[%swap3A_308, %swap3A_309], %gather3A_307 {strides = array<i32>} : memref<16x128xf32, #tpu.memory_space<vmem>>, vector<16xf32>,
          %gather3A_311 = tpu.vector_load_idx %arg12[%add3A_22, %gather3A] : memref<64x512xf32, #tpu.memory_space<vmem>>[vector<16xi32>, vector<16xi32>], vector<16xf32>,
          %swap3A_312 = arith.index_cast %and3A_302 : i32 to index
          %swap3A_313 = arith.constant 32 : index
          %swap3A_314 = tpu.vector_load %arg15[%swap3A_312, %swap3A_313] {strides = array<i32>} : memref<16x128xf32, #tpu.memory_space<vmem>>, vector<16xf32>,
          tpu.vector_store %arg15[%swap3A_312, %swap3A_313], %gather3A_311 {strides = array<i32>} : memref<16x128xf32, #tpu.memory_space<vmem>>, vector<16xf32>,
          %gather3A_315 = tpu.vector_load_idx %arg12[%add3A_25, %gather3A] : memref<64x512xf32, #tpu.memory_space<vmem>>[vector<16xi32>, vector<16xi32>], vector<16xf32>,
          %swap3A_316 = arith.index_cast %and3A_302 : i32 to index
          %swap3A_317 = arith.constant 48 : index
          %swap3A_318 = tpu.vector_load %arg15[%swap3A_316, %swap3A_317] {strides = array<i32>} : memref<16x128xf32, #tpu.memory_space<vmem>>, vector<16xf32>,
          tpu.vector_store %arg15[%swap3A_316, %swap3A_317], %gather3A_315 {strides = array<i32>} : memref<16x128xf32, #tpu.memory_space<vmem>>, vector<16xf32>,
          %eq3A_319 = vector.broadcast %and3A_302 : i32 to vector<16xi32>
          %eq3A_320 = arith.cmpi eq, %iota3A, %eq3A_319 : vector<16xi32>
          %select_n3A = arith.select %eq3A_320, %gather3A_300, %while3A_299 : vector<16xi1>, vector<16xi32>
          %add3A_321 = arith.constant 1 : i32
          %add3A_322 = arith.addi %while3A_298, %add3A_321 : i32
          %and3A_323 = arith.constant 15 : i32
          %and3A_324 = arith.andi %add3A_322, %and3A_323 : i32
          %eq3A_325 = arith.constant 0 : i32
          %eq3A_326 = arith.cmpi eq, %and3A_324, %eq3A_325 : i32
          %convert_element_type3A = arith.extui %eq3A_326 : i1 to i32
          %cond3A = arith.constant 0 : i32
          %cond3A_327 = arith.cmpi ne, %convert_element_type3A, %cond3A : i32
          scf.if %cond3A_327 {
            %dma_start3A_330 = arith.constant 0 : i32
            %dma_start3A_331 = arith.constant 0 : i32
            %dma_start3A_332 = tpu.memref_slice %arg7[%dma_start3A_330, %dma_start3A_331] : memref<16896x128xf32, #tpu.memory_space<hbm>> -> memref<16896x128xf32, #tpu.memory_space<hbm>>
            tpu.enqueue_indirect_dma source(%arg15 : memref<16x128xf32, #tpu.memory_space<vmem>>) target(%dma_start3A_332 : memref<16896x128xf32, #tpu.memory_space<hbm>>) offsets(%select_n3A : vector<16xi32>) semaphore(%arg18 : memref<!tpu.dma_semaphore, #tpu.memory_space<semaphore_mem>>)
            %dma_wait3A_333 = arith.constant 0 : i32
            %dma_wait3A_334 = arith.constant 0 : i32
            %dma_wait3A_335 = tpu.memref_slice %arg7[%dma_wait3A_333, %dma_wait3A_334] : memref<16896x128xf32, #tpu.memory_space<hbm>> -> memref<16896x128xf32, #tpu.memory_space<hbm>>
            tpu.wait_indirect_dma semaphore(%arg18 : memref<!tpu.dma_semaphore, #tpu.memory_space<semaphore_mem>>) src(%arg15 : memref<16x128xf32, #tpu.memory_space<vmem>>) dst(%dma_wait3A_335 : memref<16896x128xf32, #tpu.memory_space<hbm>>)
          } else {
          }
          %broadcast_in_dim3A_328 = vector.broadcast %eq3A_326 : i1 to vector<16xi1>
          %select_n3A_329 = arith.select %broadcast_in_dim3A_328, %add3A_31, %select_n3A : vector<16xi1>, vector<16xi32>
          scf.yield %add3A_322, %select_n3A_329 : i32, vector<16xi32>
        }
        %while3A_295 = arith.constant 1 : i32
        %while3A_296:2 = scf.for %while3A_297 = %while3A_292 to %while3A_288 step %while3A_295 iter_args(%while3A_298 = %while3A_294#0, %while3A_299 = %while3A_294#1) -> (i32, vector<16xi32>)  : i32 {
          %broadcast_in_dim3A = vector.broadcast %while3A_297 : i32 to vector<16xi32>
          %gather3A = tpu.vector_load_idx %arg13[%broadcast_in_dim3A] : memref<16xi32, #tpu.memory_space<vmem>>[vector<16xi32>], vector<16xi32>,
          %gather3A_300 = tpu.vector_load_idx %arg14[%broadcast_in_dim3A] : memref<16xi32, #tpu.memory_space<vmem>>[vector<16xi32>], vector<16xi32>,
          %and3A_301 = arith.constant 15 : i32
          %and3A_302 = arith.andi %while3A_298, %and3A_301 : i32
          %gather3A_303 = tpu.vector_load_idx %arg12[%add3A_16, %gather3A] : memref<64x512xf32, #tpu.memory_space<vmem>>[vector<16xi32>, vector<16xi32>], vector<16xf32>,
          %swap3A_304 = arith.index_cast %and3A_302 : i32 to index
          %swap3A_305 = arith.constant 0 : index
          %swap3A_306 = tpu.vector_load %arg15[%swap3A_304, %swap3A_305] {strides = array<i32>} : memref<16x128xf32, #tpu.memory_space<vmem>>, vector<16xf32>,
          tpu.vector_store %arg15[%swap3A_304, %swap3A_305], %gather3A_303 {strides = array<i32>} : memref<16x128xf32, #tpu.memory_space<vmem>>, vector<16xf32>,
          %gather3A_307 = tpu.vector_load_idx %arg12[%add3A_19, %gather3A] : memref<64x512xf32, #tpu.memory_space<vmem>>[vector<16xi32>, vector<16xi32>], vector<16xf32>,
          %swap3A_308 = arith.index_cast %and3A_302 : i32 to index
          %swap3A_309 = arith.constant 16 : index
          %swap3A_310 = tpu.vector_load %arg15[%swap3A_308, %swap3A_309] {strides = array<i32>} : memref<16x128xf32, #tpu.memory_space<vmem>>, vector<16xf32>,
          tpu.vector_store %arg15[%swap3A_308, %swap3A_309], %gather3A_307 {strides = array<i32>} : memref<16x128xf32, #tpu.memory_space<vmem>>, vector<16xf32>,
          %gather3A_311 = tpu.vector_load_idx %arg12[%add3A_22, %gather3A] : memref<64x512xf32, #tpu.memory_space<vmem>>[vector<16xi32>, vector<16xi32>], vector<16xf32>,
          %swap3A_312 = arith.index_cast %and3A_302 : i32 to index
          %swap3A_313 = arith.constant 32 : index
          %swap3A_314 = tpu.vector_load %arg15[%swap3A_312, %swap3A_313] {strides = array<i32>} : memref<16x128xf32, #tpu.memory_space<vmem>>, vector<16xf32>,
          tpu.vector_store %arg15[%swap3A_312, %swap3A_313], %gather3A_311 {strides = array<i32>} : memref<16x128xf32, #tpu.memory_space<vmem>>, vector<16xf32>,
          %gather3A_315 = tpu.vector_load_idx %arg12[%add3A_25, %gather3A] : memref<64x512xf32, #tpu.memory_space<vmem>>[vector<16xi32>, vector<16xi32>], vector<16xf32>,
          %swap3A_316 = arith.index_cast %and3A_302 : i32 to index
          %swap3A_317 = arith.constant 48 : index
          %swap3A_318 = tpu.vector_load %arg15[%swap3A_316, %swap3A_317] {strides = array<i32>} : memref<16x128xf32, #tpu.memory_space<vmem>>, vector<16xf32>,
          tpu.vector_store %arg15[%swap3A_316, %swap3A_317], %gather3A_315 {strides = array<i32>} : memref<16x128xf32, #tpu.memory_space<vmem>>, vector<16xf32>,
          %eq3A_319 = vector.broadcast %and3A_302 : i32 to vector<16xi32>
          %eq3A_320 = arith.cmpi eq, %iota3A, %eq3A_319 : vector<16xi32>
          %select_n3A = arith.select %eq3A_320, %gather3A_300, %while3A_299 : vector<16xi1>, vector<16xi32>
          %add3A_321 = arith.constant 1 : i32
          %add3A_322 = arith.addi %while3A_298, %add3A_321 : i32
          %and3A_323 = arith.constant 15 : i32
          %and3A_324 = arith.andi %add3A_322, %and3A_323 : i32
          %eq3A_325 = arith.constant 0 : i32
          %eq3A_326 = arith.cmpi eq, %and3A_324, %eq3A_325 : i32
          %convert_element_type3A = arith.extui %eq3A_326 : i1 to i32
          %cond3A = arith.constant 0 : i32
          %cond3A_327 = arith.cmpi ne, %convert_element_type3A, %cond3A : i32
          scf.if %cond3A_327 {
            %dma_start3A_330 = arith.constant 0 : i32
            %dma_start3A_331 = arith.constant 0 : i32
            %dma_start3A_332 = tpu.memref_slice %arg7[%dma_start3A_330, %dma_start3A_331] : memref<16896x128xf32, #tpu.memory_space<hbm>> -> memref<16896x128xf32, #tpu.memory_space<hbm>>
            tpu.enqueue_indirect_dma source(%arg15 : memref<16x128xf32, #tpu.memory_space<vmem>>) target(%dma_start3A_332 : memref<16896x128xf32, #tpu.memory_space<hbm>>) offsets(%select_n3A : vector<16xi32>) semaphore(%arg18 : memref<!tpu.dma_semaphore, #tpu.memory_space<semaphore_mem>>)
            %dma_wait3A_333 = arith.constant 0 : i32
            %dma_wait3A_334 = arith.constant 0 : i32
            %dma_wait3A_335 = tpu.memref_slice %arg7[%dma_wait3A_333, %dma_wait3A_334] : memref<16896x128xf32, #tpu.memory_space<hbm>> -> memref<16896x128xf32, #tpu.memory_space<hbm>>
            tpu.wait_indirect_dma semaphore(%arg18 : memref<!tpu.dma_semaphore, #tpu.memory_space<semaphore_mem>>) src(%arg15 : memref<16x128xf32, #tpu.memory_space<vmem>>) dst(%dma_wait3A_335 : memref<16896x128xf32, #tpu.memory_space<hbm>>)
          } else {
          }
          %broadcast_in_dim3A_328 = vector.broadcast %eq3A_326 : i1 to vector<16xi1>
          %select_n3A_329 = arith.select %broadcast_in_dim3A_328, %add3A_31, %select_n3A : vector<16xi1>, vector<16xi32>
          scf.yield %add3A_322, %select_n3A_329 : i32, vector<16xi32>
        }
        scf.yield %while3A_296#0, %while3A_296#1 : i32, vector<16xi32>
      }
      %add3A_244 = arith.constant 1 : i32
      %add3A_245 = arith.addi %while3A_165, %add3A_244 : i32
      %mul3A_246 = arith.constant 2 : i32
      %mul3A_247 = arith.muli %mul3A_246, %add3A_245 : i32
      %add3A_248 = arith.constant 1 : i32
      %add3A_249 = arith.addi %mul3A_247, %add3A_248 : i32
      %sub3A_250 = arith.constant 1 : i32
      %sub3A_251 = arith.subi %sub3A, %sub3A_250 : i32
      %min3A_252 = arith.minsi %add3A_249, %sub3A_251 : i32
      %add3A_253 = arith.addi %shift_right_arithmetic3A_3, %min3A_252 : i32
      %mul3A_254 = arith.constant 512 : i32
      %mul3A_255 = arith.muli %add3A_253, %mul3A_254 : i32
      %min3A_256 = arith.constant 999552 : i32
      %min3A_257 = arith.minsi %mul3A_255, %min3A_256 : i32
      %dma_start3A_258 = arith.constant 0 : i32
      %dma_start3A_259 = tpu.memref_slice %arg5[%dma_start3A_258, %min3A_257] : memref<64x1000000xf32, #tpu.memory_space<hbm>> -> memref<64x512xf32, #tpu.memory_space<hbm>>
      %dma_start3A_260 = arith.constant 0 : i32
      %dma_start3A_261 = tpu.memref_slice %arg5[%dma_start3A_260, %min3A_257] : memref<64x1000000xf32, #tpu.memory_space<hbm>> -> memref<64x512xf32, #tpu.memory_space<hbm>>
      tpu.enqueue_dma source(%dma_start3A_261 : memref<64x512xf32, #tpu.memory_space<hbm>>) target(%arg12 : memref<64x512xf32, #tpu.memory_space<vmem>>) target_semaphore(%arg17 : memref<!tpu.dma_semaphore, #tpu.memory_space<semaphore_mem>>)
      scf.yield %while3A_243#0, %while3A_243#1 : i32, vector<16xi32>
    }
    %while3A_145 = arith.constant 1 : i32
    %while3A_146:2 = scf.for %while3A_165 = %while3A_142 to %while3A_138 step %while3A_145 iter_args(%while3A_166 = %while3A_144#0, %while3A_167 = %while3A_144#1) -> (i32, vector<16xi32>)  : i32 {
      %mul3A_168 = arith.constant 2 : i32
      %mul3A_169 = arith.muli %mul3A_168, %while3A_165 : i32
      %add3A_170 = arith.constant 0 : i32
      %add3A_171 = arith.addi %mul3A_169, %add3A_170 : i32
      %sub3A_172 = arith.constant 1 : i32
      %sub3A_173 = arith.subi %sub3A, %sub3A_172 : i32
      %min3A_174 = arith.minsi %add3A_171, %sub3A_173 : i32
      %add3A_175 = arith.addi %shift_right_arithmetic3A_3, %min3A_174 : i32
      %dma_wait3A_176 = arith.constant 0 : i32
      %dma_wait3A_177 = arith.constant 0 : i32
      %dma_wait3A_178 = tpu.memref_slice %arg5[%dma_wait3A_176, %dma_wait3A_177] : memref<64x1000000xf32, #tpu.memory_space<hbm>> -> memref<64x512xf32, #tpu.memory_space<hbm>>
      %dma_wait3A_179 = arith.constant 0 : i32
      %dma_wait3A_180 = arith.constant 0 : i32
      %dma_wait3A_181 = tpu.memref_slice %arg5[%dma_wait3A_179, %dma_wait3A_180] : memref<64x1000000xf32, #tpu.memory_space<hbm>> -> memref<64x512xf32, #tpu.memory_space<hbm>>
      tpu.wait_dma2 semaphore(%arg16 : memref<!tpu.dma_semaphore, #tpu.memory_space<semaphore_mem>>) src(%dma_wait3A_181 : memref<64x512xf32, #tpu.memory_space<hbm>>) dst(%arg11 : memref<64x512xf32, #tpu.memory_space<vmem>>)
      %mul3A_182 = arith.constant 512 : i32
      %mul3A_183 = arith.muli %add3A_175, %mul3A_182 : i32
      %min3A_184 = arith.constant 999552 : i32
      %min3A_185 = arith.minsi %mul3A_183, %min3A_184 : i32
      %while3A_186 = arith.constant 0 : i32
      %while3A_187 = arith.subi %shift_right_arithmetic3A_134, %while3A_186 : i32
      %while3A_188 = arith.addi %while3A_186, %while3A_187 : i32
      %while3A_189 = arith.constant 1 : i32
      %while3A_190 = arith.divsi %while3A_187, %while3A_189 : i32
      %while3A_191 = arith.muli %while3A_190, %while3A_189 : i32
      %while3A_192 = arith.addi %while3A_186, %while3A_191 : i32
      %while3A_193 = arith.constant 1 : i32
      %while3A_194:2 = scf.for %while3A_262 = %while3A_186 to %while3A_192 step %while3A_193 iter_args(%while3A_263 = %while3A_166, %while3A_264 = %while3A_167) -> (i32, vector<16xi32>)  : i32 {
        %mul3A_265 = arith.constant 16 : i32
        %mul3A_266 = arith.muli %while3A_262, %mul3A_265 : i32
        %get3A = arith.index_cast %mul3A_266 : i32 to index
        %get3A_267 = tpu.vector_load %arg9[%get3A] {strides = array<i32>} : memref<16400xi32, #tpu.memory_space<vmem>>, vector<16xi32>,
        %mul3A_268 = arith.constant 16 : i32
        %mul3A_269 = arith.muli %while3A_262, %mul3A_268 : i32
        %get3A_270 = arith.index_cast %mul3A_269 : i32 to index
        %get3A_271 = tpu.vector_load %arg10[%get3A_270] {strides = array<i32>} : memref<16400xi32, #tpu.memory_space<vmem>>, vector<16xi32>,
        %mul3A_272 = arith.constant 16 : i32
        %mul3A_273 = arith.muli %while3A_262, %mul3A_272 : i32
        %add3A_274 = vector.broadcast %mul3A_273 : i32 to vector<16xi32>
        %add3A_275 = arith.addi %add3A_274, %iota3A : vector<16xi32>
        %lt3A = vector.broadcast %scan3A_127 : i32 to vector<16xi32>
        %lt3A_276 = arith.cmpi slt, %add3A_275, %lt3A : vector<16xi32>
        %shift_right_arithmetic3A_277 = arith.constant 9 : i32
        %shift_right_arithmetic3A_278 = vector.broadcast %shift_right_arithmetic3A_277 : i32 to vector<16xi32>
        %shift_right_arithmetic3A_279 = arith.shrsi %get3A_267, %shift_right_arithmetic3A_278 : vector<16xi32>
        %eq3A = vector.broadcast %add3A_175 : i32 to vector<16xi32>
        %eq3A_280 = arith.cmpi eq, %shift_right_arithmetic3A_279, %eq3A : vector<16xi32>
        %and3A = arith.andi %eq3A_280, %lt3A_276 : vector<16xi1>
        %sub3A_281 = vector.broadcast %min3A_185 : i32 to vector<16xi32>
        %sub3A_282 = arith.subi %get3A_267, %sub3A_281 : vector<16xi32>
        %swap3A = arith.constant 0 : index
        %swap3A_283 = tpu.vector_load %arg13[%swap3A] masked %and3A {strides = array<i32>} : memref<16xi32, #tpu.memory_space<vmem>>, vector<16xi32>, vector<16xi1>
        tpu.vector_store %arg13[%swap3A], %sub3A_282 masked %and3A {strides = array<i32>} : memref<16xi32, #tpu.memory_space<vmem>>, vector<16xi32>, vector<16xi1>
        %swap3A_284 = arith.constant 0 : index
        %swap3A_285 = tpu.vector_load %arg14[%swap3A_284] masked %and3A {strides = array<i32>} : memref<16xi32, #tpu.memory_space<vmem>>, vector<16xi32>, vector<16xi1>
        tpu.vector_store %arg14[%swap3A_284], %get3A_271 masked %and3A {strides = array<i32>} : memref<16xi32, #tpu.memory_space<vmem>>, vector<16xi32>, vector<16xi1>
        %all_reduce_population_count3A = tpu.all_reduce %and3A {dim = 0 : i64, kind = #tpu.reduction_kind<sum>} : vector<16xi1> -> vector<16xi32>
        %slice3A = vector.extract_strided_slice %all_reduce_population_count3A {offsets = [0], sizes = [1], strides = [1]} : vector<16xi32> to vector<1xi32>
        %squeeze3A = vector.extract %slice3A[0] : i32 from vector<1xi32>
        %while3A_286 = arith.constant 0 : i32
        %while3A_287 = arith.subi %squeeze3A, %while3A_286 : i32
        %while3A_288 = arith.addi %while3A_286, %while3A_287 : i32
        %while3A_289 = arith.constant 1 : i32
        %while3A_290 = arith.divsi %while3A_287, %while3A_289 : i32
        %while3A_291 = arith.muli %while3A_290, %while3A_289 : i32
        %while3A_292 = arith.addi %while3A_286, %while3A_291 : i32
        %while3A_293 = arith.constant 1 : i32
        %while3A_294:2 = scf.for %while3A_297 = %while3A_286 to %while3A_292 step %while3A_293 iter_args(%while3A_298 = %while3A_263, %while3A_299 = %while3A_264) -> (i32, vector<16xi32>)  : i32 {
          %broadcast_in_dim3A = vector.broadcast %while3A_297 : i32 to vector<16xi32>
          %gather3A = tpu.vector_load_idx %arg13[%broadcast_in_dim3A] : memref<16xi32, #tpu.memory_space<vmem>>[vector<16xi32>], vector<16xi32>,
          %gather3A_300 = tpu.vector_load_idx %arg14[%broadcast_in_dim3A] : memref<16xi32, #tpu.memory_space<vmem>>[vector<16xi32>], vector<16xi32>,
          %and3A_301 = arith.constant 15 : i32
          %and3A_302 = arith.andi %while3A_298, %and3A_301 : i32
          %gather3A_303 = tpu.vector_load_idx %arg11[%add3A_16, %gather3A] : memref<64x512xf32, #tpu.memory_space<vmem>>[vector<16xi32>, vector<16xi32>], vector<16xf32>,
          %swap3A_304 = arith.index_cast %and3A_302 : i32 to index
          %swap3A_305 = arith.constant 0 : index
          %swap3A_306 = tpu.vector_load %arg15[%swap3A_304, %swap3A_305] {strides = array<i32>} : memref<16x128xf32, #tpu.memory_space<vmem>>, vector<16xf32>,
          tpu.vector_store %arg15[%swap3A_304, %swap3A_305], %gather3A_303 {strides = array<i32>} : memref<16x128xf32, #tpu.memory_space<vmem>>, vector<16xf32>,
          %gather3A_307 = tpu.vector_load_idx %arg11[%add3A_19, %gather3A] : memref<64x512xf32, #tpu.memory_space<vmem>>[vector<16xi32>, vector<16xi32>], vector<16xf32>,
          %swap3A_308 = arith.index_cast %and3A_302 : i32 to index
          %swap3A_309 = arith.constant 16 : index
          %swap3A_310 = tpu.vector_load %arg15[%swap3A_308, %swap3A_309] {strides = array<i32>} : memref<16x128xf32, #tpu.memory_space<vmem>>, vector<16xf32>,
          tpu.vector_store %arg15[%swap3A_308, %swap3A_309], %gather3A_307 {strides = array<i32>} : memref<16x128xf32, #tpu.memory_space<vmem>>, vector<16xf32>,
          %gather3A_311 = tpu.vector_load_idx %arg11[%add3A_22, %gather3A] : memref<64x512xf32, #tpu.memory_space<vmem>>[vector<16xi32>, vector<16xi32>], vector<16xf32>,
          %swap3A_312 = arith.index_cast %and3A_302 : i32 to index
          %swap3A_313 = arith.constant 32 : index
          %swap3A_314 = tpu.vector_load %arg15[%swap3A_312, %swap3A_313] {strides = array<i32>} : memref<16x128xf32, #tpu.memory_space<vmem>>, vector<16xf32>,
          tpu.vector_store %arg15[%swap3A_312, %swap3A_313], %gather3A_311 {strides = array<i32>} : memref<16x128xf32, #tpu.memory_space<vmem>>, vector<16xf32>,
          %gather3A_315 = tpu.vector_load_idx %arg11[%add3A_25, %gather3A] : memref<64x512xf32, #tpu.memory_space<vmem>>[vector<16xi32>, vector<16xi32>], vector<16xf32>,
          %swap3A_316 = arith.index_cast %and3A_302 : i32 to index
          %swap3A_317 = arith.constant 48 : index
          %swap3A_318 = tpu.vector_load %arg15[%swap3A_316, %swap3A_317] {strides = array<i32>} : memref<16x128xf32, #tpu.memory_space<vmem>>, vector<16xf32>,
          tpu.vector_store %arg15[%swap3A_316, %swap3A_317], %gather3A_315 {strides = array<i32>} : memref<16x128xf32, #tpu.memory_space<vmem>>, vector<16xf32>,
          %eq3A_319 = vector.broadcast %and3A_302 : i32 to vector<16xi32>
          %eq3A_320 = arith.cmpi eq, %iota3A, %eq3A_319 : vector<16xi32>
          %select_n3A = arith.select %eq3A_320, %gather3A_300, %while3A_299 : vector<16xi1>, vector<16xi32>
          %add3A_321 = arith.constant 1 : i32
          %add3A_322 = arith.addi %while3A_298, %add3A_321 : i32
          %and3A_323 = arith.constant 15 : i32
          %and3A_324 = arith.andi %add3A_322, %and3A_323 : i32
          %eq3A_325 = arith.constant 0 : i32
          %eq3A_326 = arith.cmpi eq, %and3A_324, %eq3A_325 : i32
          %convert_element_type3A = arith.extui %eq3A_326 : i1 to i32
          %cond3A = arith.constant 0 : i32
          %cond3A_327 = arith.cmpi ne, %convert_element_type3A, %cond3A : i32
          scf.if %cond3A_327 {
            %dma_start3A_330 = arith.constant 0 : i32
            %dma_start3A_331 = arith.constant 0 : i32
            %dma_start3A_332 = tpu.memref_slice %arg7[%dma_start3A_330, %dma_start3A_331] : memref<16896x128xf32, #tpu.memory_space<hbm>> -> memref<16896x128xf32, #tpu.memory_space<hbm>>
            tpu.enqueue_indirect_dma source(%arg15 : memref<16x128xf32, #tpu.memory_space<vmem>>) target(%dma_start3A_332 : memref<16896x128xf32, #tpu.memory_space<hbm>>) offsets(%select_n3A : vector<16xi32>) semaphore(%arg18 : memref<!tpu.dma_semaphore, #tpu.memory_space<semaphore_mem>>)
            %dma_wait3A_333 = arith.constant 0 : i32
            %dma_wait3A_334 = arith.constant 0 : i32
            %dma_wait3A_335 = tpu.memref_slice %arg7[%dma_wait3A_333, %dma_wait3A_334] : memref<16896x128xf32, #tpu.memory_space<hbm>> -> memref<16896x128xf32, #tpu.memory_space<hbm>>
            tpu.wait_indirect_dma semaphore(%arg18 : memref<!tpu.dma_semaphore, #tpu.memory_space<semaphore_mem>>) src(%arg15 : memref<16x128xf32, #tpu.memory_space<vmem>>) dst(%dma_wait3A_335 : memref<16896x128xf32, #tpu.memory_space<hbm>>)
          } else {
          }
          %broadcast_in_dim3A_328 = vector.broadcast %eq3A_326 : i1 to vector<16xi1>
          %select_n3A_329 = arith.select %broadcast_in_dim3A_328, %add3A_31, %select_n3A : vector<16xi1>, vector<16xi32>
          scf.yield %add3A_322, %select_n3A_329 : i32, vector<16xi32>
        }
        %while3A_295 = arith.constant 1 : i32
        %while3A_296:2 = scf.for %while3A_297 = %while3A_292 to %while3A_288 step %while3A_295 iter_args(%while3A_298 = %while3A_294#0, %while3A_299 = %while3A_294#1) -> (i32, vector<16xi32>)  : i32 {
          %broadcast_in_dim3A = vector.broadcast %while3A_297 : i32 to vector<16xi32>
          %gather3A = tpu.vector_load_idx %arg13[%broadcast_in_dim3A] : memref<16xi32, #tpu.memory_space<vmem>>[vector<16xi32>], vector<16xi32>,
          %gather3A_300 = tpu.vector_load_idx %arg14[%broadcast_in_dim3A] : memref<16xi32, #tpu.memory_space<vmem>>[vector<16xi32>], vector<16xi32>,
          %and3A_301 = arith.constant 15 : i32
          %and3A_302 = arith.andi %while3A_298, %and3A_301 : i32
          %gather3A_303 = tpu.vector_load_idx %arg11[%add3A_16, %gather3A] : memref<64x512xf32, #tpu.memory_space<vmem>>[vector<16xi32>, vector<16xi32>], vector<16xf32>,
          %swap3A_304 = arith.index_cast %and3A_302 : i32 to index
          %swap3A_305 = arith.constant 0 : index
          %swap3A_306 = tpu.vector_load %arg15[%swap3A_304, %swap3A_305] {strides = array<i32>} : memref<16x128xf32, #tpu.memory_space<vmem>>, vector<16xf32>,
          tpu.vector_store %arg15[%swap3A_304, %swap3A_305], %gather3A_303 {strides = array<i32>} : memref<16x128xf32, #tpu.memory_space<vmem>>, vector<16xf32>,
          %gather3A_307 = tpu.vector_load_idx %arg11[%add3A_19, %gather3A] : memref<64x512xf32, #tpu.memory_space<vmem>>[vector<16xi32>, vector<16xi32>], vector<16xf32>,
          %swap3A_308 = arith.index_cast %and3A_302 : i32 to index
          %swap3A_309 = arith.constant 16 : index
          %swap3A_310 = tpu.vector_load %arg15[%swap3A_308, %swap3A_309] {strides = array<i32>} : memref<16x128xf32, #tpu.memory_space<vmem>>, vector<16xf32>,
          tpu.vector_store %arg15[%swap3A_308, %swap3A_309], %gather3A_307 {strides = array<i32>} : memref<16x128xf32, #tpu.memory_space<vmem>>, vector<16xf32>,
          %gather3A_311 = tpu.vector_load_idx %arg11[%add3A_22, %gather3A] : memref<64x512xf32, #tpu.memory_space<vmem>>[vector<16xi32>, vector<16xi32>], vector<16xf32>,
          %swap3A_312 = arith.index_cast %and3A_302 : i32 to index
          %swap3A_313 = arith.constant 32 : index
          %swap3A_314 = tpu.vector_load %arg15[%swap3A_312, %swap3A_313] {strides = array<i32>} : memref<16x128xf32, #tpu.memory_space<vmem>>, vector<16xf32>,
          tpu.vector_store %arg15[%swap3A_312, %swap3A_313], %gather3A_311 {strides = array<i32>} : memref<16x128xf32, #tpu.memory_space<vmem>>, vector<16xf32>,
          %gather3A_315 = tpu.vector_load_idx %arg11[%add3A_25, %gather3A] : memref<64x512xf32, #tpu.memory_space<vmem>>[vector<16xi32>, vector<16xi32>], vector<16xf32>,
          %swap3A_316 = arith.index_cast %and3A_302 : i32 to index
          %swap3A_317 = arith.constant 48 : index
          %swap3A_318 = tpu.vector_load %arg15[%swap3A_316, %swap3A_317] {strides = array<i32>} : memref<16x128xf32, #tpu.memory_space<vmem>>, vector<16xf32>,
          tpu.vector_store %arg15[%swap3A_316, %swap3A_317], %gather3A_315 {strides = array<i32>} : memref<16x128xf32, #tpu.memory_space<vmem>>, vector<16xf32>,
          %eq3A_319 = vector.broadcast %and3A_302 : i32 to vector<16xi32>
          %eq3A_320 = arith.cmpi eq, %iota3A, %eq3A_319 : vector<16xi32>
          %select_n3A = arith.select %eq3A_320, %gather3A_300, %while3A_299 : vector<16xi1>, vector<16xi32>
          %add3A_321 = arith.constant 1 : i32
          %add3A_322 = arith.addi %while3A_298, %add3A_321 : i32
          %and3A_323 = arith.constant 15 : i32
          %and3A_324 = arith.andi %add3A_322, %and3A_323 : i32
          %eq3A_325 = arith.constant 0 : i32
          %eq3A_326 = arith.cmpi eq, %and3A_324, %eq3A_325 : i32
          %convert_element_type3A = arith.extui %eq3A_326 : i1 to i32
          %cond3A = arith.constant 0 : i32
          %cond3A_327 = arith.cmpi ne, %convert_element_type3A, %cond3A : i32
          scf.if %cond3A_327 {
            %dma_start3A_330 = arith.constant 0 : i32
            %dma_start3A_331 = arith.constant 0 : i32
            %dma_start3A_332 = tpu.memref_slice %arg7[%dma_start3A_330, %dma_start3A_331] : memref<16896x128xf32, #tpu.memory_space<hbm>> -> memref<16896x128xf32, #tpu.memory_space<hbm>>
            tpu.enqueue_indirect_dma source(%arg15 : memref<16x128xf32, #tpu.memory_space<vmem>>) target(%dma_start3A_332 : memref<16896x128xf32, #tpu.memory_space<hbm>>) offsets(%select_n3A : vector<16xi32>) semaphore(%arg18 : memref<!tpu.dma_semaphore, #tpu.memory_space<semaphore_mem>>)
            %dma_wait3A_333 = arith.constant 0 : i32
            %dma_wait3A_334 = arith.constant 0 : i32
            %dma_wait3A_335 = tpu.memref_slice %arg7[%dma_wait3A_333, %dma_wait3A_334] : memref<16896x128xf32, #tpu.memory_space<hbm>> -> memref<16896x128xf32, #tpu.memory_space<hbm>>
            tpu.wait_indirect_dma semaphore(%arg18 : memref<!tpu.dma_semaphore, #tpu.memory_space<semaphore_mem>>) src(%arg15 : memref<16x128xf32, #tpu.memory_space<vmem>>) dst(%dma_wait3A_335 : memref<16896x128xf32, #tpu.memory_space<hbm>>)
          } else {
          }
          %broadcast_in_dim3A_328 = vector.broadcast %eq3A_326 : i1 to vector<16xi1>
          %select_n3A_329 = arith.select %broadcast_in_dim3A_328, %add3A_31, %select_n3A : vector<16xi1>, vector<16xi32>
          scf.yield %add3A_322, %select_n3A_329 : i32, vector<16xi32>
        }
        scf.yield %while3A_296#0, %while3A_296#1 : i32, vector<16xi32>
      }
      %while3A_195 = arith.constant 1 : i32
      %while3A_196:2 = scf.for %while3A_262 = %while3A_192 to %while3A_188 step %while3A_195 iter_args(%while3A_263 = %while3A_194#0, %while3A_264 = %while3A_194#1) -> (i32, vector<16xi32>)  : i32 {
        %mul3A_265 = arith.constant 16 : i32
        %mul3A_266 = arith.muli %while3A_262, %mul3A_265 : i32
        %get3A = arith.index_cast %mul3A_266 : i32 to index
        %get3A_267 = tpu.vector_load %arg9[%get3A] {strides = array<i32>} : memref<16400xi32, #tpu.memory_space<vmem>>, vector<16xi32>,
        %mul3A_268 = arith.constant 16 : i32
        %mul3A_269 = arith.muli %while3A_262, %mul3A_268 : i32
        %get3A_270 = arith.index_cast %mul3A_269 : i32 to index
        %get3A_271 = tpu.vector_load %arg10[%get3A_270] {strides = array<i32>} : memref<16400xi32, #tpu.memory_space<vmem>>, vector<16xi32>,
        %mul3A_272 = arith.constant 16 : i32
        %mul3A_273 = arith.muli %while3A_262, %mul3A_272 : i32
        %add3A_274 = vector.broadcast %mul3A_273 : i32 to vector<16xi32>
        %add3A_275 = arith.addi %add3A_274, %iota3A : vector<16xi32>
        %lt3A = vector.broadcast %scan3A_127 : i32 to vector<16xi32>
        %lt3A_276 = arith.cmpi slt, %add3A_275, %lt3A : vector<16xi32>
        %shift_right_arithmetic3A_277 = arith.constant 9 : i32
        %shift_right_arithmetic3A_278 = vector.broadcast %shift_right_arithmetic3A_277 : i32 to vector<16xi32>
        %shift_right_arithmetic3A_279 = arith.shrsi %get3A_267, %shift_right_arithmetic3A_278 : vector<16xi32>
        %eq3A = vector.broadcast %add3A_175 : i32 to vector<16xi32>
        %eq3A_280 = arith.cmpi eq, %shift_right_arithmetic3A_279, %eq3A : vector<16xi32>
        %and3A = arith.andi %eq3A_280, %lt3A_276 : vector<16xi1>
        %sub3A_281 = vector.broadcast %min3A_185 : i32 to vector<16xi32>
        %sub3A_282 = arith.subi %get3A_267, %sub3A_281 : vector<16xi32>
        %swap3A = arith.constant 0 : index
        %swap3A_283 = tpu.vector_load %arg13[%swap3A] masked %and3A {strides = array<i32>} : memref<16xi32, #tpu.memory_space<vmem>>, vector<16xi32>, vector<16xi1>
        tpu.vector_store %arg13[%swap3A], %sub3A_282 masked %and3A {strides = array<i32>} : memref<16xi32, #tpu.memory_space<vmem>>, vector<16xi32>, vector<16xi1>
        %swap3A_284 = arith.constant 0 : index
        %swap3A_285 = tpu.vector_load %arg14[%swap3A_284] masked %and3A {strides = array<i32>} : memref<16xi32, #tpu.memory_space<vmem>>, vector<16xi32>, vector<16xi1>
        tpu.vector_store %arg14[%swap3A_284], %get3A_271 masked %and3A {strides = array<i32>} : memref<16xi32, #tpu.memory_space<vmem>>, vector<16xi32>, vector<16xi1>
        %all_reduce_population_count3A = tpu.all_reduce %and3A {dim = 0 : i64, kind = #tpu.reduction_kind<sum>} : vector<16xi1> -> vector<16xi32>
        %slice3A = vector.extract_strided_slice %all_reduce_population_count3A {offsets = [0], sizes = [1], strides = [1]} : vector<16xi32> to vector<1xi32>
        %squeeze3A = vector.extract %slice3A[0] : i32 from vector<1xi32>
        %while3A_286 = arith.constant 0 : i32
        %while3A_287 = arith.subi %squeeze3A, %while3A_286 : i32
        %while3A_288 = arith.addi %while3A_286, %while3A_287 : i32
        %while3A_289 = arith.constant 1 : i32
        %while3A_290 = arith.divsi %while3A_287, %while3A_289 : i32
        %while3A_291 = arith.muli %while3A_290, %while3A_289 : i32
        %while3A_292 = arith.addi %while3A_286, %while3A_291 : i32
        %while3A_293 = arith.constant 1 : i32
        %while3A_294:2 = scf.for %while3A_297 = %while3A_286 to %while3A_292 step %while3A_293 iter_args(%while3A_298 = %while3A_263, %while3A_299 = %while3A_264) -> (i32, vector<16xi32>)  : i32 {
          %broadcast_in_dim3A = vector.broadcast %while3A_297 : i32 to vector<16xi32>
          %gather3A = tpu.vector_load_idx %arg13[%broadcast_in_dim3A] : memref<16xi32, #tpu.memory_space<vmem>>[vector<16xi32>], vector<16xi32>,
          %gather3A_300 = tpu.vector_load_idx %arg14[%broadcast_in_dim3A] : memref<16xi32, #tpu.memory_space<vmem>>[vector<16xi32>], vector<16xi32>,
          %and3A_301 = arith.constant 15 : i32
          %and3A_302 = arith.andi %while3A_298, %and3A_301 : i32
          %gather3A_303 = tpu.vector_load_idx %arg11[%add3A_16, %gather3A] : memref<64x512xf32, #tpu.memory_space<vmem>>[vector<16xi32>, vector<16xi32>], vector<16xf32>,
          %swap3A_304 = arith.index_cast %and3A_302 : i32 to index
          %swap3A_305 = arith.constant 0 : index
          %swap3A_306 = tpu.vector_load %arg15[%swap3A_304, %swap3A_305] {strides = array<i32>} : memref<16x128xf32, #tpu.memory_space<vmem>>, vector<16xf32>,
          tpu.vector_store %arg15[%swap3A_304, %swap3A_305], %gather3A_303 {strides = array<i32>} : memref<16x128xf32, #tpu.memory_space<vmem>>, vector<16xf32>,
          %gather3A_307 = tpu.vector_load_idx %arg11[%add3A_19, %gather3A] : memref<64x512xf32, #tpu.memory_space<vmem>>[vector<16xi32>, vector<16xi32>], vector<16xf32>,
          %swap3A_308 = arith.index_cast %and3A_302 : i32 to index
          %swap3A_309 = arith.constant 16 : index
          %swap3A_310 = tpu.vector_load %arg15[%swap3A_308, %swap3A_309] {strides = array<i32>} : memref<16x128xf32, #tpu.memory_space<vmem>>, vector<16xf32>,
          tpu.vector_store %arg15[%swap3A_308, %swap3A_309], %gather3A_307 {strides = array<i32>} : memref<16x128xf32, #tpu.memory_space<vmem>>, vector<16xf32>,
          %gather3A_311 = tpu.vector_load_idx %arg11[%add3A_22, %gather3A] : memref<64x512xf32, #tpu.memory_space<vmem>>[vector<16xi32>, vector<16xi32>], vector<16xf32>,
          %swap3A_312 = arith.index_cast %and3A_302 : i32 to index
          %swap3A_313 = arith.constant 32 : index
          %swap3A_314 = tpu.vector_load %arg15[%swap3A_312, %swap3A_313] {strides = array<i32>} : memref<16x128xf32, #tpu.memory_space<vmem>>, vector<16xf32>,
          tpu.vector_store %arg15[%swap3A_312, %swap3A_313], %gather3A_311 {strides = array<i32>} : memref<16x128xf32, #tpu.memory_space<vmem>>, vector<16xf32>,
          %gather3A_315 = tpu.vector_load_idx %arg11[%add3A_25, %gather3A] : memref<64x512xf32, #tpu.memory_space<vmem>>[vector<16xi32>, vector<16xi32>], vector<16xf32>,
          %swap3A_316 = arith.index_cast %and3A_302 : i32 to index
          %swap3A_317 = arith.constant 48 : index
          %swap3A_318 = tpu.vector_load %arg15[%swap3A_316, %swap3A_317] {strides = array<i32>} : memref<16x128xf32, #tpu.memory_space<vmem>>, vector<16xf32>,
          tpu.vector_store %arg15[%swap3A_316, %swap3A_317], %gather3A_315 {strides = array<i32>} : memref<16x128xf32, #tpu.memory_space<vmem>>, vector<16xf32>,
          %eq3A_319 = vector.broadcast %and3A_302 : i32 to vector<16xi32>
          %eq3A_320 = arith.cmpi eq, %iota3A, %eq3A_319 : vector<16xi32>
          %select_n3A = arith.select %eq3A_320, %gather3A_300, %while3A_299 : vector<16xi1>, vector<16xi32>
          %add3A_321 = arith.constant 1 : i32
          %add3A_322 = arith.addi %while3A_298, %add3A_321 : i32
          %and3A_323 = arith.constant 15 : i32
          %and3A_324 = arith.andi %add3A_322, %and3A_323 : i32
          %eq3A_325 = arith.constant 0 : i32
          %eq3A_326 = arith.cmpi eq, %and3A_324, %eq3A_325 : i32
          %convert_element_type3A = arith.extui %eq3A_326 : i1 to i32
          %cond3A = arith.constant 0 : i32
          %cond3A_327 = arith.cmpi ne, %convert_element_type3A, %cond3A : i32
          scf.if %cond3A_327 {
            %dma_start3A_330 = arith.constant 0 : i32
            %dma_start3A_331 = arith.constant 0 : i32
            %dma_start3A_332 = tpu.memref_slice %arg7[%dma_start3A_330, %dma_start3A_331] : memref<16896x128xf32, #tpu.memory_space<hbm>> -> memref<16896x128xf32, #tpu.memory_space<hbm>>
            tpu.enqueue_indirect_dma source(%arg15 : memref<16x128xf32, #tpu.memory_space<vmem>>) target(%dma_start3A_332 : memref<16896x128xf32, #tpu.memory_space<hbm>>) offsets(%select_n3A : vector<16xi32>) semaphore(%arg18 : memref<!tpu.dma_semaphore, #tpu.memory_space<semaphore_mem>>)
            %dma_wait3A_333 = arith.constant 0 : i32
            %dma_wait3A_334 = arith.constant 0 : i32
            %dma_wait3A_335 = tpu.memref_slice %arg7[%dma_wait3A_333, %dma_wait3A_334] : memref<16896x128xf32, #tpu.memory_space<hbm>> -> memref<16896x128xf32, #tpu.memory_space<hbm>>
            tpu.wait_indirect_dma semaphore(%arg18 : memref<!tpu.dma_semaphore, #tpu.memory_space<semaphore_mem>>) src(%arg15 : memref<16x128xf32, #tpu.memory_space<vmem>>) dst(%dma_wait3A_335 : memref<16896x128xf32, #tpu.memory_space<hbm>>)
          } else {
          }
          %broadcast_in_dim3A_328 = vector.broadcast %eq3A_326 : i1 to vector<16xi1>
          %select_n3A_329 = arith.select %broadcast_in_dim3A_328, %add3A_31, %select_n3A : vector<16xi1>, vector<16xi32>
          scf.yield %add3A_322, %select_n3A_329 : i32, vector<16xi32>
        }
        %while3A_295 = arith.constant 1 : i32
        %while3A_296:2 = scf.for %while3A_297 = %while3A_292 to %while3A_288 step %while3A_295 iter_args(%while3A_298 = %while3A_294#0, %while3A_299 = %while3A_294#1) -> (i32, vector<16xi32>)  : i32 {
          %broadcast_in_dim3A = vector.broadcast %while3A_297 : i32 to vector<16xi32>
          %gather3A = tpu.vector_load_idx %arg13[%broadcast_in_dim3A] : memref<16xi32, #tpu.memory_space<vmem>>[vector<16xi32>], vector<16xi32>,
          %gather3A_300 = tpu.vector_load_idx %arg14[%broadcast_in_dim3A] : memref<16xi32, #tpu.memory_space<vmem>>[vector<16xi32>], vector<16xi32>,
          %and3A_301 = arith.constant 15 : i32
          %and3A_302 = arith.andi %while3A_298, %and3A_301 : i32
          %gather3A_303 = tpu.vector_load_idx %arg11[%add3A_16, %gather3A] : memref<64x512xf32, #tpu.memory_space<vmem>>[vector<16xi32>, vector<16xi32>], vector<16xf32>,
          %swap3A_304 = arith.index_cast %and3A_302 : i32 to index
          %swap3A_305 = arith.constant 0 : index
          %swap3A_306 = tpu.vector_load %arg15[%swap3A_304, %swap3A_305] {strides = array<i32>} : memref<16x128xf32, #tpu.memory_space<vmem>>, vector<16xf32>,
          tpu.vector_store %arg15[%swap3A_304, %swap3A_305], %gather3A_303 {strides = array<i32>} : memref<16x128xf32, #tpu.memory_space<vmem>>, vector<16xf32>,
          %gather3A_307 = tpu.vector_load_idx %arg11[%add3A_19, %gather3A] : memref<64x512xf32, #tpu.memory_space<vmem>>[vector<16xi32>, vector<16xi32>], vector<16xf32>,
          %swap3A_308 = arith.index_cast %and3A_302 : i32 to index
          %swap3A_309 = arith.constant 16 : index
          %swap3A_310 = tpu.vector_load %arg15[%swap3A_308, %swap3A_309] {strides = array<i32>} : memref<16x128xf32, #tpu.memory_space<vmem>>, vector<16xf32>,
          tpu.vector_store %arg15[%swap3A_308, %swap3A_309], %gather3A_307 {strides = array<i32>} : memref<16x128xf32, #tpu.memory_space<vmem>>, vector<16xf32>,
          %gather3A_311 = tpu.vector_load_idx %arg11[%add3A_22, %gather3A] : memref<64x512xf32, #tpu.memory_space<vmem>>[vector<16xi32>, vector<16xi32>], vector<16xf32>,
          %swap3A_312 = arith.index_cast %and3A_302 : i32 to index
          %swap3A_313 = arith.constant 32 : index
          %swap3A_314 = tpu.vector_load %arg15[%swap3A_312, %swap3A_313] {strides = array<i32>} : memref<16x128xf32, #tpu.memory_space<vmem>>, vector<16xf32>,
          tpu.vector_store %arg15[%swap3A_312, %swap3A_313], %gather3A_311 {strides = array<i32>} : memref<16x128xf32, #tpu.memory_space<vmem>>, vector<16xf32>,
          %gather3A_315 = tpu.vector_load_idx %arg11[%add3A_25, %gather3A] : memref<64x512xf32, #tpu.memory_space<vmem>>[vector<16xi32>, vector<16xi32>], vector<16xf32>,
          %swap3A_316 = arith.index_cast %and3A_302 : i32 to index
          %swap3A_317 = arith.constant 48 : index
          %swap3A_318 = tpu.vector_load %arg15[%swap3A_316, %swap3A_317] {strides = array<i32>} : memref<16x128xf32, #tpu.memory_space<vmem>>, vector<16xf32>,
          tpu.vector_store %arg15[%swap3A_316, %swap3A_317], %gather3A_315 {strides = array<i32>} : memref<16x128xf32, #tpu.memory_space<vmem>>, vector<16xf32>,
          %eq3A_319 = vector.broadcast %and3A_302 : i32 to vector<16xi32>
          %eq3A_320 = arith.cmpi eq, %iota3A, %eq3A_319 : vector<16xi32>
          %select_n3A = arith.select %eq3A_320, %gather3A_300, %while3A_299 : vector<16xi1>, vector<16xi32>
          %add3A_321 = arith.constant 1 : i32
          %add3A_322 = arith.addi %while3A_298, %add3A_321 : i32
          %and3A_323 = arith.constant 15 : i32
          %and3A_324 = arith.andi %add3A_322, %and3A_323 : i32
          %eq3A_325 = arith.constant 0 : i32
          %eq3A_326 = arith.cmpi eq, %and3A_324, %eq3A_325 : i32
          %convert_element_type3A = arith.extui %eq3A_326 : i1 to i32
          %cond3A = arith.constant 0 : i32
          %cond3A_327 = arith.cmpi ne, %convert_element_type3A, %cond3A : i32
          scf.if %cond3A_327 {
            %dma_start3A_330 = arith.constant 0 : i32
            %dma_start3A_331 = arith.constant 0 : i32
            %dma_start3A_332 = tpu.memref_slice %arg7[%dma_start3A_330, %dma_start3A_331] : memref<16896x128xf32, #tpu.memory_space<hbm>> -> memref<16896x128xf32, #tpu.memory_space<hbm>>
            tpu.enqueue_indirect_dma source(%arg15 : memref<16x128xf32, #tpu.memory_space<vmem>>) target(%dma_start3A_332 : memref<16896x128xf32, #tpu.memory_space<hbm>>) offsets(%select_n3A : vector<16xi32>) semaphore(%arg18 : memref<!tpu.dma_semaphore, #tpu.memory_space<semaphore_mem>>)
            %dma_wait3A_333 = arith.constant 0 : i32
            %dma_wait3A_334 = arith.constant 0 : i32
            %dma_wait3A_335 = tpu.memref_slice %arg7[%dma_wait3A_333, %dma_wait3A_334] : memref<16896x128xf32, #tpu.memory_space<hbm>> -> memref<16896x128xf32, #tpu.memory_space<hbm>>
            tpu.wait_indirect_dma semaphore(%arg18 : memref<!tpu.dma_semaphore, #tpu.memory_space<semaphore_mem>>) src(%arg15 : memref<16x128xf32, #tpu.memory_space<vmem>>) dst(%dma_wait3A_335 : memref<16896x128xf32, #tpu.memory_space<hbm>>)
          } else {
          }
          %broadcast_in_dim3A_328 = vector.broadcast %eq3A_326 : i1 to vector<16xi1>
          %select_n3A_329 = arith.select %broadcast_in_dim3A_328, %add3A_31, %select_n3A : vector<16xi1>, vector<16xi32>
          scf.yield %add3A_322, %select_n3A_329 : i32, vector<16xi32>
        }
        scf.yield %while3A_296#0, %while3A_296#1 : i32, vector<16xi32>
      }
      %add3A_197 = arith.constant 1 : i32
      %add3A_198 = arith.addi %while3A_165, %add3A_197 : i32
      %mul3A_199 = arith.constant 2 : i32
      %mul3A_200 = arith.muli %mul3A_199, %add3A_198 : i32
      %add3A_201 = arith.constant 0 : i32
      %add3A_202 = arith.addi %mul3A_200, %add3A_201 : i32
      %sub3A_203 = arith.constant 1 : i32
      %sub3A_204 = arith.subi %sub3A, %sub3A_203 : i32
      %min3A_205 = arith.minsi %add3A_202, %sub3A_204 : i32
      %add3A_206 = arith.addi %shift_right_arithmetic3A_3, %min3A_205 : i32
      %mul3A_207 = arith.constant 512 : i32
      %mul3A_208 = arith.muli %add3A_206, %mul3A_207 : i32
      %min3A_209 = arith.constant 999552 : i32
      %min3A_210 = arith.minsi %mul3A_208, %min3A_209 : i32
      %dma_start3A_211 = arith.constant 0 : i32
      %dma_start3A_212 = tpu.memref_slice %arg5[%dma_start3A_211, %min3A_210] : memref<64x1000000xf32, #tpu.memory_space<hbm>> -> memref<64x512xf32, #tpu.memory_space<hbm>>
      %dma_start3A_213 = arith.constant 0 : i32
      %dma_start3A_214 = tpu.memref_slice %arg5[%dma_start3A_213, %min3A_210] : memref<64x1000000xf32, #tpu.memory_space<hbm>> -> memref<64x512xf32, #tpu.memory_space<hbm>>
      tpu.enqueue_dma source(%dma_start3A_214 : memref<64x512xf32, #tpu.memory_space<hbm>>) target(%arg11 : memref<64x512xf32, #tpu.memory_space<vmem>>) target_semaphore(%arg16 : memref<!tpu.dma_semaphore, #tpu.memory_space<semaphore_mem>>)
      %mul3A_215 = arith.constant 2 : i32
      %mul3A_216 = arith.muli %mul3A_215, %while3A_165 : i32
      %add3A_217 = arith.constant 1 : i32
      %add3A_218 = arith.addi %mul3A_216, %add3A_217 : i32
      %sub3A_219 = arith.constant 1 : i32
      %sub3A_220 = arith.subi %sub3A, %sub3A_219 : i32
      %min3A_221 = arith.minsi %add3A_218, %sub3A_220 : i32
      %add3A_222 = arith.addi %shift_right_arithmetic3A_3, %min3A_221 : i32
      %dma_wait3A_223 = arith.constant 0 : i32
      %dma_wait3A_224 = arith.constant 0 : i32
      %dma_wait3A_225 = tpu.memref_slice %arg5[%dma_wait3A_223, %dma_wait3A_224] : memref<64x1000000xf32, #tpu.memory_space<hbm>> -> memref<64x512xf32, #tpu.memory_space<hbm>>
      %dma_wait3A_226 = arith.constant 0 : i32
      %dma_wait3A_227 = arith.constant 0 : i32
      %dma_wait3A_228 = tpu.memref_slice %arg5[%dma_wait3A_226, %dma_wait3A_227] : memref<64x1000000xf32, #tpu.memory_space<hbm>> -> memref<64x512xf32, #tpu.memory_space<hbm>>
      tpu.wait_dma2 semaphore(%arg17 : memref<!tpu.dma_semaphore, #tpu.memory_space<semaphore_mem>>) src(%dma_wait3A_228 : memref<64x512xf32, #tpu.memory_space<hbm>>) dst(%arg12 : memref<64x512xf32, #tpu.memory_space<vmem>>)
      %mul3A_229 = arith.constant 512 : i32
      %mul3A_230 = arith.muli %add3A_222, %mul3A_229 : i32
      %min3A_231 = arith.constant 999552 : i32
      %min3A_232 = arith.minsi %mul3A_230, %min3A_231 : i32
      %while3A_233 = arith.constant 0 : i32
      %while3A_234 = arith.subi %shift_right_arithmetic3A_134, %while3A_233 : i32
      %while3A_235 = arith.addi %while3A_233, %while3A_234 : i32
      %while3A_236 = arith.constant 1 : i32
      %while3A_237 = arith.divsi %while3A_234, %while3A_236 : i32
      %while3A_238 = arith.muli %while3A_237, %while3A_236 : i32
      %while3A_239 = arith.addi %while3A_233, %while3A_238 : i32
      %while3A_240 = arith.constant 1 : i32
      %while3A_241:2 = scf.for %while3A_262 = %while3A_233 to %while3A_239 step %while3A_240 iter_args(%while3A_263 = %while3A_196#0, %while3A_264 = %while3A_196#1) -> (i32, vector<16xi32>)  : i32 {
        %mul3A_265 = arith.constant 16 : i32
        %mul3A_266 = arith.muli %while3A_262, %mul3A_265 : i32
        %get3A = arith.index_cast %mul3A_266 : i32 to index
        %get3A_267 = tpu.vector_load %arg9[%get3A] {strides = array<i32>} : memref<16400xi32, #tpu.memory_space<vmem>>, vector<16xi32>,
        %mul3A_268 = arith.constant 16 : i32
        %mul3A_269 = arith.muli %while3A_262, %mul3A_268 : i32
        %get3A_270 = arith.index_cast %mul3A_269 : i32 to index
        %get3A_271 = tpu.vector_load %arg10[%get3A_270] {strides = array<i32>} : memref<16400xi32, #tpu.memory_space<vmem>>, vector<16xi32>,
        %mul3A_272 = arith.constant 16 : i32
        %mul3A_273 = arith.muli %while3A_262, %mul3A_272 : i32
        %add3A_274 = vector.broadcast %mul3A_273 : i32 to vector<16xi32>
        %add3A_275 = arith.addi %add3A_274, %iota3A : vector<16xi32>
        %lt3A = vector.broadcast %scan3A_127 : i32 to vector<16xi32>
        %lt3A_276 = arith.cmpi slt, %add3A_275, %lt3A : vector<16xi32>
        %shift_right_arithmetic3A_277 = arith.constant 9 : i32
        %shift_right_arithmetic3A_278 = vector.broadcast %shift_right_arithmetic3A_277 : i32 to vector<16xi32>
        %shift_right_arithmetic3A_279 = arith.shrsi %get3A_267, %shift_right_arithmetic3A_278 : vector<16xi32>
        %eq3A = vector.broadcast %add3A_222 : i32 to vector<16xi32>
        %eq3A_280 = arith.cmpi eq, %shift_right_arithmetic3A_279, %eq3A : vector<16xi32>
        %and3A = arith.andi %eq3A_280, %lt3A_276 : vector<16xi1>
        %sub3A_281 = vector.broadcast %min3A_232 : i32 to vector<16xi32>
        %sub3A_282 = arith.subi %get3A_267, %sub3A_281 : vector<16xi32>
        %swap3A = arith.constant 0 : index
        %swap3A_283 = tpu.vector_load %arg13[%swap3A] masked %and3A {strides = array<i32>} : memref<16xi32, #tpu.memory_space<vmem>>, vector<16xi32>, vector<16xi1>
        tpu.vector_store %arg13[%swap3A], %sub3A_282 masked %and3A {strides = array<i32>} : memref<16xi32, #tpu.memory_space<vmem>>, vector<16xi32>, vector<16xi1>
        %swap3A_284 = arith.constant 0 : index
        %swap3A_285 = tpu.vector_load %arg14[%swap3A_284] masked %and3A {strides = array<i32>} : memref<16xi32, #tpu.memory_space<vmem>>, vector<16xi32>, vector<16xi1>
        tpu.vector_store %arg14[%swap3A_284], %get3A_271 masked %and3A {strides = array<i32>} : memref<16xi32, #tpu.memory_space<vmem>>, vector<16xi32>, vector<16xi1>
        %all_reduce_population_count3A = tpu.all_reduce %and3A {dim = 0 : i64, kind = #tpu.reduction_kind<sum>} : vector<16xi1> -> vector<16xi32>
        %slice3A = vector.extract_strided_slice %all_reduce_population_count3A {offsets = [0], sizes = [1], strides = [1]} : vector<16xi32> to vector<1xi32>
        %squeeze3A = vector.extract %slice3A[0] : i32 from vector<1xi32>
        %while3A_286 = arith.constant 0 : i32
        %while3A_287 = arith.subi %squeeze3A, %while3A_286 : i32
        %while3A_288 = arith.addi %while3A_286, %while3A_287 : i32
        %while3A_289 = arith.constant 1 : i32
        %while3A_290 = arith.divsi %while3A_287, %while3A_289 : i32
        %while3A_291 = arith.muli %while3A_290, %while3A_289 : i32
        %while3A_292 = arith.addi %while3A_286, %while3A_291 : i32
        %while3A_293 = arith.constant 1 : i32
        %while3A_294:2 = scf.for %while3A_297 = %while3A_286 to %while3A_292 step %while3A_293 iter_args(%while3A_298 = %while3A_263, %while3A_299 = %while3A_264) -> (i32, vector<16xi32>)  : i32 {
          %broadcast_in_dim3A = vector.broadcast %while3A_297 : i32 to vector<16xi32>
          %gather3A = tpu.vector_load_idx %arg13[%broadcast_in_dim3A] : memref<16xi32, #tpu.memory_space<vmem>>[vector<16xi32>], vector<16xi32>,
          %gather3A_300 = tpu.vector_load_idx %arg14[%broadcast_in_dim3A] : memref<16xi32, #tpu.memory_space<vmem>>[vector<16xi32>], vector<16xi32>,
          %and3A_301 = arith.constant 15 : i32
          %and3A_302 = arith.andi %while3A_298, %and3A_301 : i32
          %gather3A_303 = tpu.vector_load_idx %arg12[%add3A_16, %gather3A] : memref<64x512xf32, #tpu.memory_space<vmem>>[vector<16xi32>, vector<16xi32>], vector<16xf32>,
          %swap3A_304 = arith.index_cast %and3A_302 : i32 to index
          %swap3A_305 = arith.constant 0 : index
          %swap3A_306 = tpu.vector_load %arg15[%swap3A_304, %swap3A_305] {strides = array<i32>} : memref<16x128xf32, #tpu.memory_space<vmem>>, vector<16xf32>,
          tpu.vector_store %arg15[%swap3A_304, %swap3A_305], %gather3A_303 {strides = array<i32>} : memref<16x128xf32, #tpu.memory_space<vmem>>, vector<16xf32>,
          %gather3A_307 = tpu.vector_load_idx %arg12[%add3A_19, %gather3A] : memref<64x512xf32, #tpu.memory_space<vmem>>[vector<16xi32>, vector<16xi32>], vector<16xf32>,
          %swap3A_308 = arith.index_cast %and3A_302 : i32 to index
          %swap3A_309 = arith.constant 16 : index
          %swap3A_310 = tpu.vector_load %arg15[%swap3A_308, %swap3A_309] {strides = array<i32>} : memref<16x128xf32, #tpu.memory_space<vmem>>, vector<16xf32>,
          tpu.vector_store %arg15[%swap3A_308, %swap3A_309], %gather3A_307 {strides = array<i32>} : memref<16x128xf32, #tpu.memory_space<vmem>>, vector<16xf32>,
          %gather3A_311 = tpu.vector_load_idx %arg12[%add3A_22, %gather3A] : memref<64x512xf32, #tpu.memory_space<vmem>>[vector<16xi32>, vector<16xi32>], vector<16xf32>,
          %swap3A_312 = arith.index_cast %and3A_302 : i32 to index
          %swap3A_313 = arith.constant 32 : index
          %swap3A_314 = tpu.vector_load %arg15[%swap3A_312, %swap3A_313] {strides = array<i32>} : memref<16x128xf32, #tpu.memory_space<vmem>>, vector<16xf32>,
          tpu.vector_store %arg15[%swap3A_312, %swap3A_313], %gather3A_311 {strides = array<i32>} : memref<16x128xf32, #tpu.memory_space<vmem>>, vector<16xf32>,
          %gather3A_315 = tpu.vector_load_idx %arg12[%add3A_25, %gather3A] : memref<64x512xf32, #tpu.memory_space<vmem>>[vector<16xi32>, vector<16xi32>], vector<16xf32>,
          %swap3A_316 = arith.index_cast %and3A_302 : i32 to index
          %swap3A_317 = arith.constant 48 : index
          %swap3A_318 = tpu.vector_load %arg15[%swap3A_316, %swap3A_317] {strides = array<i32>} : memref<16x128xf32, #tpu.memory_space<vmem>>, vector<16xf32>,
          tpu.vector_store %arg15[%swap3A_316, %swap3A_317], %gather3A_315 {strides = array<i32>} : memref<16x128xf32, #tpu.memory_space<vmem>>, vector<16xf32>,
          %eq3A_319 = vector.broadcast %and3A_302 : i32 to vector<16xi32>
          %eq3A_320 = arith.cmpi eq, %iota3A, %eq3A_319 : vector<16xi32>
          %select_n3A = arith.select %eq3A_320, %gather3A_300, %while3A_299 : vector<16xi1>, vector<16xi32>
          %add3A_321 = arith.constant 1 : i32
          %add3A_322 = arith.addi %while3A_298, %add3A_321 : i32
          %and3A_323 = arith.constant 15 : i32
          %and3A_324 = arith.andi %add3A_322, %and3A_323 : i32
          %eq3A_325 = arith.constant 0 : i32
          %eq3A_326 = arith.cmpi eq, %and3A_324, %eq3A_325 : i32
          %convert_element_type3A = arith.extui %eq3A_326 : i1 to i32
          %cond3A = arith.constant 0 : i32
          %cond3A_327 = arith.cmpi ne, %convert_element_type3A, %cond3A : i32
          scf.if %cond3A_327 {
            %dma_start3A_330 = arith.constant 0 : i32
            %dma_start3A_331 = arith.constant 0 : i32
            %dma_start3A_332 = tpu.memref_slice %arg7[%dma_start3A_330, %dma_start3A_331] : memref<16896x128xf32, #tpu.memory_space<hbm>> -> memref<16896x128xf32, #tpu.memory_space<hbm>>
            tpu.enqueue_indirect_dma source(%arg15 : memref<16x128xf32, #tpu.memory_space<vmem>>) target(%dma_start3A_332 : memref<16896x128xf32, #tpu.memory_space<hbm>>) offsets(%select_n3A : vector<16xi32>) semaphore(%arg18 : memref<!tpu.dma_semaphore, #tpu.memory_space<semaphore_mem>>)
            %dma_wait3A_333 = arith.constant 0 : i32
            %dma_wait3A_334 = arith.constant 0 : i32
            %dma_wait3A_335 = tpu.memref_slice %arg7[%dma_wait3A_333, %dma_wait3A_334] : memref<16896x128xf32, #tpu.memory_space<hbm>> -> memref<16896x128xf32, #tpu.memory_space<hbm>>
            tpu.wait_indirect_dma semaphore(%arg18 : memref<!tpu.dma_semaphore, #tpu.memory_space<semaphore_mem>>) src(%arg15 : memref<16x128xf32, #tpu.memory_space<vmem>>) dst(%dma_wait3A_335 : memref<16896x128xf32, #tpu.memory_space<hbm>>)
          } else {
          }
          %broadcast_in_dim3A_328 = vector.broadcast %eq3A_326 : i1 to vector<16xi1>
          %select_n3A_329 = arith.select %broadcast_in_dim3A_328, %add3A_31, %select_n3A : vector<16xi1>, vector<16xi32>
          scf.yield %add3A_322, %select_n3A_329 : i32, vector<16xi32>
        }
        %while3A_295 = arith.constant 1 : i32
        %while3A_296:2 = scf.for %while3A_297 = %while3A_292 to %while3A_288 step %while3A_295 iter_args(%while3A_298 = %while3A_294#0, %while3A_299 = %while3A_294#1) -> (i32, vector<16xi32>)  : i32 {
          %broadcast_in_dim3A = vector.broadcast %while3A_297 : i32 to vector<16xi32>
          %gather3A = tpu.vector_load_idx %arg13[%broadcast_in_dim3A] : memref<16xi32, #tpu.memory_space<vmem>>[vector<16xi32>], vector<16xi32>,
          %gather3A_300 = tpu.vector_load_idx %arg14[%broadcast_in_dim3A] : memref<16xi32, #tpu.memory_space<vmem>>[vector<16xi32>], vector<16xi32>,
          %and3A_301 = arith.constant 15 : i32
          %and3A_302 = arith.andi %while3A_298, %and3A_301 : i32
          %gather3A_303 = tpu.vector_load_idx %arg12[%add3A_16, %gather3A] : memref<64x512xf32, #tpu.memory_space<vmem>>[vector<16xi32>, vector<16xi32>], vector<16xf32>,
          %swap3A_304 = arith.index_cast %and3A_302 : i32 to index
          %swap3A_305 = arith.constant 0 : index
          %swap3A_306 = tpu.vector_load %arg15[%swap3A_304, %swap3A_305] {strides = array<i32>} : memref<16x128xf32, #tpu.memory_space<vmem>>, vector<16xf32>,
          tpu.vector_store %arg15[%swap3A_304, %swap3A_305], %gather3A_303 {strides = array<i32>} : memref<16x128xf32, #tpu.memory_space<vmem>>, vector<16xf32>,
          %gather3A_307 = tpu.vector_load_idx %arg12[%add3A_19, %gather3A] : memref<64x512xf32, #tpu.memory_space<vmem>>[vector<16xi32>, vector<16xi32>], vector<16xf32>,
          %swap3A_308 = arith.index_cast %and3A_302 : i32 to index
          %swap3A_309 = arith.constant 16 : index
          %swap3A_310 = tpu.vector_load %arg15[%swap3A_308, %swap3A_309] {strides = array<i32>} : memref<16x128xf32, #tpu.memory_space<vmem>>, vector<16xf32>,
          tpu.vector_store %arg15[%swap3A_308, %swap3A_309], %gather3A_307 {strides = array<i32>} : memref<16x128xf32, #tpu.memory_space<vmem>>, vector<16xf32>,
          %gather3A_311 = tpu.vector_load_idx %arg12[%add3A_22, %gather3A] : memref<64x512xf32, #tpu.memory_space<vmem>>[vector<16xi32>, vector<16xi32>], vector<16xf32>,
          %swap3A_312 = arith.index_cast %and3A_302 : i32 to index
          %swap3A_313 = arith.constant 32 : index
          %swap3A_314 = tpu.vector_load %arg15[%swap3A_312, %swap3A_313] {strides = array<i32>} : memref<16x128xf32, #tpu.memory_space<vmem>>, vector<16xf32>,
          tpu.vector_store %arg15[%swap3A_312, %swap3A_313], %gather3A_311 {strides = array<i32>} : memref<16x128xf32, #tpu.memory_space<vmem>>, vector<16xf32>,
          %gather3A_315 = tpu.vector_load_idx %arg12[%add3A_25, %gather3A] : memref<64x512xf32, #tpu.memory_space<vmem>>[vector<16xi32>, vector<16xi32>], vector<16xf32>,
          %swap3A_316 = arith.index_cast %and3A_302 : i32 to index
          %swap3A_317 = arith.constant 48 : index
          %swap3A_318 = tpu.vector_load %arg15[%swap3A_316, %swap3A_317] {strides = array<i32>} : memref<16x128xf32, #tpu.memory_space<vmem>>, vector<16xf32>,
          tpu.vector_store %arg15[%swap3A_316, %swap3A_317], %gather3A_315 {strides = array<i32>} : memref<16x128xf32, #tpu.memory_space<vmem>>, vector<16xf32>,
          %eq3A_319 = vector.broadcast %and3A_302 : i32 to vector<16xi32>
          %eq3A_320 = arith.cmpi eq, %iota3A, %eq3A_319 : vector<16xi32>
          %select_n3A = arith.select %eq3A_320, %gather3A_300, %while3A_299 : vector<16xi1>, vector<16xi32>
          %add3A_321 = arith.constant 1 : i32
          %add3A_322 = arith.addi %while3A_298, %add3A_321 : i32
          %and3A_323 = arith.constant 15 : i32
          %and3A_324 = arith.andi %add3A_322, %and3A_323 : i32
          %eq3A_325 = arith.constant 0 : i32
          %eq3A_326 = arith.cmpi eq, %and3A_324, %eq3A_325 : i32
          %convert_element_type3A = arith.extui %eq3A_326 : i1 to i32
          %cond3A = arith.constant 0 : i32
          %cond3A_327 = arith.cmpi ne, %convert_element_type3A, %cond3A : i32
          scf.if %cond3A_327 {
            %dma_start3A_330 = arith.constant 0 : i32
            %dma_start3A_331 = arith.constant 0 : i32
            %dma_start3A_332 = tpu.memref_slice %arg7[%dma_start3A_330, %dma_start3A_331] : memref<16896x128xf32, #tpu.memory_space<hbm>> -> memref<16896x128xf32, #tpu.memory_space<hbm>>
            tpu.enqueue_indirect_dma source(%arg15 : memref<16x128xf32, #tpu.memory_space<vmem>>) target(%dma_start3A_332 : memref<16896x128xf32, #tpu.memory_space<hbm>>) offsets(%select_n3A : vector<16xi32>) semaphore(%arg18 : memref<!tpu.dma_semaphore, #tpu.memory_space<semaphore_mem>>)
            %dma_wait3A_333 = arith.constant 0 : i32
            %dma_wait3A_334 = arith.constant 0 : i32
            %dma_wait3A_335 = tpu.memref_slice %arg7[%dma_wait3A_333, %dma_wait3A_334] : memref<16896x128xf32, #tpu.memory_space<hbm>> -> memref<16896x128xf32, #tpu.memory_space<hbm>>
            tpu.wait_indirect_dma semaphore(%arg18 : memref<!tpu.dma_semaphore, #tpu.memory_space<semaphore_mem>>) src(%arg15 : memref<16x128xf32, #tpu.memory_space<vmem>>) dst(%dma_wait3A_335 : memref<16896x128xf32, #tpu.memory_space<hbm>>)
          } else {
          }
          %broadcast_in_dim3A_328 = vector.broadcast %eq3A_326 : i1 to vector<16xi1>
          %select_n3A_329 = arith.select %broadcast_in_dim3A_328, %add3A_31, %select_n3A : vector<16xi1>, vector<16xi32>
          scf.yield %add3A_322, %select_n3A_329 : i32, vector<16xi32>
        }
        scf.yield %while3A_296#0, %while3A_296#1 : i32, vector<16xi32>
      }
      %while3A_242 = arith.constant 1 : i32
      %while3A_243:2 = scf.for %while3A_262 = %while3A_239 to %while3A_235 step %while3A_242 iter_args(%while3A_263 = %while3A_241#0, %while3A_264 = %while3A_241#1) -> (i32, vector<16xi32>)  : i32 {
        %mul3A_265 = arith.constant 16 : i32
        %mul3A_266 = arith.muli %while3A_262, %mul3A_265 : i32
        %get3A = arith.index_cast %mul3A_266 : i32 to index
        %get3A_267 = tpu.vector_load %arg9[%get3A] {strides = array<i32>} : memref<16400xi32, #tpu.memory_space<vmem>>, vector<16xi32>,
        %mul3A_268 = arith.constant 16 : i32
        %mul3A_269 = arith.muli %while3A_262, %mul3A_268 : i32
        %get3A_270 = arith.index_cast %mul3A_269 : i32 to index
        %get3A_271 = tpu.vector_load %arg10[%get3A_270] {strides = array<i32>} : memref<16400xi32, #tpu.memory_space<vmem>>, vector<16xi32>,
        %mul3A_272 = arith.constant 16 : i32
        %mul3A_273 = arith.muli %while3A_262, %mul3A_272 : i32
        %add3A_274 = vector.broadcast %mul3A_273 : i32 to vector<16xi32>
        %add3A_275 = arith.addi %add3A_274, %iota3A : vector<16xi32>
        %lt3A = vector.broadcast %scan3A_127 : i32 to vector<16xi32>
        %lt3A_276 = arith.cmpi slt, %add3A_275, %lt3A : vector<16xi32>
        %shift_right_arithmetic3A_277 = arith.constant 9 : i32
        %shift_right_arithmetic3A_278 = vector.broadcast %shift_right_arithmetic3A_277 : i32 to vector<16xi32>
        %shift_right_arithmetic3A_279 = arith.shrsi %get3A_267, %shift_right_arithmetic3A_278 : vector<16xi32>
        %eq3A = vector.broadcast %add3A_222 : i32 to vector<16xi32>
        %eq3A_280 = arith.cmpi eq, %shift_right_arithmetic3A_279, %eq3A : vector<16xi32>
        %and3A = arith.andi %eq3A_280, %lt3A_276 : vector<16xi1>
        %sub3A_281 = vector.broadcast %min3A_232 : i32 to vector<16xi32>
        %sub3A_282 = arith.subi %get3A_267, %sub3A_281 : vector<16xi32>
        %swap3A = arith.constant 0 : index
        %swap3A_283 = tpu.vector_load %arg13[%swap3A] masked %and3A {strides = array<i32>} : memref<16xi32, #tpu.memory_space<vmem>>, vector<16xi32>, vector<16xi1>
        tpu.vector_store %arg13[%swap3A], %sub3A_282 masked %and3A {strides = array<i32>} : memref<16xi32, #tpu.memory_space<vmem>>, vector<16xi32>, vector<16xi1>
        %swap3A_284 = arith.constant 0 : index
        %swap3A_285 = tpu.vector_load %arg14[%swap3A_284] masked %and3A {strides = array<i32>} : memref<16xi32, #tpu.memory_space<vmem>>, vector<16xi32>, vector<16xi1>
        tpu.vector_store %arg14[%swap3A_284], %get3A_271 masked %and3A {strides = array<i32>} : memref<16xi32, #tpu.memory_space<vmem>>, vector<16xi32>, vector<16xi1>
        %all_reduce_population_count3A = tpu.all_reduce %and3A {dim = 0 : i64, kind = #tpu.reduction_kind<sum>} : vector<16xi1> -> vector<16xi32>
        %slice3A = vector.extract_strided_slice %all_reduce_population_count3A {offsets = [0], sizes = [1], strides = [1]} : vector<16xi32> to vector<1xi32>
        %squeeze3A = vector.extract %slice3A[0] : i32 from vector<1xi32>
        %while3A_286 = arith.constant 0 : i32
        %while3A_287 = arith.subi %squeeze3A, %while3A_286 : i32
        %while3A_288 = arith.addi %while3A_286, %while3A_287 : i32
        %while3A_289 = arith.constant 1 : i32
        %while3A_290 = arith.divsi %while3A_287, %while3A_289 : i32
        %while3A_291 = arith.muli %while3A_290, %while3A_289 : i32
        %while3A_292 = arith.addi %while3A_286, %while3A_291 : i32
        %while3A_293 = arith.constant 1 : i32
        %while3A_294:2 = scf.for %while3A_297 = %while3A_286 to %while3A_292 step %while3A_293 iter_args(%while3A_298 = %while3A_263, %while3A_299 = %while3A_264) -> (i32, vector<16xi32>)  : i32 {
          %broadcast_in_dim3A = vector.broadcast %while3A_297 : i32 to vector<16xi32>
          %gather3A = tpu.vector_load_idx %arg13[%broadcast_in_dim3A] : memref<16xi32, #tpu.memory_space<vmem>>[vector<16xi32>], vector<16xi32>,
          %gather3A_300 = tpu.vector_load_idx %arg14[%broadcast_in_dim3A] : memref<16xi32, #tpu.memory_space<vmem>>[vector<16xi32>], vector<16xi32>,
          %and3A_301 = arith.constant 15 : i32
          %and3A_302 = arith.andi %while3A_298, %and3A_301 : i32
          %gather3A_303 = tpu.vector_load_idx %arg12[%add3A_16, %gather3A] : memref<64x512xf32, #tpu.memory_space<vmem>>[vector<16xi32>, vector<16xi32>], vector<16xf32>,
          %swap3A_304 = arith.index_cast %and3A_302 : i32 to index
          %swap3A_305 = arith.constant 0 : index
          %swap3A_306 = tpu.vector_load %arg15[%swap3A_304, %swap3A_305] {strides = array<i32>} : memref<16x128xf32, #tpu.memory_space<vmem>>, vector<16xf32>,
          tpu.vector_store %arg15[%swap3A_304, %swap3A_305], %gather3A_303 {strides = array<i32>} : memref<16x128xf32, #tpu.memory_space<vmem>>, vector<16xf32>,
          %gather3A_307 = tpu.vector_load_idx %arg12[%add3A_19, %gather3A] : memref<64x512xf32, #tpu.memory_space<vmem>>[vector<16xi32>, vector<16xi32>], vector<16xf32>,
          %swap3A_308 = arith.index_cast %and3A_302 : i32 to index
          %swap3A_309 = arith.constant 16 : index
          %swap3A_310 = tpu.vector_load %arg15[%swap3A_308, %swap3A_309] {strides = array<i32>} : memref<16x128xf32, #tpu.memory_space<vmem>>, vector<16xf32>,
          tpu.vector_store %arg15[%swap3A_308, %swap3A_309], %gather3A_307 {strides = array<i32>} : memref<16x128xf32, #tpu.memory_space<vmem>>, vector<16xf32>,
          %gather3A_311 = tpu.vector_load_idx %arg12[%add3A_22, %gather3A] : memref<64x512xf32, #tpu.memory_space<vmem>>[vector<16xi32>, vector<16xi32>], vector<16xf32>,
          %swap3A_312 = arith.index_cast %and3A_302 : i32 to index
          %swap3A_313 = arith.constant 32 : index
          %swap3A_314 = tpu.vector_load %arg15[%swap3A_312, %swap3A_313] {strides = array<i32>} : memref<16x128xf32, #tpu.memory_space<vmem>>, vector<16xf32>,
          tpu.vector_store %arg15[%swap3A_312, %swap3A_313], %gather3A_311 {strides = array<i32>} : memref<16x128xf32, #tpu.memory_space<vmem>>, vector<16xf32>,
          %gather3A_315 = tpu.vector_load_idx %arg12[%add3A_25, %gather3A] : memref<64x512xf32, #tpu.memory_space<vmem>>[vector<16xi32>, vector<16xi32>], vector<16xf32>,
          %swap3A_316 = arith.index_cast %and3A_302 : i32 to index
          %swap3A_317 = arith.constant 48 : index
          %swap3A_318 = tpu.vector_load %arg15[%swap3A_316, %swap3A_317] {strides = array<i32>} : memref<16x128xf32, #tpu.memory_space<vmem>>, vector<16xf32>,
          tpu.vector_store %arg15[%swap3A_316, %swap3A_317], %gather3A_315 {strides = array<i32>} : memref<16x128xf32, #tpu.memory_space<vmem>>, vector<16xf32>,
          %eq3A_319 = vector.broadcast %and3A_302 : i32 to vector<16xi32>
          %eq3A_320 = arith.cmpi eq, %iota3A, %eq3A_319 : vector<16xi32>
          %select_n3A = arith.select %eq3A_320, %gather3A_300, %while3A_299 : vector<16xi1>, vector<16xi32>
          %add3A_321 = arith.constant 1 : i32
          %add3A_322 = arith.addi %while3A_298, %add3A_321 : i32
          %and3A_323 = arith.constant 15 : i32
          %and3A_324 = arith.andi %add3A_322, %and3A_323 : i32
          %eq3A_325 = arith.constant 0 : i32
          %eq3A_326 = arith.cmpi eq, %and3A_324, %eq3A_325 : i32
          %convert_element_type3A = arith.extui %eq3A_326 : i1 to i32
          %cond3A = arith.constant 0 : i32
          %cond3A_327 = arith.cmpi ne, %convert_element_type3A, %cond3A : i32
          scf.if %cond3A_327 {
            %dma_start3A_330 = arith.constant 0 : i32
            %dma_start3A_331 = arith.constant 0 : i32
            %dma_start3A_332 = tpu.memref_slice %arg7[%dma_start3A_330, %dma_start3A_331] : memref<16896x128xf32, #tpu.memory_space<hbm>> -> memref<16896x128xf32, #tpu.memory_space<hbm>>
            tpu.enqueue_indirect_dma source(%arg15 : memref<16x128xf32, #tpu.memory_space<vmem>>) target(%dma_start3A_332 : memref<16896x128xf32, #tpu.memory_space<hbm>>) offsets(%select_n3A : vector<16xi32>) semaphore(%arg18 : memref<!tpu.dma_semaphore, #tpu.memory_space<semaphore_mem>>)
            %dma_wait3A_333 = arith.constant 0 : i32
            %dma_wait3A_334 = arith.constant 0 : i32
            %dma_wait3A_335 = tpu.memref_slice %arg7[%dma_wait3A_333, %dma_wait3A_334] : memref<16896x128xf32, #tpu.memory_space<hbm>> -> memref<16896x128xf32, #tpu.memory_space<hbm>>
            tpu.wait_indirect_dma semaphore(%arg18 : memref<!tpu.dma_semaphore, #tpu.memory_space<semaphore_mem>>) src(%arg15 : memref<16x128xf32, #tpu.memory_space<vmem>>) dst(%dma_wait3A_335 : memref<16896x128xf32, #tpu.memory_space<hbm>>)
          } else {
          }
          %broadcast_in_dim3A_328 = vector.broadcast %eq3A_326 : i1 to vector<16xi1>
          %select_n3A_329 = arith.select %broadcast_in_dim3A_328, %add3A_31, %select_n3A : vector<16xi1>, vector<16xi32>
          scf.yield %add3A_322, %select_n3A_329 : i32, vector<16xi32>
        }
        %while3A_295 = arith.constant 1 : i32
        %while3A_296:2 = scf.for %while3A_297 = %while3A_292 to %while3A_288 step %while3A_295 iter_args(%while3A_298 = %while3A_294#0, %while3A_299 = %while3A_294#1) -> (i32, vector<16xi32>)  : i32 {
          %broadcast_in_dim3A = vector.broadcast %while3A_297 : i32 to vector<16xi32>
          %gather3A = tpu.vector_load_idx %arg13[%broadcast_in_dim3A] : memref<16xi32, #tpu.memory_space<vmem>>[vector<16xi32>], vector<16xi32>,
          %gather3A_300 = tpu.vector_load_idx %arg14[%broadcast_in_dim3A] : memref<16xi32, #tpu.memory_space<vmem>>[vector<16xi32>], vector<16xi32>,
          %and3A_301 = arith.constant 15 : i32
          %and3A_302 = arith.andi %while3A_298, %and3A_301 : i32
          %gather3A_303 = tpu.vector_load_idx %arg12[%add3A_16, %gather3A] : memref<64x512xf32, #tpu.memory_space<vmem>>[vector<16xi32>, vector<16xi32>], vector<16xf32>,
          %swap3A_304 = arith.index_cast %and3A_302 : i32 to index
          %swap3A_305 = arith.constant 0 : index
          %swap3A_306 = tpu.vector_load %arg15[%swap3A_304, %swap3A_305] {strides = array<i32>} : memref<16x128xf32, #tpu.memory_space<vmem>>, vector<16xf32>,
          tpu.vector_store %arg15[%swap3A_304, %swap3A_305], %gather3A_303 {strides = array<i32>} : memref<16x128xf32, #tpu.memory_space<vmem>>, vector<16xf32>,
          %gather3A_307 = tpu.vector_load_idx %arg12[%add3A_19, %gather3A] : memref<64x512xf32, #tpu.memory_space<vmem>>[vector<16xi32>, vector<16xi32>], vector<16xf32>,
          %swap3A_308 = arith.index_cast %and3A_302 : i32 to index
          %swap3A_309 = arith.constant 16 : index
          %swap3A_310 = tpu.vector_load %arg15[%swap3A_308, %swap3A_309] {strides = array<i32>} : memref<16x128xf32, #tpu.memory_space<vmem>>, vector<16xf32>,
          tpu.vector_store %arg15[%swap3A_308, %swap3A_309], %gather3A_307 {strides = array<i32>} : memref<16x128xf32, #tpu.memory_space<vmem>>, vector<16xf32>,
          %gather3A_311 = tpu.vector_load_idx %arg12[%add3A_22, %gather3A] : memref<64x512xf32, #tpu.memory_space<vmem>>[vector<16xi32>, vector<16xi32>], vector<16xf32>,
          %swap3A_312 = arith.index_cast %and3A_302 : i32 to index
          %swap3A_313 = arith.constant 32 : index
          %swap3A_314 = tpu.vector_load %arg15[%swap3A_312, %swap3A_313] {strides = array<i32>} : memref<16x128xf32, #tpu.memory_space<vmem>>, vector<16xf32>,
          tpu.vector_store %arg15[%swap3A_312, %swap3A_313], %gather3A_311 {strides = array<i32>} : memref<16x128xf32, #tpu.memory_space<vmem>>, vector<16xf32>,
          %gather3A_315 = tpu.vector_load_idx %arg12[%add3A_25, %gather3A] : memref<64x512xf32, #tpu.memory_space<vmem>>[vector<16xi32>, vector<16xi32>], vector<16xf32>,
          %swap3A_316 = arith.index_cast %and3A_302 : i32 to index
          %swap3A_317 = arith.constant 48 : index
          %swap3A_318 = tpu.vector_load %arg15[%swap3A_316, %swap3A_317] {strides = array<i32>} : memref<16x128xf32, #tpu.memory_space<vmem>>, vector<16xf32>,
          tpu.vector_store %arg15[%swap3A_316, %swap3A_317], %gather3A_315 {strides = array<i32>} : memref<16x128xf32, #tpu.memory_space<vmem>>, vector<16xf32>,
          %eq3A_319 = vector.broadcast %and3A_302 : i32 to vector<16xi32>
          %eq3A_320 = arith.cmpi eq, %iota3A, %eq3A_319 : vector<16xi32>
          %select_n3A = arith.select %eq3A_320, %gather3A_300, %while3A_299 : vector<16xi1>, vector<16xi32>
          %add3A_321 = arith.constant 1 : i32
          %add3A_322 = arith.addi %while3A_298, %add3A_321 : i32
          %and3A_323 = arith.constant 15 : i32
          %and3A_324 = arith.andi %add3A_322, %and3A_323 : i32
          %eq3A_325 = arith.constant 0 : i32
          %eq3A_326 = arith.cmpi eq, %and3A_324, %eq3A_325 : i32
          %convert_element_type3A = arith.extui %eq3A_326 : i1 to i32
          %cond3A = arith.constant 0 : i32
          %cond3A_327 = arith.cmpi ne, %convert_element_type3A, %cond3A : i32
          scf.if %cond3A_327 {
            %dma_start3A_330 = arith.constant 0 : i32
            %dma_start3A_331 = arith.constant 0 : i32
            %dma_start3A_332 = tpu.memref_slice %arg7[%dma_start3A_330, %dma_start3A_331] : memref<16896x128xf32, #tpu.memory_space<hbm>> -> memref<16896x128xf32, #tpu.memory_space<hbm>>
            tpu.enqueue_indirect_dma source(%arg15 : memref<16x128xf32, #tpu.memory_space<vmem>>) target(%dma_start3A_332 : memref<16896x128xf32, #tpu.memory_space<hbm>>) offsets(%select_n3A : vector<16xi32>) semaphore(%arg18 : memref<!tpu.dma_semaphore, #tpu.memory_space<semaphore_mem>>)
            %dma_wait3A_333 = arith.constant 0 : i32
            %dma_wait3A_334 = arith.constant 0 : i32
            %dma_wait3A_335 = tpu.memref_slice %arg7[%dma_wait3A_333, %dma_wait3A_334] : memref<16896x128xf32, #tpu.memory_space<hbm>> -> memref<16896x128xf32, #tpu.memory_space<hbm>>
            tpu.wait_indirect_dma semaphore(%arg18 : memref<!tpu.dma_semaphore, #tpu.memory_space<semaphore_mem>>) src(%arg15 : memref<16x128xf32, #tpu.memory_space<vmem>>) dst(%dma_wait3A_335 : memref<16896x128xf32, #tpu.memory_space<hbm>>)
          } else {
          }
          %broadcast_in_dim3A_328 = vector.broadcast %eq3A_326 : i1 to vector<16xi1>
          %select_n3A_329 = arith.select %broadcast_in_dim3A_328, %add3A_31, %select_n3A : vector<16xi1>, vector<16xi32>
          scf.yield %add3A_322, %select_n3A_329 : i32, vector<16xi32>
        }
        scf.yield %while3A_296#0, %while3A_296#1 : i32, vector<16xi32>
      }
      %add3A_244 = arith.constant 1 : i32
      %add3A_245 = arith.addi %while3A_165, %add3A_244 : i32
      %mul3A_246 = arith.constant 2 : i32
      %mul3A_247 = arith.muli %mul3A_246, %add3A_245 : i32
      %add3A_248 = arith.constant 1 : i32
      %add3A_249 = arith.addi %mul3A_247, %add3A_248 : i32
      %sub3A_250 = arith.constant 1 : i32
      %sub3A_251 = arith.subi %sub3A, %sub3A_250 : i32
      %min3A_252 = arith.minsi %add3A_249, %sub3A_251 : i32
      %add3A_253 = arith.addi %shift_right_arithmetic3A_3, %min3A_252 : i32
      %mul3A_254 = arith.constant 512 : i32
      %mul3A_255 = arith.muli %add3A_253, %mul3A_254 : i32
      %min3A_256 = arith.constant 999552 : i32
      %min3A_257 = arith.minsi %mul3A_255, %min3A_256 : i32
      %dma_start3A_258 = arith.constant 0 : i32
      %dma_start3A_259 = tpu.memref_slice %arg5[%dma_start3A_258, %min3A_257] : memref<64x1000000xf32, #tpu.memory_space<hbm>> -> memref<64x512xf32, #tpu.memory_space<hbm>>
      %dma_start3A_260 = arith.constant 0 : i32
      %dma_start3A_261 = tpu.memref_slice %arg5[%dma_start3A_260, %min3A_257] : memref<64x1000000xf32, #tpu.memory_space<hbm>> -> memref<64x512xf32, #tpu.memory_space<hbm>>
      tpu.enqueue_dma source(%dma_start3A_261 : memref<64x512xf32, #tpu.memory_space<hbm>>) target(%arg12 : memref<64x512xf32, #tpu.memory_space<vmem>>) target_semaphore(%arg17 : memref<!tpu.dma_semaphore, #tpu.memory_space<semaphore_mem>>)
      scf.yield %while3A_243#0, %while3A_243#1 : i32, vector<16xi32>
    }
    %dma_start3A_147 = arith.constant 0 : i32
    %dma_start3A_148 = arith.constant 0 : i32
    %dma_start3A_149 = tpu.memref_slice %arg7[%dma_start3A_147, %dma_start3A_148] : memref<16896x128xf32, #tpu.memory_space<hbm>> -> memref<16896x128xf32, #tpu.memory_space<hbm>>
    tpu.enqueue_indirect_dma source(%arg15 : memref<16x128xf32, #tpu.memory_space<vmem>>) target(%dma_start3A_149 : memref<16896x128xf32, #tpu.memory_space<hbm>>) offsets(%while3A_146#1 : vector<16xi32>) semaphore(%arg18 : memref<!tpu.dma_semaphore, #tpu.memory_space<semaphore_mem>>)
    %dma_wait3A_150 = arith.constant 0 : i32
    %dma_wait3A_151 = arith.constant 0 : i32
    %dma_wait3A_152 = tpu.memref_slice %arg7[%dma_wait3A_150, %dma_wait3A_151] : memref<16896x128xf32, #tpu.memory_space<hbm>> -> memref<16896x128xf32, #tpu.memory_space<hbm>>
    tpu.wait_indirect_dma semaphore(%arg18 : memref<!tpu.dma_semaphore, #tpu.memory_space<semaphore_mem>>) src(%arg15 : memref<16x128xf32, #tpu.memory_space<vmem>>) dst(%dma_wait3A_152 : memref<16896x128xf32, #tpu.memory_space<hbm>>)
    %dma_wait3A_153 = arith.constant 0 : i32
    %dma_wait3A_154 = arith.constant 0 : i32
    %dma_wait3A_155 = tpu.memref_slice %arg5[%dma_wait3A_153, %dma_wait3A_154] : memref<64x1000000xf32, #tpu.memory_space<hbm>> -> memref<64x512xf32, #tpu.memory_space<hbm>>
    %dma_wait3A_156 = arith.constant 0 : i32
    %dma_wait3A_157 = arith.constant 0 : i32
    %dma_wait3A_158 = tpu.memref_slice %arg5[%dma_wait3A_156, %dma_wait3A_157] : memref<64x1000000xf32, #tpu.memory_space<hbm>> -> memref<64x512xf32, #tpu.memory_space<hbm>>
    tpu.wait_dma2 semaphore(%arg16 : memref<!tpu.dma_semaphore, #tpu.memory_space<semaphore_mem>>) src(%dma_wait3A_158 : memref<64x512xf32, #tpu.memory_space<hbm>>) dst(%arg11 : memref<64x512xf32, #tpu.memory_space<vmem>>)
    %dma_wait3A_159 = arith.constant 0 : i32
    %dma_wait3A_160 = arith.constant 0 : i32
    %dma_wait3A_161 = tpu.memref_slice %arg5[%dma_wait3A_159, %dma_wait3A_160] : memref<64x1000000xf32, #tpu.memory_space<hbm>> -> memref<64x512xf32, #tpu.memory_space<hbm>>
    %dma_wait3A_162 = arith.constant 0 : i32
    %dma_wait3A_163 = arith.constant 0 : i32
    %dma_wait3A_164 = tpu.memref_slice %arg5[%dma_wait3A_162, %dma_wait3A_163] : memref<64x1000000xf32, #tpu.memory_space<hbm>> -> memref<64x512xf32, #tpu.memory_space<hbm>>
    tpu.wait_dma2 semaphore(%arg17 : memref<!tpu.dma_semaphore, #tpu.memory_space<semaphore_mem>>) src(%dma_wait3A_164 : memref<64x512xf32, #tpu.memory_space<hbm>>) dst(%arg12 : memref<64x512xf32, #tpu.memory_space<vmem>>)
    return
  }
}

#map = affine_map<(d0, d1) -> (0, 0)>
#map1 = affine_map<(d0, d1) -> (0)>
module attributes {stable_mosaic.version = 14 : i64} {
  func.func @_gmf_compute(%arg0: i32, %arg1: i32, %arg2: memref<16896x128xf32, #tpu.memory_space<hbm>>, %arg3: memref<16896x128xf32, #tpu.memory_space<hbm>>, %arg4: memref<64xf32, #tpu.memory_space<hbm>>, %arg5: memref<16xf32, #tpu.memory_space<hbm>>, %arg6: memref<16384xf32, #tpu.memory_space<hbm>>, %arg7: memref<512x64xf32, #tpu.memory_space<vmem>>, %arg8: memref<512x64xf32, #tpu.memory_space<vmem>>, %arg9: memref<64xf32, #tpu.memory_space<vmem>>, %arg10: memref<16xf32, #tpu.memory_space<vmem>>, %arg11: memref<512xf32, #tpu.memory_space<vmem>>, %arg12: memref<!tpu.dma_semaphore, #tpu.memory_space<semaphore_mem>>, %arg13: memref<!tpu.dma_semaphore, #tpu.memory_space<semaphore_mem>>) attributes {dimension_semantics = [#tpu.dimension_semantics<core_parallel>, #tpu.dimension_semantics<subcore_parallel>], iteration_bounds = array<i64: 2, 16>, scalar_prefetch = 0 : i64, scratch_operands = 7 : i64, tpu.core_type = #tpu.core_type<sc_vector_subcore>, window_params = [{transform_indices = #map}, {transform_indices = #map}, {transform_indices = #map1}, {transform_indices = #map1}, {transform_indices = #map1}]} {
    %mul3A = arith.constant 2 : i32
    %mul3A_0 = arith.muli %arg1, %mul3A : i32
    %add3A = arith.addi %mul3A_0, %arg0 : i32
    %mul3A_1 = arith.constant 512 : i32
    %mul3A_2 = arith.muli %add3A, %mul3A_1 : i32
    "tpu.region"() ({
      %run_scoped3A = tpu.sem_alloc : memref<!tpu.dma_semaphore, #tpu.memory_space<semaphore_mem>>
      tpu.enqueue_dma source(%arg4 : memref<64xf32, #tpu.memory_space<hbm>>) target(%arg9 : memref<64xf32, #tpu.memory_space<vmem>>) target_semaphore(%run_scoped3A : memref<!tpu.dma_semaphore, #tpu.memory_space<semaphore_mem>>)
      tpu.wait_dma2 semaphore(%run_scoped3A : memref<!tpu.dma_semaphore, #tpu.memory_space<semaphore_mem>>) src(%arg4 : memref<64xf32, #tpu.memory_space<hbm>>) dst(%arg9 : memref<64xf32, #tpu.memory_space<vmem>>)
      tpu.yield
    }) : () -> ()
    "tpu.region"() ({
      %run_scoped3A = tpu.sem_alloc : memref<!tpu.dma_semaphore, #tpu.memory_space<semaphore_mem>>
      tpu.enqueue_dma source(%arg5 : memref<16xf32, #tpu.memory_space<hbm>>) target(%arg10 : memref<16xf32, #tpu.memory_space<vmem>>) target_semaphore(%run_scoped3A : memref<!tpu.dma_semaphore, #tpu.memory_space<semaphore_mem>>)
      tpu.wait_dma2 semaphore(%run_scoped3A : memref<!tpu.dma_semaphore, #tpu.memory_space<semaphore_mem>>) src(%arg5 : memref<16xf32, #tpu.memory_space<hbm>>) dst(%arg10 : memref<16xf32, #tpu.memory_space<vmem>>)
      tpu.yield
    }) : () -> ()
    %get3A = arith.constant 0 : index
    %get3A_3 = tpu.vector_load %arg9[%get3A] {strides = array<i32>} : memref<64xf32, #tpu.memory_space<vmem>>, vector<16xf32>,
    %get3A_4 = arith.constant 16 : index
    %get3A_5 = tpu.vector_load %arg9[%get3A_4] {strides = array<i32>} : memref<64xf32, #tpu.memory_space<vmem>>, vector<16xf32>,
    %get3A_6 = arith.constant 32 : index
    %get3A_7 = tpu.vector_load %arg9[%get3A_6] {strides = array<i32>} : memref<64xf32, #tpu.memory_space<vmem>>, vector<16xf32>,
    %get3A_8 = arith.constant 48 : index
    %get3A_9 = tpu.vector_load %arg9[%get3A_8] {strides = array<i32>} : memref<64xf32, #tpu.memory_space<vmem>>, vector<16xf32>,
    %get3A_10 = arith.constant 0 : index
    %get3A_11 = tpu.vector_load %arg10[%get3A_10] {strides = array<i32>} : memref<16xf32, #tpu.memory_space<vmem>>, vector<16xf32>,
    %iota3A = tpu.iota {dimensions = array<i32: 0>} : vector<16xi32>
    %dma_start3A = arith.constant 0 : i32
    %dma_start3A_12 = tpu.memref_slice %arg2[%mul3A_2, %dma_start3A] : memref<16896x128xf32, #tpu.memory_space<hbm>> -> memref<512x64xf32, #tpu.memory_space<hbm>>
    %dma_start3A_13 = arith.constant 0 : i32
    %dma_start3A_14 = tpu.memref_slice %arg2[%mul3A_2, %dma_start3A_13] : memref<16896x128xf32, #tpu.memory_space<hbm>> -> memref<512x64xf32, #tpu.memory_space<hbm>>
    tpu.enqueue_dma source(%dma_start3A_14 : memref<512x64xf32, #tpu.memory_space<hbm>>) target(%arg7 : memref<512x64xf32, #tpu.memory_space<vmem>>) target_semaphore(%arg12 : memref<!tpu.dma_semaphore, #tpu.memory_space<semaphore_mem>>)
    %dma_start3A_15 = arith.constant 0 : i32
    %dma_start3A_16 = tpu.memref_slice %arg3[%mul3A_2, %dma_start3A_15] : memref<16896x128xf32, #tpu.memory_space<hbm>> -> memref<512x64xf32, #tpu.memory_space<hbm>>
    %dma_start3A_17 = arith.constant 0 : i32
    %dma_start3A_18 = tpu.memref_slice %arg3[%mul3A_2, %dma_start3A_17] : memref<16896x128xf32, #tpu.memory_space<hbm>> -> memref<512x64xf32, #tpu.memory_space<hbm>>
    tpu.enqueue_dma source(%dma_start3A_18 : memref<512x64xf32, #tpu.memory_space<hbm>>) target(%arg8 : memref<512x64xf32, #tpu.memory_space<vmem>>) target_semaphore(%arg13 : memref<!tpu.dma_semaphore, #tpu.memory_space<semaphore_mem>>)
    %dma_wait3A = arith.constant 0 : i32
    %dma_wait3A_19 = tpu.memref_slice %arg2[%mul3A_2, %dma_wait3A] : memref<16896x128xf32, #tpu.memory_space<hbm>> -> memref<512x64xf32, #tpu.memory_space<hbm>>
    %dma_wait3A_20 = arith.constant 0 : i32
    %dma_wait3A_21 = tpu.memref_slice %arg2[%mul3A_2, %dma_wait3A_20] : memref<16896x128xf32, #tpu.memory_space<hbm>> -> memref<512x64xf32, #tpu.memory_space<hbm>>
    tpu.wait_dma2 semaphore(%arg12 : memref<!tpu.dma_semaphore, #tpu.memory_space<semaphore_mem>>) src(%dma_wait3A_21 : memref<512x64xf32, #tpu.memory_space<hbm>>) dst(%arg7 : memref<512x64xf32, #tpu.memory_space<vmem>>)
    %dma_wait3A_22 = arith.constant 0 : i32
    %dma_wait3A_23 = tpu.memref_slice %arg3[%mul3A_2, %dma_wait3A_22] : memref<16896x128xf32, #tpu.memory_space<hbm>> -> memref<512x64xf32, #tpu.memory_space<hbm>>
    %dma_wait3A_24 = arith.constant 0 : i32
    %dma_wait3A_25 = tpu.memref_slice %arg3[%mul3A_2, %dma_wait3A_24] : memref<16896x128xf32, #tpu.memory_space<hbm>> -> memref<512x64xf32, #tpu.memory_space<hbm>>
    tpu.wait_dma2 semaphore(%arg13 : memref<!tpu.dma_semaphore, #tpu.memory_space<semaphore_mem>>) src(%dma_wait3A_25 : memref<512x64xf32, #tpu.memory_space<hbm>>) dst(%arg8 : memref<512x64xf32, #tpu.memory_space<vmem>>)
    %scan3A = arith.constant 0 : i32
    %scan3A_26 = arith.constant 0 : i32
    %scan3A_27 = arith.constant 32 : i32
    %scan3A_28 = arith.addi %scan3A_26, %scan3A_27 : i32
    %scan3A_29 = arith.constant 1 : i32
    scf.for %scan3A_31 = %scan3A_26 to %scan3A_28 step %scan3A_29  : i32 {
      %mul3A_32 = arith.constant 16 : i32
      %mul3A_33 = arith.muli %scan3A_31, %mul3A_32 : i32
      %broadcast_in_dim3A = arith.constant 0.000000e+00 : f32
      %broadcast_in_dim3A_34 = vector.broadcast %broadcast_in_dim3A : f32 to vector<16xf32>
      %add3A_35 = arith.constant 0 : i32
      %add3A_36 = arith.addi %mul3A_33, %add3A_35 : i32
      %get3A_37 = arith.index_cast %add3A_36 : i32 to index
      %get3A_38 = arith.constant 0 : index
      %get3A_39 = tpu.vector_load %arg7[%get3A_37, %get3A_38] {strides = array<i32>} : memref<512x64xf32, #tpu.memory_space<vmem>>, vector<16xf32>,
      %get3A_40 = arith.index_cast %add3A_36 : i32 to index
      %get3A_41 = arith.constant 0 : index
      %get3A_42 = tpu.vector_load %arg8[%get3A_40, %get3A_41] {strides = array<i32>} : memref<512x64xf32, #tpu.memory_space<vmem>>, vector<16xf32>,
      %mul3A_43 = arith.mulf %get3A_39, %get3A_42 : vector<16xf32>
      %mul3A_44 = arith.mulf %mul3A_43, %get3A_3 : vector<16xf32>
      %get3A_45 = arith.index_cast %add3A_36 : i32 to index
      %get3A_46 = arith.constant 16 : index
      %get3A_47 = tpu.vector_load %arg7[%get3A_45, %get3A_46] {strides = array<i32>} : memref<512x64xf32, #tpu.memory_space<vmem>>, vector<16xf32>,
      %get3A_48 = arith.index_cast %add3A_36 : i32 to index
      %get3A_49 = arith.constant 16 : index
      %get3A_50 = tpu.vector_load %arg8[%get3A_48, %get3A_49] {strides = array<i32>} : memref<512x64xf32, #tpu.memory_space<vmem>>, vector<16xf32>,
      %mul3A_51 = arith.mulf %get3A_47, %get3A_50 : vector<16xf32>
      %mul3A_52 = arith.mulf %mul3A_51, %get3A_5 : vector<16xf32>
      %add3A_53 = arith.addf %mul3A_44, %mul3A_52 : vector<16xf32>
      %get3A_54 = arith.index_cast %add3A_36 : i32 to index
      %get3A_55 = arith.constant 32 : index
      %get3A_56 = tpu.vector_load %arg7[%get3A_54, %get3A_55] {strides = array<i32>} : memref<512x64xf32, #tpu.memory_space<vmem>>, vector<16xf32>,
      %get3A_57 = arith.index_cast %add3A_36 : i32 to index
      %get3A_58 = arith.constant 32 : index
      %get3A_59 = tpu.vector_load %arg8[%get3A_57, %get3A_58] {strides = array<i32>} : memref<512x64xf32, #tpu.memory_space<vmem>>, vector<16xf32>,
      %mul3A_60 = arith.mulf %get3A_56, %get3A_59 : vector<16xf32>
      %mul3A_61 = arith.mulf %mul3A_60, %get3A_7 : vector<16xf32>
      %add3A_62 = arith.addf %add3A_53, %mul3A_61 : vector<16xf32>
      %get3A_63 = arith.index_cast %add3A_36 : i32 to index
      %get3A_64 = arith.constant 48 : index
      %get3A_65 = tpu.vector_load %arg7[%get3A_63, %get3A_64] {strides = array<i32>} : memref<512x64xf32, #tpu.memory_space<vmem>>, vector<16xf32>,
      %get3A_66 = arith.index_cast %add3A_36 : i32 to index
      %get3A_67 = arith.constant 48 : index
      %get3A_68 = tpu.vector_load %arg8[%get3A_66, %get3A_67] {strides = array<i32>} : memref<512x64xf32, #tpu.memory_space<vmem>>, vector<16xf32>,
      %mul3A_69 = arith.mulf %get3A_65, %get3A_68 : vector<16xf32>
      %mul3A_70 = arith.mulf %mul3A_69, %get3A_9 : vector<16xf32>
      %add3A_71 = arith.addf %add3A_62, %mul3A_70 : vector<16xf32>
      %eq3A = arith.constant 0 : i32
      %eq3A_72 = vector.broadcast %eq3A : i32 to vector<16xi32>
      %eq3A_73 = arith.cmpi eq, %iota3A, %eq3A_72 : vector<16xi32>
      %reduce_sum3A = arith.constant true
      %reduce_sum3A_74 = vector.broadcast %reduce_sum3A : i1 to vector<16xi1>
      %reduce_sum3A_75 = tpu.scan <sum>, %add3A_71 masked %reduce_sum3A_74 : vector<16xf32>, vector<16xi1> -> vector<16xf32>
      %reduce_sum3A_76 = vector.extract %reduce_sum3A_75[15] : f32 from vector<16xf32>
      %broadcast_in_dim3A_77 = vector.broadcast %reduce_sum3A_76 : f32 to vector<16xf32>
      %select_n3A = arith.select %eq3A_73, %broadcast_in_dim3A_77, %broadcast_in_dim3A_34 : vector<16xi1>, vector<16xf32>
      %add3A_78 = arith.constant 1 : i32
      %add3A_79 = arith.addi %mul3A_33, %add3A_78 : i32
      %get3A_80 = arith.index_cast %add3A_79 : i32 to index
      %get3A_81 = arith.constant 0 : index
      %get3A_82 = tpu.vector_load %arg7[%get3A_80, %get3A_81] {strides = array<i32>} : memref<512x64xf32, #tpu.memory_space<vmem>>, vector<16xf32>,
      %get3A_83 = arith.index_cast %add3A_79 : i32 to index
      %get3A_84 = arith.constant 0 : index
      %get3A_85 = tpu.vector_load %arg8[%get3A_83, %get3A_84] {strides = array<i32>} : memref<512x64xf32, #tpu.memory_space<vmem>>, vector<16xf32>,
      %mul3A_86 = arith.mulf %get3A_82, %get3A_85 : vector<16xf32>
      %mul3A_87 = arith.mulf %mul3A_86, %get3A_3 : vector<16xf32>
      %get3A_88 = arith.index_cast %add3A_79 : i32 to index
      %get3A_89 = arith.constant 16 : index
      %get3A_90 = tpu.vector_load %arg7[%get3A_88, %get3A_89] {strides = array<i32>} : memref<512x64xf32, #tpu.memory_space<vmem>>, vector<16xf32>,
      %get3A_91 = arith.index_cast %add3A_79 : i32 to index
      %get3A_92 = arith.constant 16 : index
      %get3A_93 = tpu.vector_load %arg8[%get3A_91, %get3A_92] {strides = array<i32>} : memref<512x64xf32, #tpu.memory_space<vmem>>, vector<16xf32>,
      %mul3A_94 = arith.mulf %get3A_90, %get3A_93 : vector<16xf32>
      %mul3A_95 = arith.mulf %mul3A_94, %get3A_5 : vector<16xf32>
      %add3A_96 = arith.addf %mul3A_87, %mul3A_95 : vector<16xf32>
      %get3A_97 = arith.index_cast %add3A_79 : i32 to index
      %get3A_98 = arith.constant 32 : index
      %get3A_99 = tpu.vector_load %arg7[%get3A_97, %get3A_98] {strides = array<i32>} : memref<512x64xf32, #tpu.memory_space<vmem>>, vector<16xf32>,
      %get3A_100 = arith.index_cast %add3A_79 : i32 to index
      %get3A_101 = arith.constant 32 : index
      %get3A_102 = tpu.vector_load %arg8[%get3A_100, %get3A_101] {strides = array<i32>} : memref<512x64xf32, #tpu.memory_space<vmem>>, vector<16xf32>,
      %mul3A_103 = arith.mulf %get3A_99, %get3A_102 : vector<16xf32>
      %mul3A_104 = arith.mulf %mul3A_103, %get3A_7 : vector<16xf32>
      %add3A_105 = arith.addf %add3A_96, %mul3A_104 : vector<16xf32>
      %get3A_106 = arith.index_cast %add3A_79 : i32 to index
      %get3A_107 = arith.constant 48 : index
      %get3A_108 = tpu.vector_load %arg7[%get3A_106, %get3A_107] {strides = array<i32>} : memref<512x64xf32, #tpu.memory_space<vmem>>, vector<16xf32>,
      %get3A_109 = arith.index_cast %add3A_79 : i32 to index
      %get3A_110 = arith.constant 48 : index
      %get3A_111 = tpu.vector_load %arg8[%get3A_109, %get3A_110] {strides = array<i32>} : memref<512x64xf32, #tpu.memory_space<vmem>>, vector<16xf32>,
      %mul3A_112 = arith.mulf %get3A_108, %get3A_111 : vector<16xf32>
      %mul3A_113 = arith.mulf %mul3A_112, %get3A_9 : vector<16xf32>
      %add3A_114 = arith.addf %add3A_105, %mul3A_113 : vector<16xf32>
      %eq3A_115 = arith.constant 1 : i32
      %eq3A_116 = vector.broadcast %eq3A_115 : i32 to vector<16xi32>
      %eq3A_117 = arith.cmpi eq, %iota3A, %eq3A_116 : vector<16xi32>
      %reduce_sum3A_118 = arith.constant true
      %reduce_sum3A_119 = vector.broadcast %reduce_sum3A_118 : i1 to vector<16xi1>
      %reduce_sum3A_120 = tpu.scan <sum>, %add3A_114 masked %reduce_sum3A_119 : vector<16xf32>, vector<16xi1> -> vector<16xf32>
      %reduce_sum3A_121 = vector.extract %reduce_sum3A_120[15] : f32 from vector<16xf32>
      %broadcast_in_dim3A_122 = vector.broadcast %reduce_sum3A_121 : f32 to vector<16xf32>
      %select_n3A_123 = arith.select %eq3A_117, %broadcast_in_dim3A_122, %select_n3A : vector<16xi1>, vector<16xf32>
      %add3A_124 = arith.constant 2 : i32
      %add3A_125 = arith.addi %mul3A_33, %add3A_124 : i32
      %get3A_126 = arith.index_cast %add3A_125 : i32 to index
      %get3A_127 = arith.constant 0 : index
      %get3A_128 = tpu.vector_load %arg7[%get3A_126, %get3A_127] {strides = array<i32>} : memref<512x64xf32, #tpu.memory_space<vmem>>, vector<16xf32>,
      %get3A_129 = arith.index_cast %add3A_125 : i32 to index
      %get3A_130 = arith.constant 0 : index
      %get3A_131 = tpu.vector_load %arg8[%get3A_129, %get3A_130] {strides = array<i32>} : memref<512x64xf32, #tpu.memory_space<vmem>>, vector<16xf32>,
      %mul3A_132 = arith.mulf %get3A_128, %get3A_131 : vector<16xf32>
      %mul3A_133 = arith.mulf %mul3A_132, %get3A_3 : vector<16xf32>
      %get3A_134 = arith.index_cast %add3A_125 : i32 to index
      %get3A_135 = arith.constant 16 : index
      %get3A_136 = tpu.vector_load %arg7[%get3A_134, %get3A_135] {strides = array<i32>} : memref<512x64xf32, #tpu.memory_space<vmem>>, vector<16xf32>,
      %get3A_137 = arith.index_cast %add3A_125 : i32 to index
      %get3A_138 = arith.constant 16 : index
      %get3A_139 = tpu.vector_load %arg8[%get3A_137, %get3A_138] {strides = array<i32>} : memref<512x64xf32, #tpu.memory_space<vmem>>, vector<16xf32>,
      %mul3A_140 = arith.mulf %get3A_136, %get3A_139 : vector<16xf32>
      %mul3A_141 = arith.mulf %mul3A_140, %get3A_5 : vector<16xf32>
      %add3A_142 = arith.addf %mul3A_133, %mul3A_141 : vector<16xf32>
      %get3A_143 = arith.index_cast %add3A_125 : i32 to index
      %get3A_144 = arith.constant 32 : index
      %get3A_145 = tpu.vector_load %arg7[%get3A_143, %get3A_144] {strides = array<i32>} : memref<512x64xf32, #tpu.memory_space<vmem>>, vector<16xf32>,
      %get3A_146 = arith.index_cast %add3A_125 : i32 to index
      %get3A_147 = arith.constant 32 : index
      %get3A_148 = tpu.vector_load %arg8[%get3A_146, %get3A_147] {strides = array<i32>} : memref<512x64xf32, #tpu.memory_space<vmem>>, vector<16xf32>,
      %mul3A_149 = arith.mulf %get3A_145, %get3A_148 : vector<16xf32>
      %mul3A_150 = arith.mulf %mul3A_149, %get3A_7 : vector<16xf32>
      %add3A_151 = arith.addf %add3A_142, %mul3A_150 : vector<16xf32>
      %get3A_152 = arith.index_cast %add3A_125 : i32 to index
      %get3A_153 = arith.constant 48 : index
      %get3A_154 = tpu.vector_load %arg7[%get3A_152, %get3A_153] {strides = array<i32>} : memref<512x64xf32, #tpu.memory_space<vmem>>, vector<16xf32>,
      %get3A_155 = arith.index_cast %add3A_125 : i32 to index
      %get3A_156 = arith.constant 48 : index
      %get3A_157 = tpu.vector_load %arg8[%get3A_155, %get3A_156] {strides = array<i32>} : memref<512x64xf32, #tpu.memory_space<vmem>>, vector<16xf32>,
      %mul3A_158 = arith.mulf %get3A_154, %get3A_157 : vector<16xf32>
      %mul3A_159 = arith.mulf %mul3A_158, %get3A_9 : vector<16xf32>
      %add3A_160 = arith.addf %add3A_151, %mul3A_159 : vector<16xf32>
      %eq3A_161 = arith.constant 2 : i32
      %eq3A_162 = vector.broadcast %eq3A_161 : i32 to vector<16xi32>
      %eq3A_163 = arith.cmpi eq, %iota3A, %eq3A_162 : vector<16xi32>
      %reduce_sum3A_164 = arith.constant true
      %reduce_sum3A_165 = vector.broadcast %reduce_sum3A_164 : i1 to vector<16xi1>
      %reduce_sum3A_166 = tpu.scan <sum>, %add3A_160 masked %reduce_sum3A_165 : vector<16xf32>, vector<16xi1> -> vector<16xf32>
      %reduce_sum3A_167 = vector.extract %reduce_sum3A_166[15] : f32 from vector<16xf32>
      %broadcast_in_dim3A_168 = vector.broadcast %reduce_sum3A_167 : f32 to vector<16xf32>
      %select_n3A_169 = arith.select %eq3A_163, %broadcast_in_dim3A_168, %select_n3A_123 : vector<16xi1>, vector<16xf32>
      %add3A_170 = arith.constant 3 : i32
      %add3A_171 = arith.addi %mul3A_33, %add3A_170 : i32
      %get3A_172 = arith.index_cast %add3A_171 : i32 to index
      %get3A_173 = arith.constant 0 : index
      %get3A_174 = tpu.vector_load %arg7[%get3A_172, %get3A_173] {strides = array<i32>} : memref<512x64xf32, #tpu.memory_space<vmem>>, vector<16xf32>,
      %get3A_175 = arith.index_cast %add3A_171 : i32 to index
      %get3A_176 = arith.constant 0 : index
      %get3A_177 = tpu.vector_load %arg8[%get3A_175, %get3A_176] {strides = array<i32>} : memref<512x64xf32, #tpu.memory_space<vmem>>, vector<16xf32>,
      %mul3A_178 = arith.mulf %get3A_174, %get3A_177 : vector<16xf32>
      %mul3A_179 = arith.mulf %mul3A_178, %get3A_3 : vector<16xf32>
      %get3A_180 = arith.index_cast %add3A_171 : i32 to index
      %get3A_181 = arith.constant 16 : index
      %get3A_182 = tpu.vector_load %arg7[%get3A_180, %get3A_181] {strides = array<i32>} : memref<512x64xf32, #tpu.memory_space<vmem>>, vector<16xf32>,
      %get3A_183 = arith.index_cast %add3A_171 : i32 to index
      %get3A_184 = arith.constant 16 : index
      %get3A_185 = tpu.vector_load %arg8[%get3A_183, %get3A_184] {strides = array<i32>} : memref<512x64xf32, #tpu.memory_space<vmem>>, vector<16xf32>,
      %mul3A_186 = arith.mulf %get3A_182, %get3A_185 : vector<16xf32>
      %mul3A_187 = arith.mulf %mul3A_186, %get3A_5 : vector<16xf32>
      %add3A_188 = arith.addf %mul3A_179, %mul3A_187 : vector<16xf32>
      %get3A_189 = arith.index_cast %add3A_171 : i32 to index
      %get3A_190 = arith.constant 32 : index
      %get3A_191 = tpu.vector_load %arg7[%get3A_189, %get3A_190] {strides = array<i32>} : memref<512x64xf32, #tpu.memory_space<vmem>>, vector<16xf32>,
      %get3A_192 = arith.index_cast %add3A_171 : i32 to index
      %get3A_193 = arith.constant 32 : index
      %get3A_194 = tpu.vector_load %arg8[%get3A_192, %get3A_193] {strides = array<i32>} : memref<512x64xf32, #tpu.memory_space<vmem>>, vector<16xf32>,
      %mul3A_195 = arith.mulf %get3A_191, %get3A_194 : vector<16xf32>
      %mul3A_196 = arith.mulf %mul3A_195, %get3A_7 : vector<16xf32>
      %add3A_197 = arith.addf %add3A_188, %mul3A_196 : vector<16xf32>
      %get3A_198 = arith.index_cast %add3A_171 : i32 to index
      %get3A_199 = arith.constant 48 : index
      %get3A_200 = tpu.vector_load %arg7[%get3A_198, %get3A_199] {strides = array<i32>} : memref<512x64xf32, #tpu.memory_space<vmem>>, vector<16xf32>,
      %get3A_201 = arith.index_cast %add3A_171 : i32 to index
      %get3A_202 = arith.constant 48 : index
      %get3A_203 = tpu.vector_load %arg8[%get3A_201, %get3A_202] {strides = array<i32>} : memref<512x64xf32, #tpu.memory_space<vmem>>, vector<16xf32>,
      %mul3A_204 = arith.mulf %get3A_200, %get3A_203 : vector<16xf32>
      %mul3A_205 = arith.mulf %mul3A_204, %get3A_9 : vector<16xf32>
      %add3A_206 = arith.addf %add3A_197, %mul3A_205 : vector<16xf32>
      %eq3A_207 = arith.constant 3 : i32
      %eq3A_208 = vector.broadcast %eq3A_207 : i32 to vector<16xi32>
      %eq3A_209 = arith.cmpi eq, %iota3A, %eq3A_208 : vector<16xi32>
      %reduce_sum3A_210 = arith.constant true
      %reduce_sum3A_211 = vector.broadcast %reduce_sum3A_210 : i1 to vector<16xi1>
      %reduce_sum3A_212 = tpu.scan <sum>, %add3A_206 masked %reduce_sum3A_211 : vector<16xf32>, vector<16xi1> -> vector<16xf32>
      %reduce_sum3A_213 = vector.extract %reduce_sum3A_212[15] : f32 from vector<16xf32>
      %broadcast_in_dim3A_214 = vector.broadcast %reduce_sum3A_213 : f32 to vector<16xf32>
      %select_n3A_215 = arith.select %eq3A_209, %broadcast_in_dim3A_214, %select_n3A_169 : vector<16xi1>, vector<16xf32>
      %add3A_216 = arith.constant 4 : i32
      %add3A_217 = arith.addi %mul3A_33, %add3A_216 : i32
      %get3A_218 = arith.index_cast %add3A_217 : i32 to index
      %get3A_219 = arith.constant 0 : index
      %get3A_220 = tpu.vector_load %arg7[%get3A_218, %get3A_219] {strides = array<i32>} : memref<512x64xf32, #tpu.memory_space<vmem>>, vector<16xf32>,
      %get3A_221 = arith.index_cast %add3A_217 : i32 to index
      %get3A_222 = arith.constant 0 : index
      %get3A_223 = tpu.vector_load %arg8[%get3A_221, %get3A_222] {strides = array<i32>} : memref<512x64xf32, #tpu.memory_space<vmem>>, vector<16xf32>,
      %mul3A_224 = arith.mulf %get3A_220, %get3A_223 : vector<16xf32>
      %mul3A_225 = arith.mulf %mul3A_224, %get3A_3 : vector<16xf32>
      %get3A_226 = arith.index_cast %add3A_217 : i32 to index
      %get3A_227 = arith.constant 16 : index
      %get3A_228 = tpu.vector_load %arg7[%get3A_226, %get3A_227] {strides = array<i32>} : memref<512x64xf32, #tpu.memory_space<vmem>>, vector<16xf32>,
      %get3A_229 = arith.index_cast %add3A_217 : i32 to index
      %get3A_230 = arith.constant 16 : index
      %get3A_231 = tpu.vector_load %arg8[%get3A_229, %get3A_230] {strides = array<i32>} : memref<512x64xf32, #tpu.memory_space<vmem>>, vector<16xf32>,
      %mul3A_232 = arith.mulf %get3A_228, %get3A_231 : vector<16xf32>
      %mul3A_233 = arith.mulf %mul3A_232, %get3A_5 : vector<16xf32>
      %add3A_234 = arith.addf %mul3A_225, %mul3A_233 : vector<16xf32>
      %get3A_235 = arith.index_cast %add3A_217 : i32 to index
      %get3A_236 = arith.constant 32 : index
      %get3A_237 = tpu.vector_load %arg7[%get3A_235, %get3A_236] {strides = array<i32>} : memref<512x64xf32, #tpu.memory_space<vmem>>, vector<16xf32>,
      %get3A_238 = arith.index_cast %add3A_217 : i32 to index
      %get3A_239 = arith.constant 32 : index
      %get3A_240 = tpu.vector_load %arg8[%get3A_238, %get3A_239] {strides = array<i32>} : memref<512x64xf32, #tpu.memory_space<vmem>>, vector<16xf32>,
      %mul3A_241 = arith.mulf %get3A_237, %get3A_240 : vector<16xf32>
      %mul3A_242 = arith.mulf %mul3A_241, %get3A_7 : vector<16xf32>
      %add3A_243 = arith.addf %add3A_234, %mul3A_242 : vector<16xf32>
      %get3A_244 = arith.index_cast %add3A_217 : i32 to index
      %get3A_245 = arith.constant 48 : index
      %get3A_246 = tpu.vector_load %arg7[%get3A_244, %get3A_245] {strides = array<i32>} : memref<512x64xf32, #tpu.memory_space<vmem>>, vector<16xf32>,
      %get3A_247 = arith.index_cast %add3A_217 : i32 to index
      %get3A_248 = arith.constant 48 : index
      %get3A_249 = tpu.vector_load %arg8[%get3A_247, %get3A_248] {strides = array<i32>} : memref<512x64xf32, #tpu.memory_space<vmem>>, vector<16xf32>,
      %mul3A_250 = arith.mulf %get3A_246, %get3A_249 : vector<16xf32>
      %mul3A_251 = arith.mulf %mul3A_250, %get3A_9 : vector<16xf32>
      %add3A_252 = arith.addf %add3A_243, %mul3A_251 : vector<16xf32>
      %eq3A_253 = arith.constant 4 : i32
      %eq3A_254 = vector.broadcast %eq3A_253 : i32 to vector<16xi32>
      %eq3A_255 = arith.cmpi eq, %iota3A, %eq3A_254 : vector<16xi32>
      %reduce_sum3A_256 = arith.constant true
      %reduce_sum3A_257 = vector.broadcast %reduce_sum3A_256 : i1 to vector<16xi1>
      %reduce_sum3A_258 = tpu.scan <sum>, %add3A_252 masked %reduce_sum3A_257 : vector<16xf32>, vector<16xi1> -> vector<16xf32>
      %reduce_sum3A_259 = vector.extract %reduce_sum3A_258[15] : f32 from vector<16xf32>
      %broadcast_in_dim3A_260 = vector.broadcast %reduce_sum3A_259 : f32 to vector<16xf32>
      %select_n3A_261 = arith.select %eq3A_255, %broadcast_in_dim3A_260, %select_n3A_215 : vector<16xi1>, vector<16xf32>
      %add3A_262 = arith.constant 5 : i32
      %add3A_263 = arith.addi %mul3A_33, %add3A_262 : i32
      %get3A_264 = arith.index_cast %add3A_263 : i32 to index
      %get3A_265 = arith.constant 0 : index
      %get3A_266 = tpu.vector_load %arg7[%get3A_264, %get3A_265] {strides = array<i32>} : memref<512x64xf32, #tpu.memory_space<vmem>>, vector<16xf32>,
      %get3A_267 = arith.index_cast %add3A_263 : i32 to index
      %get3A_268 = arith.constant 0 : index
      %get3A_269 = tpu.vector_load %arg8[%get3A_267, %get3A_268] {strides = array<i32>} : memref<512x64xf32, #tpu.memory_space<vmem>>, vector<16xf32>,
      %mul3A_270 = arith.mulf %get3A_266, %get3A_269 : vector<16xf32>
      %mul3A_271 = arith.mulf %mul3A_270, %get3A_3 : vector<16xf32>
      %get3A_272 = arith.index_cast %add3A_263 : i32 to index
      %get3A_273 = arith.constant 16 : index
      %get3A_274 = tpu.vector_load %arg7[%get3A_272, %get3A_273] {strides = array<i32>} : memref<512x64xf32, #tpu.memory_space<vmem>>, vector<16xf32>,
      %get3A_275 = arith.index_cast %add3A_263 : i32 to index
      %get3A_276 = arith.constant 16 : index
      %get3A_277 = tpu.vector_load %arg8[%get3A_275, %get3A_276] {strides = array<i32>} : memref<512x64xf32, #tpu.memory_space<vmem>>, vector<16xf32>,
      %mul3A_278 = arith.mulf %get3A_274, %get3A_277 : vector<16xf32>
      %mul3A_279 = arith.mulf %mul3A_278, %get3A_5 : vector<16xf32>
      %add3A_280 = arith.addf %mul3A_271, %mul3A_279 : vector<16xf32>
      %get3A_281 = arith.index_cast %add3A_263 : i32 to index
      %get3A_282 = arith.constant 32 : index
      %get3A_283 = tpu.vector_load %arg7[%get3A_281, %get3A_282] {strides = array<i32>} : memref<512x64xf32, #tpu.memory_space<vmem>>, vector<16xf32>,
      %get3A_284 = arith.index_cast %add3A_263 : i32 to index
      %get3A_285 = arith.constant 32 : index
      %get3A_286 = tpu.vector_load %arg8[%get3A_284, %get3A_285] {strides = array<i32>} : memref<512x64xf32, #tpu.memory_space<vmem>>, vector<16xf32>,
      %mul3A_287 = arith.mulf %get3A_283, %get3A_286 : vector<16xf32>
      %mul3A_288 = arith.mulf %mul3A_287, %get3A_7 : vector<16xf32>
      %add3A_289 = arith.addf %add3A_280, %mul3A_288 : vector<16xf32>
      %get3A_290 = arith.index_cast %add3A_263 : i32 to index
      %get3A_291 = arith.constant 48 : index
      %get3A_292 = tpu.vector_load %arg7[%get3A_290, %get3A_291] {strides = array<i32>} : memref<512x64xf32, #tpu.memory_space<vmem>>, vector<16xf32>,
      %get3A_293 = arith.index_cast %add3A_263 : i32 to index
      %get3A_294 = arith.constant 48 : index
      %get3A_295 = tpu.vector_load %arg8[%get3A_293, %get3A_294] {strides = array<i32>} : memref<512x64xf32, #tpu.memory_space<vmem>>, vector<16xf32>,
      %mul3A_296 = arith.mulf %get3A_292, %get3A_295 : vector<16xf32>
      %mul3A_297 = arith.mulf %mul3A_296, %get3A_9 : vector<16xf32>
      %add3A_298 = arith.addf %add3A_289, %mul3A_297 : vector<16xf32>
      %eq3A_299 = arith.constant 5 : i32
      %eq3A_300 = vector.broadcast %eq3A_299 : i32 to vector<16xi32>
      %eq3A_301 = arith.cmpi eq, %iota3A, %eq3A_300 : vector<16xi32>
      %reduce_sum3A_302 = arith.constant true
      %reduce_sum3A_303 = vector.broadcast %reduce_sum3A_302 : i1 to vector<16xi1>
      %reduce_sum3A_304 = tpu.scan <sum>, %add3A_298 masked %reduce_sum3A_303 : vector<16xf32>, vector<16xi1> -> vector<16xf32>
      %reduce_sum3A_305 = vector.extract %reduce_sum3A_304[15] : f32 from vector<16xf32>
      %broadcast_in_dim3A_306 = vector.broadcast %reduce_sum3A_305 : f32 to vector<16xf32>
      %select_n3A_307 = arith.select %eq3A_301, %broadcast_in_dim3A_306, %select_n3A_261 : vector<16xi1>, vector<16xf32>
      %add3A_308 = arith.constant 6 : i32
      %add3A_309 = arith.addi %mul3A_33, %add3A_308 : i32
      %get3A_310 = arith.index_cast %add3A_309 : i32 to index
      %get3A_311 = arith.constant 0 : index
      %get3A_312 = tpu.vector_load %arg7[%get3A_310, %get3A_311] {strides = array<i32>} : memref<512x64xf32, #tpu.memory_space<vmem>>, vector<16xf32>,
      %get3A_313 = arith.index_cast %add3A_309 : i32 to index
      %get3A_314 = arith.constant 0 : index
      %get3A_315 = tpu.vector_load %arg8[%get3A_313, %get3A_314] {strides = array<i32>} : memref<512x64xf32, #tpu.memory_space<vmem>>, vector<16xf32>,
      %mul3A_316 = arith.mulf %get3A_312, %get3A_315 : vector<16xf32>
      %mul3A_317 = arith.mulf %mul3A_316, %get3A_3 : vector<16xf32>
      %get3A_318 = arith.index_cast %add3A_309 : i32 to index
      %get3A_319 = arith.constant 16 : index
      %get3A_320 = tpu.vector_load %arg7[%get3A_318, %get3A_319] {strides = array<i32>} : memref<512x64xf32, #tpu.memory_space<vmem>>, vector<16xf32>,
      %get3A_321 = arith.index_cast %add3A_309 : i32 to index
      %get3A_322 = arith.constant 16 : index
      %get3A_323 = tpu.vector_load %arg8[%get3A_321, %get3A_322] {strides = array<i32>} : memref<512x64xf32, #tpu.memory_space<vmem>>, vector<16xf32>,
      %mul3A_324 = arith.mulf %get3A_320, %get3A_323 : vector<16xf32>
      %mul3A_325 = arith.mulf %mul3A_324, %get3A_5 : vector<16xf32>
      %add3A_326 = arith.addf %mul3A_317, %mul3A_325 : vector<16xf32>
      %get3A_327 = arith.index_cast %add3A_309 : i32 to index
      %get3A_328 = arith.constant 32 : index
      %get3A_329 = tpu.vector_load %arg7[%get3A_327, %get3A_328] {strides = array<i32>} : memref<512x64xf32, #tpu.memory_space<vmem>>, vector<16xf32>,
      %get3A_330 = arith.index_cast %add3A_309 : i32 to index
      %get3A_331 = arith.constant 32 : index
      %get3A_332 = tpu.vector_load %arg8[%get3A_330, %get3A_331] {strides = array<i32>} : memref<512x64xf32, #tpu.memory_space<vmem>>, vector<16xf32>,
      %mul3A_333 = arith.mulf %get3A_329, %get3A_332 : vector<16xf32>
      %mul3A_334 = arith.mulf %mul3A_333, %get3A_7 : vector<16xf32>
      %add3A_335 = arith.addf %add3A_326, %mul3A_334 : vector<16xf32>
      %get3A_336 = arith.index_cast %add3A_309 : i32 to index
      %get3A_337 = arith.constant 48 : index
      %get3A_338 = tpu.vector_load %arg7[%get3A_336, %get3A_337] {strides = array<i32>} : memref<512x64xf32, #tpu.memory_space<vmem>>, vector<16xf32>,
      %get3A_339 = arith.index_cast %add3A_309 : i32 to index
      %get3A_340 = arith.constant 48 : index
      %get3A_341 = tpu.vector_load %arg8[%get3A_339, %get3A_340] {strides = array<i32>} : memref<512x64xf32, #tpu.memory_space<vmem>>, vector<16xf32>,
      %mul3A_342 = arith.mulf %get3A_338, %get3A_341 : vector<16xf32>
      %mul3A_343 = arith.mulf %mul3A_342, %get3A_9 : vector<16xf32>
      %add3A_344 = arith.addf %add3A_335, %mul3A_343 : vector<16xf32>
      %eq3A_345 = arith.constant 6 : i32
      %eq3A_346 = vector.broadcast %eq3A_345 : i32 to vector<16xi32>
      %eq3A_347 = arith.cmpi eq, %iota3A, %eq3A_346 : vector<16xi32>
      %reduce_sum3A_348 = arith.constant true
      %reduce_sum3A_349 = vector.broadcast %reduce_sum3A_348 : i1 to vector<16xi1>
      %reduce_sum3A_350 = tpu.scan <sum>, %add3A_344 masked %reduce_sum3A_349 : vector<16xf32>, vector<16xi1> -> vector<16xf32>
      %reduce_sum3A_351 = vector.extract %reduce_sum3A_350[15] : f32 from vector<16xf32>
      %broadcast_in_dim3A_352 = vector.broadcast %reduce_sum3A_351 : f32 to vector<16xf32>
      %select_n3A_353 = arith.select %eq3A_347, %broadcast_in_dim3A_352, %select_n3A_307 : vector<16xi1>, vector<16xf32>
      %add3A_354 = arith.constant 7 : i32
      %add3A_355 = arith.addi %mul3A_33, %add3A_354 : i32
      %get3A_356 = arith.index_cast %add3A_355 : i32 to index
      %get3A_357 = arith.constant 0 : index
      %get3A_358 = tpu.vector_load %arg7[%get3A_356, %get3A_357] {strides = array<i32>} : memref<512x64xf32, #tpu.memory_space<vmem>>, vector<16xf32>,
      %get3A_359 = arith.index_cast %add3A_355 : i32 to index
      %get3A_360 = arith.constant 0 : index
      %get3A_361 = tpu.vector_load %arg8[%get3A_359, %get3A_360] {strides = array<i32>} : memref<512x64xf32, #tpu.memory_space<vmem>>, vector<16xf32>,
      %mul3A_362 = arith.mulf %get3A_358, %get3A_361 : vector<16xf32>
      %mul3A_363 = arith.mulf %mul3A_362, %get3A_3 : vector<16xf32>
      %get3A_364 = arith.index_cast %add3A_355 : i32 to index
      %get3A_365 = arith.constant 16 : index
      %get3A_366 = tpu.vector_load %arg7[%get3A_364, %get3A_365] {strides = array<i32>} : memref<512x64xf32, #tpu.memory_space<vmem>>, vector<16xf32>,
      %get3A_367 = arith.index_cast %add3A_355 : i32 to index
      %get3A_368 = arith.constant 16 : index
      %get3A_369 = tpu.vector_load %arg8[%get3A_367, %get3A_368] {strides = array<i32>} : memref<512x64xf32, #tpu.memory_space<vmem>>, vector<16xf32>,
      %mul3A_370 = arith.mulf %get3A_366, %get3A_369 : vector<16xf32>
      %mul3A_371 = arith.mulf %mul3A_370, %get3A_5 : vector<16xf32>
      %add3A_372 = arith.addf %mul3A_363, %mul3A_371 : vector<16xf32>
      %get3A_373 = arith.index_cast %add3A_355 : i32 to index
      %get3A_374 = arith.constant 32 : index
      %get3A_375 = tpu.vector_load %arg7[%get3A_373, %get3A_374] {strides = array<i32>} : memref<512x64xf32, #tpu.memory_space<vmem>>, vector<16xf32>,
      %get3A_376 = arith.index_cast %add3A_355 : i32 to index
      %get3A_377 = arith.constant 32 : index
      %get3A_378 = tpu.vector_load %arg8[%get3A_376, %get3A_377] {strides = array<i32>} : memref<512x64xf32, #tpu.memory_space<vmem>>, vector<16xf32>,
      %mul3A_379 = arith.mulf %get3A_375, %get3A_378 : vector<16xf32>
      %mul3A_380 = arith.mulf %mul3A_379, %get3A_7 : vector<16xf32>
      %add3A_381 = arith.addf %add3A_372, %mul3A_380 : vector<16xf32>
      %get3A_382 = arith.index_cast %add3A_355 : i32 to index
      %get3A_383 = arith.constant 48 : index
      %get3A_384 = tpu.vector_load %arg7[%get3A_382, %get3A_383] {strides = array<i32>} : memref<512x64xf32, #tpu.memory_space<vmem>>, vector<16xf32>,
      %get3A_385 = arith.index_cast %add3A_355 : i32 to index
      %get3A_386 = arith.constant 48 : index
      %get3A_387 = tpu.vector_load %arg8[%get3A_385, %get3A_386] {strides = array<i32>} : memref<512x64xf32, #tpu.memory_space<vmem>>, vector<16xf32>,
      %mul3A_388 = arith.mulf %get3A_384, %get3A_387 : vector<16xf32>
      %mul3A_389 = arith.mulf %mul3A_388, %get3A_9 : vector<16xf32>
      %add3A_390 = arith.addf %add3A_381, %mul3A_389 : vector<16xf32>
      %eq3A_391 = arith.constant 7 : i32
      %eq3A_392 = vector.broadcast %eq3A_391 : i32 to vector<16xi32>
      %eq3A_393 = arith.cmpi eq, %iota3A, %eq3A_392 : vector<16xi32>
      %reduce_sum3A_394 = arith.constant true
      %reduce_sum3A_395 = vector.broadcast %reduce_sum3A_394 : i1 to vector<16xi1>
      %reduce_sum3A_396 = tpu.scan <sum>, %add3A_390 masked %reduce_sum3A_395 : vector<16xf32>, vector<16xi1> -> vector<16xf32>
      %reduce_sum3A_397 = vector.extract %reduce_sum3A_396[15] : f32 from vector<16xf32>
      %broadcast_in_dim3A_398 = vector.broadcast %reduce_sum3A_397 : f32 to vector<16xf32>
      %select_n3A_399 = arith.select %eq3A_393, %broadcast_in_dim3A_398, %select_n3A_353 : vector<16xi1>, vector<16xf32>
      %add3A_400 = arith.constant 8 : i32
      %add3A_401 = arith.addi %mul3A_33, %add3A_400 : i32
      %get3A_402 = arith.index_cast %add3A_401 : i32 to index
      %get3A_403 = arith.constant 0 : index
      %get3A_404 = tpu.vector_load %arg7[%get3A_402, %get3A_403] {strides = array<i32>} : memref<512x64xf32, #tpu.memory_space<vmem>>, vector<16xf32>,
      %get3A_405 = arith.index_cast %add3A_401 : i32 to index
      %get3A_406 = arith.constant 0 : index
      %get3A_407 = tpu.vector_load %arg8[%get3A_405, %get3A_406] {strides = array<i32>} : memref<512x64xf32, #tpu.memory_space<vmem>>, vector<16xf32>,
      %mul3A_408 = arith.mulf %get3A_404, %get3A_407 : vector<16xf32>
      %mul3A_409 = arith.mulf %mul3A_408, %get3A_3 : vector<16xf32>
      %get3A_410 = arith.index_cast %add3A_401 : i32 to index
      %get3A_411 = arith.constant 16 : index
      %get3A_412 = tpu.vector_load %arg7[%get3A_410, %get3A_411] {strides = array<i32>} : memref<512x64xf32, #tpu.memory_space<vmem>>, vector<16xf32>,
      %get3A_413 = arith.index_cast %add3A_401 : i32 to index
      %get3A_414 = arith.constant 16 : index
      %get3A_415 = tpu.vector_load %arg8[%get3A_413, %get3A_414] {strides = array<i32>} : memref<512x64xf32, #tpu.memory_space<vmem>>, vector<16xf32>,
      %mul3A_416 = arith.mulf %get3A_412, %get3A_415 : vector<16xf32>
      %mul3A_417 = arith.mulf %mul3A_416, %get3A_5 : vector<16xf32>
      %add3A_418 = arith.addf %mul3A_409, %mul3A_417 : vector<16xf32>
      %get3A_419 = arith.index_cast %add3A_401 : i32 to index
      %get3A_420 = arith.constant 32 : index
      %get3A_421 = tpu.vector_load %arg7[%get3A_419, %get3A_420] {strides = array<i32>} : memref<512x64xf32, #tpu.memory_space<vmem>>, vector<16xf32>,
      %get3A_422 = arith.index_cast %add3A_401 : i32 to index
      %get3A_423 = arith.constant 32 : index
      %get3A_424 = tpu.vector_load %arg8[%get3A_422, %get3A_423] {strides = array<i32>} : memref<512x64xf32, #tpu.memory_space<vmem>>, vector<16xf32>,
      %mul3A_425 = arith.mulf %get3A_421, %get3A_424 : vector<16xf32>
      %mul3A_426 = arith.mulf %mul3A_425, %get3A_7 : vector<16xf32>
      %add3A_427 = arith.addf %add3A_418, %mul3A_426 : vector<16xf32>
      %get3A_428 = arith.index_cast %add3A_401 : i32 to index
      %get3A_429 = arith.constant 48 : index
      %get3A_430 = tpu.vector_load %arg7[%get3A_428, %get3A_429] {strides = array<i32>} : memref<512x64xf32, #tpu.memory_space<vmem>>, vector<16xf32>,
      %get3A_431 = arith.index_cast %add3A_401 : i32 to index
      %get3A_432 = arith.constant 48 : index
      %get3A_433 = tpu.vector_load %arg8[%get3A_431, %get3A_432] {strides = array<i32>} : memref<512x64xf32, #tpu.memory_space<vmem>>, vector<16xf32>,
      %mul3A_434 = arith.mulf %get3A_430, %get3A_433 : vector<16xf32>
      %mul3A_435 = arith.mulf %mul3A_434, %get3A_9 : vector<16xf32>
      %add3A_436 = arith.addf %add3A_427, %mul3A_435 : vector<16xf32>
      %eq3A_437 = arith.constant 8 : i32
      %eq3A_438 = vector.broadcast %eq3A_437 : i32 to vector<16xi32>
      %eq3A_439 = arith.cmpi eq, %iota3A, %eq3A_438 : vector<16xi32>
      %reduce_sum3A_440 = arith.constant true
      %reduce_sum3A_441 = vector.broadcast %reduce_sum3A_440 : i1 to vector<16xi1>
      %reduce_sum3A_442 = tpu.scan <sum>, %add3A_436 masked %reduce_sum3A_441 : vector<16xf32>, vector<16xi1> -> vector<16xf32>
      %reduce_sum3A_443 = vector.extract %reduce_sum3A_442[15] : f32 from vector<16xf32>
      %broadcast_in_dim3A_444 = vector.broadcast %reduce_sum3A_443 : f32 to vector<16xf32>
      %select_n3A_445 = arith.select %eq3A_439, %broadcast_in_dim3A_444, %select_n3A_399 : vector<16xi1>, vector<16xf32>
      %add3A_446 = arith.constant 9 : i32
      %add3A_447 = arith.addi %mul3A_33, %add3A_446 : i32
      %get3A_448 = arith.index_cast %add3A_447 : i32 to index
      %get3A_449 = arith.constant 0 : index
      %get3A_450 = tpu.vector_load %arg7[%get3A_448, %get3A_449] {strides = array<i32>} : memref<512x64xf32, #tpu.memory_space<vmem>>, vector<16xf32>,
      %get3A_451 = arith.index_cast %add3A_447 : i32 to index
      %get3A_452 = arith.constant 0 : index
      %get3A_453 = tpu.vector_load %arg8[%get3A_451, %get3A_452] {strides = array<i32>} : memref<512x64xf32, #tpu.memory_space<vmem>>, vector<16xf32>,
      %mul3A_454 = arith.mulf %get3A_450, %get3A_453 : vector<16xf32>
      %mul3A_455 = arith.mulf %mul3A_454, %get3A_3 : vector<16xf32>
      %get3A_456 = arith.index_cast %add3A_447 : i32 to index
      %get3A_457 = arith.constant 16 : index
      %get3A_458 = tpu.vector_load %arg7[%get3A_456, %get3A_457] {strides = array<i32>} : memref<512x64xf32, #tpu.memory_space<vmem>>, vector<16xf32>,
      %get3A_459 = arith.index_cast %add3A_447 : i32 to index
      %get3A_460 = arith.constant 16 : index
      %get3A_461 = tpu.vector_load %arg8[%get3A_459, %get3A_460] {strides = array<i32>} : memref<512x64xf32, #tpu.memory_space<vmem>>, vector<16xf32>,
      %mul3A_462 = arith.mulf %get3A_458, %get3A_461 : vector<16xf32>
      %mul3A_463 = arith.mulf %mul3A_462, %get3A_5 : vector<16xf32>
      %add3A_464 = arith.addf %mul3A_455, %mul3A_463 : vector<16xf32>
      %get3A_465 = arith.index_cast %add3A_447 : i32 to index
      %get3A_466 = arith.constant 32 : index
      %get3A_467 = tpu.vector_load %arg7[%get3A_465, %get3A_466] {strides = array<i32>} : memref<512x64xf32, #tpu.memory_space<vmem>>, vector<16xf32>,
      %get3A_468 = arith.index_cast %add3A_447 : i32 to index
      %get3A_469 = arith.constant 32 : index
      %get3A_470 = tpu.vector_load %arg8[%get3A_468, %get3A_469] {strides = array<i32>} : memref<512x64xf32, #tpu.memory_space<vmem>>, vector<16xf32>,
      %mul3A_471 = arith.mulf %get3A_467, %get3A_470 : vector<16xf32>
      %mul3A_472 = arith.mulf %mul3A_471, %get3A_7 : vector<16xf32>
      %add3A_473 = arith.addf %add3A_464, %mul3A_472 : vector<16xf32>
      %get3A_474 = arith.index_cast %add3A_447 : i32 to index
      %get3A_475 = arith.constant 48 : index
      %get3A_476 = tpu.vector_load %arg7[%get3A_474, %get3A_475] {strides = array<i32>} : memref<512x64xf32, #tpu.memory_space<vmem>>, vector<16xf32>,
      %get3A_477 = arith.index_cast %add3A_447 : i32 to index
      %get3A_478 = arith.constant 48 : index
      %get3A_479 = tpu.vector_load %arg8[%get3A_477, %get3A_478] {strides = array<i32>} : memref<512x64xf32, #tpu.memory_space<vmem>>, vector<16xf32>,
      %mul3A_480 = arith.mulf %get3A_476, %get3A_479 : vector<16xf32>
      %mul3A_481 = arith.mulf %mul3A_480, %get3A_9 : vector<16xf32>
      %add3A_482 = arith.addf %add3A_473, %mul3A_481 : vector<16xf32>
      %eq3A_483 = arith.constant 9 : i32
      %eq3A_484 = vector.broadcast %eq3A_483 : i32 to vector<16xi32>
      %eq3A_485 = arith.cmpi eq, %iota3A, %eq3A_484 : vector<16xi32>
      %reduce_sum3A_486 = arith.constant true
      %reduce_sum3A_487 = vector.broadcast %reduce_sum3A_486 : i1 to vector<16xi1>
      %reduce_sum3A_488 = tpu.scan <sum>, %add3A_482 masked %reduce_sum3A_487 : vector<16xf32>, vector<16xi1> -> vector<16xf32>
      %reduce_sum3A_489 = vector.extract %reduce_sum3A_488[15] : f32 from vector<16xf32>
      %broadcast_in_dim3A_490 = vector.broadcast %reduce_sum3A_489 : f32 to vector<16xf32>
      %select_n3A_491 = arith.select %eq3A_485, %broadcast_in_dim3A_490, %select_n3A_445 : vector<16xi1>, vector<16xf32>
      %add3A_492 = arith.constant 10 : i32
      %add3A_493 = arith.addi %mul3A_33, %add3A_492 : i32
      %get3A_494 = arith.index_cast %add3A_493 : i32 to index
      %get3A_495 = arith.constant 0 : index
      %get3A_496 = tpu.vector_load %arg7[%get3A_494, %get3A_495] {strides = array<i32>} : memref<512x64xf32, #tpu.memory_space<vmem>>, vector<16xf32>,
      %get3A_497 = arith.index_cast %add3A_493 : i32 to index
      %get3A_498 = arith.constant 0 : index
      %get3A_499 = tpu.vector_load %arg8[%get3A_497, %get3A_498] {strides = array<i32>} : memref<512x64xf32, #tpu.memory_space<vmem>>, vector<16xf32>,
      %mul3A_500 = arith.mulf %get3A_496, %get3A_499 : vector<16xf32>
      %mul3A_501 = arith.mulf %mul3A_500, %get3A_3 : vector<16xf32>
      %get3A_502 = arith.index_cast %add3A_493 : i32 to index
      %get3A_503 = arith.constant 16 : index
      %get3A_504 = tpu.vector_load %arg7[%get3A_502, %get3A_503] {strides = array<i32>} : memref<512x64xf32, #tpu.memory_space<vmem>>, vector<16xf32>,
      %get3A_505 = arith.index_cast %add3A_493 : i32 to index
      %get3A_506 = arith.constant 16 : index
      %get3A_507 = tpu.vector_load %arg8[%get3A_505, %get3A_506] {strides = array<i32>} : memref<512x64xf32, #tpu.memory_space<vmem>>, vector<16xf32>,
      %mul3A_508 = arith.mulf %get3A_504, %get3A_507 : vector<16xf32>
      %mul3A_509 = arith.mulf %mul3A_508, %get3A_5 : vector<16xf32>
      %add3A_510 = arith.addf %mul3A_501, %mul3A_509 : vector<16xf32>
      %get3A_511 = arith.index_cast %add3A_493 : i32 to index
      %get3A_512 = arith.constant 32 : index
      %get3A_513 = tpu.vector_load %arg7[%get3A_511, %get3A_512] {strides = array<i32>} : memref<512x64xf32, #tpu.memory_space<vmem>>, vector<16xf32>,
      %get3A_514 = arith.index_cast %add3A_493 : i32 to index
      %get3A_515 = arith.constant 32 : index
      %get3A_516 = tpu.vector_load %arg8[%get3A_514, %get3A_515] {strides = array<i32>} : memref<512x64xf32, #tpu.memory_space<vmem>>, vector<16xf32>,
      %mul3A_517 = arith.mulf %get3A_513, %get3A_516 : vector<16xf32>
      %mul3A_518 = arith.mulf %mul3A_517, %get3A_7 : vector<16xf32>
      %add3A_519 = arith.addf %add3A_510, %mul3A_518 : vector<16xf32>
      %get3A_520 = arith.index_cast %add3A_493 : i32 to index
      %get3A_521 = arith.constant 48 : index
      %get3A_522 = tpu.vector_load %arg7[%get3A_520, %get3A_521] {strides = array<i32>} : memref<512x64xf32, #tpu.memory_space<vmem>>, vector<16xf32>,
      %get3A_523 = arith.index_cast %add3A_493 : i32 to index
      %get3A_524 = arith.constant 48 : index
      %get3A_525 = tpu.vector_load %arg8[%get3A_523, %get3A_524] {strides = array<i32>} : memref<512x64xf32, #tpu.memory_space<vmem>>, vector<16xf32>,
      %mul3A_526 = arith.mulf %get3A_522, %get3A_525 : vector<16xf32>
      %mul3A_527 = arith.mulf %mul3A_526, %get3A_9 : vector<16xf32>
      %add3A_528 = arith.addf %add3A_519, %mul3A_527 : vector<16xf32>
      %eq3A_529 = arith.constant 10 : i32
      %eq3A_530 = vector.broadcast %eq3A_529 : i32 to vector<16xi32>
      %eq3A_531 = arith.cmpi eq, %iota3A, %eq3A_530 : vector<16xi32>
      %reduce_sum3A_532 = arith.constant true
      %reduce_sum3A_533 = vector.broadcast %reduce_sum3A_532 : i1 to vector<16xi1>
      %reduce_sum3A_534 = tpu.scan <sum>, %add3A_528 masked %reduce_sum3A_533 : vector<16xf32>, vector<16xi1> -> vector<16xf32>
      %reduce_sum3A_535 = vector.extract %reduce_sum3A_534[15] : f32 from vector<16xf32>
      %broadcast_in_dim3A_536 = vector.broadcast %reduce_sum3A_535 : f32 to vector<16xf32>
      %select_n3A_537 = arith.select %eq3A_531, %broadcast_in_dim3A_536, %select_n3A_491 : vector<16xi1>, vector<16xf32>
      %add3A_538 = arith.constant 11 : i32
      %add3A_539 = arith.addi %mul3A_33, %add3A_538 : i32
      %get3A_540 = arith.index_cast %add3A_539 : i32 to index
      %get3A_541 = arith.constant 0 : index
      %get3A_542 = tpu.vector_load %arg7[%get3A_540, %get3A_541] {strides = array<i32>} : memref<512x64xf32, #tpu.memory_space<vmem>>, vector<16xf32>,
      %get3A_543 = arith.index_cast %add3A_539 : i32 to index
      %get3A_544 = arith.constant 0 : index
      %get3A_545 = tpu.vector_load %arg8[%get3A_543, %get3A_544] {strides = array<i32>} : memref<512x64xf32, #tpu.memory_space<vmem>>, vector<16xf32>,
      %mul3A_546 = arith.mulf %get3A_542, %get3A_545 : vector<16xf32>
      %mul3A_547 = arith.mulf %mul3A_546, %get3A_3 : vector<16xf32>
      %get3A_548 = arith.index_cast %add3A_539 : i32 to index
      %get3A_549 = arith.constant 16 : index
      %get3A_550 = tpu.vector_load %arg7[%get3A_548, %get3A_549] {strides = array<i32>} : memref<512x64xf32, #tpu.memory_space<vmem>>, vector<16xf32>,
      %get3A_551 = arith.index_cast %add3A_539 : i32 to index
      %get3A_552 = arith.constant 16 : index
      %get3A_553 = tpu.vector_load %arg8[%get3A_551, %get3A_552] {strides = array<i32>} : memref<512x64xf32, #tpu.memory_space<vmem>>, vector<16xf32>,
      %mul3A_554 = arith.mulf %get3A_550, %get3A_553 : vector<16xf32>
      %mul3A_555 = arith.mulf %mul3A_554, %get3A_5 : vector<16xf32>
      %add3A_556 = arith.addf %mul3A_547, %mul3A_555 : vector<16xf32>
      %get3A_557 = arith.index_cast %add3A_539 : i32 to index
      %get3A_558 = arith.constant 32 : index
      %get3A_559 = tpu.vector_load %arg7[%get3A_557, %get3A_558] {strides = array<i32>} : memref<512x64xf32, #tpu.memory_space<vmem>>, vector<16xf32>,
      %get3A_560 = arith.index_cast %add3A_539 : i32 to index
      %get3A_561 = arith.constant 32 : index
      %get3A_562 = tpu.vector_load %arg8[%get3A_560, %get3A_561] {strides = array<i32>} : memref<512x64xf32, #tpu.memory_space<vmem>>, vector<16xf32>,
      %mul3A_563 = arith.mulf %get3A_559, %get3A_562 : vector<16xf32>
      %mul3A_564 = arith.mulf %mul3A_563, %get3A_7 : vector<16xf32>
      %add3A_565 = arith.addf %add3A_556, %mul3A_564 : vector<16xf32>
      %get3A_566 = arith.index_cast %add3A_539 : i32 to index
      %get3A_567 = arith.constant 48 : index
      %get3A_568 = tpu.vector_load %arg7[%get3A_566, %get3A_567] {strides = array<i32>} : memref<512x64xf32, #tpu.memory_space<vmem>>, vector<16xf32>,
      %get3A_569 = arith.index_cast %add3A_539 : i32 to index
      %get3A_570 = arith.constant 48 : index
      %get3A_571 = tpu.vector_load %arg8[%get3A_569, %get3A_570] {strides = array<i32>} : memref<512x64xf32, #tpu.memory_space<vmem>>, vector<16xf32>,
      %mul3A_572 = arith.mulf %get3A_568, %get3A_571 : vector<16xf32>
      %mul3A_573 = arith.mulf %mul3A_572, %get3A_9 : vector<16xf32>
      %add3A_574 = arith.addf %add3A_565, %mul3A_573 : vector<16xf32>
      %eq3A_575 = arith.constant 11 : i32
      %eq3A_576 = vector.broadcast %eq3A_575 : i32 to vector<16xi32>
      %eq3A_577 = arith.cmpi eq, %iota3A, %eq3A_576 : vector<16xi32>
      %reduce_sum3A_578 = arith.constant true
      %reduce_sum3A_579 = vector.broadcast %reduce_sum3A_578 : i1 to vector<16xi1>
      %reduce_sum3A_580 = tpu.scan <sum>, %add3A_574 masked %reduce_sum3A_579 : vector<16xf32>, vector<16xi1> -> vector<16xf32>
      %reduce_sum3A_581 = vector.extract %reduce_sum3A_580[15] : f32 from vector<16xf32>
      %broadcast_in_dim3A_582 = vector.broadcast %reduce_sum3A_581 : f32 to vector<16xf32>
      %select_n3A_583 = arith.select %eq3A_577, %broadcast_in_dim3A_582, %select_n3A_537 : vector<16xi1>, vector<16xf32>
      %add3A_584 = arith.constant 12 : i32
      %add3A_585 = arith.addi %mul3A_33, %add3A_584 : i32
      %get3A_586 = arith.index_cast %add3A_585 : i32 to index
      %get3A_587 = arith.constant 0 : index
      %get3A_588 = tpu.vector_load %arg7[%get3A_586, %get3A_587] {strides = array<i32>} : memref<512x64xf32, #tpu.memory_space<vmem>>, vector<16xf32>,
      %get3A_589 = arith.index_cast %add3A_585 : i32 to index
      %get3A_590 = arith.constant 0 : index
      %get3A_591 = tpu.vector_load %arg8[%get3A_589, %get3A_590] {strides = array<i32>} : memref<512x64xf32, #tpu.memory_space<vmem>>, vector<16xf32>,
      %mul3A_592 = arith.mulf %get3A_588, %get3A_591 : vector<16xf32>
      %mul3A_593 = arith.mulf %mul3A_592, %get3A_3 : vector<16xf32>
      %get3A_594 = arith.index_cast %add3A_585 : i32 to index
      %get3A_595 = arith.constant 16 : index
      %get3A_596 = tpu.vector_load %arg7[%get3A_594, %get3A_595] {strides = array<i32>} : memref<512x64xf32, #tpu.memory_space<vmem>>, vector<16xf32>,
      %get3A_597 = arith.index_cast %add3A_585 : i32 to index
      %get3A_598 = arith.constant 16 : index
      %get3A_599 = tpu.vector_load %arg8[%get3A_597, %get3A_598] {strides = array<i32>} : memref<512x64xf32, #tpu.memory_space<vmem>>, vector<16xf32>,
      %mul3A_600 = arith.mulf %get3A_596, %get3A_599 : vector<16xf32>
      %mul3A_601 = arith.mulf %mul3A_600, %get3A_5 : vector<16xf32>
      %add3A_602 = arith.addf %mul3A_593, %mul3A_601 : vector<16xf32>
      %get3A_603 = arith.index_cast %add3A_585 : i32 to index
      %get3A_604 = arith.constant 32 : index
      %get3A_605 = tpu.vector_load %arg7[%get3A_603, %get3A_604] {strides = array<i32>} : memref<512x64xf32, #tpu.memory_space<vmem>>, vector<16xf32>,
      %get3A_606 = arith.index_cast %add3A_585 : i32 to index
      %get3A_607 = arith.constant 32 : index
      %get3A_608 = tpu.vector_load %arg8[%get3A_606, %get3A_607] {strides = array<i32>} : memref<512x64xf32, #tpu.memory_space<vmem>>, vector<16xf32>,
      %mul3A_609 = arith.mulf %get3A_605, %get3A_608 : vector<16xf32>
      %mul3A_610 = arith.mulf %mul3A_609, %get3A_7 : vector<16xf32>
      %add3A_611 = arith.addf %add3A_602, %mul3A_610 : vector<16xf32>
      %get3A_612 = arith.index_cast %add3A_585 : i32 to index
      %get3A_613 = arith.constant 48 : index
      %get3A_614 = tpu.vector_load %arg7[%get3A_612, %get3A_613] {strides = array<i32>} : memref<512x64xf32, #tpu.memory_space<vmem>>, vector<16xf32>,
      %get3A_615 = arith.index_cast %add3A_585 : i32 to index
      %get3A_616 = arith.constant 48 : index
      %get3A_617 = tpu.vector_load %arg8[%get3A_615, %get3A_616] {strides = array<i32>} : memref<512x64xf32, #tpu.memory_space<vmem>>, vector<16xf32>,
      %mul3A_618 = arith.mulf %get3A_614, %get3A_617 : vector<16xf32>
      %mul3A_619 = arith.mulf %mul3A_618, %get3A_9 : vector<16xf32>
      %add3A_620 = arith.addf %add3A_611, %mul3A_619 : vector<16xf32>
      %eq3A_621 = arith.constant 12 : i32
      %eq3A_622 = vector.broadcast %eq3A_621 : i32 to vector<16xi32>
      %eq3A_623 = arith.cmpi eq, %iota3A, %eq3A_622 : vector<16xi32>
      %reduce_sum3A_624 = arith.constant true
      %reduce_sum3A_625 = vector.broadcast %reduce_sum3A_624 : i1 to vector<16xi1>
      %reduce_sum3A_626 = tpu.scan <sum>, %add3A_620 masked %reduce_sum3A_625 : vector<16xf32>, vector<16xi1> -> vector<16xf32>
      %reduce_sum3A_627 = vector.extract %reduce_sum3A_626[15] : f32 from vector<16xf32>
      %broadcast_in_dim3A_628 = vector.broadcast %reduce_sum3A_627 : f32 to vector<16xf32>
      %select_n3A_629 = arith.select %eq3A_623, %broadcast_in_dim3A_628, %select_n3A_583 : vector<16xi1>, vector<16xf32>
      %add3A_630 = arith.constant 13 : i32
      %add3A_631 = arith.addi %mul3A_33, %add3A_630 : i32
      %get3A_632 = arith.index_cast %add3A_631 : i32 to index
      %get3A_633 = arith.constant 0 : index
      %get3A_634 = tpu.vector_load %arg7[%get3A_632, %get3A_633] {strides = array<i32>} : memref<512x64xf32, #tpu.memory_space<vmem>>, vector<16xf32>,
      %get3A_635 = arith.index_cast %add3A_631 : i32 to index
      %get3A_636 = arith.constant 0 : index
      %get3A_637 = tpu.vector_load %arg8[%get3A_635, %get3A_636] {strides = array<i32>} : memref<512x64xf32, #tpu.memory_space<vmem>>, vector<16xf32>,
      %mul3A_638 = arith.mulf %get3A_634, %get3A_637 : vector<16xf32>
      %mul3A_639 = arith.mulf %mul3A_638, %get3A_3 : vector<16xf32>
      %get3A_640 = arith.index_cast %add3A_631 : i32 to index
      %get3A_641 = arith.constant 16 : index
      %get3A_642 = tpu.vector_load %arg7[%get3A_640, %get3A_641] {strides = array<i32>} : memref<512x64xf32, #tpu.memory_space<vmem>>, vector<16xf32>,
      %get3A_643 = arith.index_cast %add3A_631 : i32 to index
      %get3A_644 = arith.constant 16 : index
      %get3A_645 = tpu.vector_load %arg8[%get3A_643, %get3A_644] {strides = array<i32>} : memref<512x64xf32, #tpu.memory_space<vmem>>, vector<16xf32>,
      %mul3A_646 = arith.mulf %get3A_642, %get3A_645 : vector<16xf32>
      %mul3A_647 = arith.mulf %mul3A_646, %get3A_5 : vector<16xf32>
      %add3A_648 = arith.addf %mul3A_639, %mul3A_647 : vector<16xf32>
      %get3A_649 = arith.index_cast %add3A_631 : i32 to index
      %get3A_650 = arith.constant 32 : index
      %get3A_651 = tpu.vector_load %arg7[%get3A_649, %get3A_650] {strides = array<i32>} : memref<512x64xf32, #tpu.memory_space<vmem>>, vector<16xf32>,
      %get3A_652 = arith.index_cast %add3A_631 : i32 to index
      %get3A_653 = arith.constant 32 : index
      %get3A_654 = tpu.vector_load %arg8[%get3A_652, %get3A_653] {strides = array<i32>} : memref<512x64xf32, #tpu.memory_space<vmem>>, vector<16xf32>,
      %mul3A_655 = arith.mulf %get3A_651, %get3A_654 : vector<16xf32>
      %mul3A_656 = arith.mulf %mul3A_655, %get3A_7 : vector<16xf32>
      %add3A_657 = arith.addf %add3A_648, %mul3A_656 : vector<16xf32>
      %get3A_658 = arith.index_cast %add3A_631 : i32 to index
      %get3A_659 = arith.constant 48 : index
      %get3A_660 = tpu.vector_load %arg7[%get3A_658, %get3A_659] {strides = array<i32>} : memref<512x64xf32, #tpu.memory_space<vmem>>, vector<16xf32>,
      %get3A_661 = arith.index_cast %add3A_631 : i32 to index
      %get3A_662 = arith.constant 48 : index
      %get3A_663 = tpu.vector_load %arg8[%get3A_661, %get3A_662] {strides = array<i32>} : memref<512x64xf32, #tpu.memory_space<vmem>>, vector<16xf32>,
      %mul3A_664 = arith.mulf %get3A_660, %get3A_663 : vector<16xf32>
      %mul3A_665 = arith.mulf %mul3A_664, %get3A_9 : vector<16xf32>
      %add3A_666 = arith.addf %add3A_657, %mul3A_665 : vector<16xf32>
      %eq3A_667 = arith.constant 13 : i32
      %eq3A_668 = vector.broadcast %eq3A_667 : i32 to vector<16xi32>
      %eq3A_669 = arith.cmpi eq, %iota3A, %eq3A_668 : vector<16xi32>
      %reduce_sum3A_670 = arith.constant true
      %reduce_sum3A_671 = vector.broadcast %reduce_sum3A_670 : i1 to vector<16xi1>
      %reduce_sum3A_672 = tpu.scan <sum>, %add3A_666 masked %reduce_sum3A_671 : vector<16xf32>, vector<16xi1> -> vector<16xf32>
      %reduce_sum3A_673 = vector.extract %reduce_sum3A_672[15] : f32 from vector<16xf32>
      %broadcast_in_dim3A_674 = vector.broadcast %reduce_sum3A_673 : f32 to vector<16xf32>
      %select_n3A_675 = arith.select %eq3A_669, %broadcast_in_dim3A_674, %select_n3A_629 : vector<16xi1>, vector<16xf32>
      %add3A_676 = arith.constant 14 : i32
      %add3A_677 = arith.addi %mul3A_33, %add3A_676 : i32
      %get3A_678 = arith.index_cast %add3A_677 : i32 to index
      %get3A_679 = arith.constant 0 : index
      %get3A_680 = tpu.vector_load %arg7[%get3A_678, %get3A_679] {strides = array<i32>} : memref<512x64xf32, #tpu.memory_space<vmem>>, vector<16xf32>,
      %get3A_681 = arith.index_cast %add3A_677 : i32 to index
      %get3A_682 = arith.constant 0 : index
      %get3A_683 = tpu.vector_load %arg8[%get3A_681, %get3A_682] {strides = array<i32>} : memref<512x64xf32, #tpu.memory_space<vmem>>, vector<16xf32>,
      %mul3A_684 = arith.mulf %get3A_680, %get3A_683 : vector<16xf32>
      %mul3A_685 = arith.mulf %mul3A_684, %get3A_3 : vector<16xf32>
      %get3A_686 = arith.index_cast %add3A_677 : i32 to index
      %get3A_687 = arith.constant 16 : index
      %get3A_688 = tpu.vector_load %arg7[%get3A_686, %get3A_687] {strides = array<i32>} : memref<512x64xf32, #tpu.memory_space<vmem>>, vector<16xf32>,
      %get3A_689 = arith.index_cast %add3A_677 : i32 to index
      %get3A_690 = arith.constant 16 : index
      %get3A_691 = tpu.vector_load %arg8[%get3A_689, %get3A_690] {strides = array<i32>} : memref<512x64xf32, #tpu.memory_space<vmem>>, vector<16xf32>,
      %mul3A_692 = arith.mulf %get3A_688, %get3A_691 : vector<16xf32>
      %mul3A_693 = arith.mulf %mul3A_692, %get3A_5 : vector<16xf32>
      %add3A_694 = arith.addf %mul3A_685, %mul3A_693 : vector<16xf32>
      %get3A_695 = arith.index_cast %add3A_677 : i32 to index
      %get3A_696 = arith.constant 32 : index
      %get3A_697 = tpu.vector_load %arg7[%get3A_695, %get3A_696] {strides = array<i32>} : memref<512x64xf32, #tpu.memory_space<vmem>>, vector<16xf32>,
      %get3A_698 = arith.index_cast %add3A_677 : i32 to index
      %get3A_699 = arith.constant 32 : index
      %get3A_700 = tpu.vector_load %arg8[%get3A_698, %get3A_699] {strides = array<i32>} : memref<512x64xf32, #tpu.memory_space<vmem>>, vector<16xf32>,
      %mul3A_701 = arith.mulf %get3A_697, %get3A_700 : vector<16xf32>
      %mul3A_702 = arith.mulf %mul3A_701, %get3A_7 : vector<16xf32>
      %add3A_703 = arith.addf %add3A_694, %mul3A_702 : vector<16xf32>
      %get3A_704 = arith.index_cast %add3A_677 : i32 to index
      %get3A_705 = arith.constant 48 : index
      %get3A_706 = tpu.vector_load %arg7[%get3A_704, %get3A_705] {strides = array<i32>} : memref<512x64xf32, #tpu.memory_space<vmem>>, vector<16xf32>,
      %get3A_707 = arith.index_cast %add3A_677 : i32 to index
      %get3A_708 = arith.constant 48 : index
      %get3A_709 = tpu.vector_load %arg8[%get3A_707, %get3A_708] {strides = array<i32>} : memref<512x64xf32, #tpu.memory_space<vmem>>, vector<16xf32>,
      %mul3A_710 = arith.mulf %get3A_706, %get3A_709 : vector<16xf32>
      %mul3A_711 = arith.mulf %mul3A_710, %get3A_9 : vector<16xf32>
      %add3A_712 = arith.addf %add3A_703, %mul3A_711 : vector<16xf32>
      %eq3A_713 = arith.constant 14 : i32
      %eq3A_714 = vector.broadcast %eq3A_713 : i32 to vector<16xi32>
      %eq3A_715 = arith.cmpi eq, %iota3A, %eq3A_714 : vector<16xi32>
      %reduce_sum3A_716 = arith.constant true
      %reduce_sum3A_717 = vector.broadcast %reduce_sum3A_716 : i1 to vector<16xi1>
      %reduce_sum3A_718 = tpu.scan <sum>, %add3A_712 masked %reduce_sum3A_717 : vector<16xf32>, vector<16xi1> -> vector<16xf32>
      %reduce_sum3A_719 = vector.extract %reduce_sum3A_718[15] : f32 from vector<16xf32>
      %broadcast_in_dim3A_720 = vector.broadcast %reduce_sum3A_719 : f32 to vector<16xf32>
      %select_n3A_721 = arith.select %eq3A_715, %broadcast_in_dim3A_720, %select_n3A_675 : vector<16xi1>, vector<16xf32>
      %add3A_722 = arith.constant 15 : i32
      %add3A_723 = arith.addi %mul3A_33, %add3A_722 : i32
      %get3A_724 = arith.index_cast %add3A_723 : i32 to index
      %get3A_725 = arith.constant 0 : index
      %get3A_726 = tpu.vector_load %arg7[%get3A_724, %get3A_725] {strides = array<i32>} : memref<512x64xf32, #tpu.memory_space<vmem>>, vector<16xf32>,
      %get3A_727 = arith.index_cast %add3A_723 : i32 to index
      %get3A_728 = arith.constant 0 : index
      %get3A_729 = tpu.vector_load %arg8[%get3A_727, %get3A_728] {strides = array<i32>} : memref<512x64xf32, #tpu.memory_space<vmem>>, vector<16xf32>,
      %mul3A_730 = arith.mulf %get3A_726, %get3A_729 : vector<16xf32>
      %mul3A_731 = arith.mulf %mul3A_730, %get3A_3 : vector<16xf32>
      %get3A_732 = arith.index_cast %add3A_723 : i32 to index
      %get3A_733 = arith.constant 16 : index
      %get3A_734 = tpu.vector_load %arg7[%get3A_732, %get3A_733] {strides = array<i32>} : memref<512x64xf32, #tpu.memory_space<vmem>>, vector<16xf32>,
      %get3A_735 = arith.index_cast %add3A_723 : i32 to index
      %get3A_736 = arith.constant 16 : index
      %get3A_737 = tpu.vector_load %arg8[%get3A_735, %get3A_736] {strides = array<i32>} : memref<512x64xf32, #tpu.memory_space<vmem>>, vector<16xf32>,
      %mul3A_738 = arith.mulf %get3A_734, %get3A_737 : vector<16xf32>
      %mul3A_739 = arith.mulf %mul3A_738, %get3A_5 : vector<16xf32>
      %add3A_740 = arith.addf %mul3A_731, %mul3A_739 : vector<16xf32>
      %get3A_741 = arith.index_cast %add3A_723 : i32 to index
      %get3A_742 = arith.constant 32 : index
      %get3A_743 = tpu.vector_load %arg7[%get3A_741, %get3A_742] {strides = array<i32>} : memref<512x64xf32, #tpu.memory_space<vmem>>, vector<16xf32>,
      %get3A_744 = arith.index_cast %add3A_723 : i32 to index
      %get3A_745 = arith.constant 32 : index
      %get3A_746 = tpu.vector_load %arg8[%get3A_744, %get3A_745] {strides = array<i32>} : memref<512x64xf32, #tpu.memory_space<vmem>>, vector<16xf32>,
      %mul3A_747 = arith.mulf %get3A_743, %get3A_746 : vector<16xf32>
      %mul3A_748 = arith.mulf %mul3A_747, %get3A_7 : vector<16xf32>
      %add3A_749 = arith.addf %add3A_740, %mul3A_748 : vector<16xf32>
      %get3A_750 = arith.index_cast %add3A_723 : i32 to index
      %get3A_751 = arith.constant 48 : index
      %get3A_752 = tpu.vector_load %arg7[%get3A_750, %get3A_751] {strides = array<i32>} : memref<512x64xf32, #tpu.memory_space<vmem>>, vector<16xf32>,
      %get3A_753 = arith.index_cast %add3A_723 : i32 to index
      %get3A_754 = arith.constant 48 : index
      %get3A_755 = tpu.vector_load %arg8[%get3A_753, %get3A_754] {strides = array<i32>} : memref<512x64xf32, #tpu.memory_space<vmem>>, vector<16xf32>,
      %mul3A_756 = arith.mulf %get3A_752, %get3A_755 : vector<16xf32>
      %mul3A_757 = arith.mulf %mul3A_756, %get3A_9 : vector<16xf32>
      %add3A_758 = arith.addf %add3A_749, %mul3A_757 : vector<16xf32>
      %eq3A_759 = arith.constant 15 : i32
      %eq3A_760 = vector.broadcast %eq3A_759 : i32 to vector<16xi32>
      %eq3A_761 = arith.cmpi eq, %iota3A, %eq3A_760 : vector<16xi32>
      %reduce_sum3A_762 = arith.constant true
      %reduce_sum3A_763 = vector.broadcast %reduce_sum3A_762 : i1 to vector<16xi1>
      %reduce_sum3A_764 = tpu.scan <sum>, %add3A_758 masked %reduce_sum3A_763 : vector<16xf32>, vector<16xi1> -> vector<16xf32>
      %reduce_sum3A_765 = vector.extract %reduce_sum3A_764[15] : f32 from vector<16xf32>
      %broadcast_in_dim3A_766 = vector.broadcast %reduce_sum3A_765 : f32 to vector<16xf32>
      %select_n3A_767 = arith.select %eq3A_761, %broadcast_in_dim3A_766, %select_n3A_721 : vector<16xi1>, vector<16xf32>
      %add3A_768 = arith.addf %select_n3A_767, %get3A_11 : vector<16xf32>
      %neg3A = arith.constant 0.000000e+00 : f32
      %neg3A_769 = vector.broadcast %neg3A : f32 to vector<16xf32>
      %neg3A_770 = arith.subf %neg3A_769, %add3A_768 : vector<16xf32>
      %exp3A = math.exp %neg3A_770 : vector<16xf32>
      %add3A_771 = arith.constant 1.000000e+00 : f32
      %add3A_772 = vector.broadcast %add3A_771 : f32 to vector<16xf32>
      %add3A_773 = arith.addf %add3A_772, %exp3A : vector<16xf32>
      %div3A = arith.constant 1.000000e+00 : f32
      %div3A_774 = vector.broadcast %div3A : f32 to vector<16xf32>
      %div3A_775 = arith.divf %div3A_774, %add3A_773 : vector<16xf32>
      %swap3A = arith.index_cast %mul3A_33 : i32 to index
      %swap3A_776 = tpu.vector_load %arg11[%swap3A] {strides = array<i32>} : memref<512xf32, #tpu.memory_space<vmem>>, vector<16xf32>,
      tpu.vector_store %arg11[%swap3A], %div3A_775 {strides = array<i32>} : memref<512xf32, #tpu.memory_space<vmem>>, vector<16xf32>,
    }
    %scan3A_30 = arith.constant 32 : i32
    "tpu.region"() ({
      %run_scoped3A = tpu.sem_alloc : memref<!tpu.dma_semaphore, #tpu.memory_space<semaphore_mem>>
      %dma_start3A_31 = tpu.memref_slice %arg6[%mul3A_2] : memref<16384xf32, #tpu.memory_space<hbm>> -> memref<512xf32, #tpu.memory_space<hbm>>
      %dma_start3A_32 = tpu.memref_slice %arg6[%mul3A_2] : memref<16384xf32, #tpu.memory_space<hbm>> -> memref<512xf32, #tpu.memory_space<hbm>>
      tpu.enqueue_dma source(%arg11 : memref<512xf32, #tpu.memory_space<vmem>>) target(%dma_start3A_32 : memref<512xf32, #tpu.memory_space<hbm>>) target_semaphore(%run_scoped3A : memref<!tpu.dma_semaphore, #tpu.memory_space<semaphore_mem>>)
      %dma_wait3A_33 = tpu.memref_slice %arg6[%mul3A_2] : memref<16384xf32, #tpu.memory_space<hbm>> -> memref<512xf32, #tpu.memory_space<hbm>>
      %dma_wait3A_34 = tpu.memref_slice %arg6[%mul3A_2] : memref<16384xf32, #tpu.memory_space<hbm>> -> memref<512xf32, #tpu.memory_space<hbm>>
      tpu.wait_dma2 semaphore(%run_scoped3A : memref<!tpu.dma_semaphore, #tpu.memory_space<semaphore_mem>>) src(%arg11 : memref<512xf32, #tpu.memory_space<vmem>>) dst(%dma_wait3A_34 : memref<512xf32, #tpu.memory_space<hbm>>)
      tpu.yield
    }) : () -> ()
    return
  }
}

</mosaic_0001>

<sc_bundles>
// kernel: kernel.4.cloned.1.call-start
scs
__scs_entry_jumppad:
0x0: {  	(pc) =	sbr.rel $0x88, $3  }
0x1: {  	(tag) =	ssettag $0x0;
	lr =	simm.s32 $0x1  }
0x2: {  	[smem:$0x3F9B] =	sst lr;
	_ =	strace $0xD0000000  }
0x3: {  	_ = 	snop  }
0x4: {  	_ = 	snop  }
0x5: {  	_ = 	snop  }
0x6: {  	_ = 	snop  }
0x7: {  	_ = 	snop  }
__scs_overlays_trampoline_lowered:
0x8: {  	[smem:$0x3FAA] =	sst s0  }
0x9: {  	[smem:$0x3FAB] =	sst s1  }
0xa: {  	[smem:$0x3FAC] =	sst s2  }
0xb: {  	[smem:$0x3FAD] =	sst s3  }
0xc: {  	[smem:$0x3FAE] =	sst s4  }
0xd: {  	[smem:$0x3FAF] =	sst s5  }
0xe: {  	[smem:$0x3FB0] =	sst s6  }
0xf: {  	[smem:$0x3FB1] =	sst s7  }
0x10: {  	[smem:$0x3FB2] =	sst s8  }
0x11: {  	[smem:$0x3FB3] =	sst s9;
	s0 =	simm.s32 @!p0 $0x0  }
0x12: {  	s1 =	sld [smem:$0x3F99];
	s0 =	simm.s32 @p0 $0x1  }
0x13: {  	[smem:$0x3FB4] =	sst s0;
	s0 =	simm.s32 @!p1 $0x0  }
0x14: {  	s2 =	sld [smem:$0x3F98];
	s0 =	simm.s32 @p1 $0x1  }
0x15: {  	[smem:$0x3FB5] =	sst s0;
	s0 =	simm.s32 @!p2 $0x0  }
0x16: {  	s3 =	sld [smem:$0x3FDB];
	s0 =	simm.s32 @p2 $0x1  }
0x17: {  	s4 =	simm.s32 $0x1BF5;
	[smem:$0x3FB7] =	sst s0  }
0x18: {  	s0 =	sld [smem:$0x3F9A];
	_ =	swait.ge [sflag:s4], $0x0  }
0x19: {  	s7 =	sld [smem:$0x3F9B]  }
0x1a: {  	s8 =	sadd.s32 $0xFFFFE003, lr  }
0x1b: {  	s9 =	sadd.s32 $0xFFFFFEF7, lr;
	s5 =	simm.s32 $0xFFFFFFFF;
	p2 =	slt.u32 s8, $0xFFFFF086  }
0x1c: {  	p1 =	slt.u32 s9, $0xF7A;
	s5 =	simm.s32 @!p2 $0x0  }
0x1d: {  	s5 =	simm.s32 @p1 $0x1;
	p0 =	seq.s32 s7, s2  }
0x1e: {  	s7 =	smul.u32 @!p0 $0xF7A, s2;
	p2 =	seq.s32 @!p0 s5, $0x0  }
0x1f: {  	s9 =	smul.u32 $0xF7A, s1;
	s8 =	simm.s32 @!p0 $0x1BF5;
	p2 =	por !p2, p0  }
0x20: {  	[sflag:s8] =	ssyncset.s32 @!p0 $0xFFFFF086;
	s6 =	sadd.s32 @!p0 s3, s7;
	s7 =	simm.s32 @!p0 $0x108  }
0x21: {  	s3 =	sadd.s32 s3, s9;
	s6 =	sadd.s32 @!p0 $0x88, s6;
	s7 =	simm.s32 @p2 $0x1082  }
0x22: {  	[simem:s7], [sflag:s8] =	dma.local @!p0 [hbm:s6], $0xF7A  }
0x23: {  	s9 =	sor.u32 $0xD0000000, s2;
	s6 =	simm.s32 $0x108;
	_ =	swait.ge @!p0 [sflag:s8], $0x0  }
0x24: {  	s3 =	sadd.s32 $0x88, s3;
	s6 =	simm.s32 @!p1 $0x1082;
	[sflag:s4] =	ssyncset.s32 $0xFFFFF086  }
0x25: {  	[simem:s6], [sflag:s4] =	dma.local [hbm:s3], $0xF7A  }
0x26: {  	[smem:$0x3F9B] =	sst s1;
	(tag) =	ssettag s2;
	_ =	strace s9  }
0x27: {  	s1 =	sld [smem:$0x3FAB]  }
0x28: {  	s2 =	sld [smem:$0x3FAC]  }
0x29: {  	s4 =	sld [smem:$0x3FAE]  }
0x2a: {  	p0 =	seq.s32 s5, $0x0;
	s5 =	sld [smem:$0x3FAF]  }
0x2b: {  	s6 =	sld [smem:$0x3FB0]  }
0x2c: {  	s7 =	sld [smem:$0x3FB1]  }
0x2d: {  	s3 =	simm.s32 $0x108;
	s8 =	sld [smem:$0x3FB2]  }
0x2e: {  	s3 =	simm.s32 @!p0 $0x1082;
	s9 =	sld [smem:$0x3FB3]  }
0x2f: {  	lr =	sadd.s32 s0, s3;
	s0 =	sld [smem:$0x3FAA]  }
0x30: {  	s3 =	sld [smem:$0x3FAD]  }
0x31: {  	[smem:$0x3FB6] =	sst s10  }
0x32: {  	s10 =	sld [smem:$0x3FB4];
	_ =	sdelay $0x3  }
0x33: {  	p0 =	seq.s32 s10, $0x1;
	s10 =	sld [smem:$0x3FB6];
	_ =	sdelay $0x3  }
0x34: {  	[smem:$0x3FB6] =	sst s10  }
0x35: {  	s10 =	sld [smem:$0x3FB5];
	_ =	sdelay $0x3  }
0x36: {  	p1 =	seq.s32 s10, $0x1;
	s10 =	sld [smem:$0x3FB6];
	_ =	sdelay $0x3  }
0x37: {  	[smem:$0x3FB6] =	sst s10  }
0x38: {  	s10 =	sld [smem:$0x3FB7]  }
0x39: {  	_ = 	snop;
	(pc) =	sbr.ind lr, $3  }
0x3a: {  	_ = 	snop  }
0x3b: {  	_ = 	snop  }
0x3c: {  	p2 =	seq.s32 s10, $0x1;
	s10 =	sld [smem:$0x3FB6]  }
0x3d: {  	_ =	shalt  }
0x3e: {  	_ =	shalt  }
0x3f: {  	_ =	shalt  }
0x40: {  	_ =	shalt  }
0x41: {  	_ =	shalt  }
0x42: {  	_ =	shalt  }
0x43: {  	_ =	shalt  }
0x44: {  	_ =	shalt  }
0x45: {  	_ =	shalt  }
0x46: {  	_ =	shalt  }
0x47: {  	_ =	shalt  }
0x48: {  	_ =	shalt  }
0x49: {  	_ =	shalt  }
0x4a: {  	_ =	shalt  }
0x4b: {  	_ =	shalt  }
0x4c: {  	_ =	shalt  }
0x4d: {  	_ =	shalt  }
0x4e: {  	_ =	shalt  }
0x4f: {  	_ =	shalt  }
0x50: {  	_ =	shalt  }
0x51: {  	_ =	shalt  }
0x52: {  	_ =	shalt  }
0x53: {  	_ =	shalt  }
0x54: {  	_ =	shalt  }
0x55: {  	_ =	shalt  }
0x56: {  	_ =	shalt  }
0x57: {  	_ =	shalt  }
0x58: {  	_ =	shalt  }
0x59: {  	_ =	shalt  }
0x5a: {  	_ =	shalt  }
0x5b: {  	_ =	shalt  }
0x5c: {  	_ =	shalt  }
0x5d: {  	_ =	shalt  }
0x5e: {  	_ =	shalt  }
0x5f: {  	_ =	shalt  }
0x60: {  	_ =	shalt  }
0x61: {  	_ =	shalt  }
0x62: {  	_ =	shalt  }
0x63: {  	_ =	shalt  }
0x64: {  	_ =	shalt  }
0x65: {  	_ =	shalt  }
0x66: {  	_ =	shalt  }
0x67: {  	_ =	shalt  }
0x68: {  	_ =	shalt  }
0x69: {  	_ =	shalt  }
0x6a: {  	_ =	shalt  }
0x6b: {  	_ =	shalt  }
0x6c: {  	_ =	shalt  }
0x6d: {  	_ =	shalt  }
0x6e: {  	_ =	shalt  }
0x6f: {  	_ =	shalt  }
0x70: {  	_ =	shalt  }
0x71: {  	_ =	shalt  }
0x72: {  	_ =	shalt  }
0x73: {  	_ =	shalt  }
0x74: {  	_ =	shalt  }
0x75: {  	_ =	shalt  }
0x76: {  	_ =	shalt  }
0x77: {  	_ =	shalt  }
0x78: {  	_ =	shalt  }
0x79: {  	_ =	shalt  }
0x7a: {  	_ =	shalt  }
0x7b: {  	_ =	shalt  }
0x7c: {  	_ =	shalt  }
0x7d: {  	_ =	shalt  }
0x7e: {  	_ =	shalt  }
0x7f: {  	_ =	shalt  }
0x80: {  	_ =	shalt  }
0x81: {  	_ =	shalt  }
0x82: {  	_ =	shalt  }
0x83: {  	_ =	shalt  }
0x84: {  	_ =	shalt  }
0x85: {  	_ =	shalt  }
0x86: {  	_ =	shalt  }
0x87: {  	_ =	shalt  }
.Lfunc_end0:
.L_simem_size_0:
called_computation_lowered:
.L_overlay_start_0:
0x88: {  	s2 =	sld [smem:$0x3FD9]  }
0x89: {  	s3 =	sld [smem:$0x3FFE];
	_ =	sdelay $0x1  }
0x8a: {  	s1 =	srdreg.scid  }
0x8b: {  	s0 =	sand.u32 $0x1, s1  }
0x8c: {  	s17 =	sshll.u32 s0, $0xA;
	s2 =	sadd.s32 s3, s2  }
0x8d: {  	s2 =	sadd.s32 s2, s17  }
0x8e: {  	[smem:$0x3FC2] =	sst s2  }
0x8f: {  	_ = 	snop  }
0x90: {  	s2 =	sld [smem:$0x3FC9]  }
0x91: {  	s18 =	sld [smem:$0x3FC8]  }
0x92: {  	s4 =	sld [smem:$0x3FC7]  }
0x93: {  	s5 =	sld [smem:$0x3FC6];
	(tm) =	ssettm $0x1  }
0x94: {  	s6 =	sld [smem:$0x3FFB];
	_ =	sdelay $0x3  }
0x95: {  	_ =	strace s6  }
0x96: {  	s6 =	sld [smem:$0x3FFC];
	_ =	sdelay $0x3  }
0x97: {  	_ =	strace s6  }
0x98: {  	s6 =	sld [smem:$0x3FFD];
	_ =	sdelay $0x3  }
0x99: {  	_ =	strace s6  }
0x9a: {  	_ =	strace $0x8FFFFFFF  }
0x9b: {  	s19 =	sld [smem:$0x3FDB];
	_ =	sdelay $0x1  }
0x9c: {  	s7 =	simm.s32 $_scs_section_size  }
0x9d: {  	s8 =	simm.s32 $_size__tile_overlayer_lowered;
	s9 =	simm.s32 $_tile_overlayer_lowered  }
0x9e: {  	s22 =	simm.s32 $0x1BFF;
	s21 =	sshll.u32 s9, $0x1;
	s6 =	sadd.s32 s7, s19  }
0x9f: {  	s10 =	simm.s32 $0x0;
	s20 =	sshll.u32 s8, $0x1;
	s8 =	sadd.s32 s21, s6  }
0xa0: {  	[timem:s10], [sflag:s22] =	dma.local [hbm:s8], s20  }
0xa1: {  	_ =	swait.ge [sflag:s22], s20  }
0xa2: {  	s7 =	ssub.s32 $0x0, s20;
	[sflag:s22] =	ssyncset.done $0x0  }
0xa3: {  	[sflag:s22] =	ssyncadd.s32 s7;
	_ =	sdelay $0x1  }
0xa4: {  	s23 =	simm.s32 $0x1B8B  }
0xa5: {  	_ =	swait.ge [sflag:s23], $0x1  }
0xa6: {  	[sflag:s23] =	ssyncset.done $0x0  }
0xa7: {  	s25 =	simm.s32 $0x1B8E;
	s24 =	sld [smem:$0x3FFE];
	[sflag:s23] =	ssyncadd.s32 $0xFFFFFFFF  }
0xa8: {  	s26 =	simm.s32 $execute0_lowered;
	[smem:$0x3FD2] =	sst s25  }
0xa9: {  	s8 =	sshll.u32 s26, $0x1;
	_ =	strace $0x80000046;
	[dreg:$0x1] =	wrdreg $0xFFFFFFFF  }
0xaa: {  	s28 =	simm.s32 $_size_execute0_lowered;
	s6 =	sadd.s32 s6, s8;
	[dreg:$0x0] =	wrdreg $0x0  }
0xab: {  	s8 =	sshll.u32 s28, $0x1;
	[dreg:$0x2] =	wrdreg s6  }
0xac: {  	[dreg:$0x3] =	wrdreg s8  }
0xad: {  	[dreg:$0x4] =	wrdreg $0xC0  }
0xae: {  	_ =	task [dreg:s10], $0x5FFFF  }
0xaf: {  	[dreg:$0x1] =	wrdreg $0xFFFFFFFF  }
0xb0: {  	[dreg:$0x0] =	wrdreg $0x60  }
0xb1: {  	[dreg:$0x2] =	wrdreg s2  }
0xb2: {  	[dreg:$0x3] =	wrdreg s18  }
0xb3: {  	[dreg:$0x4] =	wrdreg s4  }
0xb4: {  	[dreg:$0x5] =	wrdreg s5  }
0xb5: {  	[dreg:$0x6] =	wrdreg s24  }
0xb6: {  	[dreg:$0x7] =	wrdreg $0x9  }
0xb7: {  	_ =	task.clear_ibuf [dreg:s10], $0x8FFFF;
	_ =	strace $0x90000046  }
0xb8: {  	s29 =	simm.s32 $0x9;
	_ =	strace $0x80000048  }
0xb9: {  	_ =	swait.ge [sflag:s29], $0x1  }
0xba: {  	[sflag:s29] =	ssyncadd.s32 $0xFFFFFFFF  }
0xbb: {  	_ =	strace $0x90000048  }
0xbc: {  	_ =	sfence  }
0xbd: {  	s30 =	sld [smem:$0x0];
	_ =	sdelay $0x2  }
0xbe: {  	s31 =	sshll.u32 s1, $0xD;
	s1 =	sshrl.u32 s1, $0x2  }
0xbf: {  	s3 =	sand.u32 $0x4000, s31;
	s1 =	sadd.s32 s1, s30  }
0xc0: {  	s0 =	sor.u32 s3, s0;
	s1 =	sshll.u32 s1, $0x11  }
0xc1: {  	s0 =	sor.u32 s1, s0  }
0xc2: {  	s0 =	sadd.s32 $0x8F2B, s0  }
0xc3: {  	[sflag:s0] =	ssyncadd.remote.s32 $0x1  }
0xc4: {  	_ =	sfence.sel $0xFFFF  }
0xc5: {  	[dreg:$0x0] =	wrdreg $0xFFFFFFFF;
	(pc) =	sbr.abs _section_cstart, $3  }
0xc6: {  	[dreg:$0x1] =	wrdreg $0xFFFFFFFF  }
0xc7: {  	_ =	task.clear_ibuf [dreg:s10], $0x2FFFF;
	_ =	strace $0x9FFFFFFF  }
0xc8: {  	(tm) =	ssettm $0x7FFFFFFF  }
0xc9: {  	_ =	shalt  }
tec
execute0_lowered:
.L_overlay_start_1:
0x0: {  	(tag) =	ssettag $0x1  }
0x1: {  	v0 =	vimm.s32 $0x1380;
	vm14 =	vcmask $0x300;
	vm13 =	vcmask $0x704  }
0x2: {  	vm12 =	vcmask $0xB08;
	vm11 =	vcmask $0xF0C;
	vm10 =	vcmask $0x1310  }
0x3: {  	vm9 =	vcmask $0x1714;
	vm8 =	vcmask $0x1B18;
	vm7 =	vcmask $0x1F1C  }
0x4: {  	vm6 =	vcmask $0x2320;
	vm5 =	vcmask $0x2724;
	vm4 =	vcmask $0x2B28  }
0x5: {  	vm2 =	vcmask $0x2F2C;
	vm0 =	vcmask $0x3330;
	vm1 =	vcmask $0x3734  }
0x6: {  	vm3 =	vcmask $0x3B38;
	v5 =	vimm.s32 $0x3380;
	v6 =	vimm.s32 $0x5380  }
0x7: {  	v7 =	vimm.s32 $0x7380;
	v0 =	vsel vm14, $0x0, v0;
	v5 =	vsel vm14, $0x2000, v5  }
0x8: {  	v6 =	vsel vm14, $0x4000, v6;
	v7 =	vsel vm14, $0x6000, v7;
	v0 =	vsel vm13, $0x80, v0  }
0x9: {  	s0 =	srdreg.scid;
	s4 =	rddreg [dreg:$0x2];
	v5 =	vsel vm13, $0x2080, v5;
	v6 =	vsel vm13, $0x4080, v6;
	v0 =	vsel vm12, $0x100, v0  }
0xa: {  	s1 =	stileid.u32;
	s5 =	rddreg [dreg:$0x3];
	v7 =	vsel vm13, $0x6080, v7;
	v5 =	vsel vm12, $0x2100, v5;
	v0 =	vsel vm11, $0x180, v0  }
0xb: {  	s20 =	rddreg [dreg:$0x4];
	s7 =	simm.s32 $0x0;
	s17 =	simm.s32 $0x7A1400;
	v6 =	vsel vm12, $0x4100, v6;
	v7 =	vsel vm12, $0x6100, v7;
	v0 =	vsel vm10, $0x200, v0  }
0xc: {  	s18 =	simm.s32 $0x1000;
	s0 =	sand.u32 $0x1, s0;
	s1 =	sshll.u32 s1, $0x1;
	v5 =	vsel vm11, $0x2180, v5;
	v6 =	vsel vm11, $0x4180, v6;
	v0 =	vsel vm9, $0x280, v0  }
0xd: {  	s28 =	simm.s32 $0x3;
	s29 =	simm.s32 $0x0;
	s1 =	sor.u32 s0, s1;
	v7 =	vsel vm11, $0x6180, v7;
	v5 =	vsel vm10, $0x2200, v5;
	v0 =	vsel vm8, $0x300, v0  }
0xe: {  	[smem:$0x7FF] =	sst s7;
	s8 =	sadd.s32 $0xC00, s20;
	s3 =	smul.u32 $0x7A2, s1;
	v6 =	vsel vm10, $0x4200, v6;
	v7 =	vsel vm10, $0x6200, v7;
	v0 =	vsel vm7, $0x380, v0  }
0xf: {  	s9 =	sadd.s32 $0x42C00, s20;
	s20 =	simm.s32 $0x14100;
	s0 =	ssub.s32 $0x2, s0;
	v5 =	vsel vm9, $0x2280, v5;
	v6 =	vsel vm9, $0x4280, v6;
	v0 =	vsel vm6, $0x1000, v0  }
0x10: {  	s1 =	sshll.u32 s1, $0x4;
	s2 =	sshrl.u32 s3, $0x5;
	s3 =	sadd.s32 $0x7A2, s3;
	v7 =	vsel vm9, $0x6280, v7;
	v5 =	vsel vm8, $0x2300, v5;
	v0 =	vsel vm5, $0x1080, v0  }
0x11: {  	s21 =	sshrl.u32 s0, $0x1;
	s1 =	sor.u32 $0x4000, s1;
	s19 =	sshrl.u32 s3, $0x5;
	v6 =	vsel vm8, $0x4300, v6;
	v1 =	vsel vm4, $0x1100, v0;
	v0 =	vlaneseq.u32  }
0x12: {  	_ =	strace $0x80000047;
	s0 =	ssub.s32 s0, s21;
	v7 =	vsel vm8, $0x6300, v7;
	v2 =	vsel vm2, $0x1180, v1;
	v1 =	vor.u32 s1, v0;
	s1 =	ssub.s32 s19, s2  }
0x13: {  	s21 =	simm.s32 $0x4;
	s0 =	smax.u32 s0, $0x1;
	v5 =	vsel vm7, $0x2380, v5;
	v6 =	vsel vm7, $0x4380, v6;
	v7 =	vsel vm7, $0x6380, v7;
	s10 =	sadd.s32 $0xFFFFFFFF, s1  }
0x14: {  	[dreg:$0xa] =	wrdreg s0;
	v5 =	vsel vm6, $0x3000, v5;
	v6 =	vsel vm6, $0x5000, v6;
	v7 =	vsel vm6, $0x7000, v7;
	s1 =	sadd.s32 $0x1, s1;
	s6 =	sshra.s32 s10, $0x1F  }
0x15: {  	v5 =	vsel vm5, $0x3080, v5;
	v6 =	vsel vm5, $0x5080, v6;
	v3 =	vsel vm0, $0x1200, v2;
	p0 =	slt.s32 s10, $0x1;
	s11 =	smov.u32 s10;
	s22 =	sand.u32 s6, s10  }
0x16: {  	v7 =	vsel vm5, $0x7080, v7;
	v4 =	vsel vm1, $0x1280, v3;
	v3 =	vmov s19;
	s19 =	simm.s32 $0xC100;
	s11 =	simm.s32 @!p0 $0x1;
	s3 =	sadd.s32 s2, s22  }
0x17: {  	v5 =	vsel vm4, $0x3100, v5;
	v6 =	vsel vm4, $0x5100, v6;
	v7 =	vsel vm4, $0x7100, v7;
	s23 =	sadd.s32 s2, s11;
	s11 =	sshra.s32 s1, $0x1;
	s24 =	sshll.u32 s3, $0x9  }
.Ltmp0:
0x18: {  	v5 =	vsel vm2, $0x3180, v5;
	v6 =	vsel vm2, $0x5180, v6;
	v7 =	vsel vm2, $0x7180, v7;
	s25 =	sshll.u32 s23, $0x9;
	s26 =	sadd.s32 s4, s24;
	(pc) =	sbr.rel .LBB2_1-.Ltmp0, $4  }
0x19: {  	v2 =	vmov s2;
	v5 =	vsel vm0, $0x3200, v5;
	v6 =	vsel vm0, $0x5200, v6;
	s22 =	simm.s32 $0x1;
	s30 =	sadd.s32 s4, s25;
	[dreg:$0x6] =	wrdreg s26  }
0x1a: {  	v7 =	vsel vm0, $0x7200, v7;
	vm0 =	vmmov $0xffff;
	v5 =	vsel vm1, $0x3280, v5;
	p0 =	slt.s32 s11, $0x1;
	s1 =	sadd.s32 s5, s24;
	[dreg:$0x7] =	wrdreg s30  }
0x1b: {  	v6 =	vsel vm1, $0x5280, v6;
	v7 =	vsel vm1, $0x7280, v7;
	v4 =	vsel vm3, $0x1300, v4;
	s23 =	simm.s32 $0x1C100;
	s31 =	sadd.s32 s5, s25;
	[dreg:$0x8] =	wrdreg s1  }
0x1c: {  	v5 =	vsel vm3, $0x3300, v5;
	v6 =	vsel vm3, $0x5300, v6;
	v7 =	vsel vm3, $0x7300, v7;
	s24 =	simm.s32 $0x1C180;
	s25 =	simm.s32 $0x2;
	[dreg:$0x9] =	wrdreg s31  }
.LBB2_47:
0x1d: {  	_ =	sdelay $0x2  }
0x1e: {  	s0 =	simm.s32 $0x1C200  }
0x1f: {  	[hbm4b:s9+s7] =	stream.indirect_vreg.scatter [tilespmem:s0], [sflag:$0x3], $0x80, v9, vm0, $0xb8;
	[tilespmem:$0x1CA00] =	vst v63  }
0x20: {  	_ =	swait.ge [sflag:s28], $0x800  }
0x21: {  	[sflag:s28] =	ssyncset.done $0x0  }
0x22: {  	[sflag:s28] =	ssyncadd.s32 $0xFFFFF800  }
0x23: {  	_ =	swait.ge [sflag:s22], $0x8000  }
0x24: {  	[sflag:s22] =	ssyncset.done $0x0  }
0x25: {  	[sflag:s22] =	ssyncadd.s32 $0xFFFF8000  }
0x26: {  	_ =	swait.ge [sflag:s25], $0x8000  }
0x27: {  	s29 =	sadd.s32 $0x1, s29;
	s31 =	rddreg [dreg:$0xa]  }
0x28: {  	p1 =	sne.s32 s29, s31  }
.Ltmp1:
0x29: {  	_ = 	snop;
	(pc) =	sbr.rel @!p1 .LBB2_48-.Ltmp1, $3  }
0x2a: {  	_ =	sdelay $0x1  }
0x2b: {  	[sflag:s25] =	ssyncset.done $0x0  }
0x2c: {  	[sflag:s25] =	ssyncadd.s32 $0xFFFF8000  }
.LBB2_1:
0x2d: {  	s0 =	rddreg [dreg:$0x6]  }
0x2e: {  	[tilespmem:s19], [sflag:$0x1] =	stream.strided.gather [hbm4b:s0+s18], $0x8000, s17, s18, $0x38;
	[tilespmem:$0x1CA00] =	vst v63  }
0x2f: {  	s30 =	rddreg [dreg:$0x7]  }
0x30: {  	[tilespmem:s20], [sflag:$0x2] =	stream.strided.gather [hbm4b:s30+s18], $0x8000, s17, s18, $0x38;
	[tilespmem:$0x1CA00] =	vst v63  }
0x31: {  	s31 =	rddreg [dreg:$0x0]  }
0x32: {  	[tilespmem:s7], [sflag:$0x4] =	stream.linear.gather [hbm4b:s31+s7], $0x4000, $0x38;
	[tilespmem:$0x1CA00] =	vst v63  }
0x33: {  	_ =	swait.ge [sflag:s21], $0x4000  }
0x34: {  	[sflag:s21] =	ssyncset.done $0x0  }
0x35: {  	[sflag:s21] =	ssyncadd.s32 $0xFFFFC000  }
0x36: {  	v8 =	vld [tilespmem:s7+$0x0];
	_ =	sdelay $0x4  }
0x37: {  	v9 =	vshra.s32 v8, $0x9  }
0x38: {  	vm1 =	vge.s32 v9, v2;
	vm2 =	vlt.s32 v9, v3  }
0x39: {  	vm1 =	vmand vm1, vm2  }
0x3a: {  	v9 =	vmpcnt.ones.xlane vm1;
	_ =	sdelay $0x1  }
0x3b: {  	(v2sf) =	vpush v9, $0x0;
	_ =	sdelay $0x3  }
0x3c: {  	[tilespmem:s7+$0x4000] =	vst.msk vm1, v8;
	v8 =	vor.u32 s7, v0  }
0x3d: {  	s0 =	simm.s32 $0x10;
	[tilespmem:s7+$0x8080] =	vst.msk vm1, v8  }
0x3e: {  	s3 =	simm.s32 $0x20;
	s1 =	simm.s32 $0x0;
	s6 =	simm.s32 $0x10;
	v8 =	vld [tilespmem:s0+$0x0]  }
.LBB2_2:
0x3f: {  	p1 =	sne.s32 s3, $0x3FF0;
	_ =	sdelay $0x3  }
0x40: {  	v9 =	vshra.s32 v8, $0x9  }
0x41: {  	vm1 =	vge.s32 v9, v2;
	vm2 =	vlt.s32 v9, v3  }
0x42: {  	vm1 =	vmand vm1, vm2  }
0x43: {  	v9 =	vmpcnt.ones.xlane vm1  }
0x44: {  	s12 =	spop (v2sf)  }
0x45: {  	(v2sf) =	vpush v9, $0x0;
	s1 =	sadd.s32 s1, s12  }
0x46: {  	v9 =	vor.u32 s0, v0;
	s0 =	smov.u32 s3;
	[tilespmem:s1+$0x4000] =	vst.msk vm1, v8  }
.Ltmp2:
0x47: {  	[tilespmem:s1+$0x8080] =	vst.msk vm1, v9;
	(pc) =	sbr.rel @p1 .LBB2_2-.Ltmp2, $3  }
0x48: {  	_ =	sdelay $0x1  }
0x49: {  	s6 =	sadd.s32 $0x10, s6  }
0x4a: {  	s3 =	sadd.s32 $0x10, s3;
	v8 =	vld [tilespmem:s6+$0x0]  }
0x4b: {  	_ =	sdelay $0x3  }
0x4c: {  	v9 =	vshra.s32 v8, $0x9  }
0x4d: {  	vm1 =	vge.s32 v9, v2;
	vm2 =	vlt.s32 v9, v3  }
0x4e: {  	vm1 =	vmand vm1, vm2  }
0x4f: {  	v9 =	vmpcnt.ones.xlane vm1;
	_ =	sdelay $0x1  }
0x50: {  	(v2sf) =	vpush v9, $0x0;
	_ =	sdelay $0xb  }
.Ltmp3:
0x51: {  	_ = 	snop;
	(pc) =	sbr.rel @p0 .LBB2_24-.Ltmp3, $4  }
0x52: {  	s3 =	spop (v2sf);
	v9 =	vor.u32 s0, v0  }
0x53: {  	s1 =	sadd.s32 s1, s3  }
0x54: {  	[tilespmem:s1+$0x4000] =	vst.msk vm1, v8;
	s31 =	spop (v2sf)  }
0x55: {  	[tilespmem:s1+$0x8080] =	vst.msk vm1, v9;
	v9 =	vmov v1;
	s0 =	sadd.s32 s1, s31  }
.Ltmp4:
0x56: {  	(pc) =	sbr.rel .LBB2_5-.Ltmp4, $4  }
0x57: {  	_ = 	snop  }
0x58: {  	s1 =	sadd.s32 $0xF, s0  }
0x59: {  	s30 =	sshra.s32 s1, $0x4  }
0x5a: {  	v8 =	vmov s0;
	s31 =	simm.s32 $0x0;
	v9 =	vmov v1;
	s6 =	simm.s32 $0x0;
	p1 =	slt.s32 s30, $0x1  }
.LBB2_23:
0x5b: {  	s0 =	sor.u32 $0x1, s1  }
0x5c: {  	s1 =	smov.u32 s10;
	p2 =	slt.s32 s0, s10  }
0x5d: {  	s1 =	smov.u32 @p2 s0  }
0x5e: {  	s0 =	sadd.s32 s2, s1  }
0x5f: {  	s0 =	sshll.u32 s0, $0x9  }
0x60: {  	p2 =	slt.s32 s0, $0xF4080  }
0x61: {  	s0 =	simm.s32 @!p2 $0xF4080;
	p2 =	sne.s32 s6, s11  }
.Ltmp5:
0x62: {  	_ = 	snop;
	(pc) =	sbr.rel @!p2 .LBB2_24-.Ltmp5, $3  }
0x63: {  	_ =	sdelay $0x1  }
0x64: {  	s0 =	sadd.s32 s4, s0  }
0x65: {  	[tilespmem:s20], [sflag:$0x2] =	stream.strided.gather [hbm4b:s0+s18], $0x8000, s17, s18, $0x38;
	[tilespmem:$0x1CA00] =	vst v63  }
.LBB2_5:
.Ltmp6:
0x66: {  	(pc) =	sbr.rel @p1 .LBB2_14-.Ltmp6, $4  }
0x67: {  	_ = 	snop  }
0x68: {  	_ =	swait.ge [sflag:s22], $0x8000  }
0x69: {  	[sflag:s22] =	ssyncset.done $0x0  }
0x6a: {  	s0 =	sshll.u32 s6, $0x1;
	[sflag:s22] =	ssyncadd.s32 $0xFFFF8000  }
0x6b: {  	p2 =	slt.s32 s0, s10;
	s1 =	smov.u32 s10  }
0x6c: {  	s1 =	smov.u32 @p2 s0  }
.Ltmp7:
0x6d: {  	s1 =	sadd.s32 s2, s1;
	(pc) =	sbr.rel .LBB2_7-.Ltmp7, $4  }
0x6e: {  	s3 =	sshll.u32 s1, $0x9  }
0x6f: {  	p2 =	slt.s32 s3, $0xF4080  }
0x70: {  	s3 =	simm.s32 @!p2 $0xF4080  }
0x71: {  	v10 =	vmov s1;
	s1 =	simm.s32 $0x0;
	v11 =	vmov s3;
	s3 =	simm.s32 $0x0  }
.LBB2_9:
0x72: {  	s13 =	simm.s32 $0x1;
	s12 =	simm.s32 $0x0  }
.LBB2_12:
0x73: {  	_ =	sdelay $0x1  }
0x74: {  	p2 =	por p4, !p2  }
0x75: {  	[sflag:s15] =	ssyncadd.s32 @!p2 $0xFFFFF800  }
0x76: {  	v13 =	vld.idx.msk [tilespmem:v12+s23+$0x0], $0xffff;
	_ =	sdelay $0x4  }
0x77: {  	v14 =	vshll.u32 v13, $0x3  }
0x78: {  	v13 =	vand.u32 $0x7F, v13;
	v14 =	vand.u32 $0xFFFFFC00, v14  }
0x79: {  	v13 =	vor.u32 v13, v14  }
0x7a: {  	v14 =	vadd.s32 v4, v13;
	_ =	sdelay $0x4  }
0x7b: {  	v14 =	vld.idx.msk [tilespmem:v14+s19+$0x0], $0xffff  }
0x7c: {  	v15 =	vadd.s32 v5, v13  }
0x7d: {  	s12 =	sadd.s32 s12, s31  }
0x7e: {  	s14 =	sand.u32 $0xF, s12  }
0x7f: {  	s26 =	sshll.u32 s14, $0x7  }
0x80: {  	v61 =	vld.idx.msk [tilespmem:v12+s24+$0x0], $0xffff;
	[tilespmem:s26+$0x1C200] =	vst v14  }
0x81: {  	v14 =	vld.idx.msk [tilespmem:v15+s19+$0x0], $0xffff  }
0x82: {  	v62 =	vadd.s32 v6, v13;
	_ =	sdelay $0x3  }
0x83: {  	[tilespmem:s26+$0x1C210] =	vst v14  }
0x84: {  	v14 =	vld.idx.msk [tilespmem:v62+s19+$0x0], $0xffff  }
0x85: {  	v13 =	vadd.s32 v7, v13;
	_ =	sdelay $0x3  }
0x86: {  	v63 =	vmov s14;
	[tilespmem:s26+$0x1C220] =	vst v14  }
0x87: {  	vm1 =	veq.s32 v63, v0;
	v13 =	vld.idx.msk [tilespmem:v13+s19+$0x0], $0xffff  }
0x88: {  	v9 =	vsel vm1, v61, v9  }
0x89: {  	s12 =	sadd.s32 $0x1, s12  }
0x8a: {  	s12 =	sand.u32 $0xF, s12  }
0x8b: {  	p2 =	sne.s32 s12, $0x0  }
0x8c: {  	s14 =	simm.s32 @!p2 $0x0;
	s15 =	simm.s32 @!p2 $0x1C200;
	vm1 =	vmmov @!p2 $0xffff;
	[tilespmem:s26+$0x1C230] =	vst v13  }
0x8d: {  	[hbm4b:s8+s14] =	stream.indirect_vreg.scatter @!p2 [tilespmem:s15], [sflag:$0x3], $0x80, v9, vm1, $0xb8;
	[tilespmem:$0x1CA00] =	vst v63  }
0x8e: {  	s14 =	simm.s32 @!p2 $0x3  }
0x8f: {  	_ =	swait.ge @!p2 [sflag:s14], $0x800  }
0x90: {  	p3 =	seq.s32 s12, $0x0;
	[sflag:s14] =	ssyncset.done @!p2 $0x0  }
0x91: {  	s31 =	sadd.s32 s13, s31;
	v9 =	vpsel p3, v1, v9;
	[sflag:s14] =	ssyncadd.s32 @!p2 $0xFFFFF800  }
.LBB2_13:
0x92: {  	s3 =	sadd.s32 $0x1, s3  }
0x93: {  	p2 =	sne.s32 s3, s30  }
.Ltmp8:
0x94: {  	_ = 	snop;
	(pc) =	sbr.rel @!p2 .LBB2_14-.Ltmp8, $1  }
0x95: {  	_ =	sdelay $0x3  }
.LBB2_7:
0x96: {  	s12 =	sshll.u32 s3, $0x4  }
0x97: {  	v12 =	vld [tilespmem:s12+$0x4000];
	_ =	sdelay $0x4  }
0x98: {  	v13 =	vor.u32 s12, v0;
	v14 =	vshra.s32 v12, $0x9  }
0x99: {  	vm1 =	vlt.s32 v13, v8;
	vm2 =	veq.s32 v14, v10  }
0x9a: {  	vm1 =	vmand vm1, vm2  }
0x9b: {  	v62 =	vmpcnt.ones.xlane vm1;
	_ =	sdelay $0x1  }
0x9c: {  	(v2sf) =	vpush v62, $0x0;
	_ =	sdelay $0xe  }
0x9d: {  	s14 =	spop (v2sf)  }
0x9e: {  	v63 =	vld [tilespmem:s12+$0x8080];
	p2 =	slt.s32 s14, $0x1  }
.Ltmp9:
0x9f: {  	_ = 	snop;
	(pc) =	sbr.rel @p2 .LBB2_13-.Ltmp9, $4  }
0xa0: {  	_ = 	snop  }
0xa1: {  	v12 =	vsub.s32 v12, v11  }
0xa2: {  	[tilespmem:s23+$0x0] =	vst.msk vm1, v12  }
0xa3: {  	[tilespmem:s24+$0x0] =	vst.msk vm1, v63  }
0xa4: {  	p3 =	sne.s32 s14, $0x1  }
.Ltmp10:
0xa5: {  	_ = 	snop;
	(pc) =	sbr.rel @!p3 .LBB2_9-.Ltmp10, $2  }
0xa6: {  	_ =	sdelay $0x2  }
0xa7: {  	s12 =	simm.s32 $0x1;
	v12 =	vmov s1;
	p2 =	por $0x0, $0x0  }
0xa8: {  	_ =	sdelay $0x3  }
0xa9: {  	v13 =	vld.idx.msk [tilespmem:v12+s23+$0x0], $0xffff;
	_ =	sdelay $0x4  }
0xaa: {  	v14 =	vshll.u32 v13, $0x3  }
0xab: {  	v13 =	vand.u32 $0x7F, v13;
	v14 =	vand.u32 $0xFFFFFC00, v14  }
0xac: {  	v13 =	vor.u32 v13, v14  }
0xad: {  	v14 =	vadd.s32 v4, v13;
	_ =	sdelay $0x4  }
0xae: {  	v14 =	vld.idx.msk [tilespmem:v14+s19+$0x0], $0xffff  }
0xaf: {  	v15 =	vadd.s32 v5, v13  }
0xb0: {  	s13 =	sadd.s32 $0x0, s31  }
0xb1: {  	s15 =	sand.u32 $0xF, s13  }
0xb2: {  	s16 =	sshll.u32 s15, $0x7  }
0xb3: {  	v12 =	vld.idx.msk [tilespmem:v12+s24+$0x0], $0xffff;
	[tilespmem:s16+$0x1C200] =	vst v14  }
0xb4: {  	v14 =	vld.idx.msk [tilespmem:v15+s19+$0x0], $0xffff  }
0xb5: {  	v15 =	vadd.s32 v6, v13;
	_ =	sdelay $0x3  }
0xb6: {  	[tilespmem:s16+$0x1C210] =	vst v14  }
0xb7: {  	v14 =	vld.idx.msk [tilespmem:v15+s19+$0x0], $0xffff  }
0xb8: {  	v13 =	vadd.s32 v7, v13;
	_ =	sdelay $0x3  }
0xb9: {  	v15 =	vmov s15;
	[tilespmem:s16+$0x1C220] =	vst v14  }
0xba: {  	vm1 =	veq.s32 v15, v0;
	v13 =	vld.idx.msk [tilespmem:v13+s19+$0x0], $0xffff  }
0xbb: {  	v9 =	vsel vm1, v12, v9  }
0xbc: {  	s13 =	sadd.s32 $0x1, s13  }
0xbd: {  	p3 =	sne.s32 s14, $0x2;
	s13 =	sand.u32 $0xF, s13  }
.Ltmp11:
0xbe: {  	p4 =	sne.s32 s13, $0x0;
	(pc) =	sbr.rel @!p3 .LBB2_12-.Ltmp11, $4  }
0xbf: {  	s26 =	simm.s32 @!p4 $0x1C200;
	s15 =	simm.s32 @!p4 $0x3;
	vm1 =	vmmov @!p4 $0xffff;
	v12 =	vmov s12;
	[tilespmem:s16+$0x1C230] =	vst v13;
	s16 =	simm.s32 @!p4 $0x0  }
0xc0: {  	[hbm4b:s8+s16] =	stream.indirect_vreg.scatter @!p4 [tilespmem:s26], [sflag:$0x3], $0x80, v9, vm1, $0xb8;
	[tilespmem:$0x1CA00] =	vst v63  }
0xc1: {  	p2 =	seq.s32 s13, $0x0;
	_ =	swait.ge @!p4 [sflag:s15], $0x800  }
0xc2: {  	s13 =	simm.s32 $0x2;
	v9 =	vpsel p2, v1, v9;
	p2 =	por $0x1, $0x1;
	[sflag:s15] =	ssyncset.done @!p4 $0x0  }
.LBB2_11:
0xc3: {  	[sflag:s15] =	ssyncadd.s32 @!p4 $0xFFFFF800;
	s15 =	smov.u32 s13;
	s13 =	sadd.s32 $0x1, s13  }
0xc4: {  	p3 =	sne.s32 s14, s13;
	v13 =	vld.idx.msk [tilespmem:v12+s23+$0x0], $0xffff;
	_ =	sdelay $0x5  }
0xc5: {  	v14 =	vshll.u32 v13, $0x3  }
0xc6: {  	v13 =	vand.u32 $0x7F, v13;
	v14 =	vand.u32 $0xFFFFFC00, v14  }
0xc7: {  	v13 =	vor.u32 v13, v14  }
0xc8: {  	v14 =	vadd.s32 v4, v13;
	_ =	sdelay $0x4  }
0xc9: {  	v14 =	vld.idx.msk [tilespmem:v14+s19+$0x0], $0xffff;
	_ =	sdelay $0x1  }
0xca: {  	v15 =	vadd.s32 v5, v13  }
0xcb: {  	s16 =	sadd.s32 s12, s31;
	s12 =	smov.u32 s15  }
0xcc: {  	s15 =	sand.u32 $0xF, s16;
	s16 =	sadd.s32 $0x1, s16  }
0xcd: {  	s26 =	sshll.u32 s15, $0x7;
	v16 =	vmov s15;
	s15 =	sand.u32 $0xF, s16;
	v12 =	vld.idx.msk [tilespmem:v12+s24+$0x0], $0xffff  }
0xce: {  	[tilespmem:s26+$0x1C200] =	vst v14  }
0xcf: {  	v14 =	vld.idx.msk [tilespmem:v15+s19+$0x0], $0xffff;
	_ =	sdelay $0x1  }
0xd0: {  	v15 =	vadd.s32 v6, v13  }
0xd1: {  	vm1 =	veq.s32 v16, v0  }
0xd2: {  	p4 =	seq.s32 s15, $0x0;
	v16 =	vsel vm1, v12, v9  }
0xd3: {  	v9 =	vpsel p4, v1, v16  }
0xd4: {  	[tilespmem:s26+$0x1C210] =	vst v14  }
0xd5: {  	v12 =	vld.idx.msk [tilespmem:v15+s19+$0x0], $0xffff;
	_ =	sdelay $0x1  }
0xd6: {  	v13 =	vadd.s32 v7, v13;
	_ =	sdelay $0x3  }
0xd7: {  	[tilespmem:s26+$0x1C220] =	vst v12  }
0xd8: {  	v13 =	vld.idx.msk [tilespmem:v13+s19+$0x0], $0xffff;
	_ =	sdelay $0x4  }
.Ltmp12:
0xd9: {  	p4 =	sne.s32 s15, $0x0;
	(pc) =	sbr.rel @p3 .LBB2_11-.Ltmp12, $4  }
0xda: {  	vm1 =	vmmov @!p4 $0xffff;
	s16 =	simm.s32 @!p4 $0x0;
	s15 =	simm.s32 @!p4 $0x3;
	v12 =	vmov s12;
	[tilespmem:s26+$0x1C230] =	vst v13;
	s26 =	simm.s32 @!p4 $0x1C200  }
0xdb: {  	[hbm4b:s8+s16] =	stream.indirect_vreg.scatter @!p4 [tilespmem:s26], [sflag:$0x3], $0x80, v16, vm1, $0xb8;
	[tilespmem:$0x1CA00] =	vst v63  }
0xdc: {  	_ =	swait.ge @!p4 [sflag:s15], $0x800  }
0xdd: {  	[sflag:s15] =	ssyncset.done @!p4 $0x0  }
.Ltmp13:
0xde: {  	_ = 	snop;
	(pc) =	sbr.rel .LBB2_12-.Ltmp13, $1  }
0xdf: {  	_ =	sdelay $0x3  }
.LBB2_14:
0xe0: {  	s6 =	sadd.s32 $0x1, s6  }
0xe1: {  	s1 =	sshll.u32 s6, $0x1  }
0xe2: {  	s3 =	smov.u32 s10;
	p2 =	slt.s32 s1, s10  }
0xe3: {  	s3 =	smov.u32 @p2 s1  }
0xe4: {  	s3 =	sadd.s32 s2, s3  }
0xe5: {  	s3 =	sshll.u32 s3, $0x9  }
0xe6: {  	p2 =	slt.s32 s3, $0xF4080  }
0xe7: {  	s3 =	simm.s32 @!p2 $0xF4080  }
.Ltmp14:
0xe8: {  	s3 =	sadd.s32 s4, s3;
	(pc) =	sbr.rel @p1 .LBB2_23-.Ltmp14, $4  }
0xe9: {  	[tilespmem:s19], [sflag:$0x1] =	stream.strided.gather [hbm4b:s3+s18], $0x8000, s17, s18, $0x38;
	[tilespmem:$0x1CA00] =	vst v63  }
0xea: {  	_ =	swait.ge [sflag:s25], $0x8000  }
0xeb: {  	[sflag:s25] =	ssyncset.done $0x0  }
0xec: {  	[sflag:s25] =	ssyncadd.s32 $0xFFFF8000  }
0xed: {  	s0 =	sor.u32 $0x1, s0  }
0xee: {  	s3 =	smov.u32 s10;
	p2 =	slt.s32 s0, s10  }
0xef: {  	s3 =	smov.u32 @p2 s0  }
.Ltmp15:
0xf0: {  	s0 =	sadd.s32 s2, s3;
	(pc) =	sbr.rel .LBB2_16-.Ltmp15, $4  }
0xf1: {  	s3 =	sshll.u32 s0, $0x9  }
0xf2: {  	p2 =	slt.s32 s3, $0xF4080  }
0xf3: {  	s3 =	simm.s32 @!p2 $0xF4080  }
0xf4: {  	v10 =	vmov s0;
	s0 =	simm.s32 $0x0;
	v11 =	vmov s3;
	s3 =	simm.s32 $0x0  }
.LBB2_18:
0xf5: {  	s13 =	simm.s32 $0x1;
	s12 =	simm.s32 $0x0  }
.LBB2_21:
0xf6: {  	_ =	sdelay $0x1  }
0xf7: {  	p2 =	por p4, !p2  }
0xf8: {  	[sflag:s15] =	ssyncadd.s32 @!p2 $0xFFFFF800  }
0xf9: {  	v13 =	vld.idx.msk [tilespmem:v12+s23+$0x0], $0xffff;
	_ =	sdelay $0x4  }
0xfa: {  	v14 =	vshll.u32 v13, $0x3  }
0xfb: {  	v13 =	vand.u32 $0x7F, v13;
	v14 =	vand.u32 $0xFFFFFC00, v14  }
0xfc: {  	v13 =	vor.u32 v13, v14  }
0xfd: {  	v14 =	vadd.s32 v4, v13;
	_ =	sdelay $0x4  }
0xfe: {  	v14 =	vld.idx.msk [tilespmem:v14+s20+$0x0], $0xffff  }
0xff: {  	v15 =	vadd.s32 v5, v13  }
0x100: {  	s12 =	sadd.s32 s12, s31  }
0x101: {  	s14 =	sand.u32 $0xF, s12  }
0x102: {  	s26 =	sshll.u32 s14, $0x7  }
0x103: {  	v61 =	vld.idx.msk [tilespmem:v12+s24+$0x0], $0xffff;
	[tilespmem:s26+$0x1C200] =	vst v14  }
0x104: {  	v14 =	vld.idx.msk [tilespmem:v15+s20+$0x0], $0xffff  }
0x105: {  	v62 =	vadd.s32 v6, v13;
	_ =	sdelay $0x3  }
0x106: {  	[tilespmem:s26+$0x1C210] =	vst v14  }
0x107: {  	v14 =	vld.idx.msk [tilespmem:v62+s20+$0x0], $0xffff  }
0x108: {  	v13 =	vadd.s32 v7, v13;
	_ =	sdelay $0x3  }
0x109: {  	v63 =	vmov s14;
	[tilespmem:s26+$0x1C220] =	vst v14  }
0x10a: {  	vm1 =	veq.s32 v63, v0;
	v13 =	vld.idx.msk [tilespmem:v13+s20+$0x0], $0xffff  }
0x10b: {  	v9 =	vsel vm1, v61, v9  }
0x10c: {  	s12 =	sadd.s32 $0x1, s12  }
0x10d: {  	s12 =	sand.u32 $0xF, s12  }
0x10e: {  	p2 =	sne.s32 s12, $0x0  }
0x10f: {  	s14 =	simm.s32 @!p2 $0x0;
	s15 =	simm.s32 @!p2 $0x1C200;
	vm1 =	vmmov @!p2 $0xffff;
	[tilespmem:s26+$0x1C230] =	vst v13  }
0x110: {  	[hbm4b:s8+s14] =	stream.indirect_vreg.scatter @!p2 [tilespmem:s15], [sflag:$0x3], $0x80, v9, vm1, $0xb8;
	[tilespmem:$0x1CA00] =	vst v63  }
0x111: {  	s14 =	simm.s32 @!p2 $0x3  }
0x112: {  	_ =	swait.ge @!p2 [sflag:s14], $0x800  }
0x113: {  	p3 =	seq.s32 s12, $0x0;
	[sflag:s14] =	ssyncset.done @!p2 $0x0  }
0x114: {  	s31 =	sadd.s32 s13, s31;
	v9 =	vpsel p3, v1, v9;
	[sflag:s14] =	ssyncadd.s32 @!p2 $0xFFFFF800  }
.LBB2_22:
0x115: {  	s3 =	sadd.s32 $0x1, s3  }
0x116: {  	p2 =	sne.s32 s3, s30  }
.Ltmp16:
0x117: {  	_ = 	snop;
	(pc) =	sbr.rel @!p2 .LBB2_23-.Ltmp16, $1  }
0x118: {  	_ =	sdelay $0x3  }
.LBB2_16:
0x119: {  	s12 =	sshll.u32 s3, $0x4  }
0x11a: {  	v12 =	vld [tilespmem:s12+$0x4000];
	_ =	sdelay $0x4  }
0x11b: {  	v13 =	vor.u32 s12, v0;
	v14 =	vshra.s32 v12, $0x9  }
0x11c: {  	vm1 =	vlt.s32 v13, v8;
	vm2 =	veq.s32 v14, v10  }
0x11d: {  	vm1 =	vmand vm1, vm2  }
0x11e: {  	v62 =	vmpcnt.ones.xlane vm1;
	_ =	sdelay $0x1  }
0x11f: {  	(v2sf) =	vpush v62, $0x0;
	_ =	sdelay $0xe  }
0x120: {  	s14 =	spop (v2sf)  }
0x121: {  	v63 =	vld [tilespmem:s12+$0x8080];
	p2 =	slt.s32 s14, $0x1  }
.Ltmp17:
0x122: {  	_ = 	snop;
	(pc) =	sbr.rel @p2 .LBB2_22-.Ltmp17, $4  }
0x123: {  	_ = 	snop  }
0x124: {  	v12 =	vsub.s32 v12, v11  }
0x125: {  	[tilespmem:s23+$0x0] =	vst.msk vm1, v12  }
0x126: {  	[tilespmem:s24+$0x0] =	vst.msk vm1, v63  }
0x127: {  	p3 =	sne.s32 s14, $0x1  }
.Ltmp18:
0x128: {  	_ = 	snop;
	(pc) =	sbr.rel @!p3 .LBB2_18-.Ltmp18, $2  }
0x129: {  	_ =	sdelay $0x2  }
0x12a: {  	s12 =	simm.s32 $0x1;
	v12 =	vmov s0;
	p2 =	por $0x0, $0x0  }
0x12b: {  	_ =	sdelay $0x3  }
0x12c: {  	v13 =	vld.idx.msk [tilespmem:v12+s23+$0x0], $0xffff;
	_ =	sdelay $0x4  }
0x12d: {  	v14 =	vshll.u32 v13, $0x3  }
0x12e: {  	v13 =	vand.u32 $0x7F, v13;
	v14 =	vand.u32 $0xFFFFFC00, v14  }
0x12f: {  	v13 =	vor.u32 v13, v14  }
0x130: {  	v14 =	vadd.s32 v4, v13;
	_ =	sdelay $0x4  }
0x131: {  	v14 =	vld.idx.msk [tilespmem:v14+s20+$0x0], $0xffff  }
0x132: {  	v15 =	vadd.s32 v5, v13  }
0x133: {  	s13 =	sadd.s32 $0x0, s31  }
0x134: {  	s15 =	sand.u32 $0xF, s13  }
0x135: {  	s16 =	sshll.u32 s15, $0x7  }
0x136: {  	v12 =	vld.idx.msk [tilespmem:v12+s24+$0x0], $0xffff;
	[tilespmem:s16+$0x1C200] =	vst v14  }
0x137: {  	v14 =	vld.idx.msk [tilespmem:v15+s20+$0x0], $0xffff  }
0x138: {  	v15 =	vadd.s32 v6, v13;
	_ =	sdelay $0x3  }
0x139: {  	[tilespmem:s16+$0x1C210] =	vst v14  }
0x13a: {  	v14 =	vld.idx.msk [tilespmem:v15+s20+$0x0], $0xffff  }
0x13b: {  	v13 =	vadd.s32 v7, v13;
	_ =	sdelay $0x3  }
0x13c: {  	v15 =	vmov s15;
	[tilespmem:s16+$0x1C220] =	vst v14  }
0x13d: {  	vm1 =	veq.s32 v15, v0;
	v13 =	vld.idx.msk [tilespmem:v13+s20+$0x0], $0xffff  }
0x13e: {  	v9 =	vsel vm1, v12, v9  }
0x13f: {  	s13 =	sadd.s32 $0x1, s13  }
0x140: {  	p3 =	sne.s32 s14, $0x2;
	s13 =	sand.u32 $0xF, s13  }
.Ltmp19:
0x141: {  	p4 =	sne.s32 s13, $0x0;
	(pc) =	sbr.rel @!p3 .LBB2_21-.Ltmp19, $4  }
0x142: {  	s26 =	simm.s32 @!p4 $0x1C200;
	s15 =	simm.s32 @!p4 $0x3;
	vm1 =	vmmov @!p4 $0xffff;
	v12 =	vmov s12;
	[tilespmem:s16+$0x1C230] =	vst v13;
	s16 =	simm.s32 @!p4 $0x0  }
0x143: {  	[hbm4b:s8+s16] =	stream.indirect_vreg.scatter @!p4 [tilespmem:s26], [sflag:$0x3], $0x80, v9, vm1, $0xb8;
	[tilespmem:$0x1CA00] =	vst v63  }
0x144: {  	p2 =	seq.s32 s13, $0x0;
	_ =	swait.ge @!p4 [sflag:s15], $0x800  }
0x145: {  	s13 =	simm.s32 $0x2;
	v9 =	vpsel p2, v1, v9;
	p2 =	por $0x1, $0x1;
	[sflag:s15] =	ssyncset.done @!p4 $0x0  }
.LBB2_20:
0x146: {  	[sflag:s15] =	ssyncadd.s32 @!p4 $0xFFFFF800;
	s15 =	smov.u32 s13;
	s13 =	sadd.s32 $0x1, s13  }
0x147: {  	p3 =	sne.s32 s14, s13;
	v13 =	vld.idx.msk [tilespmem:v12+s23+$0x0], $0xffff;
	_ =	sdelay $0x5  }
0x148: {  	v14 =	vshll.u32 v13, $0x3  }
0x149: {  	v13 =	vand.u32 $0x7F, v13;
	v14 =	vand.u32 $0xFFFFFC00, v14  }
0x14a: {  	v13 =	vor.u32 v13, v14  }
0x14b: {  	v14 =	vadd.s32 v4, v13;
	_ =	sdelay $0x4  }
0x14c: {  	v14 =	vld.idx.msk [tilespmem:v14+s20+$0x0], $0xffff;
	_ =	sdelay $0x1  }
0x14d: {  	v15 =	vadd.s32 v5, v13  }
0x14e: {  	s16 =	sadd.s32 s12, s31;
	s12 =	smov.u32 s15  }
0x14f: {  	s15 =	sand.u32 $0xF, s16;
	s16 =	sadd.s32 $0x1, s16  }
0x150: {  	s26 =	sshll.u32 s15, $0x7;
	v16 =	vmov s15;
	s15 =	sand.u32 $0xF, s16;
	v12 =	vld.idx.msk [tilespmem:v12+s24+$0x0], $0xffff  }
0x151: {  	[tilespmem:s26+$0x1C200] =	vst v14  }
0x152: {  	v14 =	vld.idx.msk [tilespmem:v15+s20+$0x0], $0xffff;
	_ =	sdelay $0x1  }
0x153: {  	v15 =	vadd.s32 v6, v13  }
0x154: {  	vm1 =	veq.s32 v16, v0  }
0x155: {  	p4 =	seq.s32 s15, $0x0;
	v16 =	vsel vm1, v12, v9  }
0x156: {  	v9 =	vpsel p4, v1, v16  }
0x157: {  	[tilespmem:s26+$0x1C210] =	vst v14  }
0x158: {  	v12 =	vld.idx.msk [tilespmem:v15+s20+$0x0], $0xffff;
	_ =	sdelay $0x1  }
0x159: {  	v13 =	vadd.s32 v7, v13;
	_ =	sdelay $0x3  }
0x15a: {  	[tilespmem:s26+$0x1C220] =	vst v12  }
0x15b: {  	v13 =	vld.idx.msk [tilespmem:v13+s20+$0x0], $0xffff;
	_ =	sdelay $0x4  }
.Ltmp20:
0x15c: {  	p4 =	sne.s32 s15, $0x0;
	(pc) =	sbr.rel @p3 .LBB2_20-.Ltmp20, $4  }
0x15d: {  	vm1 =	vmmov @!p4 $0xffff;
	s16 =	simm.s32 @!p4 $0x0;
	s15 =	simm.s32 @!p4 $0x3;
	v12 =	vmov s12;
	[tilespmem:s26+$0x1C230] =	vst v13;
	s26 =	simm.s32 @!p4 $0x1C200  }
0x15e: {  	[hbm4b:s8+s16] =	stream.indirect_vreg.scatter @!p4 [tilespmem:s26], [sflag:$0x3], $0x80, v16, vm1, $0xb8;
	[tilespmem:$0x1CA00] =	vst v63  }
0x15f: {  	_ =	swait.ge @!p4 [sflag:s15], $0x800  }
0x160: {  	[sflag:s15] =	ssyncset.done @!p4 $0x0  }
.Ltmp21:
0x161: {  	_ = 	snop;
	(pc) =	sbr.rel .LBB2_21-.Ltmp21, $1  }
0x162: {  	_ =	sdelay $0x3  }
.LBB2_24:
0x163: {  	_ =	sdelay $0x2  }
0x164: {  	s0 =	simm.s32 $0x0;
	s1 =	simm.s32 $0x1C200  }
0x165: {  	[hbm4b:s8+s0] =	stream.indirect_vreg.scatter [tilespmem:s1], [sflag:$0x3], $0x80, v9, vm0, $0xb8;
	[tilespmem:$0x1CA00] =	vst v63  }
0x166: {  	_ =	swait.ge [sflag:s28], $0x800  }
0x167: {  	[sflag:s28] =	ssyncset.done $0x0  }
0x168: {  	[sflag:s28] =	ssyncadd.s32 $0xFFFFF800  }
0x169: {  	_ =	swait.ge [sflag:s22], $0x8000  }
0x16a: {  	[sflag:s22] =	ssyncset.done $0x0  }
0x16b: {  	[sflag:s22] =	ssyncadd.s32 $0xFFFF8000  }
0x16c: {  	_ =	swait.ge [sflag:s25], $0x8000  }
0x16d: {  	[sflag:s25] =	ssyncset.done $0x0  }
0x16e: {  	s26 =	rddreg [dreg:$0x8];
	[sflag:s25] =	ssyncadd.s32 $0xFFFF8000  }
0x16f: {  	[tilespmem:s19], [sflag:$0x1] =	stream.strided.gather [hbm4b:s26+s18], $0x8000, s17, s18, $0x38;
	[tilespmem:$0x1CA00] =	vst v63  }
0x170: {  	s30 =	rddreg [dreg:$0x9]  }
0x171: {  	[tilespmem:s20], [sflag:$0x2] =	stream.strided.gather [hbm4b:s30+s18], $0x8000, s17, s18, $0x38;
	[tilespmem:$0x1CA00] =	vst v63  }
0x172: {  	s31 =	rddreg [dreg:$0x1]  }
0x173: {  	[tilespmem:s0], [sflag:$0x4] =	stream.linear.gather [hbm4b:s31+s0], $0x4000, $0x38;
	[tilespmem:$0x1CA00] =	vst v63  }
0x174: {  	_ =	swait.ge [sflag:s21], $0x4000  }
0x175: {  	[sflag:s21] =	ssyncset.done $0x0  }
0x176: {  	[sflag:s21] =	ssyncadd.s32 $0xFFFFC000  }
0x177: {  	v8 =	vld [tilespmem:s0+$0x0];
	_ =	sdelay $0x4  }
0x178: {  	v9 =	vshra.s32 v8, $0x9  }
0x179: {  	vm1 =	vge.s32 v9, v2;
	vm2 =	vlt.s32 v9, v3  }
0x17a: {  	vm1 =	vmand vm1, vm2  }
0x17b: {  	v9 =	vmpcnt.ones.xlane vm1;
	_ =	sdelay $0x1  }
0x17c: {  	(v2sf) =	vpush v9, $0x0;
	_ =	sdelay $0x3  }
0x17d: {  	[tilespmem:s0+$0x4000] =	vst.msk vm1, v8;
	v8 =	vor.u32 s0, v0  }
0x17e: {  	s1 =	simm.s32 $0x10;
	[tilespmem:s0+$0x8080] =	vst.msk vm1, v8  }
0x17f: {  	s3 =	simm.s32 $0x20;
	s6 =	simm.s32 $0x10;
	v8 =	vld [tilespmem:s1+$0x0]  }
.LBB2_25:
0x180: {  	p1 =	sne.s32 s3, $0x3FF0;
	_ =	sdelay $0x3  }
0x181: {  	v9 =	vshra.s32 v8, $0x9  }
0x182: {  	vm1 =	vge.s32 v9, v2;
	vm2 =	vlt.s32 v9, v3  }
0x183: {  	vm1 =	vmand vm1, vm2  }
0x184: {  	v9 =	vmpcnt.ones.xlane vm1  }
0x185: {  	s12 =	spop (v2sf)  }
0x186: {  	(v2sf) =	vpush v9, $0x0;
	s0 =	sadd.s32 s0, s12  }
0x187: {  	v9 =	vor.u32 s1, v0;
	s1 =	smov.u32 s3;
	[tilespmem:s0+$0x4000] =	vst.msk vm1, v8  }
.Ltmp22:
0x188: {  	[tilespmem:s0+$0x8080] =	vst.msk vm1, v9;
	(pc) =	sbr.rel @p1 .LBB2_25-.Ltmp22, $3  }
0x189: {  	_ =	sdelay $0x1  }
0x18a: {  	s6 =	sadd.s32 $0x10, s6  }
0x18b: {  	s3 =	sadd.s32 $0x10, s3;
	v8 =	vld [tilespmem:s6+$0x0]  }
0x18c: {  	_ =	sdelay $0x3  }
0x18d: {  	v9 =	vshra.s32 v8, $0x9  }
0x18e: {  	vm1 =	vge.s32 v9, v2;
	vm2 =	vlt.s32 v9, v3  }
0x18f: {  	vm1 =	vmand vm1, vm2  }
0x190: {  	v9 =	vmpcnt.ones.xlane vm1;
	_ =	sdelay $0x1  }
0x191: {  	(v2sf) =	vpush v9, $0x0;
	_ =	sdelay $0xb  }
.Ltmp23:
0x192: {  	_ = 	snop;
	(pc) =	sbr.rel @p0 .LBB2_47-.Ltmp23, $4  }
0x193: {  	s3 =	spop (v2sf);
	v9 =	vor.u32 s1, v0  }
0x194: {  	s0 =	sadd.s32 s0, s3  }
0x195: {  	[tilespmem:s0+$0x4000] =	vst.msk vm1, v8;
	s31 =	spop (v2sf)  }
0x196: {  	[tilespmem:s0+$0x8080] =	vst.msk vm1, v9;
	v9 =	vmov v1;
	s0 =	sadd.s32 s0, s31  }
.Ltmp24:
0x197: {  	(pc) =	sbr.rel .LBB2_28-.Ltmp24, $4  }
0x198: {  	_ = 	snop  }
0x199: {  	s1 =	sadd.s32 $0xF, s0  }
0x19a: {  	s30 =	sshra.s32 s1, $0x4  }
0x19b: {  	v8 =	vmov s0;
	s31 =	simm.s32 $0x0;
	v9 =	vmov v1;
	s6 =	simm.s32 $0x0;
	p1 =	slt.s32 s30, $0x1  }
.LBB2_46:
0x19c: {  	s0 =	sor.u32 $0x1, s1  }
0x19d: {  	s1 =	smov.u32 s10;
	p2 =	slt.s32 s0, s10  }
0x19e: {  	s1 =	smov.u32 @p2 s0  }
0x19f: {  	s0 =	sadd.s32 s2, s1  }
0x1a0: {  	s0 =	sshll.u32 s0, $0x9  }
0x1a1: {  	p2 =	slt.s32 s0, $0xF4080  }
0x1a2: {  	s0 =	simm.s32 @!p2 $0xF4080;
	p2 =	sne.s32 s6, s11  }
.Ltmp25:
0x1a3: {  	_ = 	snop;
	(pc) =	sbr.rel @!p2 .LBB2_47-.Ltmp25, $3  }
0x1a4: {  	_ =	sdelay $0x1  }
0x1a5: {  	s0 =	sadd.s32 s5, s0  }
0x1a6: {  	[tilespmem:s20], [sflag:$0x2] =	stream.strided.gather [hbm4b:s0+s18], $0x8000, s17, s18, $0x38;
	[tilespmem:$0x1CA00] =	vst v63  }
.LBB2_28:
.Ltmp26:
0x1a7: {  	(pc) =	sbr.rel @p1 .LBB2_37-.Ltmp26, $4  }
0x1a8: {  	_ = 	snop  }
0x1a9: {  	_ =	swait.ge [sflag:s22], $0x8000  }
0x1aa: {  	[sflag:s22] =	ssyncset.done $0x0  }
0x1ab: {  	s0 =	sshll.u32 s6, $0x1;
	[sflag:s22] =	ssyncadd.s32 $0xFFFF8000  }
0x1ac: {  	p2 =	slt.s32 s0, s10;
	s1 =	smov.u32 s10  }
0x1ad: {  	s1 =	smov.u32 @p2 s0  }
.Ltmp27:
0x1ae: {  	s1 =	sadd.s32 s2, s1;
	(pc) =	sbr.rel .LBB2_30-.Ltmp27, $4  }
0x1af: {  	s3 =	sshll.u32 s1, $0x9  }
0x1b0: {  	p2 =	slt.s32 s3, $0xF4080  }
0x1b1: {  	s3 =	simm.s32 @!p2 $0xF4080  }
0x1b2: {  	v10 =	vmov s1;
	s1 =	simm.s32 $0x0;
	v11 =	vmov s3;
	s3 =	simm.s32 $0x0  }
.LBB2_32:
0x1b3: {  	s13 =	simm.s32 $0x1;
	s12 =	simm.s32 $0x0  }
.LBB2_35:
0x1b4: {  	_ =	sdelay $0x1  }
0x1b5: {  	p2 =	por p4, !p2  }
0x1b6: {  	[sflag:s15] =	ssyncadd.s32 @!p2 $0xFFFFF800  }
0x1b7: {  	v13 =	vld.idx.msk [tilespmem:v12+s23+$0x0], $0xffff;
	_ =	sdelay $0x4  }
0x1b8: {  	v14 =	vshll.u32 v13, $0x3  }
0x1b9: {  	v13 =	vand.u32 $0x7F, v13;
	v14 =	vand.u32 $0xFFFFFC00, v14  }
0x1ba: {  	v13 =	vor.u32 v13, v14  }
0x1bb: {  	v14 =	vadd.s32 v4, v13;
	_ =	sdelay $0x4  }
0x1bc: {  	v14 =	vld.idx.msk [tilespmem:v14+s19+$0x0], $0xffff  }
0x1bd: {  	v15 =	vadd.s32 v5, v13  }
0x1be: {  	s12 =	sadd.s32 s12, s31  }
0x1bf: {  	s14 =	sand.u32 $0xF, s12  }
0x1c0: {  	s26 =	sshll.u32 s14, $0x7  }
0x1c1: {  	v61 =	vld.idx.msk [tilespmem:v12+s24+$0x0], $0xffff;
	[tilespmem:s26+$0x1C200] =	vst v14  }
0x1c2: {  	v14 =	vld.idx.msk [tilespmem:v15+s19+$0x0], $0xffff  }
0x1c3: {  	v62 =	vadd.s32 v6, v13;
	_ =	sdelay $0x3  }
0x1c4: {  	[tilespmem:s26+$0x1C210] =	vst v14  }
0x1c5: {  	v14 =	vld.idx.msk [tilespmem:v62+s19+$0x0], $0xffff  }
0x1c6: {  	v13 =	vadd.s32 v7, v13;
	_ =	sdelay $0x3  }
0x1c7: {  	v63 =	vmov s14;
	[tilespmem:s26+$0x1C220] =	vst v14  }
0x1c8: {  	vm1 =	veq.s32 v63, v0;
	v13 =	vld.idx.msk [tilespmem:v13+s19+$0x0], $0xffff  }
0x1c9: {  	v9 =	vsel vm1, v61, v9  }
0x1ca: {  	s12 =	sadd.s32 $0x1, s12  }
0x1cb: {  	s12 =	sand.u32 $0xF, s12  }
0x1cc: {  	p2 =	sne.s32 s12, $0x0  }
0x1cd: {  	s14 =	simm.s32 @!p2 $0x0;
	s15 =	simm.s32 @!p2 $0x1C200;
	vm1 =	vmmov @!p2 $0xffff;
	[tilespmem:s26+$0x1C230] =	vst v13  }
0x1ce: {  	[hbm4b:s9+s14] =	stream.indirect_vreg.scatter @!p2 [tilespmem:s15], [sflag:$0x3], $0x80, v9, vm1, $0xb8;
	[tilespmem:$0x1CA00] =	vst v63  }
0x1cf: {  	s14 =	simm.s32 @!p2 $0x3  }
0x1d0: {  	_ =	swait.ge @!p2 [sflag:s14], $0x800  }
0x1d1: {  	p3 =	seq.s32 s12, $0x0;
	[sflag:s14] =	ssyncset.done @!p2 $0x0  }
0x1d2: {  	s31 =	sadd.s32 s13, s31;
	v9 =	vpsel p3, v1, v9;
	[sflag:s14] =	ssyncadd.s32 @!p2 $0xFFFFF800  }
.LBB2_36:
0x1d3: {  	s3 =	sadd.s32 $0x1, s3  }
0x1d4: {  	p2 =	sne.s32 s3, s30  }
.Ltmp28:
0x1d5: {  	_ = 	snop;
	(pc) =	sbr.rel @!p2 .LBB2_37-.Ltmp28, $1  }
0x1d6: {  	_ =	sdelay $0x3  }
.LBB2_30:
0x1d7: {  	s12 =	sshll.u32 s3, $0x4  }
0x1d8: {  	v12 =	vld [tilespmem:s12+$0x4000];
	_ =	sdelay $0x4  }
0x1d9: {  	v13 =	vor.u32 s12, v0;
	v14 =	vshra.s32 v12, $0x9  }
0x1da: {  	vm1 =	vlt.s32 v13, v8;
	vm2 =	veq.s32 v14, v10  }
0x1db: {  	vm1 =	vmand vm1, vm2  }
0x1dc: {  	v62 =	vmpcnt.ones.xlane vm1;
	_ =	sdelay $0x1  }
0x1dd: {  	(v2sf) =	vpush v62, $0x0;
	_ =	sdelay $0xe  }
0x1de: {  	s14 =	spop (v2sf)  }
0x1df: {  	v63 =	vld [tilespmem:s12+$0x8080];
	p2 =	slt.s32 s14, $0x1  }
.Ltmp29:
0x1e0: {  	_ = 	snop;
	(pc) =	sbr.rel @p2 .LBB2_36-.Ltmp29, $4  }
0x1e1: {  	_ = 	snop  }
0x1e2: {  	v12 =	vsub.s32 v12, v11  }
0x1e3: {  	[tilespmem:s23+$0x0] =	vst.msk vm1, v12  }
0x1e4: {  	[tilespmem:s24+$0x0] =	vst.msk vm1, v63  }
0x1e5: {  	p3 =	sne.s32 s14, $0x1  }
.Ltmp30:
0x1e6: {  	_ = 	snop;
	(pc) =	sbr.rel @!p3 .LBB2_32-.Ltmp30, $2  }
0x1e7: {  	_ =	sdelay $0x2  }
0x1e8: {  	s12 =	simm.s32 $0x1;
	v12 =	vmov s1;
	p2 =	por $0x0, $0x0  }
0x1e9: {  	_ =	sdelay $0x3  }
0x1ea: {  	v13 =	vld.idx.msk [tilespmem:v12+s23+$0x0], $0xffff;
	_ =	sdelay $0x4  }
0x1eb: {  	v14 =	vshll.u32 v13, $0x3  }
0x1ec: {  	v13 =	vand.u32 $0x7F, v13;
	v14 =	vand.u32 $0xFFFFFC00, v14  }
0x1ed: {  	v13 =	vor.u32 v13, v14  }
0x1ee: {  	v14 =	vadd.s32 v4, v13;
	_ =	sdelay $0x4  }
0x1ef: {  	v14 =	vld.idx.msk [tilespmem:v14+s19+$0x0], $0xffff  }
0x1f0: {  	v15 =	vadd.s32 v5, v13  }
0x1f1: {  	s13 =	sadd.s32 $0x0, s31  }
0x1f2: {  	s15 =	sand.u32 $0xF, s13  }
0x1f3: {  	s16 =	sshll.u32 s15, $0x7  }
0x1f4: {  	v12 =	vld.idx.msk [tilespmem:v12+s24+$0x0], $0xffff;
	[tilespmem:s16+$0x1C200] =	vst v14  }
0x1f5: {  	v14 =	vld.idx.msk [tilespmem:v15+s19+$0x0], $0xffff  }
0x1f6: {  	v15 =	vadd.s32 v6, v13;
	_ =	sdelay $0x3  }
0x1f7: {  	[tilespmem:s16+$0x1C210] =	vst v14  }
0x1f8: {  	v14 =	vld.idx.msk [tilespmem:v15+s19+$0x0], $0xffff  }
0x1f9: {  	v13 =	vadd.s32 v7, v13;
	_ =	sdelay $0x3  }
0x1fa: {  	v15 =	vmov s15;
	[tilespmem:s16+$0x1C220] =	vst v14  }
0x1fb: {  	vm1 =	veq.s32 v15, v0;
	v13 =	vld.idx.msk [tilespmem:v13+s19+$0x0], $0xffff  }
0x1fc: {  	v9 =	vsel vm1, v12, v9  }
0x1fd: {  	s13 =	sadd.s32 $0x1, s13  }
0x1fe: {  	p3 =	sne.s32 s14, $0x2;
	s13 =	sand.u32 $0xF, s13  }
.Ltmp31:
0x1ff: {  	p4 =	sne.s32 s13, $0x0;
	(pc) =	sbr.rel @!p3 .LBB2_35-.Ltmp31, $4  }
0x200: {  	s26 =	simm.s32 @!p4 $0x1C200;
	s15 =	simm.s32 @!p4 $0x3;
	vm1 =	vmmov @!p4 $0xffff;
	v12 =	vmov s12;
	[tilespmem:s16+$0x1C230] =	vst v13;
	s16 =	simm.s32 @!p4 $0x0  }
0x201: {  	[hbm4b:s9+s16] =	stream.indirect_vreg.scatter @!p4 [tilespmem:s26], [sflag:$0x3], $0x80, v9, vm1, $0xb8;
	[tilespmem:$0x1CA00] =	vst v63  }
0x202: {  	p2 =	seq.s32 s13, $0x0;
	_ =	swait.ge @!p4 [sflag:s15], $0x800  }
0x203: {  	s13 =	simm.s32 $0x2;
	v9 =	vpsel p2, v1, v9;
	p2 =	por $0x1, $0x1;
	[sflag:s15] =	ssyncset.done @!p4 $0x0  }
.LBB2_34:
0x204: {  	[sflag:s15] =	ssyncadd.s32 @!p4 $0xFFFFF800;
	s15 =	smov.u32 s13;
	s13 =	sadd.s32 $0x1, s13  }
0x205: {  	p3 =	sne.s32 s14, s13;
	v13 =	vld.idx.msk [tilespmem:v12+s23+$0x0], $0xffff;
	_ =	sdelay $0x5  }
0x206: {  	v14 =	vshll.u32 v13, $0x3  }
0x207: {  	v13 =	vand.u32 $0x7F, v13;
	v14 =	vand.u32 $0xFFFFFC00, v14  }
0x208: {  	v13 =	vor.u32 v13, v14  }
0x209: {  	v14 =	vadd.s32 v4, v13;
	_ =	sdelay $0x4  }
0x20a: {  	v14 =	vld.idx.msk [tilespmem:v14+s19+$0x0], $0xffff;
	_ =	sdelay $0x1  }
0x20b: {  	v15 =	vadd.s32 v5, v13  }
0x20c: {  	s16 =	sadd.s32 s12, s31;
	s12 =	smov.u32 s15  }
0x20d: {  	s15 =	sand.u32 $0xF, s16;
	s16 =	sadd.s32 $0x1, s16  }
0x20e: {  	s26 =	sshll.u32 s15, $0x7;
	v16 =	vmov s15;
	s15 =	sand.u32 $0xF, s16;
	v12 =	vld.idx.msk [tilespmem:v12+s24+$0x0], $0xffff  }
0x20f: {  	[tilespmem:s26+$0x1C200] =	vst v14  }
0x210: {  	v14 =	vld.idx.msk [tilespmem:v15+s19+$0x0], $0xffff;
	_ =	sdelay $0x1  }
0x211: {  	v15 =	vadd.s32 v6, v13  }
0x212: {  	vm1 =	veq.s32 v16, v0  }
0x213: {  	p4 =	seq.s32 s15, $0x0;
	v16 =	vsel vm1, v12, v9  }
0x214: {  	v9 =	vpsel p4, v1, v16  }
0x215: {  	[tilespmem:s26+$0x1C210] =	vst v14  }
0x216: {  	v12 =	vld.idx.msk [tilespmem:v15+s19+$0x0], $0xffff;
	_ =	sdelay $0x1  }
0x217: {  	v13 =	vadd.s32 v7, v13;
	_ =	sdelay $0x3  }
0x218: {  	[tilespmem:s26+$0x1C220] =	vst v12  }
0x219: {  	v13 =	vld.idx.msk [tilespmem:v13+s19+$0x0], $0xffff;
	_ =	sdelay $0x4  }
.Ltmp32:
0x21a: {  	p4 =	sne.s32 s15, $0x0;
	(pc) =	sbr.rel @p3 .LBB2_34-.Ltmp32, $4  }
0x21b: {  	vm1 =	vmmov @!p4 $0xffff;
	s16 =	simm.s32 @!p4 $0x0;
	s15 =	simm.s32 @!p4 $0x3;
	v12 =	vmov s12;
	[tilespmem:s26+$0x1C230] =	vst v13;
	s26 =	simm.s32 @!p4 $0x1C200  }
0x21c: {  	[hbm4b:s9+s16] =	stream.indirect_vreg.scatter @!p4 [tilespmem:s26], [sflag:$0x3], $0x80, v16, vm1, $0xb8;
	[tilespmem:$0x1CA00] =	vst v63  }
0x21d: {  	_ =	swait.ge @!p4 [sflag:s15], $0x800  }
0x21e: {  	[sflag:s15] =	ssyncset.done @!p4 $0x0  }
.Ltmp33:
0x21f: {  	_ = 	snop;
	(pc) =	sbr.rel .LBB2_35-.Ltmp33, $1  }
0x220: {  	_ =	sdelay $0x3  }
.LBB2_37:
0x221: {  	s6 =	sadd.s32 $0x1, s6  }
0x222: {  	s1 =	sshll.u32 s6, $0x1  }
0x223: {  	s3 =	smov.u32 s10;
	p2 =	slt.s32 s1, s10  }
0x224: {  	s3 =	smov.u32 @p2 s1  }
0x225: {  	s3 =	sadd.s32 s2, s3  }
0x226: {  	s3 =	sshll.u32 s3, $0x9  }
0x227: {  	p2 =	slt.s32 s3, $0xF4080  }
0x228: {  	s3 =	simm.s32 @!p2 $0xF4080  }
.Ltmp34:
0x229: {  	s3 =	sadd.s32 s5, s3;
	(pc) =	sbr.rel @p1 .LBB2_46-.Ltmp34, $4  }
0x22a: {  	[tilespmem:s19], [sflag:$0x1] =	stream.strided.gather [hbm4b:s3+s18], $0x8000, s17, s18, $0x38;
	[tilespmem:$0x1CA00] =	vst v63  }
0x22b: {  	_ =	swait.ge [sflag:s25], $0x8000  }
0x22c: {  	[sflag:s25] =	ssyncset.done $0x0  }
0x22d: {  	[sflag:s25] =	ssyncadd.s32 $0xFFFF8000  }
0x22e: {  	s0 =	sor.u32 $0x1, s0  }
0x22f: {  	s3 =	smov.u32 s10;
	p2 =	slt.s32 s0, s10  }
0x230: {  	s3 =	smov.u32 @p2 s0  }
.Ltmp35:
0x231: {  	s0 =	sadd.s32 s2, s3;
	(pc) =	sbr.rel .LBB2_39-.Ltmp35, $4  }
0x232: {  	s3 =	sshll.u32 s0, $0x9  }
0x233: {  	p2 =	slt.s32 s3, $0xF4080  }
0x234: {  	s3 =	simm.s32 @!p2 $0xF4080  }
0x235: {  	v10 =	vmov s0;
	s0 =	simm.s32 $0x0;
	v11 =	vmov s3;
	s3 =	simm.s32 $0x0  }
.LBB2_41:
0x236: {  	s13 =	simm.s32 $0x1;
	s12 =	simm.s32 $0x0  }
.LBB2_44:
0x237: {  	_ =	sdelay $0x1  }
0x238: {  	p2 =	por p4, !p2  }
0x239: {  	[sflag:s15] =	ssyncadd.s32 @!p2 $0xFFFFF800  }
0x23a: {  	v13 =	vld.idx.msk [tilespmem:v12+s23+$0x0], $0xffff;
	_ =	sdelay $0x4  }
0x23b: {  	v14 =	vshll.u32 v13, $0x3  }
0x23c: {  	v13 =	vand.u32 $0x7F, v13;
	v14 =	vand.u32 $0xFFFFFC00, v14  }
0x23d: {  	v13 =	vor.u32 v13, v14  }
0x23e: {  	v14 =	vadd.s32 v4, v13;
	_ =	sdelay $0x4  }
0x23f: {  	v14 =	vld.idx.msk [tilespmem:v14+s20+$0x0], $0xffff  }
0x240: {  	v15 =	vadd.s32 v5, v13  }
0x241: {  	s12 =	sadd.s32 s12, s31  }
0x242: {  	s14 =	sand.u32 $0xF, s12  }
0x243: {  	s26 =	sshll.u32 s14, $0x7  }
0x244: {  	v61 =	vld.idx.msk [tilespmem:v12+s24+$0x0], $0xffff;
	[tilespmem:s26+$0x1C200] =	vst v14  }
0x245: {  	v14 =	vld.idx.msk [tilespmem:v15+s20+$0x0], $0xffff  }
0x246: {  	v62 =	vadd.s32 v6, v13;
	_ =	sdelay $0x3  }
0x247: {  	[tilespmem:s26+$0x1C210] =	vst v14  }
0x248: {  	v14 =	vld.idx.msk [tilespmem:v62+s20+$0x0], $0xffff  }
0x249: {  	v13 =	vadd.s32 v7, v13;
	_ =	sdelay $0x3  }
0x24a: {  	v63 =	vmov s14;
	[tilespmem:s26+$0x1C220] =	vst v14  }
0x24b: {  	vm1 =	veq.s32 v63, v0;
	v13 =	vld.idx.msk [tilespmem:v13+s20+$0x0], $0xffff  }
0x24c: {  	v9 =	vsel vm1, v61, v9  }
0x24d: {  	s12 =	sadd.s32 $0x1, s12  }
0x24e: {  	s12 =	sand.u32 $0xF, s12  }
0x24f: {  	p2 =	sne.s32 s12, $0x0  }
0x250: {  	s14 =	simm.s32 @!p2 $0x0;
	s15 =	simm.s32 @!p2 $0x1C200;
	vm1 =	vmmov @!p2 $0xffff;
	[tilespmem:s26+$0x1C230] =	vst v13  }
0x251: {  	[hbm4b:s9+s14] =	stream.indirect_vreg.scatter @!p2 [tilespmem:s15], [sflag:$0x3], $0x80, v9, vm1, $0xb8;
	[tilespmem:$0x1CA00] =	vst v63  }
0x252: {  	s14 =	simm.s32 @!p2 $0x3  }
0x253: {  	_ =	swait.ge @!p2 [sflag:s14], $0x800  }
0x254: {  	p3 =	seq.s32 s12, $0x0;
	[sflag:s14] =	ssyncset.done @!p2 $0x0  }
0x255: {  	s31 =	sadd.s32 s13, s31;
	v9 =	vpsel p3, v1, v9;
	[sflag:s14] =	ssyncadd.s32 @!p2 $0xFFFFF800  }
.LBB2_45:
0x256: {  	s3 =	sadd.s32 $0x1, s3  }
0x257: {  	p2 =	sne.s32 s3, s30  }
.Ltmp36:
0x258: {  	_ = 	snop;
	(pc) =	sbr.rel @!p2 .LBB2_46-.Ltmp36, $1  }
0x259: {  	_ =	sdelay $0x3  }
.LBB2_39:
0x25a: {  	s12 =	sshll.u32 s3, $0x4  }
0x25b: {  	v12 =	vld [tilespmem:s12+$0x4000];
	_ =	sdelay $0x4  }
0x25c: {  	v13 =	vor.u32 s12, v0;
	v14 =	vshra.s32 v12, $0x9  }
0x25d: {  	vm1 =	vlt.s32 v13, v8;
	vm2 =	veq.s32 v14, v10  }
0x25e: {  	vm1 =	vmand vm1, vm2  }
0x25f: {  	v62 =	vmpcnt.ones.xlane vm1;
	_ =	sdelay $0x1  }
0x260: {  	(v2sf) =	vpush v62, $0x0;
	_ =	sdelay $0xe  }
0x261: {  	s14 =	spop (v2sf)  }
0x262: {  	v63 =	vld [tilespmem:s12+$0x8080];
	p2 =	slt.s32 s14, $0x1  }
.Ltmp37:
0x263: {  	_ = 	snop;
	(pc) =	sbr.rel @p2 .LBB2_45-.Ltmp37, $4  }
0x264: {  	_ = 	snop  }
0x265: {  	v12 =	vsub.s32 v12, v11  }
0x266: {  	[tilespmem:s23+$0x0] =	vst.msk vm1, v12  }
0x267: {  	[tilespmem:s24+$0x0] =	vst.msk vm1, v63  }
0x268: {  	p3 =	sne.s32 s14, $0x1  }
.Ltmp38:
0x269: {  	_ = 	snop;
	(pc) =	sbr.rel @!p3 .LBB2_41-.Ltmp38, $2  }
0x26a: {  	_ =	sdelay $0x2  }
0x26b: {  	s12 =	simm.s32 $0x1;
	v12 =	vmov s0;
	p2 =	por $0x0, $0x0  }
0x26c: {  	_ =	sdelay $0x3  }
0x26d: {  	v13 =	vld.idx.msk [tilespmem:v12+s23+$0x0], $0xffff;
	_ =	sdelay $0x4  }
0x26e: {  	v14 =	vshll.u32 v13, $0x3  }
0x26f: {  	v13 =	vand.u32 $0x7F, v13;
	v14 =	vand.u32 $0xFFFFFC00, v14  }
0x270: {  	v13 =	vor.u32 v13, v14  }
0x271: {  	v14 =	vadd.s32 v4, v13;
	_ =	sdelay $0x4  }
0x272: {  	v14 =	vld.idx.msk [tilespmem:v14+s20+$0x0], $0xffff  }
0x273: {  	v15 =	vadd.s32 v5, v13  }
0x274: {  	s13 =	sadd.s32 $0x0, s31  }
0x275: {  	s15 =	sand.u32 $0xF, s13  }
0x276: {  	s16 =	sshll.u32 s15, $0x7  }
0x277: {  	v12 =	vld.idx.msk [tilespmem:v12+s24+$0x0], $0xffff;
	[tilespmem:s16+$0x1C200] =	vst v14  }
0x278: {  	v14 =	vld.idx.msk [tilespmem:v15+s20+$0x0], $0xffff  }
0x279: {  	v15 =	vadd.s32 v6, v13;
	_ =	sdelay $0x3  }
0x27a: {  	[tilespmem:s16+$0x1C210] =	vst v14  }
0x27b: {  	v14 =	vld.idx.msk [tilespmem:v15+s20+$0x0], $0xffff  }
0x27c: {  	v13 =	vadd.s32 v7, v13;
	_ =	sdelay $0x3  }
0x27d: {  	v15 =	vmov s15;
	[tilespmem:s16+$0x1C220] =	vst v14  }
0x27e: {  	vm1 =	veq.s32 v15, v0;
	v13 =	vld.idx.msk [tilespmem:v13+s20+$0x0], $0xffff  }
0x27f: {  	v9 =	vsel vm1, v12, v9  }
0x280: {  	s13 =	sadd.s32 $0x1, s13  }
0x281: {  	p3 =	sne.s32 s14, $0x2;
	s13 =	sand.u32 $0xF, s13  }
.Ltmp39:
0x282: {  	p4 =	sne.s32 s13, $0x0;
	(pc) =	sbr.rel @!p3 .LBB2_44-.Ltmp39, $4  }
0x283: {  	s26 =	simm.s32 @!p4 $0x1C200;
	s15 =	simm.s32 @!p4 $0x3;
	vm1 =	vmmov @!p4 $0xffff;
	v12 =	vmov s12;
	[tilespmem:s16+$0x1C230] =	vst v13;
	s16 =	simm.s32 @!p4 $0x0  }
0x284: {  	[hbm4b:s9+s16] =	stream.indirect_vreg.scatter @!p4 [tilespmem:s26], [sflag:$0x3], $0x80, v9, vm1, $0xb8;
	[tilespmem:$0x1CA00] =	vst v63  }
0x285: {  	p2 =	seq.s32 s13, $0x0;
	_ =	swait.ge @!p4 [sflag:s15], $0x800  }
0x286: {  	s13 =	simm.s32 $0x2;
	v9 =	vpsel p2, v1, v9;
	p2 =	por $0x1, $0x1;
	[sflag:s15] =	ssyncset.done @!p4 $0x0  }
.LBB2_43:
0x287: {  	[sflag:s15] =	ssyncadd.s32 @!p4 $0xFFFFF800;
	s15 =	smov.u32 s13;
	s13 =	sadd.s32 $0x1, s13  }
0x288: {  	p3 =	sne.s32 s14, s13;
	v13 =	vld.idx.msk [tilespmem:v12+s23+$0x0], $0xffff;
	_ =	sdelay $0x5  }
0x289: {  	v14 =	vshll.u32 v13, $0x3  }
0x28a: {  	v13 =	vand.u32 $0x7F, v13;
	v14 =	vand.u32 $0xFFFFFC00, v14  }
0x28b: {  	v13 =	vor.u32 v13, v14  }
0x28c: {  	v14 =	vadd.s32 v4, v13;
	_ =	sdelay $0x4  }
0x28d: {  	v14 =	vld.idx.msk [tilespmem:v14+s20+$0x0], $0xffff;
	_ =	sdelay $0x1  }
0x28e: {  	v15 =	vadd.s32 v5, v13  }
0x28f: {  	s16 =	sadd.s32 s12, s31;
	s12 =	smov.u32 s15  }
0x290: {  	s15 =	sand.u32 $0xF, s16;
	s16 =	sadd.s32 $0x1, s16  }
0x291: {  	s26 =	sshll.u32 s15, $0x7;
	v16 =	vmov s15;
	s15 =	sand.u32 $0xF, s16;
	v12 =	vld.idx.msk [tilespmem:v12+s24+$0x0], $0xffff  }
0x292: {  	[tilespmem:s26+$0x1C200] =	vst v14  }
0x293: {  	v14 =	vld.idx.msk [tilespmem:v15+s20+$0x0], $0xffff;
	_ =	sdelay $0x1  }
0x294: {  	v15 =	vadd.s32 v6, v13  }
0x295: {  	vm1 =	veq.s32 v16, v0  }
0x296: {  	p4 =	seq.s32 s15, $0x0;
	v16 =	vsel vm1, v12, v9  }
0x297: {  	v9 =	vpsel p4, v1, v16  }
0x298: {  	[tilespmem:s26+$0x1C210] =	vst v14  }
0x299: {  	v12 =	vld.idx.msk [tilespmem:v15+s20+$0x0], $0xffff;
	_ =	sdelay $0x1  }
0x29a: {  	v13 =	vadd.s32 v7, v13;
	_ =	sdelay $0x3  }
0x29b: {  	[tilespmem:s26+$0x1C220] =	vst v12  }
0x29c: {  	v13 =	vld.idx.msk [tilespmem:v13+s20+$0x0], $0xffff;
	_ =	sdelay $0x4  }
.Ltmp40:
0x29d: {  	p4 =	sne.s32 s15, $0x0;
	(pc) =	sbr.rel @p3 .LBB2_43-.Ltmp40, $4  }
0x29e: {  	vm1 =	vmmov @!p4 $0xffff;
	s16 =	simm.s32 @!p4 $0x0;
	s15 =	simm.s32 @!p4 $0x3;
	v12 =	vmov s12;
	[tilespmem:s26+$0x1C230] =	vst v13;
	s26 =	simm.s32 @!p4 $0x1C200  }
0x29f: {  	[hbm4b:s9+s16] =	stream.indirect_vreg.scatter @!p4 [tilespmem:s26], [sflag:$0x3], $0x80, v16, vm1, $0xb8;
	[tilespmem:$0x1CA00] =	vst v63  }
0x2a0: {  	_ =	swait.ge @!p4 [sflag:s15], $0x800  }
0x2a1: {  	[sflag:s15] =	ssyncset.done @!p4 $0x0  }
.Ltmp41:
0x2a2: {  	_ = 	snop;
	(pc) =	sbr.rel .LBB2_44-.Ltmp41, $1  }
0x2a3: {  	_ =	sdelay $0x3  }
.LBB2_48:
0x2a4: {  	_ =	sfence.sel $0x180000  }
0x2a5: {  	[bflag:$0x0] =	sbarrier.arrive $0xFFFF  }
0x2a6: {  	_ =	strace $0x90000047  }
0x2a7: {  	s0 =	stileid.u32;
	[bflag:$0x2] =	sbarrier.arrive $0xFFFF  }
0x2a8: {  	p0 =	sne.s32 s0, $0x0;
	s0 =	rddreg [dreg:$0x5]  }
0x2a9: {  	s0 =	sadd.s32 @!p0 $0x100000, s0  }
0x2aa: {  	[sflag:s0] =	ssyncadd.tile.s32 @!p0 $0x1;
	_ =	shalt  }
.Lfunc_end2:
_tile_overlayer_lowered:
.L_overlay_start_2:
0x2ab: {  	(tag) =	ssettag $0x2  }
0x2ac: {  	s0 =	rddreg [dreg:$0x0];
	s2 =	stileid.u32  }
0x2ad: {  	s1 =	rddreg [dreg:$0x1];
	p0 =	sne.s32 s2, $0x0  }
0x2ae: {  	s3 =	rddreg [dreg:$0x2];
	[bflag:$0x3] =	sbarrier.arrive $0xFFFF;
	s2 =	simm.s32 @!p0 $0x1C04  }
0x2af: {  	[timem:s3], [sflag:s2] =	dma.local @!p0 [hbm:s0], s1  }
0x2b0: {  	s0 =	simm.s32 @!p0 $0x4  }
0x2b1: {  	_ =	swait.ge @!p0 [sflag:s0], s1  }
0x2b2: {  	s1 =	ssub.s32 @!p0 $0x0, s1;
	[sflag:s0] =	ssyncset.done @!p0 $0x0  }
0x2b3: {  	[sflag:s0] =	ssyncadd.s32 @!p0 s1  }
0x2b4: {  	[bflag:$0x3] =	sbarrier.arrive $0xFFFF  }
0x2b5: {  	_ =	shalt  }

// kernel: kernel.7.cloned.1.call-start
scs
__scs_entry_jumppad:
0x0: {  	(pc) =	sbr.rel $0x88, $3  }
0x1: {  	(tag) =	ssettag $0x0;
	lr =	simm.s32 $0x1  }
0x2: {  	[smem:$0x3F9B] =	sst lr;
	_ =	strace $0xD0000000  }
0x3: {  	_ = 	snop  }
0x4: {  	_ = 	snop  }
0x5: {  	_ = 	snop  }
0x6: {  	_ = 	snop  }
0x7: {  	_ = 	snop  }
__scs_overlays_trampoline_lowered:
0x8: {  	[smem:$0x3FAA] =	sst s0  }
0x9: {  	[smem:$0x3FAB] =	sst s1  }
0xa: {  	[smem:$0x3FAC] =	sst s2  }
0xb: {  	[smem:$0x3FAD] =	sst s3  }
0xc: {  	[smem:$0x3FAE] =	sst s4  }
0xd: {  	[smem:$0x3FAF] =	sst s5  }
0xe: {  	[smem:$0x3FB0] =	sst s6  }
0xf: {  	[smem:$0x3FB1] =	sst s7  }
0x10: {  	[smem:$0x3FB2] =	sst s8  }
0x11: {  	[smem:$0x3FB3] =	sst s9;
	s0 =	simm.s32 @!p0 $0x0  }
0x12: {  	s1 =	sld [smem:$0x3F99];
	s0 =	simm.s32 @p0 $0x1  }
0x13: {  	[smem:$0x3FB4] =	sst s0;
	s0 =	simm.s32 @!p1 $0x0  }
0x14: {  	s2 =	sld [smem:$0x3F98];
	s0 =	simm.s32 @p1 $0x1  }
0x15: {  	[smem:$0x3FB5] =	sst s0;
	s0 =	simm.s32 @!p2 $0x0  }
0x16: {  	s3 =	sld [smem:$0x3FDB];
	s0 =	simm.s32 @p2 $0x1  }
0x17: {  	s4 =	simm.s32 $0x1BF5;
	[smem:$0x3FB7] =	sst s0  }
0x18: {  	s0 =	sld [smem:$0x3F9A];
	_ =	swait.ge [sflag:s4], $0x0  }
0x19: {  	s7 =	sld [smem:$0x3F9B]  }
0x1a: {  	s8 =	sadd.s32 $0xFFFFE003, lr  }
0x1b: {  	s9 =	sadd.s32 $0xFFFFFEF7, lr;
	s5 =	simm.s32 $0xFFFFFFFF;
	p2 =	slt.u32 s8, $0xFFFFF086  }
0x1c: {  	p1 =	slt.u32 s9, $0xF7A;
	s5 =	simm.s32 @!p2 $0x0  }
0x1d: {  	s5 =	simm.s32 @p1 $0x1;
	p0 =	seq.s32 s7, s2  }
0x1e: {  	s7 =	smul.u32 @!p0 $0xF7A, s2;
	p2 =	seq.s32 @!p0 s5, $0x0  }
0x1f: {  	s9 =	smul.u32 $0xF7A, s1;
	s8 =	simm.s32 @!p0 $0x1BF5;
	p2 =	por !p2, p0  }
0x20: {  	[sflag:s8] =	ssyncset.s32 @!p0 $0xFFFFF086;
	s6 =	sadd.s32 @!p0 s3, s7;
	s7 =	simm.s32 @!p0 $0x108  }
0x21: {  	s3 =	sadd.s32 s3, s9;
	s6 =	sadd.s32 @!p0 $0x88, s6;
	s7 =	simm.s32 @p2 $0x1082  }
0x22: {  	[simem:s7], [sflag:s8] =	dma.local @!p0 [hbm:s6], $0xF7A  }
0x23: {  	s9 =	sor.u32 $0xD0000000, s2;
	s6 =	simm.s32 $0x108;
	_ =	swait.ge @!p0 [sflag:s8], $0x0  }
0x24: {  	s3 =	sadd.s32 $0x88, s3;
	s6 =	simm.s32 @!p1 $0x1082;
	[sflag:s4] =	ssyncset.s32 $0xFFFFF086  }
0x25: {  	[simem:s6], [sflag:s4] =	dma.local [hbm:s3], $0xF7A  }
0x26: {  	[smem:$0x3F9B] =	sst s1;
	(tag) =	ssettag s2;
	_ =	strace s9  }
0x27: {  	s1 =	sld [smem:$0x3FAB]  }
0x28: {  	s2 =	sld [smem:$0x3FAC]  }
0x29: {  	s4 =	sld [smem:$0x3FAE]  }
0x2a: {  	p0 =	seq.s32 s5, $0x0;
	s5 =	sld [smem:$0x3FAF]  }
0x2b: {  	s6 =	sld [smem:$0x3FB0]  }
0x2c: {  	s7 =	sld [smem:$0x3FB1]  }
0x2d: {  	s3 =	simm.s32 $0x108;
	s8 =	sld [smem:$0x3FB2]  }
0x2e: {  	s3 =	simm.s32 @!p0 $0x1082;
	s9 =	sld [smem:$0x3FB3]  }
0x2f: {  	lr =	sadd.s32 s0, s3;
	s0 =	sld [smem:$0x3FAA]  }
0x30: {  	s3 =	sld [smem:$0x3FAD]  }
0x31: {  	[smem:$0x3FB6] =	sst s10  }
0x32: {  	s10 =	sld [smem:$0x3FB4];
	_ =	sdelay $0x3  }
0x33: {  	p0 =	seq.s32 s10, $0x1;
	s10 =	sld [smem:$0x3FB6];
	_ =	sdelay $0x3  }
0x34: {  	[smem:$0x3FB6] =	sst s10  }
0x35: {  	s10 =	sld [smem:$0x3FB5];
	_ =	sdelay $0x3  }
0x36: {  	p1 =	seq.s32 s10, $0x1;
	s10 =	sld [smem:$0x3FB6];
	_ =	sdelay $0x3  }
0x37: {  	[smem:$0x3FB6] =	sst s10  }
0x38: {  	s10 =	sld [smem:$0x3FB7]  }
0x39: {  	_ = 	snop;
	(pc) =	sbr.ind lr, $3  }
0x3a: {  	_ = 	snop  }
0x3b: {  	_ = 	snop  }
0x3c: {  	p2 =	seq.s32 s10, $0x1;
	s10 =	sld [smem:$0x3FB6]  }
0x3d: {  	_ =	shalt  }
0x3e: {  	_ =	shalt  }
0x3f: {  	_ =	shalt  }
0x40: {  	_ =	shalt  }
0x41: {  	_ =	shalt  }
0x42: {  	_ =	shalt  }
0x43: {  	_ =	shalt  }
0x44: {  	_ =	shalt  }
0x45: {  	_ =	shalt  }
0x46: {  	_ =	shalt  }
0x47: {  	_ =	shalt  }
0x48: {  	_ =	shalt  }
0x49: {  	_ =	shalt  }
0x4a: {  	_ =	shalt  }
0x4b: {  	_ =	shalt  }
0x4c: {  	_ =	shalt  }
0x4d: {  	_ =	shalt  }
0x4e: {  	_ =	shalt  }
0x4f: {  	_ =	shalt  }
0x50: {  	_ =	shalt  }
0x51: {  	_ =	shalt  }
0x52: {  	_ =	shalt  }
0x53: {  	_ =	shalt  }
0x54: {  	_ =	shalt  }
0x55: {  	_ =	shalt  }
0x56: {  	_ =	shalt  }
0x57: {  	_ =	shalt  }
0x58: {  	_ =	shalt  }
0x59: {  	_ =	shalt  }
0x5a: {  	_ =	shalt  }
0x5b: {  	_ =	shalt  }
0x5c: {  	_ =	shalt  }
0x5d: {  	_ =	shalt  }
0x5e: {  	_ =	shalt  }
0x5f: {  	_ =	shalt  }
0x60: {  	_ =	shalt  }
0x61: {  	_ =	shalt  }
0x62: {  	_ =	shalt  }
0x63: {  	_ =	shalt  }
0x64: {  	_ =	shalt  }
0x65: {  	_ =	shalt  }
0x66: {  	_ =	shalt  }
0x67: {  	_ =	shalt  }
0x68: {  	_ =	shalt  }
0x69: {  	_ =	shalt  }
0x6a: {  	_ =	shalt  }
0x6b: {  	_ =	shalt  }
0x6c: {  	_ =	shalt  }
0x6d: {  	_ =	shalt  }
0x6e: {  	_ =	shalt  }
0x6f: {  	_ =	shalt  }
0x70: {  	_ =	shalt  }
0x71: {  	_ =	shalt  }
0x72: {  	_ =	shalt  }
0x73: {  	_ =	shalt  }
0x74: {  	_ =	shalt  }
0x75: {  	_ =	shalt  }
0x76: {  	_ =	shalt  }
0x77: {  	_ =	shalt  }
0x78: {  	_ =	shalt  }
0x79: {  	_ =	shalt  }
0x7a: {  	_ =	shalt  }
0x7b: {  	_ =	shalt  }
0x7c: {  	_ =	shalt  }
0x7d: {  	_ =	shalt  }
0x7e: {  	_ =	shalt  }
0x7f: {  	_ =	shalt  }
0x80: {  	_ =	shalt  }
0x81: {  	_ =	shalt  }
0x82: {  	_ =	shalt  }
0x83: {  	_ =	shalt  }
0x84: {  	_ =	shalt  }
0x85: {  	_ =	shalt  }
0x86: {  	_ =	shalt  }
0x87: {  	_ =	shalt  }
.Lfunc_end0:
.L_simem_size_0:
called_computation.1_lowered:
.L_overlay_start_0:
0x88: {  	s2 =	sld [smem:$0x3FD9]  }
0x89: {  	s3 =	sld [smem:$0x3FFE];
	_ =	sdelay $0x1  }
0x8a: {  	s1 =	srdreg.scid  }
0x8b: {  	s0 =	sand.u32 $0x1, s1  }
0x8c: {  	s17 =	sshll.u32 s0, $0xA;
	s2 =	sadd.s32 s3, s2  }
0x8d: {  	s2 =	sadd.s32 s2, s17  }
0x8e: {  	[smem:$0x3FC2] =	sst s2  }
0x8f: {  	_ = 	snop  }
0x90: {  	s2 =	sld [smem:$0x3FC5]  }
0x91: {  	s18 =	sld [smem:$0x3FD0];
	(tm) =	ssettm $0x1  }
0x92: {  	s4 =	sld [smem:$0x3FFB];
	_ =	sdelay $0x3  }
0x93: {  	_ =	strace s4  }
0x94: {  	s4 =	sld [smem:$0x3FFC];
	_ =	sdelay $0x3  }
0x95: {  	_ =	strace s4  }
0x96: {  	s4 =	sld [smem:$0x3FFD];
	_ =	sdelay $0x3  }
0x97: {  	_ =	strace s4  }
0x98: {  	_ =	strace $0x8FFFFFFF  }
0x99: {  	s19 =	sld [smem:$0x3FDB];
	_ =	sdelay $0x1  }
0x9a: {  	s5 =	simm.s32 $_scs_section_size  }
0x9b: {  	s6 =	simm.s32 $_size__tile_overlayer_lowered;
	s7 =	simm.s32 $_tile_overlayer_lowered  }
0x9c: {  	s22 =	simm.s32 $0x1BFF;
	s21 =	sshll.u32 s7, $0x1;
	s4 =	sadd.s32 s5, s19  }
0x9d: {  	s8 =	simm.s32 $0x0;
	s20 =	sshll.u32 s6, $0x1;
	s6 =	sadd.s32 s21, s4  }
0x9e: {  	[timem:s8], [sflag:s22] =	dma.local [hbm:s6], s20  }
0x9f: {  	_ =	swait.ge [sflag:s22], s20  }
0xa0: {  	s5 =	ssub.s32 $0x0, s20;
	[sflag:s22] =	ssyncset.done $0x0  }
0xa1: {  	[sflag:s22] =	ssyncadd.s32 s5;
	_ =	sdelay $0x1  }
0xa2: {  	s23 =	simm.s32 $0x1B8B  }
0xa3: {  	_ =	swait.ge [sflag:s23], $0x1  }
0xa4: {  	[sflag:s23] =	ssyncset.done $0x0  }
0xa5: {  	s25 =	simm.s32 $0x1B8E;
	s24 =	sld [smem:$0x3FFE];
	[sflag:s23] =	ssyncadd.s32 $0xFFFFFFFF  }
0xa6: {  	s26 =	simm.s32 $execute0_lowered;
	[smem:$0x3FD2] =	sst s25  }
0xa7: {  	s6 =	sshll.u32 s26, $0x1;
	_ =	strace $0x80000049;
	[dreg:$0x1] =	wrdreg $0xFFFFFFFF  }
0xa8: {  	s28 =	simm.s32 $_size_execute0_lowered;
	s4 =	sadd.s32 s4, s6;
	[dreg:$0x0] =	wrdreg $0x0  }
0xa9: {  	s6 =	sshll.u32 s28, $0x1;
	[dreg:$0x2] =	wrdreg s4  }
0xaa: {  	[dreg:$0x3] =	wrdreg s6  }
0xab: {  	[dreg:$0x4] =	wrdreg $0xC0  }
0xac: {  	_ =	task [dreg:s8], $0x5FFFF  }
0xad: {  	[dreg:$0x1] =	wrdreg $0xFFFFFFFF  }
0xae: {  	[dreg:$0x0] =	wrdreg $0x60  }
0xaf: {  	[dreg:$0x2] =	wrdreg s24  }
0xb0: {  	[dreg:$0x3] =	wrdreg s2  }
0xb1: {  	[dreg:$0x4] =	wrdreg s18  }
0xb2: {  	[dreg:$0x5] =	wrdreg $0x9  }
0xb3: {  	_ =	task.clear_ibuf [dreg:s8], $0x6FFFF;
	_ =	strace $0x90000049  }
0xb4: {  	s29 =	simm.s32 $0x9;
	_ =	strace $0x8000004B  }
0xb5: {  	_ =	swait.ge [sflag:s29], $0x1  }
0xb6: {  	[sflag:s29] =	ssyncadd.s32 $0xFFFFFFFF  }
0xb7: {  	_ =	strace $0x9000004B  }
0xb8: {  	_ =	sfence  }
0xb9: {  	s30 =	sld [smem:$0x0];
	_ =	sdelay $0x2  }
0xba: {  	s31 =	sshll.u32 s1, $0xD;
	s1 =	sshrl.u32 s1, $0x2  }
0xbb: {  	s3 =	sand.u32 $0x4000, s31;
	s1 =	sadd.s32 s1, s30  }
0xbc: {  	s0 =	sor.u32 s3, s0;
	s1 =	sshll.u32 s1, $0x11  }
0xbd: {  	s0 =	sor.u32 s1, s0  }
0xbe: {  	s0 =	sadd.s32 $0x8F2B, s0  }
0xbf: {  	[sflag:s0] =	ssyncadd.remote.s32 $0x1  }
0xc0: {  	_ =	sfence.sel $0xFFFF  }
0xc1: {  	[dreg:$0x0] =	wrdreg $0xFFFFFFFF;
	(pc) =	sbr.abs _section_cstart, $3  }
0xc2: {  	[dreg:$0x1] =	wrdreg $0xFFFFFFFF  }
0xc3: {  	_ =	task.clear_ibuf [dreg:s8], $0x2FFFF;
	_ =	strace $0x9FFFFFFF  }
0xc4: {  	(tm) =	ssettm $0x7FFFFFFF  }
0xc5: {  	_ =	shalt  }
tec
execute0_lowered:
.L_overlay_start_1:
0x0: {  	(tag) =	ssettag $0x1  }
0x1: {  	s4 =	rddreg [dreg:$0x0]  }
0x2: {  	s2 =	rddreg [dreg:$0x1]  }
0x3: {  	s7 =	rddreg [dreg:$0x2];
	s3 =	srdreg.scid  }
0x4: {  	s0 =	rddreg [dreg:$0x3];
	s1 =	stileid.u32;
	s10 =	simm.s32 $0x3  }
0x5: {  	s11 =	simm.s32 $0x10040;
	s12 =	simm.s32 $0x40;
	s13 =	simm.s32 $0x80  }
0x6: {  	s14 =	simm.s32 $0x8000;
	s15 =	simm.s32 $0x1;
	s16 =	simm.s32 $0x2  }
0x7: {  	s17 =	simm.s32 $0x10050;
	s18 =	simm.s32 $0x0;
	s5 =	sand.u32 $0x1, s3  }
0x8: {  	s3 =	simm.s32 $0x0;
	s6 =	sshll.u32 s1, $0xA;
	s8 =	sshll.u32 s5, $0x9  }
0x9: {  	vm0 =	vmmov $0x1;
	vm1 =	vmmov $0x3;
	vm2 =	vmmov $0x7;
	[smem:$0x7FF] =	sst s3;
	s5 =	ssub.s32 $0x2, s5;
	s8 =	sor.u32 s8, s6  }
0xa: {  	vm3 =	vmmov $0xf;
	vm4 =	vmmov $0x1f;
	vm5 =	vmmov $0x3f;
	_ =	strace $0x8000004A;
	s9 =	sshrl.u32 s5, $0x1;
	s6 =	sshll.u32 s8, $0x4  }
0xb: {  	vm6 =	vmmov $0x7f;
	vm7 =	vmmov $0xff;
	vm8 =	vmmov $0x1ff;
	s9 =	ssub.s32 s5, s9;
	s8 =	sshrl.u32 s8, $0x3;
	s6 =	sadd.s32 s6, s4  }
0xc: {  	vm9 =	vmmov $0x3ff;
	vm10 =	vmmov $0x7ff;
	vm11 =	vmmov $0xfff;
	s4 =	sadd.s32 $0x84C00, s4;
	s7 =	sadd.s32 s7, s8;
	s8 =	smax.u32 s9, $0x1  }
0xd: {  	vm12 =	vmmov $0x1fff;
	vm13 =	vmmov $0x3fff;
	vm14 =	vmmov $0x7fff;
	s9 =	simm.s32 $0x10000;
	s5 =	sadd.s32 $0xC00, s6;
	s6 =	sadd.s32 $0x42C00, s6  }
.LBB2_1:
0xe: {  	[tilespmem:s9], [sflag:$0x3] =	stream.linear.gather [hbm4b:s2+s3], $0x40, $0x38;
	[tilespmem:$0x10250] =	vst v63  }
0xf: {  	_ =	swait.ge [sflag:s10], $0x40  }
0x10: {  	[sflag:s10] =	ssyncset.done $0x0  }
0x11: {  	[sflag:s10] =	ssyncadd.s32 $0xFFFFFFC0  }
0x12: {  	[tilespmem:s11], [sflag:$0x3] =	stream.linear.gather [hbm4b:s4+s3], $0x10, $0x38;
	[tilespmem:$0x10250] =	vst v63  }
0x13: {  	_ =	swait.ge [sflag:s10], $0x10  }
0x14: {  	[sflag:s10] =	ssyncset.done $0x0  }
0x15: {  	[sflag:s10] =	ssyncadd.s32 $0xFFFFFFF0  }
0x16: {  	v4 =	vld [tilespmem:$0x10000]  }
0x17: {  	v3 =	vld [tilespmem:$0x10010]  }
0x18: {  	v0 =	vld [tilespmem:$0x10040]  }
0x19: {  	v2 =	vld [tilespmem:$0x10020]  }
0x1a: {  	v1 =	vld [tilespmem:$0x10030];
	[tilespmem:s3], [sflag:$0x1] =	stream.strided.gather [hbm4b:s5+s12], $0x8000, s13, s12, $0x38  }
0x1b: {  	_ = 	snop  }
0x1c: {  	[tilespmem:s14], [sflag:$0x2] =	stream.strided.gather [hbm4b:s6+s12], $0x8000, s13, s12, $0x38;
	[tilespmem:$0x10250] =	vst v63  }
0x1d: {  	[tilespmem:$0x1FEA0] =	vst v0  }
0x1e: {  	_ =	swait.ge [sflag:s15], $0x8000  }
0x1f: {  	[sflag:s15] =	ssyncset.done $0x0  }
0x20: {  	[sflag:s15] =	ssyncadd.s32 $0xFFFF8000  }
0x21: {  	_ =	swait.ge [sflag:s16], $0x8000  }
0x22: {  	[sflag:s16] =	ssyncset.done $0x0  }
0x23: {  	s19 =	simm.s32 $0x0;
	[sflag:s16] =	ssyncadd.s32 $0xFFFF8000  }
0x24: {  	v5 =	vld [tilespmem:s19+$0x3E0]  }
0x25: {  	v8 =	vld [tilespmem:s19+$0x3B0]  }
0x26: {  	v9 =	vld [tilespmem:s19+$0x83B0]  }
0x27: {  	v11 =	vld [tilespmem:s19+$0x3C0]  }
0x28: {  	v12 =	vld [tilespmem:s19+$0x83C0]  }
0x29: {  	v61 =	vld [tilespmem:s19+$0x3D0]  }
0x2a: {  	v14 =	vld [tilespmem:s19+$0x3A0]  }
0x2b: {  	v15 =	vld [tilespmem:s19+$0x83A0]  }
0x2c: {  	v16 =	vld [tilespmem:s19+$0x330]  }
0x2d: {  	v17 =	vld [tilespmem:s19+$0x8330]  }
0x2e: {  	v18 =	vld [tilespmem:s19+$0x360]  }
0x2f: {  	v19 =	vld [tilespmem:s19+$0x8360]  }
0x30: {  	v20 =	vld [tilespmem:s19+$0x380]  }
0x31: {  	v21 =	vld [tilespmem:s19+$0x8380]  }
0x32: {  	v22 =	vld [tilespmem:s19+$0x390]  }
0x33: {  	v23 =	vld [tilespmem:s19+$0x8390]  }
0x34: {  	v24 =	vld [tilespmem:s19+$0x2F0]  }
0x35: {  	v25 =	vld [tilespmem:s19+$0x82F0]  }
0x36: {  	v26 =	vld [tilespmem:s19+$0x320]  }
0x37: {  	v27 =	vld [tilespmem:s19+$0x8320]  }
0x38: {  	v28 =	vld [tilespmem:s19+$0x340]  }
0x39: {  	v29 =	vld [tilespmem:s19+$0x8340]  }
0x3a: {  	v62 =	vld [tilespmem:s19+$0x350]  }
0x3b: {  	v30 =	vld [tilespmem:s19+$0x2E0]  }
0x3c: {  	v31 =	vld [tilespmem:s19+$0x82E0]  }
0x3d: {  	v32 =	vld [tilespmem:s19+$0x300]  }
0x3e: {  	v33 =	vld [tilespmem:s19+$0x8300]  }
0x3f: {  	v34 =	vld [tilespmem:s19+$0x310]  }
0x40: {  	v35 =	vld [tilespmem:s19+$0x8310]  }
0x41: {  	v36 =	vld [tilespmem:s19+$0x270]  }
0x42: {  	v37 =	vld [tilespmem:s19+$0x8270]  }
0x43: {  	v38 =	vld [tilespmem:s19+$0x2A0]  }
0x44: {  	v39 =	vld [tilespmem:s19+$0x82A0]  }
0x45: {  	v40 =	vld [tilespmem:s19+$0x2C0]  }
0x46: {  	v41 =	vld [tilespmem:s19+$0x82C0]  }
0x47: {  	v42 =	vld [tilespmem:s19+$0x2D0]  }
0x48: {  	v43 =	vld [tilespmem:s19+$0x82D0]  }
0x49: {  	v44 =	vld [tilespmem:s19+$0x230]  }
0x4a: {  	v45 =	vld [tilespmem:s19+$0x8230]  }
0x4b: {  	v46 =	vld [tilespmem:s19+$0x260]  }
0x4c: {  	v47 =	vld [tilespmem:s19+$0x8260]  }
0x4d: {  	v48 =	vld [tilespmem:s19+$0x280]  }
0x4e: {  	v49 =	vld [tilespmem:s19+$0x8280]  }
0x4f: {  	v63 =	vld [tilespmem:s19+$0x290]  }
0x50: {  	v50 =	vld [tilespmem:s19+$0x220]  }
0x51: {  	v51 =	vld [tilespmem:s19+$0x8220]  }
0x52: {  	v52 =	vld [tilespmem:s19+$0x240]  }
0x53: {  	v53 =	vld [tilespmem:s19+$0x8240]  }
0x54: {  	v54 =	vld [tilespmem:s19+$0x250]  }
0x55: {  	v55 =	vld [tilespmem:s19+$0x8250]  }
0x56: {  	v56 =	vld [tilespmem:s19+$0x1B0]  }
0x57: {  	v57 =	vld [tilespmem:s19+$0x81B0]  }
0x58: {  	v58 =	vld [tilespmem:s19+$0x1E0]  }
0x59: {  	v59 =	vld [tilespmem:s19+$0x81E0]  }
0x5a: {  	v60 =	vld [tilespmem:s19+$0x200]  }
0x5b: {  	v6 =	vld [tilespmem:s19+$0x170]  }
0x5c: {  	v10 =	vld [tilespmem:s19+$0x1A0]  }
0x5d: {  	v7 =	vld [tilespmem:s19+$0x81A0]  }
0x5e: {  	v0 =	vld [tilespmem:s19+$0x1C0]  }
0x5f: {  	v13 =	vld [tilespmem:s19+$0x81C0]  }
0x60: {  	[tilespmem:$0x1FE80] =	vst v61;
	v61 =	vld [tilespmem:s19+$0x8200]  }
0x61: {  	[tilespmem:$0x1FE70] =	vst v62;
	v62 =	vld [tilespmem:s19+$0x210]  }
0x62: {  	[tilespmem:$0x1FE60] =	vst v63;
	v63 =	vld [tilespmem:s19+$0x8210]  }
0x63: {  	[tilespmem:$0x1FE90] =	vst v5;
	v5 =	vld [tilespmem:s19+$0x8170]  }
0x64: {  	[tilespmem:$0x1FE00] =	vst v0;
	v0 =	vld [tilespmem:s19+$0x1D0]  }
0x65: {  	v8 =	vmul.f32 v9, v8;
	v9 =	vld [tilespmem:s19+$0x190]  }
0x66: {  	v15 =	vmul.f32 v15, v14;
	v14 =	vld [tilespmem:s19+$0x8190]  }
0x67: {  	v17 =	vmul.f32 v17, v16;
	v16 =	vmul.f32 v12, v11;
	v11 =	vld [tilespmem:s19+$0xF0]  }
0x68: {  	v24 =	vmul.f32 v25, v24;
	v25 =	vld [tilespmem:s19+$0x80F0]  }
0x69: {  	v22 =	vmul.f32 v23, v22;
	v23 =	vmul.f32 v27, v26;
	v26 =	vld [tilespmem:s19+$0x120]  }
0x6a: {  	v21 =	vmul.f32 v21, v20;
	v20 =	vmul.f32 v29, v28;
	v28 =	vld [tilespmem:s19+$0x8120]  }
0x6b: {  	v27 =	vmul.f32 v31, v30;
	v31 =	vld [tilespmem:s19+$0x140]  }
0x6c: {  	v29 =	vmul.f32 v33, v32;
	v33 =	vld [tilespmem:s19+$0x8140]  }
0x6d: {  	v30 =	vmul.f32 v37, v36;
	v36 =	vld [tilespmem:s19+$0x150]  }
0x6e: {  	v12 =	vmul.f32 v39, v38;
	v39 =	vld [tilespmem:s19+$0x8150]  }
0x6f: {  	v32 =	vmul.f32 v35, v34;
	v34 =	vmul.f32 v41, v40;
	v41 =	vld [tilespmem:s19+$0xB0]  }
0x70: {  	v37 =	vmul.f32 v43, v42;
	v43 =	vld [tilespmem:s19+$0x80B0]  }
0x71: {  	v35 =	vmul.f32 v45, v44;
	v45 =	vld [tilespmem:s19+$0xE0]  }
0x72: {  	v18 =	vmul.f32 v19, v18;
	v19 =	vmul.f32 v49, v48;
	v48 =	vld [tilespmem:s19+$0x80E0]  }
0x73: {  	[tilespmem:$0x1FE50] =	vst v0;
	v0 =	vld [tilespmem:s19+$0x160]  }
0x74: {  	v49 =	vld [tilespmem:s19+$0x100]  }
0x75: {  	v40 =	vmul.f32 v51, v50;
	v51 =	vld [tilespmem:s19+$0x8100]  }
0x76: {  	v42 =	vmul.f32 v53, v52;
	v52 =	vld [tilespmem:s19+$0x30]  }
0x77: {  	v53 =	vld [tilespmem:s19+$0x8030]  }
0x78: {  	[tilespmem:$0x1FE20] =	vst v0;
	v0 =	vld [tilespmem:s19+$0x8160]  }
0x79: {  	v38 =	vmul.f32 v47, v46;
	v7 =	vmul.f32 v7, v10;
	v10 =	vld [tilespmem:s19+$0xD0]  }
0x7a: {  	v50 =	vld [tilespmem:s19+$0x8020];
	v46 =	vmul.f32 v15, v2;
	v15 =	vmul.f32 v59, v58  }
0x7b: {  	v58 =	vmul.f32 v37, v3;
	v37 =	vmul.f32 v38, v2;
	v38 =	vld [tilespmem:s19+$0xC0]  }
0x7c: {  	v44 =	vmul.f32 v57, v56;
	v8 =	vmul.f32 v8, v1;
	v59 =	vld [tilespmem:$0x1FE00]  }
0x7d: {  	v21 =	vmul.f32 v21, v4;
	v22 =	vmul.f32 v22, v3;
	[tilespmem:$0x1FE10] =	vst v0;
	v0 =	vld [tilespmem:s19+$0x180]  }
0x7e: {  	v17 =	vmul.f32 v17, v1;
	v5 =	vmul.f32 v5, v6;
	v6 =	vld [tilespmem:s19+$0x110]  }
0x7f: {  	v32 =	vmul.f32 v32, v3;
	v21 =	vadd.f32 v22, v21;
	v26 =	vmul.f32 v28, v26;
	v28 =	vld [tilespmem:s19+$0x0]  }
0x80: {  	v31 =	vmul.f32 v33, v31;
	v33 =	vmul.f32 v19, v4;
	v19 =	vld [tilespmem:s19+$0x8370]  }
0x81: {  	v34 =	vmul.f32 v34, v4;
	v22 =	vmul.f32 v29, v4;
	v21 =	vadd.f32 v46, v21;
	v46 =	vld [tilespmem:s19+$0x80A0]  }
0x82: {  	v24 =	vmul.f32 v24, v1;
	v23 =	vmul.f32 v23, v2;
	[tilespmem:$0x1FE30] =	vst v0;
	v0 =	vld [tilespmem:s19+$0x8180]  }
0x83: {  	v27 =	vmul.f32 v27, v2;
	v22 =	vadd.f32 v32, v22;
	v32 =	vadd.f32 v58, v34;
	v34 =	vld [tilespmem:s19+$0x80D0]  }
0x84: {  	v8 =	vadd.f32 v8, v21;
	v21 =	vmul.f32 v40, v2;
	v40 =	vmul.f32 v42, v4;
	v42 =	vld [tilespmem:s19+$0x80C0]  }
0x85: {  	v30 =	vmul.f32 v30, v1;
	v57 =	vmul.f32 v61, v60;
	v61 =	vld [tilespmem:$0x1FE20]  }
0x86: {  	v35 =	vmul.f32 v35, v1;
	v7 =	vmul.f32 v7, v2;
	v60 =	vld [tilespmem:$0x1FE10]  }
0x87: {  	v29 =	vmul.f32 v63, v62;
	v11 =	vmul.f32 v25, v11;
	v22 =	vadd.f32 v23, v22;
	v62 =	vld [tilespmem:$0x1FE30];
	[tilespmem:$0x1FE40] =	vst v0  }
0x88: {  	v9 =	vmul.f32 v14, v9;
	v47 =	vmul.f32 v57, v4;
	v27 =	vadd.f32 v27, v32;
	v63 =	vld [tilespmem:$0x1FE40]  }
0x89: {  	v5 =	vmul.f32 v5, v1;
	v17 =	vadd.f32 v17, v22;
	v22 =	vld [tilespmem:s19+$0x20];
	v0 =	vmul.f32 v55, v54  }
0x8a: {  	v29 =	vmul.f32 v29, v3;
	v13 =	vmul.f32 v13, v59;
	v14 =	vadd.f32 v24, v27;
	v24 =	vld [tilespmem:s19+$0x8080]  }
0x8b: {  	v23 =	vmul.f32 v44, v1;
	v54 =	vld [tilespmem:s19+$0xA0];
	v44 =	vmul.f32 v0, v3  }
0x8c: {  	v11 =	vmul.f32 v11, v1;
	v55 =	vmul.f32 v60, v61;
	v60 =	vld [tilespmem:s19+$0x8010]  }
0x8d: {  	v9 =	vmul.f32 v9, v3;
	v0 =	vld [tilespmem:s19+$0x8090];
	v40 =	vadd.f32 v44, v40;
	v56 =	vmul.f32 v63, v62  }
0x8e: {  	v29 =	vadd.f32 v29, v47;
	v25 =	vmul.f32 v55, v2;
	v55 =	vmul.f32 v39, v36;
	v44 =	vld [tilespmem:s19+$0x80]  }
0x8f: {  	v57 =	vmul.f32 v43, v41;
	v37 =	vadd.f32 v37, v40;
	v40 =	vld [tilespmem:s19+$0x90];
	v27 =	vmul.f32 v56, v4  }
0x90: {  	v21 =	vadd.f32 v21, v29;
	v29 =	vmul.f32 v31, v4;
	v31 =	vmul.f32 v55, v3;
	v56 =	vld [tilespmem:s19+$0x8000]  }
0x91: {  	v59 =	vmul.f32 v48, v45;
	v10 =	vmul.f32 v34, v10;
	v9 =	vadd.f32 v9, v27;
	v27 =	vld [tilespmem:s19+$0x10]  }
0x92: {  	v32 =	vld [tilespmem:s19+$0x60];
	v58 =	vmul.f32 v57, v1;
	v38 =	vmul.f32 v42, v38;
	v29 =	vadd.f32 v31, v29  }
0x93: {  	v47 =	vld [tilespmem:s19+$0x70];
	v10 =	vmul.f32 v10, v3;
	v22 =	vmul.f32 v50, v22  }
0x94: {  	v57 =	vld [tilespmem:$0x1FE50];
	v45 =	vmul.f32 v46, v54;
	v63 =	vmul.f32 v51, v49;
	v25 =	vadd.f32 v25, v29  }
0x95: {  	v61 =	vld [tilespmem:s19+$0x40];
	v24 =	vmul.f32 v24, v44;
	v0 =	vmul.f32 v0, v40  }
0x96: {  	v46 =	vld [tilespmem:s19+$0x8060];
	v5 =	vadd.f32 v5, v25;
	v25 =	vmul.f32 v56, v28;
	v27 =	vmul.f32 v60, v27  }
0x97: {  	v31 =	vld [tilespmem:s19+$0x8040];
	v24 =	vmul.f32 v24, v4;
	v39 =	vmul.f32 v0, v3  }
0x98: {  	v49 =	vld [tilespmem:s19+$0x8070];
	v7 =	vadd.f32 v7, v9;
	v25 =	vmul.f32 v25, v4;
	v27 =	vmul.f32 v27, v3  }
0x99: {  	(xrf2) =	vadd.scan.msk.f32 $0xffff, v8;
	v22 =	vmul.f32 v22, v2;
	v48 =	vmul.f32 v45, v2;
	v44 =	vld [tilespmem:s19+$0x8050];
	v24 =	vadd.f32 v39, v24  }
0x9a: {  	(xrf2) =	vadd.scan.msk.f32 $0xffff, v17;
	v29 =	vmul.f32 v53, v52;
	v7 =	vadd.f32 v23, v7;
	v23 =	vld [tilespmem:s19+$0x50];
	v17 =	vadd.f32 v27, v25  }
0x9b: {  	(xrf2) =	vadd.scan.msk.f32 $0xffff, v14;
	v14 =	vld [tilespmem:s19+$0x8130];
	v38 =	vmul.f32 v38, v4;
	v52 =	vadd.f32 v48, v24;
	v24 =	vmul.f32 v46, v32  }
0x9c: {  	v30 =	vadd.f32 v30, v37;
	v28 =	vld [tilespmem:s19+$0x8110];
	v17 =	vadd.f32 v22, v17;
	v22 =	vmul.f32 v29, v1  }
0x9d: {  	v21 =	vadd.f32 v35, v21;
	v10 =	vadd.f32 v10, v38;
	v53 =	vmul.f32 v24, v2;
	v24 =	vld [tilespmem:s19+$0x1F0]  }
0x9e: {  	v62 =	vmul.f32 v59, v2;
	(xrf2) =	vadd.scan.msk.f32 $0xffff, v30;
	v50 =	vmul.f32 v31, v61;
	v54 =	vadd.f32 v22, v17;
	v22 =	vld [tilespmem:s19+$0x81F0]  }
0x9f: {  	(xrf2) =	vadd.scan.msk.f32 $0xffff, v21;
	v21 =	vmul.f32 v49, v47;
	v51 =	vmul.f32 v44, v23;
	v23 =	vld [tilespmem:s19+$0x81D0]  }
0xa0: {  	v59 =	vmul.f32 v26, v2;
	v10 =	vadd.f32 v62, v10;
	v8 =	vmul.f32 v50, v4;
	v25 =	vld [tilespmem:s19+$0x130]  }
0xa1: {  	v56 =	vmul.f32 v21, v1;
	v27 =	vld [tilespmem:s19+$0x8290];
	v9 =	vmul.f32 v51, v3  }
0xa2: {  	v10 =	vadd.f32 v11, v10;
	v6 =	vmul.f32 v28, v6;
	v17 =	vmul.f32 v63, v4;
	v63 =	vld [tilespmem:$0x1FE60]  }
0xa3: {  	v61 =	vld [tilespmem:s19+$0x82B0];
	v0 =	vmul.f32 v15, v2;
	v8 =	vadd.f32 v9, v8;
	v15 =	vmul.f32 v22, v24  }
0xa4: {  	v21 =	vld [tilespmem:s19+$0x8350];
	(xrf2) =	vadd.scan.msk.f32 $0xffff, v7;
	v11 =	vadd.f32 v58, v52;
	v6 =	vmul.f32 v6, v3;
	v58 =	vmul.f32 v23, v57  }
0xa5: {  	(xrf2) =	vadd.scan.msk.f32 $0xffff, v5;
	v14 =	vmul.f32 v14, v25;
	v55 =	vadd.f32 v53, v8;
	v34 =	vmul.f32 v15, v1;
	v15 =	vld [tilespmem:$0x1FE70]  }
0xa6: {  	v60 =	vmul.f32 v13, v4;
	(xrf2) =	vadd.scan.msk.f32 $0xffff, v10;
	v6 =	vadd.f32 v6, v17;
	v17 =	vld [tilespmem:s19+$0x2B0];
	v9 =	vmul.f32 v58, v3  }
0xa7: {  	v13 =	vld [tilespmem:s19+$0x83D0];
	(xrf2) =	vadd.scan.msk.f32 $0xffff, v11;
	v5 =	vadd.f32 v56, v55;
	v10 =	vmul.f32 v27, v63  }
0xa8: {  	v39 =	vld [tilespmem:$0x1FE80];
	(xrf2) =	vadd.scan.msk.f32 $0xffff, v54;
	v62 =	vmul.f32 v14, v1;
	v6 =	vadd.f32 v59, v6;
	v8 =	vadd.f32 v9, v60  }
0xa9: {  	v41 =	vmul.f32 v16, v4;
	v14, _, _ =	vpop (xrf2);
	v22 =	vld [tilespmem:s19+$0x370];
	(xrf2) =	vadd.scan.msk.f32 $0xffff, v5;
	v10 =	vmul.f32 v10, v3  }
0xaa: {  	v16 =	vld [tilespmem:$0x1FE90];
	v32, _, _ =	vpop (xrf2);
	v6 =	vadd.f32 v62, v6;
	v8 =	vadd.f32 v0, v8;
	v15 =	vmul.f32 v21, v15  }
0xab: {  	v35 =	vmul.f32 v12, v2;
	v12 =	vld [tilespmem:s19+$0x3F0];
	v23, _, _ =	vpop (xrf2);
	v11 =	vmul.f32 v61, v17;
	v7 =	vadd.f32 v10, v33  }
0xac: {  	v37 =	vmul.f32 v20, v4;
	v24, _, _ =	vpop (xrf2);
	(xrf2) =	vadd.scan.msk.f32 $0xffff, v6;
	v8 =	vadd.f32 v34, v8;
	v21 =	vld [tilespmem:s19+$0x83E0];
	v15 =	vmul.f32 v15, v3  }
0xad: {  	v17 =	vld [tilespmem:s19+$0x83F0];
	v36, _, _ =	vpop (xrf2);
	v38 =	vmul.f32 v11, v1;
	v11 =	vmul.f32 v13, v39;
	v7 =	vadd.f32 v35, v7  }
0xae: {  	v20, _, _ =	vpop (xrf2);
	v9 =	vadd.f32 v15, v37;
	v15 =	vmul.f32 v18, v2;
	v18 =	vmul.f32 v19, v22  }
0xaf: {  	v13, _, _ =	vpop (xrf2);
	(xrf2) =	vadd.scan.msk.f32 $0xffff, v8  }
0xb0: {  	v11 =	vmul.f32 v11, v3;
	v40, _, _ =	vpop (xrf2);
	v7 =	vadd.f32 v38, v7  }
0xb1: {  	v19, _, _ =	vpop (xrf2);
	v16 =	vmul.f32 v21, v16;
	v9 =	vadd.f32 v15, v9;
	v15 =	vmul.f32 v18, v1  }
0xb2: {  	v12 =	vmul.f32 v17, v12;
	(xrf2) =	vadd.scan.msk.f32 $0xffff, v7;
	v18, _, _ =	vpop (xrf2)  }
0xb3: {  	v43 =	vadd.f32 v11, v41;
	v44 =	vmul.f32 v16, v2;
	v42 =	vadd.f32 v15, v9;
	v45, _, _ =	vpop (xrf2)  }
0xb4: {  	v15 =	vbroadcast v18, $0xF;
	v11 =	vbroadcast v45, $0xF  }
0xb5: {  	v46 =	vmul.f32 v12, v1;
	v16 =	vbroadcast v19, $0xF;
	v9 =	vadd.f32 v44, v43;
	(xrf2) =	vadd.scan.msk.f32 $0xffff, v42  }
0xb6: {  	v8 =	vbroadcast v40, $0xF;
	v48, _, _ =	vpop (xrf2);
	v47 =	vsel vm0, v15, v11  }
0xb7: {  	v9 =	vadd.f32 v46, v9;
	v11 =	vbroadcast v48, $0xF;
	v7 =	vsel vm1, v47, v16  }
0xb8: {  	v49 =	vbroadcast v13, $0xF;
	v7 =	vsel vm2, v7, v8  }
0xb9: {  	v50 =	vbroadcast v20, $0xF;
	v51, _, _ =	vpop (xrf2);
	(xrf2) =	vadd.scan.msk.f32 $0xffff, v9;
	v7 =	vsel vm3, v7, v11  }
0xba: {  	v52 =	vbroadcast v51, $0xF;
	v7 =	vsel vm4, v7, v49  }
0xbb: {  	v6 =	vbroadcast v36, $0xF;
	v7 =	vsel vm5, v7, v50  }
0xbc: {  	v53 =	vbroadcast v24, $0xF;
	v54, _, _ =	vpop (xrf2);
	v7 =	vsel vm6, v7, v52  }
0xbd: {  	v55 =	vbroadcast v54, $0xF;
	v6 =	vsel vm7, v7, v6  }
0xbe: {  	v56 =	vbroadcast v23, $0xF;
	v6 =	vsel vm8, v6, v53  }
0xbf: {  	v5 =	vbroadcast v32, $0xF;
	v57, _, _ =	vpop (xrf2);
	v6 =	vsel vm9, v6, v55  }
0xc0: {  	v60 =	vld [tilespmem:$0x1FEA0];
	v7 =	vbroadcast v57, $0xF;
	v6 =	vsel vm10, v6, v56  }
0xc1: {  	v58 =	vbroadcast v14, $0xF;
	v5 =	vsel vm11, v6, v5  }
0xc2: {  	v5 =	vsel vm12, v5, v7  }
0xc3: {  	v59, _, _ =	vpop (xrf2);
	v5 =	vsel vm13, v5, v58  }
0xc4: {  	v5 =	vsel vm14, v5, v59  }
0xc5: {  	v5 =	vadd.f32 v5, v60;
	_ =	sdelay $0x1  }
0xc6: {  	v5 =	vsub.f32 $0.0e+00, v5;
	_ =	sdelay $0x1  }
0xc7: {  	v5 =	vmul.f32 $1.442695020e+00, v5;
	_ =	sdelay $0x1  }
0xc8: {  	(erf) = vpow2.f32 v5;
	_ =	sdelay $0x8  }
0xc9: {  	v5 =	vpop (erf)  }
0xca: {  	v5 =	vadd.f32 $1.000000000e+00, v5;
	_ =	sdelay $0x1  }
0xcb: {  	(erf) = vrcp.f32 v5;
	_ =	sdelay $0x8  }
0xcc: {  	v5 =	vpop (erf)  }
0xcd: {  	s19 =	simm.s32 $0x400;
	[tilespmem:s17+$0x0] =	vst v5  }
0xce: {  	v61 =	vld [tilespmem:s19+$0x3E0]  }
0xcf: {  	v15 =	vld [tilespmem:s19+$0x3B0]  }
0xd0: {  	v17 =	vld [tilespmem:s19+$0x83B0]  }
0xd1: {  	v5 =	vld [tilespmem:s19+$0x3C0]  }
0xd2: {  	v62 =	vld [tilespmem:s19+$0x83C0]  }
0xd3: {  	v63 =	vld [tilespmem:s19+$0x3D0]  }
0xd4: {  	v14 =	vld [tilespmem:s19+$0x3A0]  }
0xd5: {  	v10 =	vld [tilespmem:s19+$0x83A0]  }
0xd6: {  	v16 =	vld [tilespmem:s19+$0x330]  }
0xd7: {  	v9 =	vld [tilespmem:s19+$0x8330]  }
0xd8: {  	v13 =	vld [tilespmem:s19+$0x360]  }
0xd9: {  	v11 =	vld [tilespmem:s19+$0x8360]  }
0xda: {  	v20 =	vld [tilespmem:s19+$0x380]  }
0xdb: {  	v21 =	vld [tilespmem:s19+$0x8380]  }
0xdc: {  	v22 =	vld [tilespmem:s19+$0x390]  }
0xdd: {  	v23 =	vld [tilespmem:s19+$0x8390]  }
0xde: {  	v24 =	vld [tilespmem:s19+$0x2F0]  }
0xdf: {  	v25 =	vld [tilespmem:s19+$0x82F0]  }
0xe0: {  	v26 =	vld [tilespmem:s19+$0x320]  }
0xe1: {  	v27 =	vld [tilespmem:s19+$0x8320]  }
0xe2: {  	v28 =	vld [tilespmem:s19+$0x340]  }
0xe3: {  	v29 =	vld [tilespmem:s19+$0x8340]  }
0xe4: {  	v6 =	vld [tilespmem:s19+$0x350]  }
0xe5: {  	v30 =	vld [tilespmem:s19+$0x2E0]  }
0xe6: {  	v31 =	vld [tilespmem:s19+$0x82E0]  }
0xe7: {  	v32 =	vld [tilespmem:s19+$0x300]  }
0xe8: {  	v33 =	vld [tilespmem:s19+$0x8300]  }
0xe9: {  	v34 =	vld [tilespmem:s19+$0x310]  }
0xea: {  	v35 =	vld [tilespmem:s19+$0x8310]  }
0xeb: {  	v36 =	vld [tilespmem:s19+$0x270]  }
0xec: {  	v37 =	vld [tilespmem:s19+$0x8270]  }
0xed: {  	v38 =	vld [tilespmem:s19+$0x2A0]  }
0xee: {  	v39 =	vld [tilespmem:s19+$0x82A0]  }
0xef: {  	v40 =	vld [tilespmem:s19+$0x2C0]  }
0xf0: {  	v41 =	vld [tilespmem:s19+$0x82C0]  }
0xf1: {  	v42 =	vld [tilespmem:s19+$0x2D0]  }
0xf2: {  	v43 =	vld [tilespmem:s19+$0x82D0]  }
0xf3: {  	v44 =	vld [tilespmem:s19+$0x230]  }
0xf4: {  	v45 =	vld [tilespmem:s19+$0x8230]  }
0xf5: {  	v46 =	vld [tilespmem:s19+$0x260]  }
0xf6: {  	v47 =	vld [tilespmem:s19+$0x8260]  }
0xf7: {  	v48 =	vld [tilespmem:s19+$0x280]  }
0xf8: {  	v49 =	vld [tilespmem:s19+$0x8280]  }
0xf9: {  	v7 =	vld [tilespmem:s19+$0x290]  }
0xfa: {  	v50 =	vld [tilespmem:s19+$0x220]  }
0xfb: {  	v51 =	vld [tilespmem:s19+$0x8220]  }
0xfc: {  	v52 =	vld [tilespmem:s19+$0x240]  }
0xfd: {  	v53 =	vld [tilespmem:s19+$0x8240]  }
0xfe: {  	v54 =	vld [tilespmem:s19+$0x250]  }
0xff: {  	v55 =	vld [tilespmem:s19+$0x8250]  }
0x100: {  	v56 =	vld [tilespmem:s19+$0x1B0]  }
0x101: {  	v57 =	vld [tilespmem:s19+$0x81B0]  }
0x102: {  	v58 =	vld [tilespmem:s19+$0x1E0]  }
0x103: {  	v59 =	vld [tilespmem:s19+$0x81E0]  }
0x104: {  	v60 =	vld [tilespmem:s19+$0x200]  }
0x105: {  	v19 =	vld [tilespmem:s19+$0x170]  }
0x106: {  	v18 =	vld [tilespmem:s19+$0x8170]  }
0x107: {  	v8 =	vld [tilespmem:s19+$0x1A0]  }
0x108: {  	v12 =	vld [tilespmem:s19+$0x8180]  }
0x109: {  	[tilespmem:$0x1FEB0] =	vst v61;
	v61 =	vld [tilespmem:s19+$0x8200]  }
0x10a: {  	[tilespmem:$0x1FF00] =	vst v62;
	v62 =	vld [tilespmem:s19+$0x210]  }
0x10b: {  	[tilespmem:$0x1FEC0] =	vst v63;
	v63 =	vld [tilespmem:s19+$0x8210]  }
0x10c: {  	[tilespmem:$0x1FED0] =	vst v6;
	v6 =	vld [tilespmem:s19+$0x81A0]  }
0x10d: {  	[tilespmem:$0x1FEE0] =	vst v7;
	v7 =	vld [tilespmem:s19+$0x1C0]  }
0x10e: {  	[tilespmem:$0x1FF60] =	vst v8;
	v8 =	vld [tilespmem:s19+$0x81C0]  }
0x10f: {  	v16 =	vmul.f32 v9, v16;
	v9 =	vmul.f32 v11, v13;
	v11 =	vld [tilespmem:s19+$0xF0]  }
0x110: {  	v20 =	vmul.f32 v21, v20;
	v21 =	vmul.f32 v25, v24;
	v25 =	vld [tilespmem:s19+$0x80F0]  }
0x111: {  	v24 =	vmul.f32 v31, v30;
	v30 =	vld [tilespmem:s19+$0x140]  }
0x112: {  	v22 =	vmul.f32 v23, v22;
	v31 =	vld [tilespmem:s19+$0x8140]  }
0x113: {  	v23 =	vmul.f32 v27, v26;
	v27 =	vmul.f32 v37, v36;
	v37 =	vld [tilespmem:s19+$0x8150]  }
0x114: {  	v26 =	vmul.f32 v33, v32;
	v32 =	vmul.f32 v41, v40;
	v41 =	vld [tilespmem:s19+$0x80B0]  }
0x115: {  	v33 =	vmul.f32 v45, v44;
	v44 =	vld [tilespmem:s19+$0xE0]  }
0x116: {  	v36 =	vmul.f32 v47, v46;
	v46 =	vld [tilespmem:s19+$0x80E0]  }
0x117: {  	v39 =	vmul.f32 v39, v38;
	v49 =	vmul.f32 v49, v48;
	v48 =	vld [tilespmem:s19+$0x100]  }
0x118: {  	v15 =	vmul.f32 v17, v15;
	v17 =	vmul.f32 v10, v14;
	v10 =	vld [tilespmem:$0x1FF00]  }
0x119: {  	[tilespmem:$0x1FF40] =	vst v39;
	v39 =	vld [tilespmem:s19+$0xB0]  }
0x11a: {  	[tilespmem:$0x1FF20] =	vst v9;
	v9 =	vmul.f32 v51, v50;
	v51 =	vld [tilespmem:s19+$0x8100]  }
0x11b: {  	v45 =	vmul.f32 v55, v54;
	v54 =	vmul.f32 v33, v1;
	v33 =	vld [tilespmem:s19+$0xC0]  }
0x11c: {  	[tilespmem:$0x1FF70] =	vst v6;
	v6 =	vld [tilespmem:s19+$0x1D0]  }
0x11d: {  	[tilespmem:$0x1FF80] =	vst v7;
	v7 =	vld [tilespmem:s19+$0x160]  }
0x11e: {  	v40 =	vmul.f32 v53, v52;
	[tilespmem:$0x1FF90] =	vst v8;
	v8 =	vld [tilespmem:s19+$0x8160]  }
0x11f: {  	v50 =	vmul.f32 v61, v60;
	v61 =	vld [tilespmem:$0x1FF60]  }
0x120: {  	v47 =	vmul.f32 v63, v62;
	v63 =	vmul.f32 v40, v4;
	v40 =	vld [tilespmem:s19+$0xD0]  }
0x121: {  	v0 =	vmul.f32 v10, v5;
	v5 =	vld [tilespmem:s19+$0x120]  }
0x122: {  	v10 =	vmul.f32 v29, v28;
	v29 =	vld [tilespmem:s19+$0x8120]  }
0x123: {  	v28 =	vmul.f32 v35, v34;
	v34 =	vld [tilespmem:s19+$0x150]  }
0x124: {  	v35 =	vmul.f32 v43, v42;
	v42 =	vmul.f32 v16, v1;
	v16 =	vld [tilespmem:s19+$0x110]  }
0x125: {  	v62 =	vld [tilespmem:$0x1FF70]  }
0x126: {  	v58 =	vmul.f32 v59, v58;
	v55 =	vld [tilespmem:$0x1FF80]  }
0x127: {  	v53 =	vmul.f32 v27, v1;
	v43 =	vmul.f32 v57, v56;
	v56 =	vld [tilespmem:$0x1FF90];
	[tilespmem:$0x1FF10] =	vst v0  }
0x128: {  	[tilespmem:$0x1FF30] =	vst v10;
	v10 =	vmul.f32 v20, v4;
	v0 =	vmul.f32 v21, v1;
	v20 =	vld [tilespmem:s19+$0x30]  }
0x129: {  	v21 =	vmul.f32 v22, v3;
	v27 =	vmul.f32 v28, v3;
	v22 =	vld [tilespmem:s19+$0xA0]  }
0x12a: {  	v28 =	vmul.f32 v32, v4;
	v32 =	vmul.f32 v36, v2;
	v36 =	vld [tilespmem:s19+$0x80C0]  }
0x12b: {  	v52 =	vmul.f32 v18, v19;
	v15 =	vmul.f32 v15, v1;
	[tilespmem:$0x1FFB0] =	vst v8;
	v8 =	vld [tilespmem:s19+$0x180]  }
0x12c: {  	v17 =	vmul.f32 v17, v2;
	v19 =	vmul.f32 v23, v2;
	[tilespmem:$0x1FEF0] =	vst v6;
	v6 =	vld [tilespmem:s19+$0x190]  }
0x12d: {  	v23 =	vmul.f32 v24, v2;
	v26 =	vmul.f32 v26, v4;
	[tilespmem:$0x1FFA0] =	vst v7;
	v7 =	vld [tilespmem:s19+$0x8190]  }
0x12e: {  	v30 =	vmul.f32 v31, v30;
	v50 =	vmul.f32 v50, v4;
	v24 =	vadd.f32 v21, v10;
	v21 =	vld [tilespmem:s19+$0x8030]  }
0x12f: {  	v43 =	vmul.f32 v43, v1;
	v26 =	vadd.f32 v27, v26;
	v27 =	vmul.f32 v35, v3;
	v57 =	vld [tilespmem:$0x1FFA0]  }
0x130: {  	v35 =	vmul.f32 v62, v61;
	v59 =	vld [tilespmem:$0x1FFB0];
	v34 =	vmul.f32 v37, v34  }
0x131: {  	v17 =	vadd.f32 v17, v24;
	v24 =	vld [tilespmem:s19+$0x80A0];
	v26 =	vadd.f32 v19, v26;
	v19 =	vmul.f32 v56, v55  }
0x132: {  	v27 =	vadd.f32 v27, v28;
	v56 =	vld [tilespmem:s19+$0x80D0];
	v28 =	vmul.f32 v45, v3;
	v31 =	vmul.f32 v35, v2  }
0x133: {  	v34 =	vmul.f32 v34, v3;
	v35 =	vld [tilespmem:s19+$0x10];
	v15 =	vadd.f32 v15, v17;
	v17 =	vmul.f32 v9, v2  }
0x134: {  	v42 =	vadd.f32 v42, v26;
	v26 =	vld [tilespmem:s19+$0x20];
	v61 =	vmul.f32 v12, v8;
	v62 =	vmul.f32 v7, v6  }
0x135: {  	v23 =	vadd.f32 v23, v27;
	v27 =	vld [tilespmem:s19+$0x8020];
	v7 =	vmul.f32 v41, v39;
	v60 =	vmul.f32 v59, v57;
	(xrf2) =	vadd.scan.msk.f32 $0xffff, v15  }
0x136: {  	v9 =	vld [tilespmem:s19+$0x8090];
	v57 =	vmul.f32 v25, v11;
	v15 =	vadd.f32 v28, v63;
	v28 =	vmul.f32 v52, v1;
	(xrf2) =	vadd.scan.msk.f32 $0xffff, v42  }
0x137: {  	v8 =	vld [tilespmem:s19+$0x90];
	v11 =	vmul.f32 v46, v44;
	v59 =	vmul.f32 v36, v33  }
0x138: {  	v39 =	vld [tilespmem:s19+$0x50];
	v42 =	vadd.f32 v0, v23;
	v23 =	vmul.f32 v47, v3;
	v6 =	vmul.f32 v61, v4  }
0x139: {  	v47 =	vld [tilespmem:s19+$0x80];
	v38 =	vmul.f32 v62, v3;
	v61 =	vmul.f32 v56, v40;
	v15 =	vadd.f32 v32, v15  }
0x13a: {  	[tilespmem:$0x1FFC0] =	vst v1;
	v0 =	vld [tilespmem:s19+$0x8080];
	v10 =	vmul.f32 v60, v2;
	v60 =	vmul.f32 v30, v4;
	v63 =	vadd.f32 v23, v50  }
0x13b: {  	[tilespmem:$0x1FFD0] =	vst v2;
	v25 =	vld [tilespmem:s19+$0x60];
	v23 =	vmul.f32 v29, v5;
	v29 =	vadd.f32 v38, v6;
	v15 =	vadd.f32 v53, v15  }
0x13c: {  	[tilespmem:$0x1FFE0] =	vst v4;
	v33 =	vld [tilespmem:s19+$0x0];
	v30 =	vmul.f32 v7, v1;
	v40 =	vmul.f32 v11, v2;
	v17 =	vadd.f32 v17, v63  }
0x13d: {  	v36 =	vld [tilespmem:s19+$0x8040];
	(xrf2) =	vadd.scan.msk.f32 $0xffff, v42;
	v42 =	vmul.f32 v59, v4;
	v44 =	vmul.f32 v61, v3;
	v62 =	vadd.f32 v31, v29  }
0x13e: {  	[tilespmem:$0x1FFF0] =	vst v3;
	v32 =	vld [tilespmem:s19+$0x8000];
	v31 =	vmul.f32 v57, v1;
	v63 =	vadd.f32 v34, v60;
	v17 =	vadd.f32 v54, v17  }
0x13f: {  	[tilespmem:$0x1FF50] =	vst v49;
	v38 =	vld [tilespmem:s19+$0x8010];
	v29 =	vmul.f32 v51, v48;
	(xrf2) =	vadd.scan.msk.f32 $0xffff, v15;
	v41 =	vmul.f32 v0, v47;
	v15, _, _ =	vpop (xrf2)  }
0x140: {  	s21 =	simm.s32 $0x2000;
	s20 =	simm.s32 $0x10050;
	v34 =	vld [tilespmem:s19+$0x40];
	v37 =	vadd.f32 v43, v62;
	v43 =	vmul.f32 v9, v8;
	v45 =	vadd.f32 v10, v63;
	(xrf2) =	vadd.scan.msk.f32 $0xffff, v17;
	v51, _, _ =	vpop (xrf2)  }
.LBB2_2:
0x141: {  	v47 =	vld [tilespmem:s19+$0x8050]  }
0x142: {  	v49 =	vld [tilespmem:$0x1FFE0]  }
0x143: {  	v48 =	vld [tilespmem:$0x1FFF0]  }
0x144: {  	v10 =	vld [tilespmem:s19+$0x8110]  }
0x145: {  	v17 =	vld [tilespmem:$0x1FFC0]  }
0x146: {  	v50 =	vld [tilespmem:s19+$0x8290]  }
0x147: {  	v52 =	vld [tilespmem:$0x1FEF0]  }
0x148: {  	v54 =	vld [tilespmem:$0x1FEE0]  }
0x149: {  	v55 =	vld [tilespmem:$0x1FF50];
	v46 =	vmul.f32 v21, v20;
	v21 =	vmul.f32 v24, v22;
	v22 =	vadd.f32 v44, v42  }
0x14a: {  	v24 =	vld [tilespmem:s19+$0x8060];
	v32 =	vmul.f32 v32, v33  }
0x14b: {  	v9 =	vmul.f32 v38, v35;
	v26 =	vmul.f32 v27, v26;
	v22 =	vadd.f32 v40, v22;
	v40 =	vld [tilespmem:$0x1FFD0]  }
0x14c: {  	v56 =	vld [tilespmem:$0x1FED0];
	v28 =	vadd.f32 v28, v45;
	v7 =	vmul.f32 v41, v49;
	v8 =	vmul.f32 v43, v48  }
0x14d: {  	(xrf2) =	vadd.scan.msk.f32 $0xffff, v37;
	v27 =	vld [tilespmem:s19+$0x70];
	v0 =	vmul.f32 v47, v39;
	v18 =	vmul.f32 v10, v16  }
0x14e: {  	v42 =	vld [tilespmem:s19+$0x8070];
	v41 =	vmul.f32 v9, v48;
	v20, _, _ =	vpop (xrf2);
	(xrf2) =	vadd.scan.msk.f32 $0xffff, v28;
	v28 =	vmul.f32 v32, v49  }
0x14f: {  	v57 =	vld [tilespmem:$0x1FF40];
	v22 =	vadd.f32 v31, v22;
	v31 =	vmul.f32 v36, v34;
	v24 =	vmul.f32 v24, v25  }
0x150: {  	v59 =	vld [tilespmem:$0x1FF30];
	v28 =	vadd.f32 v41, v28;
	v11 =	vmul.f32 v21, v40;
	v26 =	vmul.f32 v26, v40  }
0x151: {  	v60 =	vld [tilespmem:$0x1FEC0];
	v21, _, _ =	vpop (xrf2);
	(xrf2) =	vadd.scan.msk.f32 $0xffff, v22;
	v22 =	vmul.f32 v31, v49;
	v31 =	vmul.f32 v0, v48  }
0x152: {  	v44 =	vld [tilespmem:s19+$0x81D0];
	v37 =	vadd.f32 v8, v7;
	v26 =	vadd.f32 v26, v28;
	v28 =	vmul.f32 v46, v17  }
0x153: {  	v47 =	vld [tilespmem:s19+$0x8130];
	v27 =	vmul.f32 v42, v27;
	v24 =	vmul.f32 v24, v40;
	v22 =	vadd.f32 v31, v22  }
0x154: {  	v18 =	vmul.f32 v18, v48;
	v25 =	vld [tilespmem:s19+$0x130];
	v1 =	vadd.f32 v28, v26;
	v28 =	vmul.f32 v29, v49  }
0x155: {  	v43 =	vadd.f32 v11, v37;
	v31 =	vld [tilespmem:s19+$0x1F0];
	v22 =	vadd.f32 v24, v22;
	v24 =	vmul.f32 v27, v17  }
0x156: {  	v18 =	vadd.f32 v18, v28;
	v28 =	vld [tilespmem:s19+$0x2B0]  }
0x157: {  	v8 =	vmul.f32 v50, v54;
	v45 =	vadd.f32 v30, v43;
	v22 =	vadd.f32 v24, v22;
	v24 =	vld [tilespmem:s19+$0x82B0]  }
0x158: {  	v19 =	vmul.f32 v19, v49;
	v14 =	vmul.f32 v55, v49;
	v29 =	vld [tilespmem:s19+$0x81F0]  }
0x159: {  	v61 =	vld [tilespmem:$0x1FF20];
	v12 =	vmul.f32 v44, v52;
	v8 =	vmul.f32 v8, v48;
	v34, _, _ =	vpop (xrf2);
	(xrf2) =	vadd.scan.msk.f32 $0xffff, v45  }
0x15a: {  	v23 =	vmul.f32 v23, v40;
	v25 =	vmul.f32 v47, v25;
	v27 =	vld [tilespmem:s19+$0x8350]  }
0x15b: {  	v5 =	vld [tilespmem:$0x1FF10];
	v12 =	vmul.f32 v12, v48;
	v8 =	vadd.f32 v8, v14;
	v13 =	vmul.f32 v57, v40  }
0x15c: {  	v30, _, _ =	vpop (xrf2);
	v53 =	vmul.f32 v25, v17;
	v25 =	vld [tilespmem:s19+$0x83D0];
	(xrf2) =	vadd.scan.msk.f32 $0xffff, v1;
	v18 =	vadd.f32 v23, v18;
	v14 =	vmul.f32 v24, v28  }
0x15d: {  	v16 =	vmul.f32 v58, v40;
	v12 =	vadd.f32 v12, v19;
	v26, _, _ =	vpop (xrf2);
	(xrf2) =	vadd.scan.msk.f32 $0xffff, v22;
	v22 =	vld [tilespmem:s19+$0x8370];
	v19 =	vmul.f32 v29, v31  }
0x15e: {  	v8 =	vadd.f32 v13, v8;
	v29 =	vld [tilespmem:s19+$0x370];
	v1 =	vadd.f32 v53, v18;
	v13 =	vmul.f32 v14, v17  }
0x15f: {  	v12 =	vadd.f32 v16, v12;
	v7 =	vmul.f32 v27, v56;
	v16 =	vmul.f32 v19, v17;
	v19 =	vld [tilespmem:s19+$0x83E0]  }
0x160: {  	v23, _, _ =	vpop (xrf2);
	(xrf2) =	vadd.scan.msk.f32 $0xffff, v1;
	v63 =	vadd.f32 v13, v8;
	v8 =	vld [tilespmem:$0x1FEB0]  }
0x161: {  	v11 =	vmul.f32 v59, v49;
	v24 =	vld [tilespmem:s19+$0x3F0];
	v7 =	vmul.f32 v7, v48;
	v58 =	vadd.f32 v16, v12  }
0x162: {  	v6 =	vmul.f32 v25, v60;
	v16 =	vld [tilespmem:s19+$0x83F0]  }
0x163: {  	v10 =	vmul.f32 v61, v40;
	v7 =	vadd.f32 v7, v11;
	v62 =	vmul.f32 v22, v29;
	v18, _, _ =	vpop (xrf2);
	(xrf2) =	vadd.scan.msk.f32 $0xffff, v58  }
0x164: {  	v9 =	vmul.f32 v5, v49;
	v6 =	vmul.f32 v6, v48  }
0x165: {  	v7 =	vadd.f32 v10, v7;
	v32 =	vmul.f32 v62, v17;
	v5 =	vmul.f32 v19, v8  }
0x166: {  	v6 =	vadd.f32 v6, v9;
	v12, _, _ =	vpop (xrf2);
	(xrf2) =	vadd.scan.msk.f32 $0xffff, v63  }
0x167: {  	v33 =	vmul.f32 v16, v24;
	v7 =	vadd.f32 v32, v7;
	v35, _, _ =	vpop (xrf2);
	v5 =	vmul.f32 v5, v40  }
0x168: {  	v36 =	vbroadcast v12, $0xF;
	v8 =	vbroadcast v35, $0xF  }
0x169: {  	v37 =	vbroadcast v18, $0xF;
	v38 =	vmul.f32 v33, v17;
	(xrf2) =	vadd.scan.msk.f32 $0xffff, v7;
	v5 =	vadd.f32 v5, v6  }
0x16a: {  	v41 =	vbroadcast v23, $0xF;
	v39 =	vsel vm0, v36, v8;
	v42, _, _ =	vpop (xrf2)  }
0x16b: {  	v7 =	vsel vm1, v39, v37;
	v43 =	vbroadcast v42, $0xF;
	v5 =	vadd.f32 v38, v5  }
0x16c: {  	v45 =	vbroadcast v26, $0xF;
	v44 =	vsel vm2, v7, v41  }
0x16d: {  	v46 =	vbroadcast v30, $0xF;
	v6 =	vsel vm3, v44, v43;
	v47, _, _ =	vpop (xrf2);
	(xrf2) =	vadd.scan.msk.f32 $0xffff, v5  }
0x16e: {  	v50 =	vsel vm4, v6, v45;
	v52 =	vbroadcast v47, $0xF  }
0x16f: {  	v53 =	vbroadcast v34, $0xF;
	v5 =	vsel vm5, v50, v46  }
0x170: {  	v54 =	vbroadcast v21, $0xF;
	v55, _, _ =	vpop (xrf2);
	v5 =	vsel vm6, v5, v52  }
0x171: {  	v56 =	vbroadcast v55, $0xF;
	v5 =	vsel vm7, v5, v53  }
0x172: {  	v57 =	vbroadcast v20, $0xF;
	v5 =	vsel vm8, v5, v54  }
0x173: {  	v58 =	vbroadcast v51, $0xF;
	v59, _, _ =	vpop (xrf2);
	v5 =	vsel vm9, v5, v56  }
0x174: {  	v63 =	vld [tilespmem:$0x1FEA0];
	v60 =	vbroadcast v59, $0xF;
	v5 =	vsel vm10, v5, v57  }
0x175: {  	v61 =	vbroadcast v15, $0xF;
	v5 =	vsel vm11, v5, v58  }
0x176: {  	v5 =	vsel vm12, v5, v60  }
0x177: {  	v5 =	vsel vm13, v5, v61;
	v62, _, _ =	vpop (xrf2)  }
0x178: {  	v5 =	vsel vm14, v5, v62  }
0x179: {  	v5 =	vadd.f32 v5, v63;
	_ =	sdelay $0x1  }
0x17a: {  	v5 =	vsub.f32 $0.0e+00, v5;
	_ =	sdelay $0x1  }
0x17b: {  	v5 =	vmul.f32 $1.442695020e+00, v5;
	_ =	sdelay $0x1  }
0x17c: {  	(erf) = vpow2.f32 v5;
	_ =	sdelay $0x8  }
0x17d: {  	v5 =	vpop (erf)  }
0x17e: {  	v5 =	vadd.f32 $1.000000000e+00, v5;
	_ =	sdelay $0x1  }
0x17f: {  	(erf) = vrcp.f32 v5;
	_ =	sdelay $0x8  }
0x180: {  	s20 =	sadd.s32 $0x10, s20;
	v5 =	vpop (erf)  }
0x181: {  	s19 =	sshra.s32 s21, $0x2;
	[tilespmem:s20+$0x0] =	vst v5  }
0x182: {  	v4 =	vld [tilespmem:s19+$0x3E0]  }
0x183: {  	v11 =	vld [tilespmem:s19+$0x3B0]  }
0x184: {  	v13 =	vld [tilespmem:s19+$0x83B0]  }
0x185: {  	v16 =	vld [tilespmem:s19+$0x83C0]  }
0x186: {  	v5 =	vld [tilespmem:s19+$0x3D0]  }
0x187: {  	v19 =	vld [tilespmem:s19+$0x3A0]  }
0x188: {  	v0 =	vld [tilespmem:s19+$0x83A0]  }
0x189: {  	v24 =	vld [tilespmem:s19+$0x330]  }
0x18a: {  	v25 =	vld [tilespmem:s19+$0x8330]  }
0x18b: {  	v6 =	vld [tilespmem:s19+$0x360]  }
0x18c: {  	v15 =	vld [tilespmem:s19+$0x8360]  }
0x18d: {  	v1 =	vld [tilespmem:s19+$0x380]  }
0x18e: {  	v21 =	vld [tilespmem:s19+$0x8380]  }
0x18f: {  	v18 =	vld [tilespmem:s19+$0x390]  }
0x190: {  	v22 =	vld [tilespmem:s19+$0x8390]  }
0x191: {  	v2 =	vld [tilespmem:s19+$0x2F0]  }
0x192: {  	v27 =	vld [tilespmem:s19+$0x82F0]  }
0x193: {  	v28 =	vld [tilespmem:s19+$0x320]  }
0x194: {  	v29 =	vld [tilespmem:s19+$0x8320]  }
0x195: {  	v3 =	vld [tilespmem:s19+$0x340]  }
0x196: {  	v20 =	vld [tilespmem:s19+$0x8340]  }
0x197: {  	v7 =	vld [tilespmem:s19+$0x350]  }
0x198: {  	v30 =	vld [tilespmem:s19+$0x2E0]  }
0x199: {  	v31 =	vld [tilespmem:s19+$0x82E0]  }
0x19a: {  	v32 =	vld [tilespmem:s19+$0x300]  }
0x19b: {  	v33 =	vld [tilespmem:s19+$0x8300]  }
0x19c: {  	v34 =	vld [tilespmem:s19+$0x310]  }
0x19d: {  	v35 =	vld [tilespmem:s19+$0x8310]  }
0x19e: {  	v36 =	vld [tilespmem:s19+$0x270]  }
0x19f: {  	v37 =	vld [tilespmem:s19+$0x8270]  }
0x1a0: {  	v38 =	vld [tilespmem:s19+$0x2A0]  }
0x1a1: {  	v39 =	vld [tilespmem:s19+$0x82A0]  }
0x1a2: {  	v23 =	vld [tilespmem:s19+$0x2C0]  }
0x1a3: {  	v41 =	vld [tilespmem:s19+$0x82C0]  }
0x1a4: {  	v42 =	vld [tilespmem:s19+$0x2D0]  }
0x1a5: {  	v43 =	vld [tilespmem:s19+$0x82D0]  }
0x1a6: {  	v44 =	vld [tilespmem:s19+$0x230]  }
0x1a7: {  	v45 =	vld [tilespmem:s19+$0x8230]  }
0x1a8: {  	v46 =	vld [tilespmem:s19+$0x260]  }
0x1a9: {  	v47 =	vld [tilespmem:s19+$0x8260]  }
0x1aa: {  	v8 =	vld [tilespmem:s19+$0x280]  }
0x1ab: {  	v12 =	vld [tilespmem:s19+$0x8280]  }
0x1ac: {  	v9 =	vld [tilespmem:s19+$0x290]  }
0x1ad: {  	v50 =	vld [tilespmem:s19+$0x220]  }
0x1ae: {  	v51 =	vld [tilespmem:s19+$0x8220]  }
0x1af: {  	v52 =	vld [tilespmem:s19+$0x240]  }
0x1b0: {  	v53 =	vld [tilespmem:s19+$0x8240]  }
0x1b1: {  	v54 =	vld [tilespmem:s19+$0x250]  }
0x1b2: {  	v55 =	vld [tilespmem:s19+$0x8250]  }
0x1b3: {  	v56 =	vld [tilespmem:s19+$0x1B0]  }
0x1b4: {  	v57 =	vld [tilespmem:s19+$0x81B0]  }
0x1b5: {  	v58 =	vld [tilespmem:s19+$0x1E0]  }
0x1b6: {  	v59 =	vld [tilespmem:s19+$0x81E0]  }
0x1b7: {  	v60 =	vld [tilespmem:s19+$0x200]  }
0x1b8: {  	v61 =	vld [tilespmem:s19+$0x8200]  }
0x1b9: {  	v62 =	vld [tilespmem:s19+$0x210]  }
0x1ba: {  	v63 =	vld [tilespmem:s19+$0x8210]  }
0x1bb: {  	v26 =	vld [tilespmem:s19+$0x170]  }
0x1bc: {  	v10 =	vld [tilespmem:s19+$0x1C0]  }
0x1bd: {  	v14 =	vld [tilespmem:s19+$0x190]  }
0x1be: {  	[tilespmem:$0x1FEB0] =	vst v4;
	v4 =	vld [tilespmem:s19+$0x3C0]  }
0x1bf: {  	[tilespmem:$0x1FEC0] =	vst v5;
	v5 =	vld [tilespmem:s19+$0x8170]  }
0x1c0: {  	[tilespmem:$0x1FD80] =	vst v6;
	v6 =	vld [tilespmem:s19+$0x1A0]  }
0x1c1: {  	[tilespmem:$0x1FED0] =	vst v7;
	v7 =	vld [tilespmem:s19+$0x81A0]  }
0x1c2: {  	[tilespmem:$0x1FDA0] =	vst v8;
	v8 =	vld [tilespmem:s19+$0x81C0]  }
0x1c3: {  	[tilespmem:$0x1FEE0] =	vst v9;
	v9 =	vld [tilespmem:s19+$0x1D0]  }
0x1c4: {  	[tilespmem:$0x1FDB0] =	vst v10;
	v10 =	vld [tilespmem:s19+$0x160]  }
0x1c5: {  	v11 =	vmul.f32 v13, v11;
	v13 =	vld [tilespmem:s19+$0x8190]  }
0x1c6: {  	[tilespmem:$0x1FD90] =	vst v3;
	v3 =	vld [tilespmem:s19+$0xF0]  }
0x1c7: {  	v18 =	vmul.f32 v22, v18;
	v22 =	vmul.f32 v29, v28;
	v29 =	vld [tilespmem:s19+$0x8140]  }
0x1c8: {  	v28 =	vmul.f32 v35, v34;
	v34 =	vld [tilespmem:s19+$0xE0]  }
0x1c9: {  	v24 =	vmul.f32 v25, v24;
	v53 =	vmul.f32 v53, v52;
	v52 =	vld [tilespmem:s19+$0x80C0]  }
0x1ca: {  	v25 =	vmul.f32 v11, v17;
	v11 =	vmul.f32 v16, v4;
	v4 =	vld [tilespmem:s19+$0x120]  }
0x1cb: {  	v19 =	vmul.f32 v0, v19;
	v51 =	vmul.f32 v51, v50;
	v50 =	vld [tilespmem:s19+$0xD0]  }
0x1cc: {  	v0 =	vmul.f32 v24, v17;
	v24 =	vmul.f32 v18, v48;
	v18 =	vld [tilespmem:s19+$0x150]  }
0x1cd: {  	[tilespmem:$0x1FDD0] =	vst v10;
	v10 =	vld [tilespmem:s19+$0x8160]  }
0x1ce: {  	[tilespmem:$0x1FEF0] =	vst v9;
	v9 =	vld [tilespmem:s19+$0x180]  }
0x1cf: {  	[tilespmem:$0x1FDE0] =	vst v4;
	v4 =	vld [tilespmem:$0x1FD80]  }
0x1d0: {  	[tilespmem:$0x1FDC0] =	vst v8;
	v8 =	vld [tilespmem:s19+$0x8180]  }
0x1d1: {  	v16 =	vld [tilespmem:s19+$0x110]  }
0x1d2: {  	v56 =	vmul.f32 v57, v56;
	v5 =	vmul.f32 v5, v26;
	v26 =	vld [tilespmem:s19+$0x20]  }
0x1d3: {  	v57 =	vmul.f32 v55, v54;
	v54 =	vmul.f32 v13, v14;
	v13 =	vld [tilespmem:s19+$0x90]  }
0x1d4: {  	[tilespmem:$0x1FF10] =	vst v11;
	v11 =	vld [tilespmem:s19+$0x80F0];
	v4 =	vmul.f32 v15, v4  }
0x1d5: {  	v15 =	vmul.f32 v21, v1;
	v21 =	vmul.f32 v27, v2;
	v2 =	vld [tilespmem:$0x1FD90]  }
0x1d6: {  	v27 =	vmul.f32 v22, v40;
	v22 =	vmul.f32 v37, v36;
	v36 =	vld [tilespmem:s19+$0x80E0]  }
0x1d7: {  	v37 =	vld [tilespmem:s19+$0x100];
	v1 =	vmul.f32 v21, v17;
	v21 =	vmul.f32 v33, v32  }
0x1d8: {  	[tilespmem:$0x1FF20] =	vst v4;
	v4 =	vld [tilespmem:s19+$0x8120];
	v35 =	vmul.f32 v22, v17;
	v22 =	vmul.f32 v43, v42  }
0x1d9: {  	v15 =	vmul.f32 v15, v49;
	v33 =	vld [tilespmem:s19+$0x80B0];
	v43 =	vmul.f32 v51, v40  }
0x1da: {  	v51 =	vld [tilespmem:s19+$0x80D0];
	v32 =	vmul.f32 v21, v49;
	v42 =	vmul.f32 v22, v48  }
0x1db: {  	v22 =	vld [tilespmem:s19+$0xA0];
	v2 =	vmul.f32 v20, v2;
	v20 =	vmul.f32 v31, v30  }
0x1dc: {  	v21 =	vmul.f32 v45, v44;
	v15 =	vadd.f32 v24, v15;
	v24 =	vld [tilespmem:s19+$0x80A0];
	v45 =	vmul.f32 v56, v17  }
0x1dd: {  	v56 =	vld [tilespmem:s19+$0x8090];
	v31 =	vmul.f32 v20, v40;
	v20 =	vmul.f32 v39, v38  }
0x1de: {  	v19 =	vmul.f32 v19, v40;
	v28 =	vmul.f32 v28, v48;
	v30 =	vld [tilespmem:s19+$0xB0]  }
0x1df: {  	[tilespmem:$0x1FF40] =	vst v20;
	v20 =	vmul.f32 v41, v23;
	v41 =	vmul.f32 v21, v17;
	v21 =	vld [tilespmem:$0x1FDA0]  }
0x1e0: {  	v15 =	vadd.f32 v19, v15;
	v19 =	vadd.f32 v28, v32;
	v32 =	vld [tilespmem:s19+$0x8000]  }
0x1e1: {  	v28 =	vmul.f32 v61, v60;
	v60 =	vld [tilespmem:$0x1FDE0]  }
0x1e2: {  	v47 =	vmul.f32 v47, v46;
	v61 =	vmul.f32 v36, v34;
	v34 =	vld [tilespmem:s19+$0x40]  }
0x1e3: {  	v58 =	vmul.f32 v59, v58;
	v6 =	vmul.f32 v7, v6;
	v36 =	vld [tilespmem:s19+$0x8040];
	v15 =	vadd.f32 v25, v15  }
0x1e4: {  	v46 =	vmul.f32 v57, v48;
	[tilespmem:$0x1FDF0] =	vst v4;
	v4 =	vld [tilespmem:s19+$0x140];
	v12 =	vmul.f32 v12, v21  }
0x1e5: {  	v6 =	vmul.f32 v6, v40;
	v8 =	vmul.f32 v8, v9;
	(xrf2) =	vadd.scan.msk.f32 $0xffff, v15;
	v15 =	vld [tilespmem:$0x1FDC0]  }
0x1e6: {  	v55 =	vmul.f32 v54, v48;
	v3 =	vmul.f32 v11, v3;
	[tilespmem:$0x1FF50] =	vst v12;
	v12 =	vld [tilespmem:$0x1FDB0]  }
0x1e7: {  	v8 =	vmul.f32 v8, v49;
	v44 =	vmul.f32 v53, v49;
	[tilespmem:$0x1FF30] =	vst v2;
	v2 =	vld [tilespmem:s19+$0x8150];
	v19 =	vadd.f32 v27, v19  }
0x1e8: {  	v39 =	vld [tilespmem:s19+$0x8100];
	v38 =	vmul.f32 v47, v40;
	v25 =	vmul.f32 v63, v62  }
0x1e9: {  	v62 =	vmul.f32 v28, v49;
	v28 =	vmul.f32 v5, v17;
	v14 =	vld [tilespmem:$0x1FDF0];
	v0 =	vadd.f32 v0, v19  }
0x1ea: {  	v53 =	vadd.f32 v46, v44;
	v47 =	vld [tilespmem:s19+$0xC0];
	v59 =	vmul.f32 v33, v30;
	v23 =	vmul.f32 v20, v49  }
0x1eb: {  	(xrf2) =	vadd.scan.msk.f32 $0xffff, v0;
	v4 =	vmul.f32 v29, v4;
	v19 =	vmul.f32 v15, v12;
	v12 =	vld [tilespmem:$0x1FDD0]  }
0x1ec: {  	v27 =	vld [tilespmem:s19+$0x8020];
	v9 =	vadd.f32 v38, v53;
	v2 =	vmul.f32 v2, v18;
	v30 =	vmul.f32 v59, v17  }
0x1ed: {  	v38 =	vld [tilespmem:s19+$0x8010];
	v29 =	vmul.f32 v39, v37;
	v63 =	vadd.f32 v42, v23;
	v42 =	vmul.f32 v25, v48  }
0x1ee: {  	v33 =	vld [tilespmem:s19+$0x0];
	v57 =	vadd.f32 v35, v9;
	v23 =	vmul.f32 v14, v60;
	v4 =	vmul.f32 v4, v49  }
0x1ef: {  	v0 =	vld [tilespmem:s19+$0x80];
	v2 =	vmul.f32 v2, v48;
	v5 =	vadd.f32 v42, v62;
	v15 =	vadd.f32 v31, v63  }
0x1f0: {  	p0 =	sne.s32 s21, $0x1F000;
	v31 =	vmul.f32 v3, v17;
	v3 =	vadd.f32 v55, v8;
	v10 =	vmul.f32 v10, v12;
	v12 =	vld [tilespmem:s19+$0x8080]  }
.Ltmp0:
0x1f1: {  	v20 =	vld [tilespmem:s19+$0x30];
	v62 =	vmul.f32 v52, v47;
	v5 =	vadd.f32 v43, v5;
	v1 =	vadd.f32 v1, v15;
	(pc) =	sbr.rel @p0 .LBB2_2-.Ltmp0, $4  }
0x1f2: {  	v35 =	vld [tilespmem:s19+$0x10];
	v2 =	vadd.f32 v2, v4;
	v63 =	vmul.f32 v51, v50;
	v3 =	vadd.f32 v6, v3  }
0x1f3: {  	v39 =	vld [tilespmem:s19+$0x50];
	v42 =	vmul.f32 v62, v49;
	v5 =	vadd.f32 v41, v5;
	(xrf2) =	vadd.scan.msk.f32 $0xffff, v1;
	v10 =	vmul.f32 v10, v40  }
0x1f4: {  	v25 =	vld [tilespmem:s19+$0x60];
	v43 =	vmul.f32 v56, v13;
	v44 =	vmul.f32 v63, v48;
	v15, _, _ =	vpop (xrf2);
	v37 =	vadd.f32 v45, v3;
	(xrf2) =	vadd.scan.msk.f32 $0xffff, v57  }
0x1f5: {  	s21 =	sadd.s32 $0x1000, s21;
	v21 =	vld [tilespmem:s19+$0x8030];
	v51, _, _ =	vpop (xrf2);
	(xrf2) =	vadd.scan.msk.f32 $0xffff, v5;
	v40 =	vmul.f32 v61, v40;
	v45 =	vadd.f32 v10, v2;
	v41 =	vmul.f32 v12, v0  }
0x1f6: {  	v1 =	vld [tilespmem:s19+$0x8050]  }
0x1f7: {  	v4 =	vld [tilespmem:s19+$0x8060]  }
0x1f8: {  	v10 =	vld [tilespmem:s19+$0x8110]  }
0x1f9: {  	v12 =	vld [tilespmem:s19+$0x70]  }
0x1fa: {  	v18 =	vld [tilespmem:$0x1FFD0]  }
0x1fb: {  	v8 =	vmul.f32 v32, v33;
	v32 =	vld [tilespmem:s19+$0x8070]  }
0x1fc: {  	v33 =	vld [tilespmem:s19+$0x81D0]  }
0x1fd: {  	v14 =	vld [tilespmem:s19+$0x8130]  }
0x1fe: {  	v17 =	vld [tilespmem:$0x1FFC0]  }
0x1ff: {  	v3 =	vadd.f32 v44, v42;
	v44 =	vld [tilespmem:s19+$0x8350]  }
0x200: {  	v48 =	vld [tilespmem:s19+$0x2B0]  }
0x201: {  	v52 =	vld [tilespmem:s19+$0x82B0]  }
0x202: {  	v55 =	vld [tilespmem:$0x1FEE0]  }
0x203: {  	v2 =	vmul.f32 v24, v22;
	v0 =	vmul.f32 v21, v20;
	v21 =	vld [tilespmem:$0x1FFE0]  }
0x204: {  	v11 =	vmul.f32 v27, v26;
	v13 =	vmul.f32 v36, v34;
	v20 =	vld [tilespmem:$0x1FFF0]  }
0x205: {  	v56 =	vld [tilespmem:s19+$0x83D0];
	v9 =	vmul.f32 v38, v35;
	v2 =	vmul.f32 v2, v18  }
0x206: {  	v59 =	vld [tilespmem:s19+$0x370];
	v1 =	vmul.f32 v1, v39;
	v34 =	vmul.f32 v11, v18  }
0x207: {  	v60 =	vld [tilespmem:$0x1FF50];
	v4 =	vmul.f32 v4, v25;
	v36 =	vmul.f32 v10, v16  }
0x208: {  	v62 =	vld [tilespmem:s19+$0x8370];
	v3 =	vadd.f32 v40, v3;
	v46 =	vmul.f32 v23, v18;
	v0 =	vmul.f32 v0, v17  }
0x209: {  	v24 =	vld [tilespmem:s19+$0x83E0];
	v7 =	vadd.f32 v28, v45;
	v5 =	vmul.f32 v41, v21;
	v6 =	vmul.f32 v43, v20  }
0x20a: {  	v3 =	vadd.f32 v31, v3;
	v27 =	vmul.f32 v8, v21;
	v28 =	vmul.f32 v9, v20;
	v43 =	vld [tilespmem:$0x1FEF0]  }
0x20b: {  	v35 =	vld [tilespmem:s19+$0x130];
	v13 =	vmul.f32 v13, v21;
	v1 =	vmul.f32 v1, v20;
	v5 =	vadd.f32 v6, v5  }
0x20c: {  	v38 =	vld [tilespmem:s19+$0x8290];
	v4 =	vmul.f32 v4, v18;
	v9 =	vmul.f32 v32, v12;
	v6 =	vadd.f32 v28, v27  }
0x20d: {  	v39 =	vld [tilespmem:s19+$0x1F0];
	v40 =	vmul.f32 v29, v21;
	v1 =	vadd.f32 v1, v13;
	v2 =	vadd.f32 v2, v5  }
0x20e: {  	(xrf2) =	vadd.scan.msk.f32 $0xffff, v37;
	v8 =	vmul.f32 v36, v20;
	v41 =	vld [tilespmem:s19+$0x81F0];
	v42 =	vmul.f32 v9, v17;
	v6 =	vadd.f32 v34, v6  }
0x20f: {  	v26 =	vld [tilespmem:$0x1FF40];
	(xrf2) =	vadd.scan.msk.f32 $0xffff, v7;
	v1 =	vadd.f32 v4, v1;
	v5 =	vmul.f32 v33, v43;
	v2 =	vadd.f32 v30, v2  }
0x210: {  	v23 =	vld [tilespmem:$0x1FED0];
	(xrf2) =	vadd.scan.msk.f32 $0xffff, v3;
	v47 =	vmul.f32 v14, v35;
	v45 =	vadd.f32 v8, v40;
	v0 =	vadd.f32 v0, v6  }
0x211: {  	v37 =	vld [tilespmem:$0x1FF10];
	v49 =	vmul.f32 v19, v21;
	v1 =	vadd.f32 v42, v1;
	v50 =	vmul.f32 v5, v20;
	(xrf2) =	vadd.scan.msk.f32 $0xffff, v2  }
0x212: {  	v54 =	vmul.f32 v47, v17;
	v29 =	vld [tilespmem:$0x1FF30];
	v53 =	vadd.f32 v46, v45;
	v6 =	vmul.f32 v38, v55;
	(xrf2) =	vadd.scan.msk.f32 $0xffff, v0  }
0x213: {  	v57 =	vmul.f32 v58, v18;
	v35 =	vld [tilespmem:$0x1FF20];
	v58 =	vmul.f32 v41, v39;
	v2 =	vadd.f32 v50, v49;
	(xrf2) =	vadd.scan.msk.f32 $0xffff, v1  }
0x214: {  	v33 =	vld [tilespmem:$0x1FEC0];
	v61 =	vmul.f32 v6, v20;
	v0 =	vadd.f32 v54, v53;
	v1 =	vmul.f32 v60, v21  }
0x215: {  	v63, _, _ =	vpop (xrf2);
	v7 =	vmul.f32 v44, v23;
	v38 =	vld [tilespmem:$0x1FEB0];
	v22 =	vmul.f32 v58, v17;
	v2 =	vadd.f32 v57, v2  }
0x216: {  	v3 =	vmul.f32 v26, v18;
	v25, _, _ =	vpop (xrf2);
	v27 =	vld [tilespmem:s19+$0x3F0];
	v5 =	vmul.f32 v52, v48;
	(xrf2) =	vadd.scan.msk.f32 $0xffff, v0;
	v1 =	vadd.f32 v61, v1  }
0x217: {  	v7 =	vmul.f32 v7, v20;
	v28, _, _ =	vpop (xrf2);
	v4 =	vmul.f32 v29, v21;
	v30 =	vld [tilespmem:s19+$0x83F0];
	v2 =	vadd.f32 v22, v2  }
0x218: {  	v31, _, _ =	vpop (xrf2);
	v6 =	vmul.f32 v62, v59;
	v32 =	vmul.f32 v5, v17;
	v1 =	vadd.f32 v3, v1  }
0x219: {  	v34, _, _ =	vpop (xrf2);
	v4 =	vadd.f32 v7, v4;
	v7 =	vmul.f32 v35, v18;
	v5 =	vmul.f32 v56, v33;
	(xrf2) =	vadd.scan.msk.f32 $0xffff, v2  }
0x21a: {  	v36, _, _ =	vpop (xrf2);
	v6 =	vmul.f32 v6, v17;
	v10 =	vmul.f32 v24, v38;
	v1 =	vadd.f32 v32, v1  }
0x21b: {  	v4 =	vadd.f32 v7, v4;
	v5 =	vmul.f32 v5, v20;
	v3 =	vmul.f32 v37, v21;
	v39, _, _ =	vpop (xrf2)  }
0x21c: {  	v9 =	vmul.f32 v30, v27;
	(xrf2) =	vadd.scan.msk.f32 $0xffff, v1;
	v40, _, _ =	vpop (xrf2)  }
0x21d: {  	v41 =	vadd.f32 v6, v4;
	v42 =	vmul.f32 v10, v18;
	v3 =	vadd.f32 v5, v3;
	v43, _, _ =	vpop (xrf2)  }
0x21e: {  	v44 =	vbroadcast v40, $0xF;
	v5 =	vbroadcast v43, $0xF  }
0x21f: {  	v46 =	vmul.f32 v9, v17;
	v3 =	vadd.f32 v42, v3;
	v45 =	vbroadcast v39, $0xF;
	(xrf2) =	vadd.scan.msk.f32 $0xffff, v41  }
0x220: {  	v2 =	vbroadcast v36, $0xF;
	v48, _, _ =	vpop (xrf2);
	v47 =	vsel vm0, v44, v5  }
0x221: {  	v3 =	vadd.f32 v46, v3;
	v5 =	vbroadcast v48, $0xF;
	v1 =	vsel vm1, v47, v45  }
0x222: {  	v49 =	vbroadcast v34, $0xF;
	v1 =	vsel vm2, v1, v2  }
0x223: {  	v50 =	vbroadcast v31, $0xF;
	(xrf2) =	vadd.scan.msk.f32 $0xffff, v3;
	v52, _, _ =	vpop (xrf2);
	v1 =	vsel vm3, v1, v5  }
0x224: {  	v53 =	vbroadcast v52, $0xF;
	v1 =	vsel vm4, v1, v49  }
0x225: {  	v0 =	vbroadcast v28, $0xF;
	v1 =	vsel vm5, v1, v50  }
0x226: {  	v54 =	vbroadcast v25, $0xF;
	v55, _, _ =	vpop (xrf2);
	v1 =	vsel vm6, v1, v53  }
0x227: {  	v56 =	vbroadcast v55, $0xF;
	v0 =	vsel vm7, v1, v0  }
0x228: {  	v57 =	vbroadcast v63, $0xF;
	v0 =	vsel vm8, v0, v54  }
0x229: {  	v58 =	vbroadcast v51, $0xF;
	v59, _, _ =	vpop (xrf2);
	v0 =	vsel vm9, v0, v56  }
0x22a: {  	v63 =	vld [tilespmem:$0x1FEA0];
	v60 =	vbroadcast v59, $0xF;
	v0 =	vsel vm10, v0, v57  }
0x22b: {  	v61 =	vbroadcast v15, $0xF;
	v0 =	vsel vm11, v0, v58  }
0x22c: {  	v0 =	vsel vm12, v0, v60  }
0x22d: {  	v62, _, _ =	vpop (xrf2);
	v0 =	vsel vm13, v0, v61  }
0x22e: {  	v0 =	vsel vm14, v0, v62  }
0x22f: {  	v0 =	vadd.f32 v0, v63;
	_ =	sdelay $0x1  }
0x230: {  	v0 =	vsub.f32 $0.0e+00, v0;
	_ =	sdelay $0x1  }
0x231: {  	v0 =	vmul.f32 $1.442695020e+00, v0;
	_ =	sdelay $0x1  }
0x232: {  	(erf) = vpow2.f32 v0;
	_ =	sdelay $0x8  }
0x233: {  	v0 =	vpop (erf)  }
0x234: {  	v0 =	vadd.f32 $1.000000000e+00, v0;
	_ =	sdelay $0x1  }
0x235: {  	(erf) = vrcp.f32 v0;
	_ =	sdelay $0x7  }
0x236: {  	s18 =	sadd.s32 $0x1, s18  }
0x237: {  	s31 =	sadd.s32 $0x10, s20;
	p0 =	sne.s32 s18, s8;
	v0 =	vpop (erf)  }
.Ltmp1:
0x238: {  	[tilespmem:s31+$0x0] =	vst v0;
	(pc) =	sbr.rel @p0 .LBB2_1-.Ltmp1, $4  }
0x239: {  	[hbm4b:s7+s3] =	stream.linear.scatter [tilespmem:s17], [sflag:$0x3], $0x200, $0x38;
	[tilespmem:$0x10250] =	vst v63  }
0x23a: {  	_ =	swait.ge [sflag:s10], $0x200  }
0x23b: {  	[sflag:s10] =	ssyncset.done $0x0  }
0x23c: {  	[sflag:s10] =	ssyncadd.s32 $0xFFFFFE00  }
0x23d: {  	_ =	sfence.sel $0x180000  }
0x23e: {  	[bflag:$0x0] =	sbarrier.arrive $0xFFFF  }
0x23f: {  	p0 =	sne.s32 s1, $0x0;
	_ =	strace $0x9000004A  }
0x240: {  	s0 =	sadd.s32 @!p0 $0x100000, s0;
	[bflag:$0x2] =	sbarrier.arrive $0xFFFF  }
0x241: {  	[sflag:s0] =	ssyncadd.tile.s32 @!p0 $0x1;
	_ =	shalt  }
.Lfunc_end2:
_tile_overlayer_lowered:
.L_overlay_start_2:
0x242: {  	(tag) =	ssettag $0x2  }
0x243: {  	s0 =	rddreg [dreg:$0x0];
	s2 =	stileid.u32  }
0x244: {  	s1 =	rddreg [dreg:$0x1];
	p0 =	sne.s32 s2, $0x0  }
0x245: {  	s3 =	rddreg [dreg:$0x2];
	[bflag:$0x3] =	sbarrier.arrive $0xFFFF;
	s2 =	simm.s32 @!p0 $0x1C03  }
0x246: {  	[timem:s3], [sflag:s2] =	dma.local @!p0 [hbm:s0], s1  }
0x247: {  	s0 =	simm.s32 @!p0 $0x3  }
0x248: {  	_ =	swait.ge @!p0 [sflag:s0], s1  }
0x249: {  	s1 =	ssub.s32 @!p0 $0x0, s1;
	[sflag:s0] =	ssyncset.done @!p0 $0x0  }
0x24a: {  	[sflag:s0] =	ssyncadd.s32 @!p0 s1  }
0x24b: {  	[bflag:$0x3] =	sbarrier.arrive $0xFFFF  }
0x24c: {  	_ =	shalt  }

</sc_bundles>
